<compile_context>
chip_gen: v7x
topology: tpu7x:2x2x1
jax: 0.10.2.dev20260603
libtpu: 0.0.44.dev20260713+nightly
codegen_flags: <defaults>
</compile_context>

<pallas_src>
import functools

import jax
import jax.numpy as jnp
from jax import lax
from jax.experimental import pallas as pl
from jax.experimental.pallas import tpu as pltpu
from jax.experimental.pallas import tpu_sc as plsc

_N = 10000
_E = 320000
_D = 128
_NC = 2
_NS = 16
_NW = _NC * _NS
_CH = 128
_ROWS = _E // _CH
_CPT = _ROWS // _NW
_XTRA = _ROWS - _CPT * _NW
_NP = 10240
_RPT = _NP // _NS
_NSEC = 3
_SCH = _CPT // _NSEC

_mesh = plsc.VectorSubcoreMesh(
    core_axis_name="c", subcore_axis_name="s",
    num_cores=_NC, num_subcores=_NS)

_sc_params = pltpu.CompilerParams(use_tc_tiling_on_sc=False)


def _zero_vmem(ref, rows, width):
    z = jnp.zeros((16,), jnp.float32)

    def body(i, _):
        for k in range(width // 16):
            ref[i, pl.ds(k * 16, 16)] = z
        return 0

    lax.fori_loop(0, rows, body, 0)


def _load_idx(src2d, dst2d, isrc_all, idst_all, w):
    pltpu.sync_copy(src2d.at[pl.ds(w * _CPT, _CPT)], isrc_all.at[pl.ds(0, _CPT)])
    pltpu.sync_copy(dst2d.at[pl.ds(w * _CPT, _CPT)], idst_all.at[pl.ds(0, _CPT)])

    @pl.when(w < _XTRA)
    def _():
        pltpu.sync_copy(src2d.at[pl.ds(_NW * _CPT + w, 1)],
                        isrc_all.at[pl.ds(_CPT, 1)])
        pltpu.sync_copy(dst2d.at[pl.ds(_NW * _CPT + w, 1)],
                        idst_all.at[pl.ds(_CPT, 1)])


@functools.partial(
    pl.kernel,
    out_type=jax.ShapeDtypeStruct((_NC, 2, _NP, 16), jnp.float32),
    mesh=_mesh,
    compiler_params=_sc_params,
    scratch_types=[
        pltpu.VMEM((_CPT + 1, _CH), jnp.int32),
        pltpu.VMEM((_CPT + 1, _CH), jnp.int32),
        pltpu.VMEM((_CH, 16), jnp.float32),
        pltpu.VMEM((_CH, 16), jnp.float32),
        pltpu.VMEM_SHARED((_NP, 16), jnp.float32),
        pltpu.VMEM_SHARED((_NP, 16), jnp.float32),
        pltpu.SemaphoreType.DMA,
        pltpu.SemaphoreType.DMA,
        pltpu.SemaphoreType.DMA,
        pltpu.SemaphoreType.DMA,
    ],
)
def _deg_kernel(src2d, dst2d, degp_hbm,
                isrc_all, idst_all, ones_v, zbuf, acc_s, acc_d,
                sem_sa, sem_da, sem_sb, sem_db):
    c = lax.axis_index("c")
    s = lax.axis_index("s")
    w = c * _NS + s

    _zero_vmem(zbuf, _CH, 16)
    one = jnp.ones((16,), jnp.float32)

    def fill_ones(i, _):
        ones_v[i] = one
        return 0

    lax.fori_loop(0, _CH, fill_ones, 0)

    for j in range(_RPT // _CH):
        pltpu.sync_copy(zbuf, acc_s.at[pl.ds(s * _RPT + j * _CH, _CH)])
        pltpu.sync_copy(zbuf, acc_d.at[pl.ds(s * _RPT + j * _CH, _CH)])
    plsc.subcore_barrier()

    _load_idx(src2d, dst2d, isrc_all, idst_all, w)

    def fire(t, ss, sd):
        pltpu.async_copy(ones_v, acc_s.at[isrc_all.at[t]], ss, add=True)
        pltpu.async_copy(ones_v, acc_d.at[idst_all.at[t]], sd, add=True)

    def drain(t, ss, sd):
        pltpu.make_async_copy(ones_v, acc_s.at[isrc_all.at[t]], ss).wait()
        pltpu.make_async_copy(ones_v, acc_d.at[idst_all.at[t]], sd).wait()

    fire(0, sem_sa, sem_da)

    def pair(g, _):
        t = 2 * g
        fire(t + 1, sem_sb, sem_db)
        drain(t, sem_sa, sem_da)

        @pl.when(t + 2 <= _CPT - 1)
        def _():
            fire(t + 2, sem_sa, sem_da)

        drain(t + 1, sem_sb, sem_db)
        return 0

    lax.fori_loop(0, _CPT // 2, pair, 0)

    @pl.when(w < _XTRA)
    def _():
        pltpu.sync_copy(ones_v, acc_s.at[isrc_all.at[_CPT]], add=True)
        pltpu.sync_copy(ones_v, acc_d.at[idst_all.at[_CPT]], add=True)

    plsc.subcore_barrier()
    pltpu.sync_copy(acc_s.at[pl.ds(s * _RPT, _RPT)],
                    degp_hbm.at[c, 0, pl.ds(s * _RPT, _RPT)])
    pltpu.sync_copy(acc_d.at[pl.ds(s * _RPT, _RPT)],
                    degp_hbm.at[c, 1, pl.ds(s * _RPT, _RPT)])


@functools.partial(
    pl.kernel,
    out_type=jax.ShapeDtypeStruct((_NC, _NP, _D), jnp.float32),
    mesh=_mesh,
    compiler_params=_sc_params,
    scratch_types=[
        pltpu.VMEM((_SCH + 1, _CH), jnp.int32),
        pltpu.VMEM((_SCH + 1, _CH), jnp.int32),
        pltpu.VMEM((_CH, _D), jnp.float32),
        pltpu.VMEM((_CH, _D), jnp.float32),
        pltpu.VMEM_SHARED((_NP, _D), jnp.float32),
        pltpu.SemaphoreType.DMA,
        pltpu.SemaphoreType.DMA,
    ],
)
def _agg_kernel(src2d, dst2d, g_hbm, out_hbm,
                isrc_sec, idst_sec, rows0, rows1, acc, sem_g0, sem_g1):
    c = lax.axis_index("c")
    s = lax.axis_index("s")
    w = c * _NS + s

    _zero_vmem(rows0, _CH, _D)
    for j in range(_RPT // _CH):
        pltpu.sync_copy(rows0, acc.at[pl.ds(s * _RPT + j * _CH, _CH)])
    plsc.subcore_barrier()

    for h in range(_NSEC):
        sb = w * _CPT + h * _SCH
        pltpu.sync_copy(src2d.at[pl.ds(sb, _SCH)], isrc_sec.at[pl.ds(0, _SCH)])
        pltpu.sync_copy(dst2d.at[pl.ds(sb, _SCH)], idst_sec.at[pl.ds(0, _SCH)])
        if h == _NSEC - 1:
            @pl.when(w < _XTRA)
            def _():
                pltpu.sync_copy(src2d.at[pl.ds(_NW * _CPT + w, 1)],
                                isrc_sec.at[pl.ds(_SCH, 1)])
                pltpu.sync_copy(dst2d.at[pl.ds(_NW * _CPT + w, 1)],
                                idst_sec.at[pl.ds(_SCH, 1)])

        pltpu.async_copy(g_hbm.at[isrc_sec.at[0]], rows0, sem_g0)

        def pair(g, _):
            t = 2 * g
            pltpu.async_copy(g_hbm.at[isrc_sec.at[t + 1]], rows1, sem_g1)
            pltpu.make_async_copy(g_hbm.at[isrc_sec.at[t]], rows0, sem_g0).wait()
            pltpu.sync_copy(rows0, acc.at[idst_sec.at[t]], add=True)

            @pl.when(t + 2 <= _SCH - 1)
            def _():
                pltpu.async_copy(g_hbm.at[isrc_sec.at[t + 2]], rows0, sem_g0)

            pltpu.make_async_copy(g_hbm.at[isrc_sec.at[t + 1]], rows1,
                                  sem_g1).wait()
            pltpu.sync_copy(rows1, acc.at[idst_sec.at[t + 1]], add=True)
            return 0

        lax.fori_loop(0, _SCH // 2, pair, 0)

    @pl.when(w < _XTRA)
    def _():
        pltpu.async_copy(g_hbm.at[isrc_sec.at[_SCH]], rows0, sem_g0).wait()
        pltpu.sync_copy(rows0, acc.at[idst_sec.at[_SCH]], add=True)

    plsc.subcore_barrier()
    pltpu.sync_copy(acc.at[pl.ds(s * _RPT, _RPT)],
                    out_hbm.at[c, pl.ds(s * _RPT, _RPT)])



@functools.partial(
    pl.kernel,
    out_type=jax.ShapeDtypeStruct((_E, 16), jnp.float32),
    mesh=_mesh,
    compiler_params=_sc_params,
    scratch_types=[
        pltpu.VMEM((_CPT + 1, _CH), jnp.int32),
        pltpu.VMEM((_CPT + 1, _CH), jnp.int32),
        pltpu.VMEM((_CH, 16), jnp.float32),
        pltpu.VMEM((_CH, 16), jnp.float32),
        pltpu.VMEM((_CH, 16), jnp.float32),
        pltpu.VMEM((_CH, 16), jnp.float32),
        pltpu.VMEM_SHARED((_NP, 16), jnp.float32),
        pltpu.VMEM_SHARED((_NP, 16), jnp.float32),
        pltpu.SemaphoreType.DMA,
        pltpu.SemaphoreType.DMA,
        pltpu.SemaphoreType.DMA,
        pltpu.SemaphoreType.DMA,
        pltpu.SemaphoreType.DMA,
        pltpu.SemaphoreType.DMA,
    ],
)
def _score_kernel(src2d, dst2d, p_hbm, q_hbm, out_hbm,
                  isrc_all, idst_all, bufp0, bufq0, bufp1, bufq1,
                  p_sh, q_sh, sem_p0, sem_q0, sem_p1, sem_q1, sem_w0, sem_w1):
    c = lax.axis_index("c")
    s = lax.axis_index("s")
    w = c * _NS + s

    pltpu.sync_copy(p_hbm.at[pl.ds(s * _RPT, _RPT)],
                    p_sh.at[pl.ds(s * _RPT, _RPT)])
    pltpu.sync_copy(q_hbm.at[pl.ds(s * _RPT, _RPT)],
                    q_sh.at[pl.ds(s * _RPT, _RPT)])
    plsc.subcore_barrier()

    _load_idx(src2d, dst2d, isrc_all, idst_all, w)

    def fire(t, bp, bq, sp, sq):
        pltpu.async_copy(p_sh.at[isrc_all.at[t]], bp, sp)
        pltpu.async_copy(q_sh.at[idst_all.at[t]], bq, sq)

    def drain(t, bp, bq, sp, sq):
        pltpu.make_async_copy(p_sh.at[isrc_all.at[t]], bp, sp).wait()
        pltpu.make_async_copy(q_sh.at[idst_all.at[t]], bq, sq).wait()

    def add_chunk(bp, bq):
        def body(i, _):
            for k in range(4):
                r = i * 4 + k
                bp[r] = bp[r] + bq[r]
            return 0

        lax.fori_loop(0, _CH // 4, body, 0)

    def out_slot(t):
        return out_hbm.at[pl.ds((w * _CPT + t) * _CH, _CH)]

    fire(0, bufp0, bufq0, sem_p0, sem_q0)
    fire(1, bufp1, bufq1, sem_p1, sem_q1)

    def pair(g, _):
        t = 2 * g
        drain(t, bufp0, bufq0, sem_p0, sem_q0)
        add_chunk(bufp0, bufq0)
        pltpu.async_copy(bufp0, out_slot(t), sem_w0)
        drain(t + 1, bufp1, bufq1, sem_p1, sem_q1)
        add_chunk(bufp1, bufq1)
        pltpu.async_copy(bufp1, out_slot(t + 1), sem_w1)

        @pl.when(t + 2 <= _CPT - 1)
        def _():
            pltpu.make_async_copy(bufp0, out_slot(t), sem_w0).wait()
            fire(t + 2, bufp0, bufq0, sem_p0, sem_q0)

        @pl.when(t + 3 <= _CPT - 1)
        def _():
            pltpu.make_async_copy(bufp1, out_slot(t + 1), sem_w1).wait()
            fire(t + 3, bufp1, bufq1, sem_p1, sem_q1)

        return 0

    lax.fori_loop(0, _CPT // 2, pair, 0)
    pltpu.make_async_copy(bufp0, out_slot(_CPT - 2), sem_w0).wait()
    pltpu.make_async_copy(bufp1, out_slot(_CPT - 1), sem_w1).wait()

    @pl.when(w < _XTRA)
    def _():
        pltpu.async_copy(p_sh.at[isrc_all.at[_CPT]], bufp0, sem_p0).wait()
        pltpu.async_copy(q_sh.at[idst_all.at[_CPT]], bufq0, sem_q0).wait()
        add_chunk(bufp0, bufq0)
        pltpu.sync_copy(bufp0,
                        out_hbm.at[pl.ds((_NW * _CPT + w) * _CH, _CH)])


def _norms(degp):
    dsrc = degp[0, 0] + degp[1, 0]
    ddst = degp[0, 1] + degp[1, 1]
    ns = lax.rsqrt(jnp.clip(dsrc[:, 0:1], 1.0, None))
    nd = lax.rsqrt(jnp.clip(ddst[:, 0:1], 1.0, None))
    return ns, nd


def _dense1_body(x_ref, w_ref, degp_ref, o_ref):
    ns, _ = _norms(degp_ref[...])
    o_ref[...] = ns * jnp.dot(x_ref[...], w_ref[...],
                              preferred_element_type=jnp.float32)


_dense1 = pl.pallas_call(
    _dense1_body,
    out_shape=jax.ShapeDtypeStruct((_NP, _D), jnp.float32))


def _dense2_body(a_ref, degp_ref, w_ref, b_ref, o_ref):
    ns, nd = _norms(degp_ref[...])
    x1 = jax.nn.relu(nd * (a_ref[0] + a_ref[1]) + b_ref[...])
    o_ref[...] = ns * jnp.dot(x1, w_ref[...],
                              preferred_element_type=jnp.float32)


_dense2 = pl.pallas_call(
    _dense2_body,
    out_shape=jax.ShapeDtypeStruct((_NP, _D), jnp.float32))


def _dense3_body(a_ref, degp_ref, wp_ref, b_ref, bp_ref, p_ref, q_ref):
    _, nd = _norms(degp_ref[...])
    x2 = jax.nn.relu(nd * (a_ref[0] + a_ref[1]) + b_ref[...])
    p_ref[...] = jnp.dot(x2, wp_ref[0],
                         preferred_element_type=jnp.float32) + bp_ref[...]
    q_ref[...] = jnp.dot(x2, wp_ref[1],
                         preferred_element_type=jnp.float32)


_dense3 = pl.pallas_call(
    _dense3_body,
    out_shape=[jax.ShapeDtypeStruct((_NP, 16), jnp.float32),
               jax.ShapeDtypeStruct((_NP, 16), jnp.float32)])


def kernel(input_features, edge_index, sub_edge_index, W1, b1, W2, b2, Wp, bp):
    e_src = edge_index[0].astype(jnp.int32).reshape(_ROWS, _CH)
    e_dst = edge_index[1].astype(jnp.int32).reshape(_ROWS, _CH)
    s_src = sub_edge_index[0].astype(jnp.int32).reshape(_ROWS, _CH)
    s_dst = sub_edge_index[1].astype(jnp.int32).reshape(_ROWS, _CH)
    wp2 = jnp.zeros((2, _D, 16), jnp.float32)
    wp2 = wp2.at[0, :, :10].set(Wp[:_D])
    wp2 = wp2.at[1, :, :10].set(Wp[_D:])
    bp16 = jnp.zeros((1, 16), jnp.float32).at[0, :10].set(bp)

    xp = jnp.pad(input_features, ((0, _NP - _N), (0, 0)))
    degp = _deg_kernel(e_src, e_dst)
    g1 = _dense1(xp, W1, degp)
    a1 = _agg_kernel(e_src, e_dst, g1)
    g2 = _dense2(a1, degp, W2, b1.reshape(1, _D))
    a2 = _agg_kernel(e_src, e_dst, g2)
    p, q = _dense3(a2, degp, wp2, b2.reshape(1, _D), bp16)
    score16 = _score_kernel(s_src, s_dst, p, q)
    return score16[:, :10]

# --- scband reference (transcript-rebuilt; emitter-appended) ---
"""Pipeline reference for scband-gcnec-79671643341632 (READ-ONLY COPY).

The authoritative reference and input builder live on the scoring server;
editing this copy changes nothing except your own understanding.
"""

import jax, jax.numpy as jnp
import numpy as np

N = 10000
E = 320000
D = 128
H = 128
O = 128
C = 10


def setup_inputs(seed: int = 0) -> dict:
    key = jax.random.key(seed)
    ks = jax.random.split(key, 8)
    input_features = jax.random.normal(ks[0], (N, D), dtype=jnp.float32)
    edge_index = jax.random.randint(ks[1], (2, E), 0, N)
    sub_edge_index = jax.random.randint(ks[2], (2, E), 0, N)
    W1 = jax.random.normal(ks[3], (D, H), dtype=jnp.float32) * 0.05
    b1 = jnp.zeros((H,), dtype=jnp.float32)
    W2 = jax.random.normal(ks[4], (H, O), dtype=jnp.float32) * 0.05
    b2 = jnp.zeros((O,), dtype=jnp.float32)
    Wp = jax.random.normal(ks[5], (2 * O, C), dtype=jnp.float32) * 0.05
    bp = jnp.zeros((C,), dtype=jnp.float32)
    return {
        "input_features": input_features,
        "edge_index": edge_index,
        "sub_edge_index": sub_edge_index,
        "W1": W1, "b1": b1, "W2": W2, "b2": b2, "Wp": Wp, "bp": bp,
    }


def _gcn_conv(x, src, dst, W, b):
    # DGL GraphConv with norm='both': D_out^{-1/2} A D_in^{-1/2} X W + b
    ones = jnp.ones((src.shape[0],), dtype=x.dtype)
    deg_out = jax.ops.segment_sum(ones, src, num_segments=N)
    deg_in = jax.ops.segment_sum(ones, dst, num_segments=N)
    norm_src = jnp.power(jnp.clip(deg_out, 1.0, None), -0.5)
    norm_dst = jnp.power(jnp.clip(deg_in, 1.0, None), -0.5)
    h = x * norm_src[:, None]
    msg = h[src]
    agg = jax.ops.segment_sum(msg, dst, num_segments=N)
    agg = agg * norm_dst[:, None]
    return agg @ W + b


def reference(input_features, edge_index, sub_edge_index, W1, b1, W2, b2, Wp, bp):
    src, dst = edge_index[0], edge_index[1]
    # StochasticLayerGCN: GraphConv -> relu, per layer (same block graph reused)
    x = jax.nn.relu(_gcn_conv(input_features, src, dst, W1, b1))
    x = jax.nn.relu(_gcn_conv(x, src, dst, W2, b2))
    # ScorePredictor.apply_edges: cat([src_x, dst_x]) @ W + b on edge_subgraph
    s, d = sub_edge_index[0], sub_edge_index[1]
    data = jnp.concatenate([x[s], x[d]], axis=1)
    score = data @ Wp + bp
    return score

if __name__ == "__main__":
    import jax
    _d = setup_inputs()
    print(jax.jit(kernel)(*tuple(_d.values())))

</pallas_src>

<mosaic_0001>
#map = affine_map<(d0, d1) -> (0, 0)>
#map1 = affine_map<(d0, d1) -> (0, 0, 0)>
module attributes {stable_mosaic.version = 14 : i64} {
  func.func @_agg_kernel(%arg0: i32, %arg1: i32, %arg2: memref<2500x128xi32, #tpu.memory_space<hbm>>, %arg3: memref<2500x128xi32, #tpu.memory_space<hbm>>, %arg4: memref<10240x128xf32, #tpu.memory_space<hbm>>, %arg5: memref<2x10240x128xf32, #tpu.memory_space<hbm>>, %arg6: memref<27x128xi32, #tpu.memory_space<vmem>>, %arg7: memref<27x128xi32, #tpu.memory_space<vmem>>, %arg8: memref<128x128xf32, #tpu.memory_space<vmem>>, %arg9: memref<128x128xf32, #tpu.memory_space<vmem>>, %arg10: memref<10240x128xf32, #tpu.memory_space<vmem_shared>>, %arg11: memref<!tpu.dma_semaphore, #tpu.memory_space<semaphore_mem>>, %arg12: memref<!tpu.dma_semaphore, #tpu.memory_space<semaphore_mem>>) attributes {dimension_semantics = [#tpu.dimension_semantics<core_parallel>, #tpu.dimension_semantics<subcore_parallel>], iteration_bounds = array<i64: 2, 16>, scalar_prefetch = 0 : i64, scratch_operands = 7 : i64, tpu.core_type = #tpu.core_type<sc_vector_subcore>, window_params = [{transform_indices = #map}, {transform_indices = #map}, {transform_indices = #map}, {transform_indices = #map1}]} {
    %mul3A = arith.constant 16 : i32
    %mul3A_0 = arith.muli %arg0, %mul3A : i32
    %add3A = arith.addi %mul3A_0, %arg1 : i32
    %broadcast_in_dim3A = arith.constant 0.000000e+00 : f32
    %broadcast_in_dim3A_1 = vector.broadcast %broadcast_in_dim3A : f32 to vector<16xf32>
    %scan3A = arith.constant 0 : i32
    %scan3A_2 = arith.constant 0 : i32
    %scan3A_3 = arith.constant 128 : i32
    %scan3A_4 = arith.addi %scan3A_2, %scan3A_3 : i32
    %scan3A_5 = arith.constant 1 : i32
    %scan3A_6 = scf.for %scan3A_93 = %scan3A_2 to %scan3A_4 step %scan3A_5 iter_args(%scan3A_94 = %scan3A) -> (i32)  : i32 {
      %swap3A = arith.index_cast %scan3A_93 : i32 to index
      %swap3A_95 = arith.constant 0 : index
      %swap3A_96 = tpu.vector_load %arg8[%swap3A, %swap3A_95] {strides = array<i32>} : memref<128x128xf32, #tpu.memory_space<vmem>>, vector<1x16xf32>,
      %swap3A_97 = vector.shape_cast %swap3A_96 : vector<1x16xf32> to vector<16xf32>
      %swap3A_98 = vector.shape_cast %broadcast_in_dim3A_1 : vector<16xf32> to vector<1x16xf32>
      tpu.vector_store %arg8[%swap3A, %swap3A_95], %swap3A_98 {strides = array<i32>} : memref<128x128xf32, #tpu.memory_space<vmem>>, vector<1x16xf32>,
      %swap3A_99 = arith.index_cast %scan3A_93 : i32 to index
      %swap3A_100 = arith.constant 16 : index
      %swap3A_101 = tpu.vector_load %arg8[%swap3A_99, %swap3A_100] {strides = array<i32>} : memref<128x128xf32, #tpu.memory_space<vmem>>, vector<1x16xf32>,
      %swap3A_102 = vector.shape_cast %swap3A_101 : vector<1x16xf32> to vector<16xf32>
      %swap3A_103 = vector.shape_cast %broadcast_in_dim3A_1 : vector<16xf32> to vector<1x16xf32>
      tpu.vector_store %arg8[%swap3A_99, %swap3A_100], %swap3A_103 {strides = array<i32>} : memref<128x128xf32, #tpu.memory_space<vmem>>, vector<1x16xf32>,
      %swap3A_104 = arith.index_cast %scan3A_93 : i32 to index
      %swap3A_105 = arith.constant 32 : index
      %swap3A_106 = tpu.vector_load %arg8[%swap3A_104, %swap3A_105] {strides = array<i32>} : memref<128x128xf32, #tpu.memory_space<vmem>>, vector<1x16xf32>,
      %swap3A_107 = vector.shape_cast %swap3A_106 : vector<1x16xf32> to vector<16xf32>
      %swap3A_108 = vector.shape_cast %broadcast_in_dim3A_1 : vector<16xf32> to vector<1x16xf32>
      tpu.vector_store %arg8[%swap3A_104, %swap3A_105], %swap3A_108 {strides = array<i32>} : memref<128x128xf32, #tpu.memory_space<vmem>>, vector<1x16xf32>,
      %swap3A_109 = arith.index_cast %scan3A_93 : i32 to index
      %swap3A_110 = arith.constant 48 : index
      %swap3A_111 = tpu.vector_load %arg8[%swap3A_109, %swap3A_110] {strides = array<i32>} : memref<128x128xf32, #tpu.memory_space<vmem>>, vector<1x16xf32>,
      %swap3A_112 = vector.shape_cast %swap3A_111 : vector<1x16xf32> to vector<16xf32>
      %swap3A_113 = vector.shape_cast %broadcast_in_dim3A_1 : vector<16xf32> to vector<1x16xf32>
      tpu.vector_store %arg8[%swap3A_109, %swap3A_110], %swap3A_113 {strides = array<i32>} : memref<128x128xf32, #tpu.memory_space<vmem>>, vector<1x16xf32>,
      %swap3A_114 = arith.index_cast %scan3A_93 : i32 to index
      %swap3A_115 = arith.constant 64 : index
      %swap3A_116 = tpu.vector_load %arg8[%swap3A_114, %swap3A_115] {strides = array<i32>} : memref<128x128xf32, #tpu.memory_space<vmem>>, vector<1x16xf32>,
      %swap3A_117 = vector.shape_cast %swap3A_116 : vector<1x16xf32> to vector<16xf32>
      %swap3A_118 = vector.shape_cast %broadcast_in_dim3A_1 : vector<16xf32> to vector<1x16xf32>
      tpu.vector_store %arg8[%swap3A_114, %swap3A_115], %swap3A_118 {strides = array<i32>} : memref<128x128xf32, #tpu.memory_space<vmem>>, vector<1x16xf32>,
      %swap3A_119 = arith.index_cast %scan3A_93 : i32 to index
      %swap3A_120 = arith.constant 80 : index
      %swap3A_121 = tpu.vector_load %arg8[%swap3A_119, %swap3A_120] {strides = array<i32>} : memref<128x128xf32, #tpu.memory_space<vmem>>, vector<1x16xf32>,
      %swap3A_122 = vector.shape_cast %swap3A_121 : vector<1x16xf32> to vector<16xf32>
      %swap3A_123 = vector.shape_cast %broadcast_in_dim3A_1 : vector<16xf32> to vector<1x16xf32>
      tpu.vector_store %arg8[%swap3A_119, %swap3A_120], %swap3A_123 {strides = array<i32>} : memref<128x128xf32, #tpu.memory_space<vmem>>, vector<1x16xf32>,
      %swap3A_124 = arith.index_cast %scan3A_93 : i32 to index
      %swap3A_125 = arith.constant 96 : index
      %swap3A_126 = tpu.vector_load %arg8[%swap3A_124, %swap3A_125] {strides = array<i32>} : memref<128x128xf32, #tpu.memory_space<vmem>>, vector<1x16xf32>,
      %swap3A_127 = vector.shape_cast %swap3A_126 : vector<1x16xf32> to vector<16xf32>
      %swap3A_128 = vector.shape_cast %broadcast_in_dim3A_1 : vector<16xf32> to vector<1x16xf32>
      tpu.vector_store %arg8[%swap3A_124, %swap3A_125], %swap3A_128 {strides = array<i32>} : memref<128x128xf32, #tpu.memory_space<vmem>>, vector<1x16xf32>,
      %swap3A_129 = arith.index_cast %scan3A_93 : i32 to index
      %swap3A_130 = arith.constant 112 : index
      %swap3A_131 = tpu.vector_load %arg8[%swap3A_129, %swap3A_130] {strides = array<i32>} : memref<128x128xf32, #tpu.memory_space<vmem>>, vector<1x16xf32>,
      %swap3A_132 = vector.shape_cast %swap3A_131 : vector<1x16xf32> to vector<16xf32>
      %swap3A_133 = vector.shape_cast %broadcast_in_dim3A_1 : vector<16xf32> to vector<1x16xf32>
      tpu.vector_store %arg8[%swap3A_129, %swap3A_130], %swap3A_133 {strides = array<i32>} : memref<128x128xf32, #tpu.memory_space<vmem>>, vector<1x16xf32>,
      %scan3A_134 = arith.constant 0 : i32
      scf.yield %scan3A_134 : i32
    }
    %scan3A_7 = arith.constant 128 : i32
    %mul3A_8 = arith.constant 640 : i32
    %mul3A_9 = arith.muli %arg1, %mul3A_8 : i32
    %add3A_10 = arith.constant 0 : i32
    %add3A_11 = arith.addi %mul3A_9, %add3A_10 : i32
    "tpu.region"() ({
      %run_scoped3A = tpu.sem_alloc : memref<!tpu.dma_semaphore, #tpu.memory_space<semaphore_mem>>
      %dma_start3A_93 = arith.constant 0 : i32
      %dma_start3A_94 = tpu.memref_slice %arg10[%add3A_11, %dma_start3A_93] : memref<10240x128xf32, #tpu.memory_space<vmem_shared>> -> memref<128x128xf32, #tpu.memory_space<vmem_shared>>
      %dma_start3A_95 = arith.constant 0 : i32
      %dma_start3A_96 = tpu.memref_slice %arg10[%add3A_11, %dma_start3A_95] : memref<10240x128xf32, #tpu.memory_space<vmem_shared>> -> memref<128x128xf32, #tpu.memory_space<vmem_shared>>
      tpu.enqueue_dma source(%arg8 : memref<128x128xf32, #tpu.memory_space<vmem>>) target(%dma_start3A_96 : memref<128x128xf32, #tpu.memory_space<vmem_shared>>) target_semaphore(%run_scoped3A : memref<!tpu.dma_semaphore, #tpu.memory_space<semaphore_mem>>)
      %dma_wait3A = arith.constant 0 : i32
      %dma_wait3A_97 = tpu.memref_slice %arg10[%add3A_11, %dma_wait3A] : memref<10240x128xf32, #tpu.memory_space<vmem_shared>> -> memref<128x128xf32, #tpu.memory_space<vmem_shared>>
      %dma_wait3A_98 = arith.constant 0 : i32
      %dma_wait3A_99 = tpu.memref_slice %arg10[%add3A_11, %dma_wait3A_98] : memref<10240x128xf32, #tpu.memory_space<vmem_shared>> -> memref<128x128xf32, #tpu.memory_space<vmem_shared>>
      tpu.wait_dma2 semaphore(%run_scoped3A : memref<!tpu.dma_semaphore, #tpu.memory_space<semaphore_mem>>) src(%arg8 : memref<128x128xf32, #tpu.memory_space<vmem>>) dst(%dma_wait3A_99 : memref<128x128xf32, #tpu.memory_space<vmem_shared>>)
      tpu.yield
    }) : () -> ()
    %mul3A_12 = arith.constant 640 : i32
    %mul3A_13 = arith.muli %arg1, %mul3A_12 : i32
    %add3A_14 = arith.constant 128 : i32
    %add3A_15 = arith.addi %mul3A_13, %add3A_14 : i32
    "tpu.region"() ({
      %run_scoped3A = tpu.sem_alloc : memref<!tpu.dma_semaphore, #tpu.memory_space<semaphore_mem>>
      %dma_start3A_93 = arith.constant 0 : i32
      %dma_start3A_94 = tpu.memref_slice %arg10[%add3A_15, %dma_start3A_93] : memref<10240x128xf32, #tpu.memory_space<vmem_shared>> -> memref<128x128xf32, #tpu.memory_space<vmem_shared>>
      %dma_start3A_95 = arith.constant 0 : i32
      %dma_start3A_96 = tpu.memref_slice %arg10[%add3A_15, %dma_start3A_95] : memref<10240x128xf32, #tpu.memory_space<vmem_shared>> -> memref<128x128xf32, #tpu.memory_space<vmem_shared>>
      tpu.enqueue_dma source(%arg8 : memref<128x128xf32, #tpu.memory_space<vmem>>) target(%dma_start3A_96 : memref<128x128xf32, #tpu.memory_space<vmem_shared>>) target_semaphore(%run_scoped3A : memref<!tpu.dma_semaphore, #tpu.memory_space<semaphore_mem>>)
      %dma_wait3A = arith.constant 0 : i32
      %dma_wait3A_97 = tpu.memref_slice %arg10[%add3A_15, %dma_wait3A] : memref<10240x128xf32, #tpu.memory_space<vmem_shared>> -> memref<128x128xf32, #tpu.memory_space<vmem_shared>>
      %dma_wait3A_98 = arith.constant 0 : i32
      %dma_wait3A_99 = tpu.memref_slice %arg10[%add3A_15, %dma_wait3A_98] : memref<10240x128xf32, #tpu.memory_space<vmem_shared>> -> memref<128x128xf32, #tpu.memory_space<vmem_shared>>
      tpu.wait_dma2 semaphore(%run_scoped3A : memref<!tpu.dma_semaphore, #tpu.memory_space<semaphore_mem>>) src(%arg8 : memref<128x128xf32, #tpu.memory_space<vmem>>) dst(%dma_wait3A_99 : memref<128x128xf32, #tpu.memory_space<vmem_shared>>)
      tpu.yield
    }) : () -> ()
    %mul3A_16 = arith.constant 640 : i32
    %mul3A_17 = arith.muli %arg1, %mul3A_16 : i32
    %add3A_18 = arith.constant 256 : i32
    %add3A_19 = arith.addi %mul3A_17, %add3A_18 : i32
    "tpu.region"() ({
      %run_scoped3A = tpu.sem_alloc : memref<!tpu.dma_semaphore, #tpu.memory_space<semaphore_mem>>
      %dma_start3A_93 = arith.constant 0 : i32
      %dma_start3A_94 = tpu.memref_slice %arg10[%add3A_19, %dma_start3A_93] : memref<10240x128xf32, #tpu.memory_space<vmem_shared>> -> memref<128x128xf32, #tpu.memory_space<vmem_shared>>
      %dma_start3A_95 = arith.constant 0 : i32
      %dma_start3A_96 = tpu.memref_slice %arg10[%add3A_19, %dma_start3A_95] : memref<10240x128xf32, #tpu.memory_space<vmem_shared>> -> memref<128x128xf32, #tpu.memory_space<vmem_shared>>
      tpu.enqueue_dma source(%arg8 : memref<128x128xf32, #tpu.memory_space<vmem>>) target(%dma_start3A_96 : memref<128x128xf32, #tpu.memory_space<vmem_shared>>) target_semaphore(%run_scoped3A : memref<!tpu.dma_semaphore, #tpu.memory_space<semaphore_mem>>)
      %dma_wait3A = arith.constant 0 : i32
      %dma_wait3A_97 = tpu.memref_slice %arg10[%add3A_19, %dma_wait3A] : memref<10240x128xf32, #tpu.memory_space<vmem_shared>> -> memref<128x128xf32, #tpu.memory_space<vmem_shared>>
      %dma_wait3A_98 = arith.constant 0 : i32
      %dma_wait3A_99 = tpu.memref_slice %arg10[%add3A_19, %dma_wait3A_98] : memref<10240x128xf32, #tpu.memory_space<vmem_shared>> -> memref<128x128xf32, #tpu.memory_space<vmem_shared>>
      tpu.wait_dma2 semaphore(%run_scoped3A : memref<!tpu.dma_semaphore, #tpu.memory_space<semaphore_mem>>) src(%arg8 : memref<128x128xf32, #tpu.memory_space<vmem>>) dst(%dma_wait3A_99 : memref<128x128xf32, #tpu.memory_space<vmem_shared>>)
      tpu.yield
    }) : () -> ()
    %mul3A_20 = arith.constant 640 : i32
    %mul3A_21 = arith.muli %arg1, %mul3A_20 : i32
    %add3A_22 = arith.constant 384 : i32
    %add3A_23 = arith.addi %mul3A_21, %add3A_22 : i32
    "tpu.region"() ({
      %run_scoped3A = tpu.sem_alloc : memref<!tpu.dma_semaphore, #tpu.memory_space<semaphore_mem>>
      %dma_start3A_93 = arith.constant 0 : i32
      %dma_start3A_94 = tpu.memref_slice %arg10[%add3A_23, %dma_start3A_93] : memref<10240x128xf32, #tpu.memory_space<vmem_shared>> -> memref<128x128xf32, #tpu.memory_space<vmem_shared>>
      %dma_start3A_95 = arith.constant 0 : i32
      %dma_start3A_96 = tpu.memref_slice %arg10[%add3A_23, %dma_start3A_95] : memref<10240x128xf32, #tpu.memory_space<vmem_shared>> -> memref<128x128xf32, #tpu.memory_space<vmem_shared>>
      tpu.enqueue_dma source(%arg8 : memref<128x128xf32, #tpu.memory_space<vmem>>) target(%dma_start3A_96 : memref<128x128xf32, #tpu.memory_space<vmem_shared>>) target_semaphore(%run_scoped3A : memref<!tpu.dma_semaphore, #tpu.memory_space<semaphore_mem>>)
      %dma_wait3A = arith.constant 0 : i32
      %dma_wait3A_97 = tpu.memref_slice %arg10[%add3A_23, %dma_wait3A] : memref<10240x128xf32, #tpu.memory_space<vmem_shared>> -> memref<128x128xf32, #tpu.memory_space<vmem_shared>>
      %dma_wait3A_98 = arith.constant 0 : i32
      %dma_wait3A_99 = tpu.memref_slice %arg10[%add3A_23, %dma_wait3A_98] : memref<10240x128xf32, #tpu.memory_space<vmem_shared>> -> memref<128x128xf32, #tpu.memory_space<vmem_shared>>
      tpu.wait_dma2 semaphore(%run_scoped3A : memref<!tpu.dma_semaphore, #tpu.memory_space<semaphore_mem>>) src(%arg8 : memref<128x128xf32, #tpu.memory_space<vmem>>) dst(%dma_wait3A_99 : memref<128x128xf32, #tpu.memory_space<vmem_shared>>)
      tpu.yield
    }) : () -> ()
    %mul3A_24 = arith.constant 640 : i32
    %mul3A_25 = arith.muli %arg1, %mul3A_24 : i32
    %add3A_26 = arith.constant 512 : i32
    %add3A_27 = arith.addi %mul3A_25, %add3A_26 : i32
    "tpu.region"() ({
      %run_scoped3A = tpu.sem_alloc : memref<!tpu.dma_semaphore, #tpu.memory_space<semaphore_mem>>
      %dma_start3A_93 = arith.constant 0 : i32
      %dma_start3A_94 = tpu.memref_slice %arg10[%add3A_27, %dma_start3A_93] : memref<10240x128xf32, #tpu.memory_space<vmem_shared>> -> memref<128x128xf32, #tpu.memory_space<vmem_shared>>
      %dma_start3A_95 = arith.constant 0 : i32
      %dma_start3A_96 = tpu.memref_slice %arg10[%add3A_27, %dma_start3A_95] : memref<10240x128xf32, #tpu.memory_space<vmem_shared>> -> memref<128x128xf32, #tpu.memory_space<vmem_shared>>
      tpu.enqueue_dma source(%arg8 : memref<128x128xf32, #tpu.memory_space<vmem>>) target(%dma_start3A_96 : memref<128x128xf32, #tpu.memory_space<vmem_shared>>) target_semaphore(%run_scoped3A : memref<!tpu.dma_semaphore, #tpu.memory_space<semaphore_mem>>)
      %dma_wait3A = arith.constant 0 : i32
      %dma_wait3A_97 = tpu.memref_slice %arg10[%add3A_27, %dma_wait3A] : memref<10240x128xf32, #tpu.memory_space<vmem_shared>> -> memref<128x128xf32, #tpu.memory_space<vmem_shared>>
      %dma_wait3A_98 = arith.constant 0 : i32
      %dma_wait3A_99 = tpu.memref_slice %arg10[%add3A_27, %dma_wait3A_98] : memref<10240x128xf32, #tpu.memory_space<vmem_shared>> -> memref<128x128xf32, #tpu.memory_space<vmem_shared>>
      tpu.wait_dma2 semaphore(%run_scoped3A : memref<!tpu.dma_semaphore, #tpu.memory_space<semaphore_mem>>) src(%arg8 : memref<128x128xf32, #tpu.memory_space<vmem>>) dst(%dma_wait3A_99 : memref<128x128xf32, #tpu.memory_space<vmem_shared>>)
      tpu.yield
    }) : () -> ()
    %barrier3A = arith.constant 0 : index
    tpu.barrier barrier_id(%barrier3A)
    %mul3A_28 = arith.constant 78 : i32
    %mul3A_29 = arith.muli %add3A, %mul3A_28 : i32
    %add3A_30 = arith.constant 0 : i32
    %add3A_31 = arith.addi %mul3A_29, %add3A_30 : i32
    "tpu.region"() ({
      %run_scoped3A = tpu.sem_alloc : memref<!tpu.dma_semaphore, #tpu.memory_space<semaphore_mem>>
      %dma_start3A_93 = arith.constant 0 : i32
      %dma_start3A_94 = arith.constant 0 : i32
      %dma_start3A_95 = tpu.memref_slice %arg6[%dma_start3A_93, %dma_start3A_94] : memref<27x128xi32, #tpu.memory_space<vmem>> -> memref<26x128xi32, #tpu.memory_space<vmem>>
      %dma_start3A_96 = arith.constant 0 : i32
      %dma_start3A_97 = tpu.memref_slice %arg2[%add3A_31, %dma_start3A_96] : memref<2500x128xi32, #tpu.memory_space<hbm>> -> memref<26x128xi32, #tpu.memory_space<hbm>>
      %dma_start3A_98 = arith.constant 0 : i32
      %dma_start3A_99 = arith.constant 0 : i32
      %dma_start3A_100 = tpu.memref_slice %arg6[%dma_start3A_98, %dma_start3A_99] : memref<27x128xi32, #tpu.memory_space<vmem>> -> memref<26x128xi32, #tpu.memory_space<vmem>>
      %dma_start3A_101 = arith.constant 0 : i32
      %dma_start3A_102 = tpu.memref_slice %arg2[%add3A_31, %dma_start3A_101] : memref<2500x128xi32, #tpu.memory_space<hbm>> -> memref<26x128xi32, #tpu.memory_space<hbm>>
      tpu.enqueue_dma source(%dma_start3A_102 : memref<26x128xi32, #tpu.memory_space<hbm>>) target(%dma_start3A_100 : memref<26x128xi32, #tpu.memory_space<vmem>>) target_semaphore(%run_scoped3A : memref<!tpu.dma_semaphore, #tpu.memory_space<semaphore_mem>>)
      %dma_wait3A = arith.constant 0 : i32
      %dma_wait3A_103 = arith.constant 0 : i32
      %dma_wait3A_104 = tpu.memref_slice %arg6[%dma_wait3A, %dma_wait3A_103] : memref<27x128xi32, #tpu.memory_space<vmem>> -> memref<26x128xi32, #tpu.memory_space<vmem>>
      %dma_wait3A_105 = arith.constant 0 : i32
      %dma_wait3A_106 = tpu.memref_slice %arg2[%add3A_31, %dma_wait3A_105] : memref<2500x128xi32, #tpu.memory_space<hbm>> -> memref<26x128xi32, #tpu.memory_space<hbm>>
      %dma_wait3A_107 = arith.constant 0 : i32
      %dma_wait3A_108 = arith.constant 0 : i32
      %dma_wait3A_109 = tpu.memref_slice %arg6[%dma_wait3A_107, %dma_wait3A_108] : memref<27x128xi32, #tpu.memory_space<vmem>> -> memref<26x128xi32, #tpu.memory_space<vmem>>
      %dma_wait3A_110 = arith.constant 0 : i32
      %dma_wait3A_111 = tpu.memref_slice %arg2[%add3A_31, %dma_wait3A_110] : memref<2500x128xi32, #tpu.memory_space<hbm>> -> memref<26x128xi32, #tpu.memory_space<hbm>>
      tpu.wait_dma2 semaphore(%run_scoped3A : memref<!tpu.dma_semaphore, #tpu.memory_space<semaphore_mem>>) src(%dma_wait3A_111 : memref<26x128xi32, #tpu.memory_space<hbm>>) dst(%dma_wait3A_109 : memref<26x128xi32, #tpu.memory_space<vmem>>)
      tpu.yield
    }) : () -> ()
    "tpu.region"() ({
      %run_scoped3A = tpu.sem_alloc : memref<!tpu.dma_semaphore, #tpu.memory_space<semaphore_mem>>
      %dma_start3A_93 = arith.constant 0 : i32
      %dma_start3A_94 = arith.constant 0 : i32
      %dma_start3A_95 = tpu.memref_slice %arg7[%dma_start3A_93, %dma_start3A_94] : memref<27x128xi32, #tpu.memory_space<vmem>> -> memref<26x128xi32, #tpu.memory_space<vmem>>
      %dma_start3A_96 = arith.constant 0 : i32
      %dma_start3A_97 = tpu.memref_slice %arg3[%add3A_31, %dma_start3A_96] : memref<2500x128xi32, #tpu.memory_space<hbm>> -> memref<26x128xi32, #tpu.memory_space<hbm>>
      %dma_start3A_98 = arith.constant 0 : i32
      %dma_start3A_99 = arith.constant 0 : i32
      %dma_start3A_100 = tpu.memref_slice %arg7[%dma_start3A_98, %dma_start3A_99] : memref<27x128xi32, #tpu.memory_space<vmem>> -> memref<26x128xi32, #tpu.memory_space<vmem>>
      %dma_start3A_101 = arith.constant 0 : i32
      %dma_start3A_102 = tpu.memref_slice %arg3[%add3A_31, %dma_start3A_101] : memref<2500x128xi32, #tpu.memory_space<hbm>> -> memref<26x128xi32, #tpu.memory_space<hbm>>
      tpu.enqueue_dma source(%dma_start3A_102 : memref<26x128xi32, #tpu.memory_space<hbm>>) target(%dma_start3A_100 : memref<26x128xi32, #tpu.memory_space<vmem>>) target_semaphore(%run_scoped3A : memref<!tpu.dma_semaphore, #tpu.memory_space<semaphore_mem>>)
      %dma_wait3A = arith.constant 0 : i32
      %dma_wait3A_103 = arith.constant 0 : i32
      %dma_wait3A_104 = tpu.memref_slice %arg7[%dma_wait3A, %dma_wait3A_103] : memref<27x128xi32, #tpu.memory_space<vmem>> -> memref<26x128xi32, #tpu.memory_space<vmem>>
      %dma_wait3A_105 = arith.constant 0 : i32
      %dma_wait3A_106 = tpu.memref_slice %arg3[%add3A_31, %dma_wait3A_105] : memref<2500x128xi32, #tpu.memory_space<hbm>> -> memref<26x128xi32, #tpu.memory_space<hbm>>
      %dma_wait3A_107 = arith.constant 0 : i32
      %dma_wait3A_108 = arith.constant 0 : i32
      %dma_wait3A_109 = tpu.memref_slice %arg7[%dma_wait3A_107, %dma_wait3A_108] : memref<27x128xi32, #tpu.memory_space<vmem>> -> memref<26x128xi32, #tpu.memory_space<vmem>>
      %dma_wait3A_110 = arith.constant 0 : i32
      %dma_wait3A_111 = tpu.memref_slice %arg3[%add3A_31, %dma_wait3A_110] : memref<2500x128xi32, #tpu.memory_space<hbm>> -> memref<26x128xi32, #tpu.memory_space<hbm>>
      tpu.wait_dma2 semaphore(%run_scoped3A : memref<!tpu.dma_semaphore, #tpu.memory_space<semaphore_mem>>) src(%dma_wait3A_111 : memref<26x128xi32, #tpu.memory_space<hbm>>) dst(%dma_wait3A_109 : memref<26x128xi32, #tpu.memory_space<vmem>>)
      tpu.yield
    }) : () -> ()
    %dma_start3A = arith.constant 0 : i32
    %dma_start3A_32 = arith.constant 0 : i32
    %dma_start3A_33 = tpu.memref_slice %arg6[%dma_start3A, %dma_start3A_32] : memref<27x128xi32, #tpu.memory_space<vmem>> -> memref<1x128xi32, #tpu.memory_space<vmem>>
    %dma_start3A_34 = tpu.memref_squeeze %dma_start3A_33 : memref<1x128xi32, #tpu.memory_space<vmem>> -> memref<128xi32, #tpu.memory_space<vmem>>
    %dma_start3A_35 = arith.constant 0 : i32
    %dma_start3A_36 = arith.constant 0 : i32
    %dma_start3A_37 = tpu.memref_slice %arg4[%dma_start3A_35, %dma_start3A_36] : memref<10240x128xf32, #tpu.memory_space<hbm>> -> memref<10240x128xf32, #tpu.memory_space<hbm>>
    tpu.enqueue_indirect_dma source(%dma_start3A_37 : memref<10240x128xf32, #tpu.memory_space<hbm>>) target(%arg8 : memref<128x128xf32, #tpu.memory_space<vmem>>) offsets(%dma_start3A_34 : memref<128xi32, #tpu.memory_space<vmem>>) semaphore(%arg11 : memref<!tpu.dma_semaphore, #tpu.memory_space<semaphore_mem>>)
    %scan3A_38 = arith.constant 0 : i32
    %scan3A_39 = arith.constant 0 : i32
    %scan3A_40 = arith.constant 13 : i32
    %scan3A_41 = arith.addi %scan3A_39, %scan3A_40 : i32
    %scan3A_42 = arith.constant 1 : i32
    %scan3A_43 = scf.for %scan3A_93 = %scan3A_39 to %scan3A_41 step %scan3A_42 iter_args(%scan3A_94 = %scan3A_38) -> (i32)  : i32 {
      %mul3A_95 = arith.constant 2 : i32
      %mul3A_96 = arith.muli %mul3A_95, %scan3A_93 : i32
      %add3A_97 = arith.constant 1 : i32
      %add3A_98 = arith.addi %mul3A_96, %add3A_97 : i32
      %dma_start3A_99 = arith.constant 0 : i32
      %dma_start3A_100 = tpu.memref_slice %arg6[%add3A_98, %dma_start3A_99] : memref<27x128xi32, #tpu.memory_space<vmem>> -> memref<1x128xi32, #tpu.memory_space<vmem>>
      %dma_start3A_101 = tpu.memref_squeeze %dma_start3A_100 : memref<1x128xi32, #tpu.memory_space<vmem>> -> memref<128xi32, #tpu.memory_space<vmem>>
      %dma_start3A_102 = arith.constant 0 : i32
      %dma_start3A_103 = arith.constant 0 : i32
      %dma_start3A_104 = tpu.memref_slice %arg4[%dma_start3A_102, %dma_start3A_103] : memref<10240x128xf32, #tpu.memory_space<hbm>> -> memref<10240x128xf32, #tpu.memory_space<hbm>>
      tpu.enqueue_indirect_dma source(%dma_start3A_104 : memref<10240x128xf32, #tpu.memory_space<hbm>>) target(%arg9 : memref<128x128xf32, #tpu.memory_space<vmem>>) offsets(%dma_start3A_101 : memref<128xi32, #tpu.memory_space<vmem>>) semaphore(%arg12 : memref<!tpu.dma_semaphore, #tpu.memory_space<semaphore_mem>>)
      %dma_wait3A = arith.constant 0 : i32
      %dma_wait3A_105 = tpu.memref_slice %arg6[%mul3A_96, %dma_wait3A] : memref<27x128xi32, #tpu.memory_space<vmem>> -> memref<1x128xi32, #tpu.memory_space<vmem>>
      %dma_wait3A_106 = tpu.memref_squeeze %dma_wait3A_105 : memref<1x128xi32, #tpu.memory_space<vmem>> -> memref<128xi32, #tpu.memory_space<vmem>>
      %dma_wait3A_107 = arith.constant 0 : i32
      %dma_wait3A_108 = arith.constant 0 : i32
      %dma_wait3A_109 = tpu.memref_slice %arg4[%dma_wait3A_107, %dma_wait3A_108] : memref<10240x128xf32, #tpu.memory_space<hbm>> -> memref<10240x128xf32, #tpu.memory_space<hbm>>
      tpu.wait_indirect_dma semaphore(%arg11 : memref<!tpu.dma_semaphore, #tpu.memory_space<semaphore_mem>>) src(%dma_wait3A_109 : memref<10240x128xf32, #tpu.memory_space<hbm>>) dst(%arg8 : memref<128x128xf32, #tpu.memory_space<vmem>>)
      "tpu.region"() ({
        %run_scoped3A = tpu.sem_alloc : memref<!tpu.dma_semaphore, #tpu.memory_space<semaphore_mem>>
        %dma_start3A_127 = arith.constant 0 : i32
        %dma_start3A_128 = tpu.memref_slice %arg7[%mul3A_96, %dma_start3A_127] : memref<27x128xi32, #tpu.memory_space<vmem>> -> memref<1x128xi32, #tpu.memory_space<vmem>>
        %dma_start3A_129 = tpu.memref_squeeze %dma_start3A_128 : memref<1x128xi32, #tpu.memory_space<vmem>> -> memref<128xi32, #tpu.memory_space<vmem>>
        %dma_start3A_130 = arith.constant 0 : i32
        %dma_start3A_131 = arith.constant 0 : i32
        %dma_start3A_132 = tpu.memref_slice %arg10[%dma_start3A_130, %dma_start3A_131] : memref<10240x128xf32, #tpu.memory_space<vmem_shared>> -> memref<10240x128xf32, #tpu.memory_space<vmem_shared>>
        tpu.enqueue_indirect_dma source(%arg8 : memref<128x128xf32, #tpu.memory_space<vmem>>) target(%dma_start3A_132 : memref<10240x128xf32, #tpu.memory_space<vmem_shared>>) offsets(%dma_start3A_129 : memref<128xi32, #tpu.memory_space<vmem>>) semaphore(%run_scoped3A : memref<!tpu.dma_semaphore, #tpu.memory_space<semaphore_mem>>) {add = true}
        %dma_wait3A_133 = arith.constant 0 : i32
        %dma_wait3A_134 = tpu.memref_slice %arg7[%mul3A_96, %dma_wait3A_133] : memref<27x128xi32, #tpu.memory_space<vmem>> -> memref<1x128xi32, #tpu.memory_space<vmem>>
        %dma_wait3A_135 = tpu.memref_squeeze %dma_wait3A_134 : memref<1x128xi32, #tpu.memory_space<vmem>> -> memref<128xi32, #tpu.memory_space<vmem>>
        %dma_wait3A_136 = arith.constant 0 : i32
        %dma_wait3A_137 = arith.constant 0 : i32
        %dma_wait3A_138 = tpu.memref_slice %arg10[%dma_wait3A_136, %dma_wait3A_137] : memref<10240x128xf32, #tpu.memory_space<vmem_shared>> -> memref<10240x128xf32, #tpu.memory_space<vmem_shared>>
        tpu.wait_indirect_dma semaphore(%run_scoped3A : memref<!tpu.dma_semaphore, #tpu.memory_space<semaphore_mem>>) src(%arg8 : memref<128x128xf32, #tpu.memory_space<vmem>>) dst(%dma_wait3A_138 : memref<10240x128xf32, #tpu.memory_space<vmem_shared>>)
        tpu.yield
      }) : () -> ()
      %add3A_110 = arith.constant 2 : i32
      %add3A_111 = arith.addi %mul3A_96, %add3A_110 : i32
      %le3A = arith.constant 25 : i32
      %le3A_112 = arith.cmpi sle, %add3A_111, %le3A : i32
      %convert_element_type3A_113 = arith.extui %le3A_112 : i1 to i32
      %cond3A_114 = arith.constant 0 : i32
      %cond3A_115 = arith.cmpi ne, %convert_element_type3A_113, %cond3A_114 : i32
      scf.if %cond3A_115 {
        %add3A_127 = arith.constant 2 : i32
        %add3A_128 = arith.addi %mul3A_96, %add3A_127 : i32
        %dma_start3A_129 = arith.constant 0 : i32
        %dma_start3A_130 = tpu.memref_slice %arg6[%add3A_128, %dma_start3A_129] : memref<27x128xi32, #tpu.memory_space<vmem>> -> memref<1x128xi32, #tpu.memory_space<vmem>>
        %dma_start3A_131 = tpu.memref_squeeze %dma_start3A_130 : memref<1x128xi32, #tpu.memory_space<vmem>> -> memref<128xi32, #tpu.memory_space<vmem>>
        %dma_start3A_132 = arith.constant 0 : i32
        %dma_start3A_133 = arith.constant 0 : i32
        %dma_start3A_134 = tpu.memref_slice %arg4[%dma_start3A_132, %dma_start3A_133] : memref<10240x128xf32, #tpu.memory_space<hbm>> -> memref<10240x128xf32, #tpu.memory_space<hbm>>
        tpu.enqueue_indirect_dma source(%dma_start3A_134 : memref<10240x128xf32, #tpu.memory_space<hbm>>) target(%arg8 : memref<128x128xf32, #tpu.memory_space<vmem>>) offsets(%dma_start3A_131 : memref<128xi32, #tpu.memory_space<vmem>>) semaphore(%arg11 : memref<!tpu.dma_semaphore, #tpu.memory_space<semaphore_mem>>)
      } else {
      }
      %add3A_116 = arith.constant 1 : i32
      %add3A_117 = arith.addi %mul3A_96, %add3A_116 : i32
      %dma_wait3A_118 = arith.constant 0 : i32
      %dma_wait3A_119 = tpu.memref_slice %arg6[%add3A_117, %dma_wait3A_118] : memref<27x128xi32, #tpu.memory_space<vmem>> -> memref<1x128xi32, #tpu.memory_space<vmem>>
      %dma_wait3A_120 = tpu.memref_squeeze %dma_wait3A_119 : memref<1x128xi32, #tpu.memory_space<vmem>> -> memref<128xi32, #tpu.memory_space<vmem>>
      %dma_wait3A_121 = arith.constant 0 : i32
      %dma_wait3A_122 = arith.constant 0 : i32
      %dma_wait3A_123 = tpu.memref_slice %arg4[%dma_wait3A_121, %dma_wait3A_122] : memref<10240x128xf32, #tpu.memory_space<hbm>> -> memref<10240x128xf32, #tpu.memory_space<hbm>>
      tpu.wait_indirect_dma semaphore(%arg12 : memref<!tpu.dma_semaphore, #tpu.memory_space<semaphore_mem>>) src(%dma_wait3A_123 : memref<10240x128xf32, #tpu.memory_space<hbm>>) dst(%arg9 : memref<128x128xf32, #tpu.memory_space<vmem>>)
      %add3A_124 = arith.constant 1 : i32
      %add3A_125 = arith.addi %mul3A_96, %add3A_124 : i32
      "tpu.region"() ({
        %run_scoped3A = tpu.sem_alloc : memref<!tpu.dma_semaphore, #tpu.memory_space<semaphore_mem>>
        %dma_start3A_127 = arith.constant 0 : i32
        %dma_start3A_128 = tpu.memref_slice %arg7[%add3A_125, %dma_start3A_127] : memref<27x128xi32, #tpu.memory_space<vmem>> -> memref<1x128xi32, #tpu.memory_space<vmem>>
        %dma_start3A_129 = tpu.memref_squeeze %dma_start3A_128 : memref<1x128xi32, #tpu.memory_space<vmem>> -> memref<128xi32, #tpu.memory_space<vmem>>
        %dma_start3A_130 = arith.constant 0 : i32
        %dma_start3A_131 = arith.constant 0 : i32
        %dma_start3A_132 = tpu.memref_slice %arg10[%dma_start3A_130, %dma_start3A_131] : memref<10240x128xf32, #tpu.memory_space<vmem_shared>> -> memref<10240x128xf32, #tpu.memory_space<vmem_shared>>
        tpu.enqueue_indirect_dma source(%arg9 : memref<128x128xf32, #tpu.memory_space<vmem>>) target(%dma_start3A_132 : memref<10240x128xf32, #tpu.memory_space<vmem_shared>>) offsets(%dma_start3A_129 : memref<128xi32, #tpu.memory_space<vmem>>) semaphore(%run_scoped3A : memref<!tpu.dma_semaphore, #tpu.memory_space<semaphore_mem>>) {add = true}
        %dma_wait3A_133 = arith.constant 0 : i32
        %dma_wait3A_134 = tpu.memref_slice %arg7[%add3A_125, %dma_wait3A_133] : memref<27x128xi32, #tpu.memory_space<vmem>> -> memref<1x128xi32, #tpu.memory_space<vmem>>
        %dma_wait3A_135 = tpu.memref_squeeze %dma_wait3A_134 : memref<1x128xi32, #tpu.memory_space<vmem>> -> memref<128xi32, #tpu.memory_space<vmem>>
        %dma_wait3A_136 = arith.constant 0 : i32
        %dma_wait3A_137 = arith.constant 0 : i32
        %dma_wait3A_138 = tpu.memref_slice %arg10[%dma_wait3A_136, %dma_wait3A_137] : memref<10240x128xf32, #tpu.memory_space<vmem_shared>> -> memref<10240x128xf32, #tpu.memory_space<vmem_shared>>
        tpu.wait_indirect_dma semaphore(%run_scoped3A : memref<!tpu.dma_semaphore, #tpu.memory_space<semaphore_mem>>) src(%arg9 : memref<128x128xf32, #tpu.memory_space<vmem>>) dst(%dma_wait3A_138 : memref<10240x128xf32, #tpu.memory_space<vmem_shared>>)
        tpu.yield
      }) : () -> ()
      %scan3A_126 = arith.constant 0 : i32
      scf.yield %scan3A_126 : i32
    }
    %scan3A_44 = arith.constant 13 : i32
    %mul3A_45 = arith.constant 78 : i32
    %mul3A_46 = arith.muli %add3A, %mul3A_45 : i32
    %add3A_47 = arith.constant 26 : i32
    %add3A_48 = arith.addi %mul3A_46, %add3A_47 : i32
    "tpu.region"() ({
      %run_scoped3A = tpu.sem_alloc : memref<!tpu.dma_semaphore, #tpu.memory_space<semaphore_mem>>
      %dma_start3A_93 = arith.constant 0 : i32
      %dma_start3A_94 = arith.constant 0 : i32
      %dma_start3A_95 = tpu.memref_slice %arg6[%dma_start3A_93, %dma_start3A_94] : memref<27x128xi32, #tpu.memory_space<vmem>> -> memref<26x128xi32, #tpu.memory_space<vmem>>
      %dma_start3A_96 = arith.constant 0 : i32
      %dma_start3A_97 = tpu.memref_slice %arg2[%add3A_48, %dma_start3A_96] : memref<2500x128xi32, #tpu.memory_space<hbm>> -> memref<26x128xi32, #tpu.memory_space<hbm>>
      %dma_start3A_98 = arith.constant 0 : i32
      %dma_start3A_99 = arith.constant 0 : i32
      %dma_start3A_100 = tpu.memref_slice %arg6[%dma_start3A_98, %dma_start3A_99] : memref<27x128xi32, #tpu.memory_space<vmem>> -> memref<26x128xi32, #tpu.memory_space<vmem>>
      %dma_start3A_101 = arith.constant 0 : i32
      %dma_start3A_102 = tpu.memref_slice %arg2[%add3A_48, %dma_start3A_101] : memref<2500x128xi32, #tpu.memory_space<hbm>> -> memref<26x128xi32, #tpu.memory_space<hbm>>
      tpu.enqueue_dma source(%dma_start3A_102 : memref<26x128xi32, #tpu.memory_space<hbm>>) target(%dma_start3A_100 : memref<26x128xi32, #tpu.memory_space<vmem>>) target_semaphore(%run_scoped3A : memref<!tpu.dma_semaphore, #tpu.memory_space<semaphore_mem>>)
      %dma_wait3A = arith.constant 0 : i32
      %dma_wait3A_103 = arith.constant 0 : i32
      %dma_wait3A_104 = tpu.memref_slice %arg6[%dma_wait3A, %dma_wait3A_103] : memref<27x128xi32, #tpu.memory_space<vmem>> -> memref<26x128xi32, #tpu.memory_space<vmem>>
      %dma_wait3A_105 = arith.constant 0 : i32
      %dma_wait3A_106 = tpu.memref_slice %arg2[%add3A_48, %dma_wait3A_105] : memref<2500x128xi32, #tpu.memory_space<hbm>> -> memref<26x128xi32, #tpu.memory_space<hbm>>
      %dma_wait3A_107 = arith.constant 0 : i32
      %dma_wait3A_108 = arith.constant 0 : i32
      %dma_wait3A_109 = tpu.memref_slice %arg6[%dma_wait3A_107, %dma_wait3A_108] : memref<27x128xi32, #tpu.memory_space<vmem>> -> memref<26x128xi32, #tpu.memory_space<vmem>>
      %dma_wait3A_110 = arith.constant 0 : i32
      %dma_wait3A_111 = tpu.memref_slice %arg2[%add3A_48, %dma_wait3A_110] : memref<2500x128xi32, #tpu.memory_space<hbm>> -> memref<26x128xi32, #tpu.memory_space<hbm>>
      tpu.wait_dma2 semaphore(%run_scoped3A : memref<!tpu.dma_semaphore, #tpu.memory_space<semaphore_mem>>) src(%dma_wait3A_111 : memref<26x128xi32, #tpu.memory_space<hbm>>) dst(%dma_wait3A_109 : memref<26x128xi32, #tpu.memory_space<vmem>>)
      tpu.yield
    }) : () -> ()
    "tpu.region"() ({
      %run_scoped3A = tpu.sem_alloc : memref<!tpu.dma_semaphore, #tpu.memory_space<semaphore_mem>>
      %dma_start3A_93 = arith.constant 0 : i32
      %dma_start3A_94 = arith.constant 0 : i32
      %dma_start3A_95 = tpu.memref_slice %arg7[%dma_start3A_93, %dma_start3A_94] : memref<27x128xi32, #tpu.memory_space<vmem>> -> memref<26x128xi32, #tpu.memory_space<vmem>>
      %dma_start3A_96 = arith.constant 0 : i32
      %dma_start3A_97 = tpu.memref_slice %arg3[%add3A_48, %dma_start3A_96] : memref<2500x128xi32, #tpu.memory_space<hbm>> -> memref<26x128xi32, #tpu.memory_space<hbm>>
      %dma_start3A_98 = arith.constant 0 : i32
      %dma_start3A_99 = arith.constant 0 : i32
      %dma_start3A_100 = tpu.memref_slice %arg7[%dma_start3A_98, %dma_start3A_99] : memref<27x128xi32, #tpu.memory_space<vmem>> -> memref<26x128xi32, #tpu.memory_space<vmem>>
      %dma_start3A_101 = arith.constant 0 : i32
      %dma_start3A_102 = tpu.memref_slice %arg3[%add3A_48, %dma_start3A_101] : memref<2500x128xi32, #tpu.memory_space<hbm>> -> memref<26x128xi32, #tpu.memory_space<hbm>>
      tpu.enqueue_dma source(%dma_start3A_102 : memref<26x128xi32, #tpu.memory_space<hbm>>) target(%dma_start3A_100 : memref<26x128xi32, #tpu.memory_space<vmem>>) target_semaphore(%run_scoped3A : memref<!tpu.dma_semaphore, #tpu.memory_space<semaphore_mem>>)
      %dma_wait3A = arith.constant 0 : i32
      %dma_wait3A_103 = arith.constant 0 : i32
      %dma_wait3A_104 = tpu.memref_slice %arg7[%dma_wait3A, %dma_wait3A_103] : memref<27x128xi32, #tpu.memory_space<vmem>> -> memref<26x128xi32, #tpu.memory_space<vmem>>
      %dma_wait3A_105 = arith.constant 0 : i32
      %dma_wait3A_106 = tpu.memref_slice %arg3[%add3A_48, %dma_wait3A_105] : memref<2500x128xi32, #tpu.memory_space<hbm>> -> memref<26x128xi32, #tpu.memory_space<hbm>>
      %dma_wait3A_107 = arith.constant 0 : i32
      %dma_wait3A_108 = arith.constant 0 : i32
      %dma_wait3A_109 = tpu.memref_slice %arg7[%dma_wait3A_107, %dma_wait3A_108] : memref<27x128xi32, #tpu.memory_space<vmem>> -> memref<26x128xi32, #tpu.memory_space<vmem>>
      %dma_wait3A_110 = arith.constant 0 : i32
      %dma_wait3A_111 = tpu.memref_slice %arg3[%add3A_48, %dma_wait3A_110] : memref<2500x128xi32, #tpu.memory_space<hbm>> -> memref<26x128xi32, #tpu.memory_space<hbm>>
      tpu.wait_dma2 semaphore(%run_scoped3A : memref<!tpu.dma_semaphore, #tpu.memory_space<semaphore_mem>>) src(%dma_wait3A_111 : memref<26x128xi32, #tpu.memory_space<hbm>>) dst(%dma_wait3A_109 : memref<26x128xi32, #tpu.memory_space<vmem>>)
      tpu.yield
    }) : () -> ()
    %dma_start3A_49 = arith.constant 0 : i32
    %dma_start3A_50 = arith.constant 0 : i32
    %dma_start3A_51 = tpu.memref_slice %arg6[%dma_start3A_49, %dma_start3A_50] : memref<27x128xi32, #tpu.memory_space<vmem>> -> memref<1x128xi32, #tpu.memory_space<vmem>>
    %dma_start3A_52 = tpu.memref_squeeze %dma_start3A_51 : memref<1x128xi32, #tpu.memory_space<vmem>> -> memref<128xi32, #tpu.memory_space<vmem>>
    %dma_start3A_53 = arith.constant 0 : i32
    %dma_start3A_54 = arith.constant 0 : i32
    %dma_start3A_55 = tpu.memref_slice %arg4[%dma_start3A_53, %dma_start3A_54] : memref<10240x128xf32, #tpu.memory_space<hbm>> -> memref<10240x128xf32, #tpu.memory_space<hbm>>
    tpu.enqueue_indirect_dma source(%dma_start3A_55 : memref<10240x128xf32, #tpu.memory_space<hbm>>) target(%arg8 : memref<128x128xf32, #tpu.memory_space<vmem>>) offsets(%dma_start3A_52 : memref<128xi32, #tpu.memory_space<vmem>>) semaphore(%arg11 : memref<!tpu.dma_semaphore, #tpu.memory_space<semaphore_mem>>)
    %scan3A_56 = arith.constant 0 : i32
    %scan3A_57 = arith.constant 0 : i32
    %scan3A_58 = arith.constant 13 : i32
    %scan3A_59 = arith.addi %scan3A_57, %scan3A_58 : i32
    %scan3A_60 = arith.constant 1 : i32
    %scan3A_61 = scf.for %scan3A_93 = %scan3A_57 to %scan3A_59 step %scan3A_60 iter_args(%scan3A_94 = %scan3A_56) -> (i32)  : i32 {
      %mul3A_95 = arith.constant 2 : i32
      %mul3A_96 = arith.muli %mul3A_95, %scan3A_93 : i32
      %add3A_97 = arith.constant 1 : i32
      %add3A_98 = arith.addi %mul3A_96, %add3A_97 : i32
      %dma_start3A_99 = arith.constant 0 : i32
      %dma_start3A_100 = tpu.memref_slice %arg6[%add3A_98, %dma_start3A_99] : memref<27x128xi32, #tpu.memory_space<vmem>> -> memref<1x128xi32, #tpu.memory_space<vmem>>
      %dma_start3A_101 = tpu.memref_squeeze %dma_start3A_100 : memref<1x128xi32, #tpu.memory_space<vmem>> -> memref<128xi32, #tpu.memory_space<vmem>>
      %dma_start3A_102 = arith.constant 0 : i32
      %dma_start3A_103 = arith.constant 0 : i32
      %dma_start3A_104 = tpu.memref_slice %arg4[%dma_start3A_102, %dma_start3A_103] : memref<10240x128xf32, #tpu.memory_space<hbm>> -> memref<10240x128xf32, #tpu.memory_space<hbm>>
      tpu.enqueue_indirect_dma source(%dma_start3A_104 : memref<10240x128xf32, #tpu.memory_space<hbm>>) target(%arg9 : memref<128x128xf32, #tpu.memory_space<vmem>>) offsets(%dma_start3A_101 : memref<128xi32, #tpu.memory_space<vmem>>) semaphore(%arg12 : memref<!tpu.dma_semaphore, #tpu.memory_space<semaphore_mem>>)
      %dma_wait3A = arith.constant 0 : i32
      %dma_wait3A_105 = tpu.memref_slice %arg6[%mul3A_96, %dma_wait3A] : memref<27x128xi32, #tpu.memory_space<vmem>> -> memref<1x128xi32, #tpu.memory_space<vmem>>
      %dma_wait3A_106 = tpu.memref_squeeze %dma_wait3A_105 : memref<1x128xi32, #tpu.memory_space<vmem>> -> memref<128xi32, #tpu.memory_space<vmem>>
      %dma_wait3A_107 = arith.constant 0 : i32
      %dma_wait3A_108 = arith.constant 0 : i32
      %dma_wait3A_109 = tpu.memref_slice %arg4[%dma_wait3A_107, %dma_wait3A_108] : memref<10240x128xf32, #tpu.memory_space<hbm>> -> memref<10240x128xf32, #tpu.memory_space<hbm>>
      tpu.wait_indirect_dma semaphore(%arg11 : memref<!tpu.dma_semaphore, #tpu.memory_space<semaphore_mem>>) src(%dma_wait3A_109 : memref<10240x128xf32, #tpu.memory_space<hbm>>) dst(%arg8 : memref<128x128xf32, #tpu.memory_space<vmem>>)
      "tpu.region"() ({
        %run_scoped3A = tpu.sem_alloc : memref<!tpu.dma_semaphore, #tpu.memory_space<semaphore_mem>>
        %dma_start3A_127 = arith.constant 0 : i32
        %dma_start3A_128 = tpu.memref_slice %arg7[%mul3A_96, %dma_start3A_127] : memref<27x128xi32, #tpu.memory_space<vmem>> -> memref<1x128xi32, #tpu.memory_space<vmem>>
        %dma_start3A_129 = tpu.memref_squeeze %dma_start3A_128 : memref<1x128xi32, #tpu.memory_space<vmem>> -> memref<128xi32, #tpu.memory_space<vmem>>
        %dma_start3A_130 = arith.constant 0 : i32
        %dma_start3A_131 = arith.constant 0 : i32
        %dma_start3A_132 = tpu.memref_slice %arg10[%dma_start3A_130, %dma_start3A_131] : memref<10240x128xf32, #tpu.memory_space<vmem_shared>> -> memref<10240x128xf32, #tpu.memory_space<vmem_shared>>
        tpu.enqueue_indirect_dma source(%arg8 : memref<128x128xf32, #tpu.memory_space<vmem>>) target(%dma_start3A_132 : memref<10240x128xf32, #tpu.memory_space<vmem_shared>>) offsets(%dma_start3A_129 : memref<128xi32, #tpu.memory_space<vmem>>) semaphore(%run_scoped3A : memref<!tpu.dma_semaphore, #tpu.memory_space<semaphore_mem>>) {add = true}
        %dma_wait3A_133 = arith.constant 0 : i32
        %dma_wait3A_134 = tpu.memref_slice %arg7[%mul3A_96, %dma_wait3A_133] : memref<27x128xi32, #tpu.memory_space<vmem>> -> memref<1x128xi32, #tpu.memory_space<vmem>>
        %dma_wait3A_135 = tpu.memref_squeeze %dma_wait3A_134 : memref<1x128xi32, #tpu.memory_space<vmem>> -> memref<128xi32, #tpu.memory_space<vmem>>
        %dma_wait3A_136 = arith.constant 0 : i32
        %dma_wait3A_137 = arith.constant 0 : i32
        %dma_wait3A_138 = tpu.memref_slice %arg10[%dma_wait3A_136, %dma_wait3A_137] : memref<10240x128xf32, #tpu.memory_space<vmem_shared>> -> memref<10240x128xf32, #tpu.memory_space<vmem_shared>>
        tpu.wait_indirect_dma semaphore(%run_scoped3A : memref<!tpu.dma_semaphore, #tpu.memory_space<semaphore_mem>>) src(%arg8 : memref<128x128xf32, #tpu.memory_space<vmem>>) dst(%dma_wait3A_138 : memref<10240x128xf32, #tpu.memory_space<vmem_shared>>)
        tpu.yield
      }) : () -> ()
      %add3A_110 = arith.constant 2 : i32
      %add3A_111 = arith.addi %mul3A_96, %add3A_110 : i32
      %le3A = arith.constant 25 : i32
      %le3A_112 = arith.cmpi sle, %add3A_111, %le3A : i32
      %convert_element_type3A_113 = arith.extui %le3A_112 : i1 to i32
      %cond3A_114 = arith.constant 0 : i32
      %cond3A_115 = arith.cmpi ne, %convert_element_type3A_113, %cond3A_114 : i32
      scf.if %cond3A_115 {
        %add3A_127 = arith.constant 2 : i32
        %add3A_128 = arith.addi %mul3A_96, %add3A_127 : i32
        %dma_start3A_129 = arith.constant 0 : i32
        %dma_start3A_130 = tpu.memref_slice %arg6[%add3A_128, %dma_start3A_129] : memref<27x128xi32, #tpu.memory_space<vmem>> -> memref<1x128xi32, #tpu.memory_space<vmem>>
        %dma_start3A_131 = tpu.memref_squeeze %dma_start3A_130 : memref<1x128xi32, #tpu.memory_space<vmem>> -> memref<128xi32, #tpu.memory_space<vmem>>
        %dma_start3A_132 = arith.constant 0 : i32
        %dma_start3A_133 = arith.constant 0 : i32
        %dma_start3A_134 = tpu.memref_slice %arg4[%dma_start3A_132, %dma_start3A_133] : memref<10240x128xf32, #tpu.memory_space<hbm>> -> memref<10240x128xf32, #tpu.memory_space<hbm>>
        tpu.enqueue_indirect_dma source(%dma_start3A_134 : memref<10240x128xf32, #tpu.memory_space<hbm>>) target(%arg8 : memref<128x128xf32, #tpu.memory_space<vmem>>) offsets(%dma_start3A_131 : memref<128xi32, #tpu.memory_space<vmem>>) semaphore(%arg11 : memref<!tpu.dma_semaphore, #tpu.memory_space<semaphore_mem>>)
      } else {
      }
      %add3A_116 = arith.constant 1 : i32
      %add3A_117 = arith.addi %mul3A_96, %add3A_116 : i32
      %dma_wait3A_118 = arith.constant 0 : i32
      %dma_wait3A_119 = tpu.memref_slice %arg6[%add3A_117, %dma_wait3A_118] : memref<27x128xi32, #tpu.memory_space<vmem>> -> memref<1x128xi32, #tpu.memory_space<vmem>>
      %dma_wait3A_120 = tpu.memref_squeeze %dma_wait3A_119 : memref<1x128xi32, #tpu.memory_space<vmem>> -> memref<128xi32, #tpu.memory_space<vmem>>
      %dma_wait3A_121 = arith.constant 0 : i32
      %dma_wait3A_122 = arith.constant 0 : i32
      %dma_wait3A_123 = tpu.memref_slice %arg4[%dma_wait3A_121, %dma_wait3A_122] : memref<10240x128xf32, #tpu.memory_space<hbm>> -> memref<10240x128xf32, #tpu.memory_space<hbm>>
      tpu.wait_indirect_dma semaphore(%arg12 : memref<!tpu.dma_semaphore, #tpu.memory_space<semaphore_mem>>) src(%dma_wait3A_123 : memref<10240x128xf32, #tpu.memory_space<hbm>>) dst(%arg9 : memref<128x128xf32, #tpu.memory_space<vmem>>)
      %add3A_124 = arith.constant 1 : i32
      %add3A_125 = arith.addi %mul3A_96, %add3A_124 : i32
      "tpu.region"() ({
        %run_scoped3A = tpu.sem_alloc : memref<!tpu.dma_semaphore, #tpu.memory_space<semaphore_mem>>
        %dma_start3A_127 = arith.constant 0 : i32
        %dma_start3A_128 = tpu.memref_slice %arg7[%add3A_125, %dma_start3A_127] : memref<27x128xi32, #tpu.memory_space<vmem>> -> memref<1x128xi32, #tpu.memory_space<vmem>>
        %dma_start3A_129 = tpu.memref_squeeze %dma_start3A_128 : memref<1x128xi32, #tpu.memory_space<vmem>> -> memref<128xi32, #tpu.memory_space<vmem>>
        %dma_start3A_130 = arith.constant 0 : i32
        %dma_start3A_131 = arith.constant 0 : i32
        %dma_start3A_132 = tpu.memref_slice %arg10[%dma_start3A_130, %dma_start3A_131] : memref<10240x128xf32, #tpu.memory_space<vmem_shared>> -> memref<10240x128xf32, #tpu.memory_space<vmem_shared>>
        tpu.enqueue_indirect_dma source(%arg9 : memref<128x128xf32, #tpu.memory_space<vmem>>) target(%dma_start3A_132 : memref<10240x128xf32, #tpu.memory_space<vmem_shared>>) offsets(%dma_start3A_129 : memref<128xi32, #tpu.memory_space<vmem>>) semaphore(%run_scoped3A : memref<!tpu.dma_semaphore, #tpu.memory_space<semaphore_mem>>) {add = true}
        %dma_wait3A_133 = arith.constant 0 : i32
        %dma_wait3A_134 = tpu.memref_slice %arg7[%add3A_125, %dma_wait3A_133] : memref<27x128xi32, #tpu.memory_space<vmem>> -> memref<1x128xi32, #tpu.memory_space<vmem>>
        %dma_wait3A_135 = tpu.memref_squeeze %dma_wait3A_134 : memref<1x128xi32, #tpu.memory_space<vmem>> -> memref<128xi32, #tpu.memory_space<vmem>>
        %dma_wait3A_136 = arith.constant 0 : i32
        %dma_wait3A_137 = arith.constant 0 : i32
        %dma_wait3A_138 = tpu.memref_slice %arg10[%dma_wait3A_136, %dma_wait3A_137] : memref<10240x128xf32, #tpu.memory_space<vmem_shared>> -> memref<10240x128xf32, #tpu.memory_space<vmem_shared>>
        tpu.wait_indirect_dma semaphore(%run_scoped3A : memref<!tpu.dma_semaphore, #tpu.memory_space<semaphore_mem>>) src(%arg9 : memref<128x128xf32, #tpu.memory_space<vmem>>) dst(%dma_wait3A_138 : memref<10240x128xf32, #tpu.memory_space<vmem_shared>>)
        tpu.yield
      }) : () -> ()
      %scan3A_126 = arith.constant 0 : i32
      scf.yield %scan3A_126 : i32
    }
    %scan3A_62 = arith.constant 13 : i32
    %mul3A_63 = arith.constant 78 : i32
    %mul3A_64 = arith.muli %add3A, %mul3A_63 : i32
    %add3A_65 = arith.constant 52 : i32
    %add3A_66 = arith.addi %mul3A_64, %add3A_65 : i32
    "tpu.region"() ({
      %run_scoped3A = tpu.sem_alloc : memref<!tpu.dma_semaphore, #tpu.memory_space<semaphore_mem>>
      %dma_start3A_93 = arith.constant 0 : i32
      %dma_start3A_94 = arith.constant 0 : i32
      %dma_start3A_95 = tpu.memref_slice %arg6[%dma_start3A_93, %dma_start3A_94] : memref<27x128xi32, #tpu.memory_space<vmem>> -> memref<26x128xi32, #tpu.memory_space<vmem>>
      %dma_start3A_96 = arith.constant 0 : i32
      %dma_start3A_97 = tpu.memref_slice %arg2[%add3A_66, %dma_start3A_96] : memref<2500x128xi32, #tpu.memory_space<hbm>> -> memref<26x128xi32, #tpu.memory_space<hbm>>
      %dma_start3A_98 = arith.constant 0 : i32
      %dma_start3A_99 = arith.constant 0 : i32
      %dma_start3A_100 = tpu.memref_slice %arg6[%dma_start3A_98, %dma_start3A_99] : memref<27x128xi32, #tpu.memory_space<vmem>> -> memref<26x128xi32, #tpu.memory_space<vmem>>
      %dma_start3A_101 = arith.constant 0 : i32
      %dma_start3A_102 = tpu.memref_slice %arg2[%add3A_66, %dma_start3A_101] : memref<2500x128xi32, #tpu.memory_space<hbm>> -> memref<26x128xi32, #tpu.memory_space<hbm>>
      tpu.enqueue_dma source(%dma_start3A_102 : memref<26x128xi32, #tpu.memory_space<hbm>>) target(%dma_start3A_100 : memref<26x128xi32, #tpu.memory_space<vmem>>) target_semaphore(%run_scoped3A : memref<!tpu.dma_semaphore, #tpu.memory_space<semaphore_mem>>)
      %dma_wait3A = arith.constant 0 : i32
      %dma_wait3A_103 = arith.constant 0 : i32
      %dma_wait3A_104 = tpu.memref_slice %arg6[%dma_wait3A, %dma_wait3A_103] : memref<27x128xi32, #tpu.memory_space<vmem>> -> memref<26x128xi32, #tpu.memory_space<vmem>>
      %dma_wait3A_105 = arith.constant 0 : i32
      %dma_wait3A_106 = tpu.memref_slice %arg2[%add3A_66, %dma_wait3A_105] : memref<2500x128xi32, #tpu.memory_space<hbm>> -> memref<26x128xi32, #tpu.memory_space<hbm>>
      %dma_wait3A_107 = arith.constant 0 : i32
      %dma_wait3A_108 = arith.constant 0 : i32
      %dma_wait3A_109 = tpu.memref_slice %arg6[%dma_wait3A_107, %dma_wait3A_108] : memref<27x128xi32, #tpu.memory_space<vmem>> -> memref<26x128xi32, #tpu.memory_space<vmem>>
      %dma_wait3A_110 = arith.constant 0 : i32
      %dma_wait3A_111 = tpu.memref_slice %arg2[%add3A_66, %dma_wait3A_110] : memref<2500x128xi32, #tpu.memory_space<hbm>> -> memref<26x128xi32, #tpu.memory_space<hbm>>
      tpu.wait_dma2 semaphore(%run_scoped3A : memref<!tpu.dma_semaphore, #tpu.memory_space<semaphore_mem>>) src(%dma_wait3A_111 : memref<26x128xi32, #tpu.memory_space<hbm>>) dst(%dma_wait3A_109 : memref<26x128xi32, #tpu.memory_space<vmem>>)
      tpu.yield
    }) : () -> ()
    "tpu.region"() ({
      %run_scoped3A = tpu.sem_alloc : memref<!tpu.dma_semaphore, #tpu.memory_space<semaphore_mem>>
      %dma_start3A_93 = arith.constant 0 : i32
      %dma_start3A_94 = arith.constant 0 : i32
      %dma_start3A_95 = tpu.memref_slice %arg7[%dma_start3A_93, %dma_start3A_94] : memref<27x128xi32, #tpu.memory_space<vmem>> -> memref<26x128xi32, #tpu.memory_space<vmem>>
      %dma_start3A_96 = arith.constant 0 : i32
      %dma_start3A_97 = tpu.memref_slice %arg3[%add3A_66, %dma_start3A_96] : memref<2500x128xi32, #tpu.memory_space<hbm>> -> memref<26x128xi32, #tpu.memory_space<hbm>>
      %dma_start3A_98 = arith.constant 0 : i32
      %dma_start3A_99 = arith.constant 0 : i32
      %dma_start3A_100 = tpu.memref_slice %arg7[%dma_start3A_98, %dma_start3A_99] : memref<27x128xi32, #tpu.memory_space<vmem>> -> memref<26x128xi32, #tpu.memory_space<vmem>>
      %dma_start3A_101 = arith.constant 0 : i32
      %dma_start3A_102 = tpu.memref_slice %arg3[%add3A_66, %dma_start3A_101] : memref<2500x128xi32, #tpu.memory_space<hbm>> -> memref<26x128xi32, #tpu.memory_space<hbm>>
      tpu.enqueue_dma source(%dma_start3A_102 : memref<26x128xi32, #tpu.memory_space<hbm>>) target(%dma_start3A_100 : memref<26x128xi32, #tpu.memory_space<vmem>>) target_semaphore(%run_scoped3A : memref<!tpu.dma_semaphore, #tpu.memory_space<semaphore_mem>>)
      %dma_wait3A = arith.constant 0 : i32
      %dma_wait3A_103 = arith.constant 0 : i32
      %dma_wait3A_104 = tpu.memref_slice %arg7[%dma_wait3A, %dma_wait3A_103] : memref<27x128xi32, #tpu.memory_space<vmem>> -> memref<26x128xi32, #tpu.memory_space<vmem>>
      %dma_wait3A_105 = arith.constant 0 : i32
      %dma_wait3A_106 = tpu.memref_slice %arg3[%add3A_66, %dma_wait3A_105] : memref<2500x128xi32, #tpu.memory_space<hbm>> -> memref<26x128xi32, #tpu.memory_space<hbm>>
      %dma_wait3A_107 = arith.constant 0 : i32
      %dma_wait3A_108 = arith.constant 0 : i32
      %dma_wait3A_109 = tpu.memref_slice %arg7[%dma_wait3A_107, %dma_wait3A_108] : memref<27x128xi32, #tpu.memory_space<vmem>> -> memref<26x128xi32, #tpu.memory_space<vmem>>
      %dma_wait3A_110 = arith.constant 0 : i32
      %dma_wait3A_111 = tpu.memref_slice %arg3[%add3A_66, %dma_wait3A_110] : memref<2500x128xi32, #tpu.memory_space<hbm>> -> memref<26x128xi32, #tpu.memory_space<hbm>>
      tpu.wait_dma2 semaphore(%run_scoped3A : memref<!tpu.dma_semaphore, #tpu.memory_space<semaphore_mem>>) src(%dma_wait3A_111 : memref<26x128xi32, #tpu.memory_space<hbm>>) dst(%dma_wait3A_109 : memref<26x128xi32, #tpu.memory_space<vmem>>)
      tpu.yield
    }) : () -> ()
    %lt3A = arith.constant 4 : i32
    %lt3A_67 = arith.cmpi slt, %add3A, %lt3A : i32
    %convert_element_type3A = arith.extui %lt3A_67 : i1 to i32
    %cond3A = arith.constant 0 : i32
    %cond3A_68 = arith.cmpi ne, %convert_element_type3A, %cond3A : i32
    scf.if %cond3A_68 {
      %add3A_93 = arith.constant 2496 : i32
      %add3A_94 = arith.addi %add3A_93, %add3A : i32
      "tpu.region"() ({
        %run_scoped3A = tpu.sem_alloc : memref<!tpu.dma_semaphore, #tpu.memory_space<semaphore_mem>>
        %dma_start3A_97 = arith.constant 26 : i32
        %dma_start3A_98 = arith.constant 0 : i32
        %dma_start3A_99 = tpu.memref_slice %arg6[%dma_start3A_97, %dma_start3A_98] : memref<27x128xi32, #tpu.memory_space<vmem>> -> memref<1x128xi32, #tpu.memory_space<vmem>>
        %dma_start3A_100 = arith.constant 0 : i32
        %dma_start3A_101 = tpu.memref_slice %arg2[%add3A_94, %dma_start3A_100] : memref<2500x128xi32, #tpu.memory_space<hbm>> -> memref<1x128xi32, #tpu.memory_space<hbm>>
        %dma_start3A_102 = arith.constant 26 : i32
        %dma_start3A_103 = arith.constant 0 : i32
        %dma_start3A_104 = tpu.memref_slice %arg6[%dma_start3A_102, %dma_start3A_103] : memref<27x128xi32, #tpu.memory_space<vmem>> -> memref<1x128xi32, #tpu.memory_space<vmem>>
        %dma_start3A_105 = arith.constant 0 : i32
        %dma_start3A_106 = tpu.memref_slice %arg2[%add3A_94, %dma_start3A_105] : memref<2500x128xi32, #tpu.memory_space<hbm>> -> memref<1x128xi32, #tpu.memory_space<hbm>>
        tpu.enqueue_dma source(%dma_start3A_106 : memref<1x128xi32, #tpu.memory_space<hbm>>) target(%dma_start3A_104 : memref<1x128xi32, #tpu.memory_space<vmem>>) target_semaphore(%run_scoped3A : memref<!tpu.dma_semaphore, #tpu.memory_space<semaphore_mem>>)
        %dma_wait3A = arith.constant 26 : i32
        %dma_wait3A_107 = arith.constant 0 : i32
        %dma_wait3A_108 = tpu.memref_slice %arg6[%dma_wait3A, %dma_wait3A_107] : memref<27x128xi32, #tpu.memory_space<vmem>> -> memref<1x128xi32, #tpu.memory_space<vmem>>
        %dma_wait3A_109 = arith.constant 0 : i32
        %dma_wait3A_110 = tpu.memref_slice %arg2[%add3A_94, %dma_wait3A_109] : memref<2500x128xi32, #tpu.memory_space<hbm>> -> memref<1x128xi32, #tpu.memory_space<hbm>>
        %dma_wait3A_111 = arith.constant 26 : i32
        %dma_wait3A_112 = arith.constant 0 : i32
        %dma_wait3A_113 = tpu.memref_slice %arg6[%dma_wait3A_111, %dma_wait3A_112] : memref<27x128xi32, #tpu.memory_space<vmem>> -> memref<1x128xi32, #tpu.memory_space<vmem>>
        %dma_wait3A_114 = arith.constant 0 : i32
        %dma_wait3A_115 = tpu.memref_slice %arg2[%add3A_94, %dma_wait3A_114] : memref<2500x128xi32, #tpu.memory_space<hbm>> -> memref<1x128xi32, #tpu.memory_space<hbm>>
        tpu.wait_dma2 semaphore(%run_scoped3A : memref<!tpu.dma_semaphore, #tpu.memory_space<semaphore_mem>>) src(%dma_wait3A_115 : memref<1x128xi32, #tpu.memory_space<hbm>>) dst(%dma_wait3A_113 : memref<1x128xi32, #tpu.memory_space<vmem>>)
        tpu.yield
      }) : () -> ()
      %add3A_95 = arith.constant 2496 : i32
      %add3A_96 = arith.addi %add3A_95, %add3A : i32
      "tpu.region"() ({
        %run_scoped3A = tpu.sem_alloc : memref<!tpu.dma_semaphore, #tpu.memory_space<semaphore_mem>>
        %dma_start3A_97 = arith.constant 26 : i32
        %dma_start3A_98 = arith.constant 0 : i32
        %dma_start3A_99 = tpu.memref_slice %arg7[%dma_start3A_97, %dma_start3A_98] : memref<27x128xi32, #tpu.memory_space<vmem>> -> memref<1x128xi32, #tpu.memory_space<vmem>>
        %dma_start3A_100 = arith.constant 0 : i32
        %dma_start3A_101 = tpu.memref_slice %arg3[%add3A_96, %dma_start3A_100] : memref<2500x128xi32, #tpu.memory_space<hbm>> -> memref<1x128xi32, #tpu.memory_space<hbm>>
        %dma_start3A_102 = arith.constant 26 : i32
        %dma_start3A_103 = arith.constant 0 : i32
        %dma_start3A_104 = tpu.memref_slice %arg7[%dma_start3A_102, %dma_start3A_103] : memref<27x128xi32, #tpu.memory_space<vmem>> -> memref<1x128xi32, #tpu.memory_space<vmem>>
        %dma_start3A_105 = arith.constant 0 : i32
        %dma_start3A_106 = tpu.memref_slice %arg3[%add3A_96, %dma_start3A_105] : memref<2500x128xi32, #tpu.memory_space<hbm>> -> memref<1x128xi32, #tpu.memory_space<hbm>>
        tpu.enqueue_dma source(%dma_start3A_106 : memref<1x128xi32, #tpu.memory_space<hbm>>) target(%dma_start3A_104 : memref<1x128xi32, #tpu.memory_space<vmem>>) target_semaphore(%run_scoped3A : memref<!tpu.dma_semaphore, #tpu.memory_space<semaphore_mem>>)
        %dma_wait3A = arith.constant 26 : i32
        %dma_wait3A_107 = arith.constant 0 : i32
        %dma_wait3A_108 = tpu.memref_slice %arg7[%dma_wait3A, %dma_wait3A_107] : memref<27x128xi32, #tpu.memory_space<vmem>> -> memref<1x128xi32, #tpu.memory_space<vmem>>
        %dma_wait3A_109 = arith.constant 0 : i32
        %dma_wait3A_110 = tpu.memref_slice %arg3[%add3A_96, %dma_wait3A_109] : memref<2500x128xi32, #tpu.memory_space<hbm>> -> memref<1x128xi32, #tpu.memory_space<hbm>>
        %dma_wait3A_111 = arith.constant 26 : i32
        %dma_wait3A_112 = arith.constant 0 : i32
        %dma_wait3A_113 = tpu.memref_slice %arg7[%dma_wait3A_111, %dma_wait3A_112] : memref<27x128xi32, #tpu.memory_space<vmem>> -> memref<1x128xi32, #tpu.memory_space<vmem>>
        %dma_wait3A_114 = arith.constant 0 : i32
        %dma_wait3A_115 = tpu.memref_slice %arg3[%add3A_96, %dma_wait3A_114] : memref<2500x128xi32, #tpu.memory_space<hbm>> -> memref<1x128xi32, #tpu.memory_space<hbm>>
        tpu.wait_dma2 semaphore(%run_scoped3A : memref<!tpu.dma_semaphore, #tpu.memory_space<semaphore_mem>>) src(%dma_wait3A_115 : memref<1x128xi32, #tpu.memory_space<hbm>>) dst(%dma_wait3A_113 : memref<1x128xi32, #tpu.memory_space<vmem>>)
        tpu.yield
      }) : () -> ()
    } else {
    }
    %dma_start3A_69 = arith.constant 0 : i32
    %dma_start3A_70 = arith.constant 0 : i32
    %dma_start3A_71 = tpu.memref_slice %arg6[%dma_start3A_69, %dma_start3A_70] : memref<27x128xi32, #tpu.memory_space<vmem>> -> memref<1x128xi32, #tpu.memory_space<vmem>>
    %dma_start3A_72 = tpu.memref_squeeze %dma_start3A_71 : memref<1x128xi32, #tpu.memory_space<vmem>> -> memref<128xi32, #tpu.memory_space<vmem>>
    %dma_start3A_73 = arith.constant 0 : i32
    %dma_start3A_74 = arith.constant 0 : i32
    %dma_start3A_75 = tpu.memref_slice %arg4[%dma_start3A_73, %dma_start3A_74] : memref<10240x128xf32, #tpu.memory_space<hbm>> -> memref<10240x128xf32, #tpu.memory_space<hbm>>
    tpu.enqueue_indirect_dma source(%dma_start3A_75 : memref<10240x128xf32, #tpu.memory_space<hbm>>) target(%arg8 : memref<128x128xf32, #tpu.memory_space<vmem>>) offsets(%dma_start3A_72 : memref<128xi32, #tpu.memory_space<vmem>>) semaphore(%arg11 : memref<!tpu.dma_semaphore, #tpu.memory_space<semaphore_mem>>)
    %scan3A_76 = arith.constant 0 : i32
    %scan3A_77 = arith.constant 0 : i32
    %scan3A_78 = arith.constant 13 : i32
    %scan3A_79 = arith.addi %scan3A_77, %scan3A_78 : i32
    %scan3A_80 = arith.constant 1 : i32
    %scan3A_81 = scf.for %scan3A_93 = %scan3A_77 to %scan3A_79 step %scan3A_80 iter_args(%scan3A_94 = %scan3A_76) -> (i32)  : i32 {
      %mul3A_95 = arith.constant 2 : i32
      %mul3A_96 = arith.muli %mul3A_95, %scan3A_93 : i32
      %add3A_97 = arith.constant 1 : i32
      %add3A_98 = arith.addi %mul3A_96, %add3A_97 : i32
      %dma_start3A_99 = arith.constant 0 : i32
      %dma_start3A_100 = tpu.memref_slice %arg6[%add3A_98, %dma_start3A_99] : memref<27x128xi32, #tpu.memory_space<vmem>> -> memref<1x128xi32, #tpu.memory_space<vmem>>
      %dma_start3A_101 = tpu.memref_squeeze %dma_start3A_100 : memref<1x128xi32, #tpu.memory_space<vmem>> -> memref<128xi32, #tpu.memory_space<vmem>>
      %dma_start3A_102 = arith.constant 0 : i32
      %dma_start3A_103 = arith.constant 0 : i32
      %dma_start3A_104 = tpu.memref_slice %arg4[%dma_start3A_102, %dma_start3A_103] : memref<10240x128xf32, #tpu.memory_space<hbm>> -> memref<10240x128xf32, #tpu.memory_space<hbm>>
      tpu.enqueue_indirect_dma source(%dma_start3A_104 : memref<10240x128xf32, #tpu.memory_space<hbm>>) target(%arg9 : memref<128x128xf32, #tpu.memory_space<vmem>>) offsets(%dma_start3A_101 : memref<128xi32, #tpu.memory_space<vmem>>) semaphore(%arg12 : memref<!tpu.dma_semaphore, #tpu.memory_space<semaphore_mem>>)
      %dma_wait3A = arith.constant 0 : i32
      %dma_wait3A_105 = tpu.memref_slice %arg6[%mul3A_96, %dma_wait3A] : memref<27x128xi32, #tpu.memory_space<vmem>> -> memref<1x128xi32, #tpu.memory_space<vmem>>
      %dma_wait3A_106 = tpu.memref_squeeze %dma_wait3A_105 : memref<1x128xi32, #tpu.memory_space<vmem>> -> memref<128xi32, #tpu.memory_space<vmem>>
      %dma_wait3A_107 = arith.constant 0 : i32
      %dma_wait3A_108 = arith.constant 0 : i32
      %dma_wait3A_109 = tpu.memref_slice %arg4[%dma_wait3A_107, %dma_wait3A_108] : memref<10240x128xf32, #tpu.memory_space<hbm>> -> memref<10240x128xf32, #tpu.memory_space<hbm>>
      tpu.wait_indirect_dma semaphore(%arg11 : memref<!tpu.dma_semaphore, #tpu.memory_space<semaphore_mem>>) src(%dma_wait3A_109 : memref<10240x128xf32, #tpu.memory_space<hbm>>) dst(%arg8 : memref<128x128xf32, #tpu.memory_space<vmem>>)
      "tpu.region"() ({
        %run_scoped3A = tpu.sem_alloc : memref<!tpu.dma_semaphore, #tpu.memory_space<semaphore_mem>>
        %dma_start3A_127 = arith.constant 0 : i32
        %dma_start3A_128 = tpu.memref_slice %arg7[%mul3A_96, %dma_start3A_127] : memref<27x128xi32, #tpu.memory_space<vmem>> -> memref<1x128xi32, #tpu.memory_space<vmem>>
        %dma_start3A_129 = tpu.memref_squeeze %dma_start3A_128 : memref<1x128xi32, #tpu.memory_space<vmem>> -> memref<128xi32, #tpu.memory_space<vmem>>
        %dma_start3A_130 = arith.constant 0 : i32
        %dma_start3A_131 = arith.constant 0 : i32
        %dma_start3A_132 = tpu.memref_slice %arg10[%dma_start3A_130, %dma_start3A_131] : memref<10240x128xf32, #tpu.memory_space<vmem_shared>> -> memref<10240x128xf32, #tpu.memory_space<vmem_shared>>
        tpu.enqueue_indirect_dma source(%arg8 : memref<128x128xf32, #tpu.memory_space<vmem>>) target(%dma_start3A_132 : memref<10240x128xf32, #tpu.memory_space<vmem_shared>>) offsets(%dma_start3A_129 : memref<128xi32, #tpu.memory_space<vmem>>) semaphore(%run_scoped3A : memref<!tpu.dma_semaphore, #tpu.memory_space<semaphore_mem>>) {add = true}
        %dma_wait3A_133 = arith.constant 0 : i32
        %dma_wait3A_134 = tpu.memref_slice %arg7[%mul3A_96, %dma_wait3A_133] : memref<27x128xi32, #tpu.memory_space<vmem>> -> memref<1x128xi32, #tpu.memory_space<vmem>>
        %dma_wait3A_135 = tpu.memref_squeeze %dma_wait3A_134 : memref<1x128xi32, #tpu.memory_space<vmem>> -> memref<128xi32, #tpu.memory_space<vmem>>
        %dma_wait3A_136 = arith.constant 0 : i32
        %dma_wait3A_137 = arith.constant 0 : i32
        %dma_wait3A_138 = tpu.memref_slice %arg10[%dma_wait3A_136, %dma_wait3A_137] : memref<10240x128xf32, #tpu.memory_space<vmem_shared>> -> memref<10240x128xf32, #tpu.memory_space<vmem_shared>>
        tpu.wait_indirect_dma semaphore(%run_scoped3A : memref<!tpu.dma_semaphore, #tpu.memory_space<semaphore_mem>>) src(%arg8 : memref<128x128xf32, #tpu.memory_space<vmem>>) dst(%dma_wait3A_138 : memref<10240x128xf32, #tpu.memory_space<vmem_shared>>)
        tpu.yield
      }) : () -> ()
      %add3A_110 = arith.constant 2 : i32
      %add3A_111 = arith.addi %mul3A_96, %add3A_110 : i32
      %le3A = arith.constant 25 : i32
      %le3A_112 = arith.cmpi sle, %add3A_111, %le3A : i32
      %convert_element_type3A_113 = arith.extui %le3A_112 : i1 to i32
      %cond3A_114 = arith.constant 0 : i32
      %cond3A_115 = arith.cmpi ne, %convert_element_type3A_113, %cond3A_114 : i32
      scf.if %cond3A_115 {
        %add3A_127 = arith.constant 2 : i32
        %add3A_128 = arith.addi %mul3A_96, %add3A_127 : i32
        %dma_start3A_129 = arith.constant 0 : i32
        %dma_start3A_130 = tpu.memref_slice %arg6[%add3A_128, %dma_start3A_129] : memref<27x128xi32, #tpu.memory_space<vmem>> -> memref<1x128xi32, #tpu.memory_space<vmem>>
        %dma_start3A_131 = tpu.memref_squeeze %dma_start3A_130 : memref<1x128xi32, #tpu.memory_space<vmem>> -> memref<128xi32, #tpu.memory_space<vmem>>
        %dma_start3A_132 = arith.constant 0 : i32
        %dma_start3A_133 = arith.constant 0 : i32
        %dma_start3A_134 = tpu.memref_slice %arg4[%dma_start3A_132, %dma_start3A_133] : memref<10240x128xf32, #tpu.memory_space<hbm>> -> memref<10240x128xf32, #tpu.memory_space<hbm>>
        tpu.enqueue_indirect_dma source(%dma_start3A_134 : memref<10240x128xf32, #tpu.memory_space<hbm>>) target(%arg8 : memref<128x128xf32, #tpu.memory_space<vmem>>) offsets(%dma_start3A_131 : memref<128xi32, #tpu.memory_space<vmem>>) semaphore(%arg11 : memref<!tpu.dma_semaphore, #tpu.memory_space<semaphore_mem>>)
      } else {
      }
      %add3A_116 = arith.constant 1 : i32
      %add3A_117 = arith.addi %mul3A_96, %add3A_116 : i32
      %dma_wait3A_118 = arith.constant 0 : i32
      %dma_wait3A_119 = tpu.memref_slice %arg6[%add3A_117, %dma_wait3A_118] : memref<27x128xi32, #tpu.memory_space<vmem>> -> memref<1x128xi32, #tpu.memory_space<vmem>>
      %dma_wait3A_120 = tpu.memref_squeeze %dma_wait3A_119 : memref<1x128xi32, #tpu.memory_space<vmem>> -> memref<128xi32, #tpu.memory_space<vmem>>
      %dma_wait3A_121 = arith.constant 0 : i32
      %dma_wait3A_122 = arith.constant 0 : i32
      %dma_wait3A_123 = tpu.memref_slice %arg4[%dma_wait3A_121, %dma_wait3A_122] : memref<10240x128xf32, #tpu.memory_space<hbm>> -> memref<10240x128xf32, #tpu.memory_space<hbm>>
      tpu.wait_indirect_dma semaphore(%arg12 : memref<!tpu.dma_semaphore, #tpu.memory_space<semaphore_mem>>) src(%dma_wait3A_123 : memref<10240x128xf32, #tpu.memory_space<hbm>>) dst(%arg9 : memref<128x128xf32, #tpu.memory_space<vmem>>)
      %add3A_124 = arith.constant 1 : i32
      %add3A_125 = arith.addi %mul3A_96, %add3A_124 : i32
      "tpu.region"() ({
        %run_scoped3A = tpu.sem_alloc : memref<!tpu.dma_semaphore, #tpu.memory_space<semaphore_mem>>
        %dma_start3A_127 = arith.constant 0 : i32
        %dma_start3A_128 = tpu.memref_slice %arg7[%add3A_125, %dma_start3A_127] : memref<27x128xi32, #tpu.memory_space<vmem>> -> memref<1x128xi32, #tpu.memory_space<vmem>>
        %dma_start3A_129 = tpu.memref_squeeze %dma_start3A_128 : memref<1x128xi32, #tpu.memory_space<vmem>> -> memref<128xi32, #tpu.memory_space<vmem>>
        %dma_start3A_130 = arith.constant 0 : i32
        %dma_start3A_131 = arith.constant 0 : i32
        %dma_start3A_132 = tpu.memref_slice %arg10[%dma_start3A_130, %dma_start3A_131] : memref<10240x128xf32, #tpu.memory_space<vmem_shared>> -> memref<10240x128xf32, #tpu.memory_space<vmem_shared>>
        tpu.enqueue_indirect_dma source(%arg9 : memref<128x128xf32, #tpu.memory_space<vmem>>) target(%dma_start3A_132 : memref<10240x128xf32, #tpu.memory_space<vmem_shared>>) offsets(%dma_start3A_129 : memref<128xi32, #tpu.memory_space<vmem>>) semaphore(%run_scoped3A : memref<!tpu.dma_semaphore, #tpu.memory_space<semaphore_mem>>) {add = true}
        %dma_wait3A_133 = arith.constant 0 : i32
        %dma_wait3A_134 = tpu.memref_slice %arg7[%add3A_125, %dma_wait3A_133] : memref<27x128xi32, #tpu.memory_space<vmem>> -> memref<1x128xi32, #tpu.memory_space<vmem>>
        %dma_wait3A_135 = tpu.memref_squeeze %dma_wait3A_134 : memref<1x128xi32, #tpu.memory_space<vmem>> -> memref<128xi32, #tpu.memory_space<vmem>>
        %dma_wait3A_136 = arith.constant 0 : i32
        %dma_wait3A_137 = arith.constant 0 : i32
        %dma_wait3A_138 = tpu.memref_slice %arg10[%dma_wait3A_136, %dma_wait3A_137] : memref<10240x128xf32, #tpu.memory_space<vmem_shared>> -> memref<10240x128xf32, #tpu.memory_space<vmem_shared>>
        tpu.wait_indirect_dma semaphore(%run_scoped3A : memref<!tpu.dma_semaphore, #tpu.memory_space<semaphore_mem>>) src(%arg9 : memref<128x128xf32, #tpu.memory_space<vmem>>) dst(%dma_wait3A_138 : memref<10240x128xf32, #tpu.memory_space<vmem_shared>>)
        tpu.yield
      }) : () -> ()
      %scan3A_126 = arith.constant 0 : i32
      scf.yield %scan3A_126 : i32
    }
    %scan3A_82 = arith.constant 13 : i32
    %lt3A_83 = arith.constant 4 : i32
    %lt3A_84 = arith.cmpi slt, %add3A, %lt3A_83 : i32
    %convert_element_type3A_85 = arith.extui %lt3A_84 : i1 to i32
    %cond3A_86 = arith.constant 0 : i32
    %cond3A_87 = arith.cmpi ne, %convert_element_type3A_85, %cond3A_86 : i32
    scf.if %cond3A_87 {
      %dma_start3A_93 = arith.constant 26 : i32
      %dma_start3A_94 = arith.constant 0 : i32
      %dma_start3A_95 = tpu.memref_slice %arg6[%dma_start3A_93, %dma_start3A_94] : memref<27x128xi32, #tpu.memory_space<vmem>> -> memref<1x128xi32, #tpu.memory_space<vmem>>
      %dma_start3A_96 = tpu.memref_squeeze %dma_start3A_95 : memref<1x128xi32, #tpu.memory_space<vmem>> -> memref<128xi32, #tpu.memory_space<vmem>>
      %dma_start3A_97 = arith.constant 0 : i32
      %dma_start3A_98 = arith.constant 0 : i32
      %dma_start3A_99 = tpu.memref_slice %arg4[%dma_start3A_97, %dma_start3A_98] : memref<10240x128xf32, #tpu.memory_space<hbm>> -> memref<10240x128xf32, #tpu.memory_space<hbm>>
      tpu.enqueue_indirect_dma source(%dma_start3A_99 : memref<10240x128xf32, #tpu.memory_space<hbm>>) target(%arg8 : memref<128x128xf32, #tpu.memory_space<vmem>>) offsets(%dma_start3A_96 : memref<128xi32, #tpu.memory_space<vmem>>) semaphore(%arg11 : memref<!tpu.dma_semaphore, #tpu.memory_space<semaphore_mem>>)
      %dma_wait3A = arith.constant 26 : i32
      %dma_wait3A_100 = arith.constant 0 : i32
      %dma_wait3A_101 = tpu.memref_slice %arg6[%dma_wait3A, %dma_wait3A_100] : memref<27x128xi32, #tpu.memory_space<vmem>> -> memref<1x128xi32, #tpu.memory_space<vmem>>
      %dma_wait3A_102 = tpu.memref_squeeze %dma_wait3A_101 : memref<1x128xi32, #tpu.memory_space<vmem>> -> memref<128xi32, #tpu.memory_space<vmem>>
      %dma_wait3A_103 = arith.constant 0 : i32
      %dma_wait3A_104 = arith.constant 0 : i32
      %dma_wait3A_105 = tpu.memref_slice %arg4[%dma_wait3A_103, %dma_wait3A_104] : memref<10240x128xf32, #tpu.memory_space<hbm>> -> memref<10240x128xf32, #tpu.memory_space<hbm>>
      tpu.wait_indirect_dma semaphore(%arg11 : memref<!tpu.dma_semaphore, #tpu.memory_space<semaphore_mem>>) src(%dma_wait3A_105 : memref<10240x128xf32, #tpu.memory_space<hbm>>) dst(%arg8 : memref<128x128xf32, #tpu.memory_space<vmem>>)
      %run_scoped3A = arith.constant 26 : i32
      "tpu.region"() ({
        %run_scoped3A_106 = tpu.sem_alloc : memref<!tpu.dma_semaphore, #tpu.memory_space<semaphore_mem>>
        %dma_start3A_107 = arith.constant 0 : i32
        %dma_start3A_108 = tpu.memref_slice %arg7[%run_scoped3A, %dma_start3A_107] : memref<27x128xi32, #tpu.memory_space<vmem>> -> memref<1x128xi32, #tpu.memory_space<vmem>>
        %dma_start3A_109 = tpu.memref_squeeze %dma_start3A_108 : memref<1x128xi32, #tpu.memory_space<vmem>> -> memref<128xi32, #tpu.memory_space<vmem>>
        %dma_start3A_110 = arith.constant 0 : i32
        %dma_start3A_111 = arith.constant 0 : i32
        %dma_start3A_112 = tpu.memref_slice %arg10[%dma_start3A_110, %dma_start3A_111] : memref<10240x128xf32, #tpu.memory_space<vmem_shared>> -> memref<10240x128xf32, #tpu.memory_space<vmem_shared>>
        tpu.enqueue_indirect_dma source(%arg8 : memref<128x128xf32, #tpu.memory_space<vmem>>) target(%dma_start3A_112 : memref<10240x128xf32, #tpu.memory_space<vmem_shared>>) offsets(%dma_start3A_109 : memref<128xi32, #tpu.memory_space<vmem>>) semaphore(%run_scoped3A_106 : memref<!tpu.dma_semaphore, #tpu.memory_space<semaphore_mem>>) {add = true}
        %dma_wait3A_113 = arith.constant 0 : i32
        %dma_wait3A_114 = tpu.memref_slice %arg7[%run_scoped3A, %dma_wait3A_113] : memref<27x128xi32, #tpu.memory_space<vmem>> -> memref<1x128xi32, #tpu.memory_space<vmem>>
        %dma_wait3A_115 = tpu.memref_squeeze %dma_wait3A_114 : memref<1x128xi32, #tpu.memory_space<vmem>> -> memref<128xi32, #tpu.memory_space<vmem>>
        %dma_wait3A_116 = arith.constant 0 : i32
        %dma_wait3A_117 = arith.constant 0 : i32
        %dma_wait3A_118 = tpu.memref_slice %arg10[%dma_wait3A_116, %dma_wait3A_117] : memref<10240x128xf32, #tpu.memory_space<vmem_shared>> -> memref<10240x128xf32, #tpu.memory_space<vmem_shared>>
        tpu.wait_indirect_dma semaphore(%run_scoped3A_106 : memref<!tpu.dma_semaphore, #tpu.memory_space<semaphore_mem>>) src(%arg8 : memref<128x128xf32, #tpu.memory_space<vmem>>) dst(%dma_wait3A_118 : memref<10240x128xf32, #tpu.memory_space<vmem_shared>>)
        tpu.yield
      }) : () -> ()
    } else {
    }
    %barrier3A_88 = arith.constant 0 : index
    tpu.barrier barrier_id(%barrier3A_88)
    %mul3A_89 = arith.constant 640 : i32
    %mul3A_90 = arith.muli %arg1, %mul3A_89 : i32
    %mul3A_91 = arith.constant 640 : i32
    %mul3A_92 = arith.muli %arg1, %mul3A_91 : i32
    "tpu.region"() ({
      %run_scoped3A = tpu.sem_alloc : memref<!tpu.dma_semaphore, #tpu.memory_space<semaphore_mem>>
      %dma_start3A_93 = arith.constant 0 : i32
      %dma_start3A_94 = tpu.memref_slice %arg5[%arg0, %mul3A_92, %dma_start3A_93] : memref<2x10240x128xf32, #tpu.memory_space<hbm>> -> memref<1x640x128xf32, #tpu.memory_space<hbm>>
      %dma_start3A_95 = tpu.memref_squeeze %dma_start3A_94 : memref<1x640x128xf32, #tpu.memory_space<hbm>> -> memref<640x128xf32, #tpu.memory_space<hbm>>
      %dma_start3A_96 = arith.constant 0 : i32
      %dma_start3A_97 = tpu.memref_slice %arg10[%mul3A_90, %dma_start3A_96] : memref<10240x128xf32, #tpu.memory_space<vmem_shared>> -> memref<640x128xf32, #tpu.memory_space<vmem_shared>>
      tpu.enqueue_dma source(%dma_start3A_97 : memref<640x128xf32, #tpu.memory_space<vmem_shared>>) target(%dma_start3A_95 : memref<640x128xf32, #tpu.memory_space<hbm>>) target_semaphore(%run_scoped3A : memref<!tpu.dma_semaphore, #tpu.memory_space<semaphore_mem>>)
      %dma_wait3A = arith.constant 0 : i32
      %dma_wait3A_98 = tpu.memref_slice %arg5[%arg0, %mul3A_92, %dma_wait3A] : memref<2x10240x128xf32, #tpu.memory_space<hbm>> -> memref<1x640x128xf32, #tpu.memory_space<hbm>>
      %dma_wait3A_99 = tpu.memref_squeeze %dma_wait3A_98 : memref<1x640x128xf32, #tpu.memory_space<hbm>> -> memref<640x128xf32, #tpu.memory_space<hbm>>
      %dma_wait3A_100 = arith.constant 0 : i32
      %dma_wait3A_101 = tpu.memref_slice %arg10[%mul3A_90, %dma_wait3A_100] : memref<10240x128xf32, #tpu.memory_space<vmem_shared>> -> memref<640x128xf32, #tpu.memory_space<vmem_shared>>
      tpu.wait_dma2 semaphore(%run_scoped3A : memref<!tpu.dma_semaphore, #tpu.memory_space<semaphore_mem>>) src(%dma_wait3A_101 : memref<640x128xf32, #tpu.memory_space<vmem_shared>>) dst(%dma_wait3A_99 : memref<640x128xf32, #tpu.memory_space<hbm>>)
      tpu.yield
    }) : () -> ()
    return
  }
}

#map = affine_map<(d0, d1) -> (0, 0)>
#map1 = affine_map<(d0, d1) -> (0, 0, 0)>
module attributes {stable_mosaic.version = 14 : i64} {
  func.func @_agg_kernel(%arg0: i32, %arg1: i32, %arg2: memref<2500x128xi32, #tpu.memory_space<hbm>>, %arg3: memref<2500x128xi32, #tpu.memory_space<hbm>>, %arg4: memref<10240x128xf32, #tpu.memory_space<hbm>>, %arg5: memref<2x10240x128xf32, #tpu.memory_space<hbm>>, %arg6: memref<27x128xi32, #tpu.memory_space<vmem>>, %arg7: memref<27x128xi32, #tpu.memory_space<vmem>>, %arg8: memref<128x128xf32, #tpu.memory_space<vmem>>, %arg9: memref<128x128xf32, #tpu.memory_space<vmem>>, %arg10: memref<10240x128xf32, #tpu.memory_space<vmem_shared>>, %arg11: memref<!tpu.dma_semaphore, #tpu.memory_space<semaphore_mem>>, %arg12: memref<!tpu.dma_semaphore, #tpu.memory_space<semaphore_mem>>) attributes {dimension_semantics = [#tpu.dimension_semantics<core_parallel>, #tpu.dimension_semantics<subcore_parallel>], iteration_bounds = array<i64: 2, 16>, scalar_prefetch = 0 : i64, scratch_operands = 7 : i64, tpu.core_type = #tpu.core_type<sc_vector_subcore>, window_params = [{transform_indices = #map}, {transform_indices = #map}, {transform_indices = #map}, {transform_indices = #map1}]} {
    %mul3A = arith.constant 16 : i32
    %mul3A_0 = arith.muli %arg0, %mul3A : i32
    %add3A = arith.addi %mul3A_0, %arg1 : i32
    %broadcast_in_dim3A = arith.constant 0.000000e+00 : f32
    %broadcast_in_dim3A_1 = vector.broadcast %broadcast_in_dim3A : f32 to vector<16xf32>
    %scan3A = arith.constant 0 : i32
    %scan3A_2 = arith.constant 0 : i32
    %scan3A_3 = arith.constant 128 : i32
    %scan3A_4 = arith.addi %scan3A_2, %scan3A_3 : i32
    %scan3A_5 = arith.constant 1 : i32
    %scan3A_6 = scf.for %scan3A_93 = %scan3A_2 to %scan3A_4 step %scan3A_5 iter_args(%scan3A_94 = %scan3A) -> (i32)  : i32 {
      %swap3A = arith.index_cast %scan3A_93 : i32 to index
      %swap3A_95 = arith.constant 0 : index
      %swap3A_96 = tpu.vector_load %arg8[%swap3A, %swap3A_95] {strides = array<i32>} : memref<128x128xf32, #tpu.memory_space<vmem>>, vector<1x16xf32>,
      %swap3A_97 = vector.shape_cast %swap3A_96 : vector<1x16xf32> to vector<16xf32>
      %swap3A_98 = vector.shape_cast %broadcast_in_dim3A_1 : vector<16xf32> to vector<1x16xf32>
      tpu.vector_store %arg8[%swap3A, %swap3A_95], %swap3A_98 {strides = array<i32>} : memref<128x128xf32, #tpu.memory_space<vmem>>, vector<1x16xf32>,
      %swap3A_99 = arith.index_cast %scan3A_93 : i32 to index
      %swap3A_100 = arith.constant 16 : index
      %swap3A_101 = tpu.vector_load %arg8[%swap3A_99, %swap3A_100] {strides = array<i32>} : memref<128x128xf32, #tpu.memory_space<vmem>>, vector<1x16xf32>,
      %swap3A_102 = vector.shape_cast %swap3A_101 : vector<1x16xf32> to vector<16xf32>
      %swap3A_103 = vector.shape_cast %broadcast_in_dim3A_1 : vector<16xf32> to vector<1x16xf32>
      tpu.vector_store %arg8[%swap3A_99, %swap3A_100], %swap3A_103 {strides = array<i32>} : memref<128x128xf32, #tpu.memory_space<vmem>>, vector<1x16xf32>,
      %swap3A_104 = arith.index_cast %scan3A_93 : i32 to index
      %swap3A_105 = arith.constant 32 : index
      %swap3A_106 = tpu.vector_load %arg8[%swap3A_104, %swap3A_105] {strides = array<i32>} : memref<128x128xf32, #tpu.memory_space<vmem>>, vector<1x16xf32>,
      %swap3A_107 = vector.shape_cast %swap3A_106 : vector<1x16xf32> to vector<16xf32>
      %swap3A_108 = vector.shape_cast %broadcast_in_dim3A_1 : vector<16xf32> to vector<1x16xf32>
      tpu.vector_store %arg8[%swap3A_104, %swap3A_105], %swap3A_108 {strides = array<i32>} : memref<128x128xf32, #tpu.memory_space<vmem>>, vector<1x16xf32>,
      %swap3A_109 = arith.index_cast %scan3A_93 : i32 to index
      %swap3A_110 = arith.constant 48 : index
      %swap3A_111 = tpu.vector_load %arg8[%swap3A_109, %swap3A_110] {strides = array<i32>} : memref<128x128xf32, #tpu.memory_space<vmem>>, vector<1x16xf32>,
      %swap3A_112 = vector.shape_cast %swap3A_111 : vector<1x16xf32> to vector<16xf32>
      %swap3A_113 = vector.shape_cast %broadcast_in_dim3A_1 : vector<16xf32> to vector<1x16xf32>
      tpu.vector_store %arg8[%swap3A_109, %swap3A_110], %swap3A_113 {strides = array<i32>} : memref<128x128xf32, #tpu.memory_space<vmem>>, vector<1x16xf32>,
      %swap3A_114 = arith.index_cast %scan3A_93 : i32 to index
      %swap3A_115 = arith.constant 64 : index
      %swap3A_116 = tpu.vector_load %arg8[%swap3A_114, %swap3A_115] {strides = array<i32>} : memref<128x128xf32, #tpu.memory_space<vmem>>, vector<1x16xf32>,
      %swap3A_117 = vector.shape_cast %swap3A_116 : vector<1x16xf32> to vector<16xf32>
      %swap3A_118 = vector.shape_cast %broadcast_in_dim3A_1 : vector<16xf32> to vector<1x16xf32>
      tpu.vector_store %arg8[%swap3A_114, %swap3A_115], %swap3A_118 {strides = array<i32>} : memref<128x128xf32, #tpu.memory_space<vmem>>, vector<1x16xf32>,
      %swap3A_119 = arith.index_cast %scan3A_93 : i32 to index
      %swap3A_120 = arith.constant 80 : index
      %swap3A_121 = tpu.vector_load %arg8[%swap3A_119, %swap3A_120] {strides = array<i32>} : memref<128x128xf32, #tpu.memory_space<vmem>>, vector<1x16xf32>,
      %swap3A_122 = vector.shape_cast %swap3A_121 : vector<1x16xf32> to vector<16xf32>
      %swap3A_123 = vector.shape_cast %broadcast_in_dim3A_1 : vector<16xf32> to vector<1x16xf32>
      tpu.vector_store %arg8[%swap3A_119, %swap3A_120], %swap3A_123 {strides = array<i32>} : memref<128x128xf32, #tpu.memory_space<vmem>>, vector<1x16xf32>,
      %swap3A_124 = arith.index_cast %scan3A_93 : i32 to index
      %swap3A_125 = arith.constant 96 : index
      %swap3A_126 = tpu.vector_load %arg8[%swap3A_124, %swap3A_125] {strides = array<i32>} : memref<128x128xf32, #tpu.memory_space<vmem>>, vector<1x16xf32>,
      %swap3A_127 = vector.shape_cast %swap3A_126 : vector<1x16xf32> to vector<16xf32>
      %swap3A_128 = vector.shape_cast %broadcast_in_dim3A_1 : vector<16xf32> to vector<1x16xf32>
      tpu.vector_store %arg8[%swap3A_124, %swap3A_125], %swap3A_128 {strides = array<i32>} : memref<128x128xf32, #tpu.memory_space<vmem>>, vector<1x16xf32>,
      %swap3A_129 = arith.index_cast %scan3A_93 : i32 to index
      %swap3A_130 = arith.constant 112 : index
      %swap3A_131 = tpu.vector_load %arg8[%swap3A_129, %swap3A_130] {strides = array<i32>} : memref<128x128xf32, #tpu.memory_space<vmem>>, vector<1x16xf32>,
      %swap3A_132 = vector.shape_cast %swap3A_131 : vector<1x16xf32> to vector<16xf32>
      %swap3A_133 = vector.shape_cast %broadcast_in_dim3A_1 : vector<16xf32> to vector<1x16xf32>
      tpu.vector_store %arg8[%swap3A_129, %swap3A_130], %swap3A_133 {strides = array<i32>} : memref<128x128xf32, #tpu.memory_space<vmem>>, vector<1x16xf32>,
      %scan3A_134 = arith.constant 0 : i32
      scf.yield %scan3A_134 : i32
    }
    %scan3A_7 = arith.constant 128 : i32
    %mul3A_8 = arith.constant 640 : i32
    %mul3A_9 = arith.muli %arg1, %mul3A_8 : i32
    %add3A_10 = arith.constant 0 : i32
    %add3A_11 = arith.addi %mul3A_9, %add3A_10 : i32
    "tpu.region"() ({
      %run_scoped3A = tpu.sem_alloc : memref<!tpu.dma_semaphore, #tpu.memory_space<semaphore_mem>>
      %dma_start3A_93 = arith.constant 0 : i32
      %dma_start3A_94 = tpu.memref_slice %arg10[%add3A_11, %dma_start3A_93] : memref<10240x128xf32, #tpu.memory_space<vmem_shared>> -> memref<128x128xf32, #tpu.memory_space<vmem_shared>>
      %dma_start3A_95 = arith.constant 0 : i32
      %dma_start3A_96 = tpu.memref_slice %arg10[%add3A_11, %dma_start3A_95] : memref<10240x128xf32, #tpu.memory_space<vmem_shared>> -> memref<128x128xf32, #tpu.memory_space<vmem_shared>>
      tpu.enqueue_dma source(%arg8 : memref<128x128xf32, #tpu.memory_space<vmem>>) target(%dma_start3A_96 : memref<128x128xf32, #tpu.memory_space<vmem_shared>>) target_semaphore(%run_scoped3A : memref<!tpu.dma_semaphore, #tpu.memory_space<semaphore_mem>>)
      %dma_wait3A = arith.constant 0 : i32
      %dma_wait3A_97 = tpu.memref_slice %arg10[%add3A_11, %dma_wait3A] : memref<10240x128xf32, #tpu.memory_space<vmem_shared>> -> memref<128x128xf32, #tpu.memory_space<vmem_shared>>
      %dma_wait3A_98 = arith.constant 0 : i32
      %dma_wait3A_99 = tpu.memref_slice %arg10[%add3A_11, %dma_wait3A_98] : memref<10240x128xf32, #tpu.memory_space<vmem_shared>> -> memref<128x128xf32, #tpu.memory_space<vmem_shared>>
      tpu.wait_dma2 semaphore(%run_scoped3A : memref<!tpu.dma_semaphore, #tpu.memory_space<semaphore_mem>>) src(%arg8 : memref<128x128xf32, #tpu.memory_space<vmem>>) dst(%dma_wait3A_99 : memref<128x128xf32, #tpu.memory_space<vmem_shared>>)
      tpu.yield
    }) : () -> ()
    %mul3A_12 = arith.constant 640 : i32
    %mul3A_13 = arith.muli %arg1, %mul3A_12 : i32
    %add3A_14 = arith.constant 128 : i32
    %add3A_15 = arith.addi %mul3A_13, %add3A_14 : i32
    "tpu.region"() ({
      %run_scoped3A = tpu.sem_alloc : memref<!tpu.dma_semaphore, #tpu.memory_space<semaphore_mem>>
      %dma_start3A_93 = arith.constant 0 : i32
      %dma_start3A_94 = tpu.memref_slice %arg10[%add3A_15, %dma_start3A_93] : memref<10240x128xf32, #tpu.memory_space<vmem_shared>> -> memref<128x128xf32, #tpu.memory_space<vmem_shared>>
      %dma_start3A_95 = arith.constant 0 : i32
      %dma_start3A_96 = tpu.memref_slice %arg10[%add3A_15, %dma_start3A_95] : memref<10240x128xf32, #tpu.memory_space<vmem_shared>> -> memref<128x128xf32, #tpu.memory_space<vmem_shared>>
      tpu.enqueue_dma source(%arg8 : memref<128x128xf32, #tpu.memory_space<vmem>>) target(%dma_start3A_96 : memref<128x128xf32, #tpu.memory_space<vmem_shared>>) target_semaphore(%run_scoped3A : memref<!tpu.dma_semaphore, #tpu.memory_space<semaphore_mem>>)
      %dma_wait3A = arith.constant 0 : i32
      %dma_wait3A_97 = tpu.memref_slice %arg10[%add3A_15, %dma_wait3A] : memref<10240x128xf32, #tpu.memory_space<vmem_shared>> -> memref<128x128xf32, #tpu.memory_space<vmem_shared>>
      %dma_wait3A_98 = arith.constant 0 : i32
      %dma_wait3A_99 = tpu.memref_slice %arg10[%add3A_15, %dma_wait3A_98] : memref<10240x128xf32, #tpu.memory_space<vmem_shared>> -> memref<128x128xf32, #tpu.memory_space<vmem_shared>>
      tpu.wait_dma2 semaphore(%run_scoped3A : memref<!tpu.dma_semaphore, #tpu.memory_space<semaphore_mem>>) src(%arg8 : memref<128x128xf32, #tpu.memory_space<vmem>>) dst(%dma_wait3A_99 : memref<128x128xf32, #tpu.memory_space<vmem_shared>>)
      tpu.yield
    }) : () -> ()
    %mul3A_16 = arith.constant 640 : i32
    %mul3A_17 = arith.muli %arg1, %mul3A_16 : i32
    %add3A_18 = arith.constant 256 : i32
    %add3A_19 = arith.addi %mul3A_17, %add3A_18 : i32
    "tpu.region"() ({
      %run_scoped3A = tpu.sem_alloc : memref<!tpu.dma_semaphore, #tpu.memory_space<semaphore_mem>>
      %dma_start3A_93 = arith.constant 0 : i32
      %dma_start3A_94 = tpu.memref_slice %arg10[%add3A_19, %dma_start3A_93] : memref<10240x128xf32, #tpu.memory_space<vmem_shared>> -> memref<128x128xf32, #tpu.memory_space<vmem_shared>>
      %dma_start3A_95 = arith.constant 0 : i32
      %dma_start3A_96 = tpu.memref_slice %arg10[%add3A_19, %dma_start3A_95] : memref<10240x128xf32, #tpu.memory_space<vmem_shared>> -> memref<128x128xf32, #tpu.memory_space<vmem_shared>>
      tpu.enqueue_dma source(%arg8 : memref<128x128xf32, #tpu.memory_space<vmem>>) target(%dma_start3A_96 : memref<128x128xf32, #tpu.memory_space<vmem_shared>>) target_semaphore(%run_scoped3A : memref<!tpu.dma_semaphore, #tpu.memory_space<semaphore_mem>>)
      %dma_wait3A = arith.constant 0 : i32
      %dma_wait3A_97 = tpu.memref_slice %arg10[%add3A_19, %dma_wait3A] : memref<10240x128xf32, #tpu.memory_space<vmem_shared>> -> memref<128x128xf32, #tpu.memory_space<vmem_shared>>
      %dma_wait3A_98 = arith.constant 0 : i32
      %dma_wait3A_99 = tpu.memref_slice %arg10[%add3A_19, %dma_wait3A_98] : memref<10240x128xf32, #tpu.memory_space<vmem_shared>> -> memref<128x128xf32, #tpu.memory_space<vmem_shared>>
      tpu.wait_dma2 semaphore(%run_scoped3A : memref<!tpu.dma_semaphore, #tpu.memory_space<semaphore_mem>>) src(%arg8 : memref<128x128xf32, #tpu.memory_space<vmem>>) dst(%dma_wait3A_99 : memref<128x128xf32, #tpu.memory_space<vmem_shared>>)
      tpu.yield
    }) : () -> ()
    %mul3A_20 = arith.constant 640 : i32
    %mul3A_21 = arith.muli %arg1, %mul3A_20 : i32
    %add3A_22 = arith.constant 384 : i32
    %add3A_23 = arith.addi %mul3A_21, %add3A_22 : i32
    "tpu.region"() ({
      %run_scoped3A = tpu.sem_alloc : memref<!tpu.dma_semaphore, #tpu.memory_space<semaphore_mem>>
      %dma_start3A_93 = arith.constant 0 : i32
      %dma_start3A_94 = tpu.memref_slice %arg10[%add3A_23, %dma_start3A_93] : memref<10240x128xf32, #tpu.memory_space<vmem_shared>> -> memref<128x128xf32, #tpu.memory_space<vmem_shared>>
      %dma_start3A_95 = arith.constant 0 : i32
      %dma_start3A_96 = tpu.memref_slice %arg10[%add3A_23, %dma_start3A_95] : memref<10240x128xf32, #tpu.memory_space<vmem_shared>> -> memref<128x128xf32, #tpu.memory_space<vmem_shared>>
      tpu.enqueue_dma source(%arg8 : memref<128x128xf32, #tpu.memory_space<vmem>>) target(%dma_start3A_96 : memref<128x128xf32, #tpu.memory_space<vmem_shared>>) target_semaphore(%run_scoped3A : memref<!tpu.dma_semaphore, #tpu.memory_space<semaphore_mem>>)
      %dma_wait3A = arith.constant 0 : i32
      %dma_wait3A_97 = tpu.memref_slice %arg10[%add3A_23, %dma_wait3A] : memref<10240x128xf32, #tpu.memory_space<vmem_shared>> -> memref<128x128xf32, #tpu.memory_space<vmem_shared>>
      %dma_wait3A_98 = arith.constant 0 : i32
      %dma_wait3A_99 = tpu.memref_slice %arg10[%add3A_23, %dma_wait3A_98] : memref<10240x128xf32, #tpu.memory_space<vmem_shared>> -> memref<128x128xf32, #tpu.memory_space<vmem_shared>>
      tpu.wait_dma2 semaphore(%run_scoped3A : memref<!tpu.dma_semaphore, #tpu.memory_space<semaphore_mem>>) src(%arg8 : memref<128x128xf32, #tpu.memory_space<vmem>>) dst(%dma_wait3A_99 : memref<128x128xf32, #tpu.memory_space<vmem_shared>>)
      tpu.yield
    }) : () -> ()
    %mul3A_24 = arith.constant 640 : i32
    %mul3A_25 = arith.muli %arg1, %mul3A_24 : i32
    %add3A_26 = arith.constant 512 : i32
    %add3A_27 = arith.addi %mul3A_25, %add3A_26 : i32
    "tpu.region"() ({
      %run_scoped3A = tpu.sem_alloc : memref<!tpu.dma_semaphore, #tpu.memory_space<semaphore_mem>>
      %dma_start3A_93 = arith.constant 0 : i32
      %dma_start3A_94 = tpu.memref_slice %arg10[%add3A_27, %dma_start3A_93] : memref<10240x128xf32, #tpu.memory_space<vmem_shared>> -> memref<128x128xf32, #tpu.memory_space<vmem_shared>>
      %dma_start3A_95 = arith.constant 0 : i32
      %dma_start3A_96 = tpu.memref_slice %arg10[%add3A_27, %dma_start3A_95] : memref<10240x128xf32, #tpu.memory_space<vmem_shared>> -> memref<128x128xf32, #tpu.memory_space<vmem_shared>>
      tpu.enqueue_dma source(%arg8 : memref<128x128xf32, #tpu.memory_space<vmem>>) target(%dma_start3A_96 : memref<128x128xf32, #tpu.memory_space<vmem_shared>>) target_semaphore(%run_scoped3A : memref<!tpu.dma_semaphore, #tpu.memory_space<semaphore_mem>>)
      %dma_wait3A = arith.constant 0 : i32
      %dma_wait3A_97 = tpu.memref_slice %arg10[%add3A_27, %dma_wait3A] : memref<10240x128xf32, #tpu.memory_space<vmem_shared>> -> memref<128x128xf32, #tpu.memory_space<vmem_shared>>
      %dma_wait3A_98 = arith.constant 0 : i32
      %dma_wait3A_99 = tpu.memref_slice %arg10[%add3A_27, %dma_wait3A_98] : memref<10240x128xf32, #tpu.memory_space<vmem_shared>> -> memref<128x128xf32, #tpu.memory_space<vmem_shared>>
      tpu.wait_dma2 semaphore(%run_scoped3A : memref<!tpu.dma_semaphore, #tpu.memory_space<semaphore_mem>>) src(%arg8 : memref<128x128xf32, #tpu.memory_space<vmem>>) dst(%dma_wait3A_99 : memref<128x128xf32, #tpu.memory_space<vmem_shared>>)
      tpu.yield
    }) : () -> ()
    %barrier3A = arith.constant 0 : index
    tpu.barrier barrier_id(%barrier3A)
    %mul3A_28 = arith.constant 78 : i32
    %mul3A_29 = arith.muli %add3A, %mul3A_28 : i32
    %add3A_30 = arith.constant 0 : i32
    %add3A_31 = arith.addi %mul3A_29, %add3A_30 : i32
    "tpu.region"() ({
      %run_scoped3A = tpu.sem_alloc : memref<!tpu.dma_semaphore, #tpu.memory_space<semaphore_mem>>
      %dma_start3A_93 = arith.constant 0 : i32
      %dma_start3A_94 = arith.constant 0 : i32
      %dma_start3A_95 = tpu.memref_slice %arg6[%dma_start3A_93, %dma_start3A_94] : memref<27x128xi32, #tpu.memory_space<vmem>> -> memref<26x128xi32, #tpu.memory_space<vmem>>
      %dma_start3A_96 = arith.constant 0 : i32
      %dma_start3A_97 = tpu.memref_slice %arg2[%add3A_31, %dma_start3A_96] : memref<2500x128xi32, #tpu.memory_space<hbm>> -> memref<26x128xi32, #tpu.memory_space<hbm>>
      %dma_start3A_98 = arith.constant 0 : i32
      %dma_start3A_99 = arith.constant 0 : i32
      %dma_start3A_100 = tpu.memref_slice %arg6[%dma_start3A_98, %dma_start3A_99] : memref<27x128xi32, #tpu.memory_space<vmem>> -> memref<26x128xi32, #tpu.memory_space<vmem>>
      %dma_start3A_101 = arith.constant 0 : i32
      %dma_start3A_102 = tpu.memref_slice %arg2[%add3A_31, %dma_start3A_101] : memref<2500x128xi32, #tpu.memory_space<hbm>> -> memref<26x128xi32, #tpu.memory_space<hbm>>
      tpu.enqueue_dma source(%dma_start3A_102 : memref<26x128xi32, #tpu.memory_space<hbm>>) target(%dma_start3A_100 : memref<26x128xi32, #tpu.memory_space<vmem>>) target_semaphore(%run_scoped3A : memref<!tpu.dma_semaphore, #tpu.memory_space<semaphore_mem>>)
      %dma_wait3A = arith.constant 0 : i32
      %dma_wait3A_103 = arith.constant 0 : i32
      %dma_wait3A_104 = tpu.memref_slice %arg6[%dma_wait3A, %dma_wait3A_103] : memref<27x128xi32, #tpu.memory_space<vmem>> -> memref<26x128xi32, #tpu.memory_space<vmem>>
      %dma_wait3A_105 = arith.constant 0 : i32
      %dma_wait3A_106 = tpu.memref_slice %arg2[%add3A_31, %dma_wait3A_105] : memref<2500x128xi32, #tpu.memory_space<hbm>> -> memref<26x128xi32, #tpu.memory_space<hbm>>
      %dma_wait3A_107 = arith.constant 0 : i32
      %dma_wait3A_108 = arith.constant 0 : i32
      %dma_wait3A_109 = tpu.memref_slice %arg6[%dma_wait3A_107, %dma_wait3A_108] : memref<27x128xi32, #tpu.memory_space<vmem>> -> memref<26x128xi32, #tpu.memory_space<vmem>>
      %dma_wait3A_110 = arith.constant 0 : i32
      %dma_wait3A_111 = tpu.memref_slice %arg2[%add3A_31, %dma_wait3A_110] : memref<2500x128xi32, #tpu.memory_space<hbm>> -> memref<26x128xi32, #tpu.memory_space<hbm>>
      tpu.wait_dma2 semaphore(%run_scoped3A : memref<!tpu.dma_semaphore, #tpu.memory_space<semaphore_mem>>) src(%dma_wait3A_111 : memref<26x128xi32, #tpu.memory_space<hbm>>) dst(%dma_wait3A_109 : memref<26x128xi32, #tpu.memory_space<vmem>>)
      tpu.yield
    }) : () -> ()
    "tpu.region"() ({
      %run_scoped3A = tpu.sem_alloc : memref<!tpu.dma_semaphore, #tpu.memory_space<semaphore_mem>>
      %dma_start3A_93 = arith.constant 0 : i32
      %dma_start3A_94 = arith.constant 0 : i32
      %dma_start3A_95 = tpu.memref_slice %arg7[%dma_start3A_93, %dma_start3A_94] : memref<27x128xi32, #tpu.memory_space<vmem>> -> memref<26x128xi32, #tpu.memory_space<vmem>>
      %dma_start3A_96 = arith.constant 0 : i32
      %dma_start3A_97 = tpu.memref_slice %arg3[%add3A_31, %dma_start3A_96] : memref<2500x128xi32, #tpu.memory_space<hbm>> -> memref<26x128xi32, #tpu.memory_space<hbm>>
      %dma_start3A_98 = arith.constant 0 : i32
      %dma_start3A_99 = arith.constant 0 : i32
      %dma_start3A_100 = tpu.memref_slice %arg7[%dma_start3A_98, %dma_start3A_99] : memref<27x128xi32, #tpu.memory_space<vmem>> -> memref<26x128xi32, #tpu.memory_space<vmem>>
      %dma_start3A_101 = arith.constant 0 : i32
      %dma_start3A_102 = tpu.memref_slice %arg3[%add3A_31, %dma_start3A_101] : memref<2500x128xi32, #tpu.memory_space<hbm>> -> memref<26x128xi32, #tpu.memory_space<hbm>>
      tpu.enqueue_dma source(%dma_start3A_102 : memref<26x128xi32, #tpu.memory_space<hbm>>) target(%dma_start3A_100 : memref<26x128xi32, #tpu.memory_space<vmem>>) target_semaphore(%run_scoped3A : memref<!tpu.dma_semaphore, #tpu.memory_space<semaphore_mem>>)
      %dma_wait3A = arith.constant 0 : i32
      %dma_wait3A_103 = arith.constant 0 : i32
      %dma_wait3A_104 = tpu.memref_slice %arg7[%dma_wait3A, %dma_wait3A_103] : memref<27x128xi32, #tpu.memory_space<vmem>> -> memref<26x128xi32, #tpu.memory_space<vmem>>
      %dma_wait3A_105 = arith.constant 0 : i32
      %dma_wait3A_106 = tpu.memref_slice %arg3[%add3A_31, %dma_wait3A_105] : memref<2500x128xi32, #tpu.memory_space<hbm>> -> memref<26x128xi32, #tpu.memory_space<hbm>>
      %dma_wait3A_107 = arith.constant 0 : i32
      %dma_wait3A_108 = arith.constant 0 : i32
      %dma_wait3A_109 = tpu.memref_slice %arg7[%dma_wait3A_107, %dma_wait3A_108] : memref<27x128xi32, #tpu.memory_space<vmem>> -> memref<26x128xi32, #tpu.memory_space<vmem>>
      %dma_wait3A_110 = arith.constant 0 : i32
      %dma_wait3A_111 = tpu.memref_slice %arg3[%add3A_31, %dma_wait3A_110] : memref<2500x128xi32, #tpu.memory_space<hbm>> -> memref<26x128xi32, #tpu.memory_space<hbm>>
      tpu.wait_dma2 semaphore(%run_scoped3A : memref<!tpu.dma_semaphore, #tpu.memory_space<semaphore_mem>>) src(%dma_wait3A_111 : memref<26x128xi32, #tpu.memory_space<hbm>>) dst(%dma_wait3A_109 : memref<26x128xi32, #tpu.memory_space<vmem>>)
      tpu.yield
    }) : () -> ()
    %dma_start3A = arith.constant 0 : i32
    %dma_start3A_32 = arith.constant 0 : i32
    %dma_start3A_33 = tpu.memref_slice %arg6[%dma_start3A, %dma_start3A_32] : memref<27x128xi32, #tpu.memory_space<vmem>> -> memref<1x128xi32, #tpu.memory_space<vmem>>
    %dma_start3A_34 = tpu.memref_squeeze %dma_start3A_33 : memref<1x128xi32, #tpu.memory_space<vmem>> -> memref<128xi32, #tpu.memory_space<vmem>>
    %dma_start3A_35 = arith.constant 0 : i32
    %dma_start3A_36 = arith.constant 0 : i32
    %dma_start3A_37 = tpu.memref_slice %arg4[%dma_start3A_35, %dma_start3A_36] : memref<10240x128xf32, #tpu.memory_space<hbm>> -> memref<10240x128xf32, #tpu.memory_space<hbm>>
    tpu.enqueue_indirect_dma source(%dma_start3A_37 : memref<10240x128xf32, #tpu.memory_space<hbm>>) target(%arg8 : memref<128x128xf32, #tpu.memory_space<vmem>>) offsets(%dma_start3A_34 : memref<128xi32, #tpu.memory_space<vmem>>) semaphore(%arg11 : memref<!tpu.dma_semaphore, #tpu.memory_space<semaphore_mem>>)
    %scan3A_38 = arith.constant 0 : i32
    %scan3A_39 = arith.constant 0 : i32
    %scan3A_40 = arith.constant 13 : i32
    %scan3A_41 = arith.addi %scan3A_39, %scan3A_40 : i32
    %scan3A_42 = arith.constant 1 : i32
    %scan3A_43 = scf.for %scan3A_93 = %scan3A_39 to %scan3A_41 step %scan3A_42 iter_args(%scan3A_94 = %scan3A_38) -> (i32)  : i32 {
      %mul3A_95 = arith.constant 2 : i32
      %mul3A_96 = arith.muli %mul3A_95, %scan3A_93 : i32
      %add3A_97 = arith.constant 1 : i32
      %add3A_98 = arith.addi %mul3A_96, %add3A_97 : i32
      %dma_start3A_99 = arith.constant 0 : i32
      %dma_start3A_100 = tpu.memref_slice %arg6[%add3A_98, %dma_start3A_99] : memref<27x128xi32, #tpu.memory_space<vmem>> -> memref<1x128xi32, #tpu.memory_space<vmem>>
      %dma_start3A_101 = tpu.memref_squeeze %dma_start3A_100 : memref<1x128xi32, #tpu.memory_space<vmem>> -> memref<128xi32, #tpu.memory_space<vmem>>
      %dma_start3A_102 = arith.constant 0 : i32
      %dma_start3A_103 = arith.constant 0 : i32
      %dma_start3A_104 = tpu.memref_slice %arg4[%dma_start3A_102, %dma_start3A_103] : memref<10240x128xf32, #tpu.memory_space<hbm>> -> memref<10240x128xf32, #tpu.memory_space<hbm>>
      tpu.enqueue_indirect_dma source(%dma_start3A_104 : memref<10240x128xf32, #tpu.memory_space<hbm>>) target(%arg9 : memref<128x128xf32, #tpu.memory_space<vmem>>) offsets(%dma_start3A_101 : memref<128xi32, #tpu.memory_space<vmem>>) semaphore(%arg12 : memref<!tpu.dma_semaphore, #tpu.memory_space<semaphore_mem>>)
      %dma_wait3A = arith.constant 0 : i32
      %dma_wait3A_105 = tpu.memref_slice %arg6[%mul3A_96, %dma_wait3A] : memref<27x128xi32, #tpu.memory_space<vmem>> -> memref<1x128xi32, #tpu.memory_space<vmem>>
      %dma_wait3A_106 = tpu.memref_squeeze %dma_wait3A_105 : memref<1x128xi32, #tpu.memory_space<vmem>> -> memref<128xi32, #tpu.memory_space<vmem>>
      %dma_wait3A_107 = arith.constant 0 : i32
      %dma_wait3A_108 = arith.constant 0 : i32
      %dma_wait3A_109 = tpu.memref_slice %arg4[%dma_wait3A_107, %dma_wait3A_108] : memref<10240x128xf32, #tpu.memory_space<hbm>> -> memref<10240x128xf32, #tpu.memory_space<hbm>>
      tpu.wait_indirect_dma semaphore(%arg11 : memref<!tpu.dma_semaphore, #tpu.memory_space<semaphore_mem>>) src(%dma_wait3A_109 : memref<10240x128xf32, #tpu.memory_space<hbm>>) dst(%arg8 : memref<128x128xf32, #tpu.memory_space<vmem>>)
      "tpu.region"() ({
        %run_scoped3A = tpu.sem_alloc : memref<!tpu.dma_semaphore, #tpu.memory_space<semaphore_mem>>
        %dma_start3A_127 = arith.constant 0 : i32
        %dma_start3A_128 = tpu.memref_slice %arg7[%mul3A_96, %dma_start3A_127] : memref<27x128xi32, #tpu.memory_space<vmem>> -> memref<1x128xi32, #tpu.memory_space<vmem>>
        %dma_start3A_129 = tpu.memref_squeeze %dma_start3A_128 : memref<1x128xi32, #tpu.memory_space<vmem>> -> memref<128xi32, #tpu.memory_space<vmem>>
        %dma_start3A_130 = arith.constant 0 : i32
        %dma_start3A_131 = arith.constant 0 : i32
        %dma_start3A_132 = tpu.memref_slice %arg10[%dma_start3A_130, %dma_start3A_131] : memref<10240x128xf32, #tpu.memory_space<vmem_shared>> -> memref<10240x128xf32, #tpu.memory_space<vmem_shared>>
        tpu.enqueue_indirect_dma source(%arg8 : memref<128x128xf32, #tpu.memory_space<vmem>>) target(%dma_start3A_132 : memref<10240x128xf32, #tpu.memory_space<vmem_shared>>) offsets(%dma_start3A_129 : memref<128xi32, #tpu.memory_space<vmem>>) semaphore(%run_scoped3A : memref<!tpu.dma_semaphore, #tpu.memory_space<semaphore_mem>>) {add = true}
        %dma_wait3A_133 = arith.constant 0 : i32
        %dma_wait3A_134 = tpu.memref_slice %arg7[%mul3A_96, %dma_wait3A_133] : memref<27x128xi32, #tpu.memory_space<vmem>> -> memref<1x128xi32, #tpu.memory_space<vmem>>
        %dma_wait3A_135 = tpu.memref_squeeze %dma_wait3A_134 : memref<1x128xi32, #tpu.memory_space<vmem>> -> memref<128xi32, #tpu.memory_space<vmem>>
        %dma_wait3A_136 = arith.constant 0 : i32
        %dma_wait3A_137 = arith.constant 0 : i32
        %dma_wait3A_138 = tpu.memref_slice %arg10[%dma_wait3A_136, %dma_wait3A_137] : memref<10240x128xf32, #tpu.memory_space<vmem_shared>> -> memref<10240x128xf32, #tpu.memory_space<vmem_shared>>
        tpu.wait_indirect_dma semaphore(%run_scoped3A : memref<!tpu.dma_semaphore, #tpu.memory_space<semaphore_mem>>) src(%arg8 : memref<128x128xf32, #tpu.memory_space<vmem>>) dst(%dma_wait3A_138 : memref<10240x128xf32, #tpu.memory_space<vmem_shared>>)
        tpu.yield
      }) : () -> ()
      %add3A_110 = arith.constant 2 : i32
      %add3A_111 = arith.addi %mul3A_96, %add3A_110 : i32
      %le3A = arith.constant 25 : i32
      %le3A_112 = arith.cmpi sle, %add3A_111, %le3A : i32
      %convert_element_type3A_113 = arith.extui %le3A_112 : i1 to i32
      %cond3A_114 = arith.constant 0 : i32
      %cond3A_115 = arith.cmpi ne, %convert_element_type3A_113, %cond3A_114 : i32
      scf.if %cond3A_115 {
        %add3A_127 = arith.constant 2 : i32
        %add3A_128 = arith.addi %mul3A_96, %add3A_127 : i32
        %dma_start3A_129 = arith.constant 0 : i32
        %dma_start3A_130 = tpu.memref_slice %arg6[%add3A_128, %dma_start3A_129] : memref<27x128xi32, #tpu.memory_space<vmem>> -> memref<1x128xi32, #tpu.memory_space<vmem>>
        %dma_start3A_131 = tpu.memref_squeeze %dma_start3A_130 : memref<1x128xi32, #tpu.memory_space<vmem>> -> memref<128xi32, #tpu.memory_space<vmem>>
        %dma_start3A_132 = arith.constant 0 : i32
        %dma_start3A_133 = arith.constant 0 : i32
        %dma_start3A_134 = tpu.memref_slice %arg4[%dma_start3A_132, %dma_start3A_133] : memref<10240x128xf32, #tpu.memory_space<hbm>> -> memref<10240x128xf32, #tpu.memory_space<hbm>>
        tpu.enqueue_indirect_dma source(%dma_start3A_134 : memref<10240x128xf32, #tpu.memory_space<hbm>>) target(%arg8 : memref<128x128xf32, #tpu.memory_space<vmem>>) offsets(%dma_start3A_131 : memref<128xi32, #tpu.memory_space<vmem>>) semaphore(%arg11 : memref<!tpu.dma_semaphore, #tpu.memory_space<semaphore_mem>>)
      } else {
      }
      %add3A_116 = arith.constant 1 : i32
      %add3A_117 = arith.addi %mul3A_96, %add3A_116 : i32
      %dma_wait3A_118 = arith.constant 0 : i32
      %dma_wait3A_119 = tpu.memref_slice %arg6[%add3A_117, %dma_wait3A_118] : memref<27x128xi32, #tpu.memory_space<vmem>> -> memref<1x128xi32, #tpu.memory_space<vmem>>
      %dma_wait3A_120 = tpu.memref_squeeze %dma_wait3A_119 : memref<1x128xi32, #tpu.memory_space<vmem>> -> memref<128xi32, #tpu.memory_space<vmem>>
      %dma_wait3A_121 = arith.constant 0 : i32
      %dma_wait3A_122 = arith.constant 0 : i32
      %dma_wait3A_123 = tpu.memref_slice %arg4[%dma_wait3A_121, %dma_wait3A_122] : memref<10240x128xf32, #tpu.memory_space<hbm>> -> memref<10240x128xf32, #tpu.memory_space<hbm>>
      tpu.wait_indirect_dma semaphore(%arg12 : memref<!tpu.dma_semaphore, #tpu.memory_space<semaphore_mem>>) src(%dma_wait3A_123 : memref<10240x128xf32, #tpu.memory_space<hbm>>) dst(%arg9 : memref<128x128xf32, #tpu.memory_space<vmem>>)
      %add3A_124 = arith.constant 1 : i32
      %add3A_125 = arith.addi %mul3A_96, %add3A_124 : i32
      "tpu.region"() ({
        %run_scoped3A = tpu.sem_alloc : memref<!tpu.dma_semaphore, #tpu.memory_space<semaphore_mem>>
        %dma_start3A_127 = arith.constant 0 : i32
        %dma_start3A_128 = tpu.memref_slice %arg7[%add3A_125, %dma_start3A_127] : memref<27x128xi32, #tpu.memory_space<vmem>> -> memref<1x128xi32, #tpu.memory_space<vmem>>
        %dma_start3A_129 = tpu.memref_squeeze %dma_start3A_128 : memref<1x128xi32, #tpu.memory_space<vmem>> -> memref<128xi32, #tpu.memory_space<vmem>>
        %dma_start3A_130 = arith.constant 0 : i32
        %dma_start3A_131 = arith.constant 0 : i32
        %dma_start3A_132 = tpu.memref_slice %arg10[%dma_start3A_130, %dma_start3A_131] : memref<10240x128xf32, #tpu.memory_space<vmem_shared>> -> memref<10240x128xf32, #tpu.memory_space<vmem_shared>>
        tpu.enqueue_indirect_dma source(%arg9 : memref<128x128xf32, #tpu.memory_space<vmem>>) target(%dma_start3A_132 : memref<10240x128xf32, #tpu.memory_space<vmem_shared>>) offsets(%dma_start3A_129 : memref<128xi32, #tpu.memory_space<vmem>>) semaphore(%run_scoped3A : memref<!tpu.dma_semaphore, #tpu.memory_space<semaphore_mem>>) {add = true}
        %dma_wait3A_133 = arith.constant 0 : i32
        %dma_wait3A_134 = tpu.memref_slice %arg7[%add3A_125, %dma_wait3A_133] : memref<27x128xi32, #tpu.memory_space<vmem>> -> memref<1x128xi32, #tpu.memory_space<vmem>>
        %dma_wait3A_135 = tpu.memref_squeeze %dma_wait3A_134 : memref<1x128xi32, #tpu.memory_space<vmem>> -> memref<128xi32, #tpu.memory_space<vmem>>
        %dma_wait3A_136 = arith.constant 0 : i32
        %dma_wait3A_137 = arith.constant 0 : i32
        %dma_wait3A_138 = tpu.memref_slice %arg10[%dma_wait3A_136, %dma_wait3A_137] : memref<10240x128xf32, #tpu.memory_space<vmem_shared>> -> memref<10240x128xf32, #tpu.memory_space<vmem_shared>>
        tpu.wait_indirect_dma semaphore(%run_scoped3A : memref<!tpu.dma_semaphore, #tpu.memory_space<semaphore_mem>>) src(%arg9 : memref<128x128xf32, #tpu.memory_space<vmem>>) dst(%dma_wait3A_138 : memref<10240x128xf32, #tpu.memory_space<vmem_shared>>)
        tpu.yield
      }) : () -> ()
      %scan3A_126 = arith.constant 0 : i32
      scf.yield %scan3A_126 : i32
    }
    %scan3A_44 = arith.constant 13 : i32
    %mul3A_45 = arith.constant 78 : i32
    %mul3A_46 = arith.muli %add3A, %mul3A_45 : i32
    %add3A_47 = arith.constant 26 : i32
    %add3A_48 = arith.addi %mul3A_46, %add3A_47 : i32
    "tpu.region"() ({
      %run_scoped3A = tpu.sem_alloc : memref<!tpu.dma_semaphore, #tpu.memory_space<semaphore_mem>>
      %dma_start3A_93 = arith.constant 0 : i32
      %dma_start3A_94 = arith.constant 0 : i32
      %dma_start3A_95 = tpu.memref_slice %arg6[%dma_start3A_93, %dma_start3A_94] : memref<27x128xi32, #tpu.memory_space<vmem>> -> memref<26x128xi32, #tpu.memory_space<vmem>>
      %dma_start3A_96 = arith.constant 0 : i32
      %dma_start3A_97 = tpu.memref_slice %arg2[%add3A_48, %dma_start3A_96] : memref<2500x128xi32, #tpu.memory_space<hbm>> -> memref<26x128xi32, #tpu.memory_space<hbm>>
      %dma_start3A_98 = arith.constant 0 : i32
      %dma_start3A_99 = arith.constant 0 : i32
      %dma_start3A_100 = tpu.memref_slice %arg6[%dma_start3A_98, %dma_start3A_99] : memref<27x128xi32, #tpu.memory_space<vmem>> -> memref<26x128xi32, #tpu.memory_space<vmem>>
      %dma_start3A_101 = arith.constant 0 : i32
      %dma_start3A_102 = tpu.memref_slice %arg2[%add3A_48, %dma_start3A_101] : memref<2500x128xi32, #tpu.memory_space<hbm>> -> memref<26x128xi32, #tpu.memory_space<hbm>>
      tpu.enqueue_dma source(%dma_start3A_102 : memref<26x128xi32, #tpu.memory_space<hbm>>) target(%dma_start3A_100 : memref<26x128xi32, #tpu.memory_space<vmem>>) target_semaphore(%run_scoped3A : memref<!tpu.dma_semaphore, #tpu.memory_space<semaphore_mem>>)
      %dma_wait3A = arith.constant 0 : i32
      %dma_wait3A_103 = arith.constant 0 : i32
      %dma_wait3A_104 = tpu.memref_slice %arg6[%dma_wait3A, %dma_wait3A_103] : memref<27x128xi32, #tpu.memory_space<vmem>> -> memref<26x128xi32, #tpu.memory_space<vmem>>
      %dma_wait3A_105 = arith.constant 0 : i32
      %dma_wait3A_106 = tpu.memref_slice %arg2[%add3A_48, %dma_wait3A_105] : memref<2500x128xi32, #tpu.memory_space<hbm>> -> memref<26x128xi32, #tpu.memory_space<hbm>>
      %dma_wait3A_107 = arith.constant 0 : i32
      %dma_wait3A_108 = arith.constant 0 : i32
      %dma_wait3A_109 = tpu.memref_slice %arg6[%dma_wait3A_107, %dma_wait3A_108] : memref<27x128xi32, #tpu.memory_space<vmem>> -> memref<26x128xi32, #tpu.memory_space<vmem>>
      %dma_wait3A_110 = arith.constant 0 : i32
      %dma_wait3A_111 = tpu.memref_slice %arg2[%add3A_48, %dma_wait3A_110] : memref<2500x128xi32, #tpu.memory_space<hbm>> -> memref<26x128xi32, #tpu.memory_space<hbm>>
      tpu.wait_dma2 semaphore(%run_scoped3A : memref<!tpu.dma_semaphore, #tpu.memory_space<semaphore_mem>>) src(%dma_wait3A_111 : memref<26x128xi32, #tpu.memory_space<hbm>>) dst(%dma_wait3A_109 : memref<26x128xi32, #tpu.memory_space<vmem>>)
      tpu.yield
    }) : () -> ()
    "tpu.region"() ({
      %run_scoped3A = tpu.sem_alloc : memref<!tpu.dma_semaphore, #tpu.memory_space<semaphore_mem>>
      %dma_start3A_93 = arith.constant 0 : i32
      %dma_start3A_94 = arith.constant 0 : i32
      %dma_start3A_95 = tpu.memref_slice %arg7[%dma_start3A_93, %dma_start3A_94] : memref<27x128xi32, #tpu.memory_space<vmem>> -> memref<26x128xi32, #tpu.memory_space<vmem>>
      %dma_start3A_96 = arith.constant 0 : i32
      %dma_start3A_97 = tpu.memref_slice %arg3[%add3A_48, %dma_start3A_96] : memref<2500x128xi32, #tpu.memory_space<hbm>> -> memref<26x128xi32, #tpu.memory_space<hbm>>
      %dma_start3A_98 = arith.constant 0 : i32
      %dma_start3A_99 = arith.constant 0 : i32
      %dma_start3A_100 = tpu.memref_slice %arg7[%dma_start3A_98, %dma_start3A_99] : memref<27x128xi32, #tpu.memory_space<vmem>> -> memref<26x128xi32, #tpu.memory_space<vmem>>
      %dma_start3A_101 = arith.constant 0 : i32
      %dma_start3A_102 = tpu.memref_slice %arg3[%add3A_48, %dma_start3A_101] : memref<2500x128xi32, #tpu.memory_space<hbm>> -> memref<26x128xi32, #tpu.memory_space<hbm>>
      tpu.enqueue_dma source(%dma_start3A_102 : memref<26x128xi32, #tpu.memory_space<hbm>>) target(%dma_start3A_100 : memref<26x128xi32, #tpu.memory_space<vmem>>) target_semaphore(%run_scoped3A : memref<!tpu.dma_semaphore, #tpu.memory_space<semaphore_mem>>)
      %dma_wait3A = arith.constant 0 : i32
      %dma_wait3A_103 = arith.constant 0 : i32
      %dma_wait3A_104 = tpu.memref_slice %arg7[%dma_wait3A, %dma_wait3A_103] : memref<27x128xi32, #tpu.memory_space<vmem>> -> memref<26x128xi32, #tpu.memory_space<vmem>>
      %dma_wait3A_105 = arith.constant 0 : i32
      %dma_wait3A_106 = tpu.memref_slice %arg3[%add3A_48, %dma_wait3A_105] : memref<2500x128xi32, #tpu.memory_space<hbm>> -> memref<26x128xi32, #tpu.memory_space<hbm>>
      %dma_wait3A_107 = arith.constant 0 : i32
      %dma_wait3A_108 = arith.constant 0 : i32
      %dma_wait3A_109 = tpu.memref_slice %arg7[%dma_wait3A_107, %dma_wait3A_108] : memref<27x128xi32, #tpu.memory_space<vmem>> -> memref<26x128xi32, #tpu.memory_space<vmem>>
      %dma_wait3A_110 = arith.constant 0 : i32
      %dma_wait3A_111 = tpu.memref_slice %arg3[%add3A_48, %dma_wait3A_110] : memref<2500x128xi32, #tpu.memory_space<hbm>> -> memref<26x128xi32, #tpu.memory_space<hbm>>
      tpu.wait_dma2 semaphore(%run_scoped3A : memref<!tpu.dma_semaphore, #tpu.memory_space<semaphore_mem>>) src(%dma_wait3A_111 : memref<26x128xi32, #tpu.memory_space<hbm>>) dst(%dma_wait3A_109 : memref<26x128xi32, #tpu.memory_space<vmem>>)
      tpu.yield
    }) : () -> ()
    %dma_start3A_49 = arith.constant 0 : i32
    %dma_start3A_50 = arith.constant 0 : i32
    %dma_start3A_51 = tpu.memref_slice %arg6[%dma_start3A_49, %dma_start3A_50] : memref<27x128xi32, #tpu.memory_space<vmem>> -> memref<1x128xi32, #tpu.memory_space<vmem>>
    %dma_start3A_52 = tpu.memref_squeeze %dma_start3A_51 : memref<1x128xi32, #tpu.memory_space<vmem>> -> memref<128xi32, #tpu.memory_space<vmem>>
    %dma_start3A_53 = arith.constant 0 : i32
    %dma_start3A_54 = arith.constant 0 : i32
    %dma_start3A_55 = tpu.memref_slice %arg4[%dma_start3A_53, %dma_start3A_54] : memref<10240x128xf32, #tpu.memory_space<hbm>> -> memref<10240x128xf32, #tpu.memory_space<hbm>>
    tpu.enqueue_indirect_dma source(%dma_start3A_55 : memref<10240x128xf32, #tpu.memory_space<hbm>>) target(%arg8 : memref<128x128xf32, #tpu.memory_space<vmem>>) offsets(%dma_start3A_52 : memref<128xi32, #tpu.memory_space<vmem>>) semaphore(%arg11 : memref<!tpu.dma_semaphore, #tpu.memory_space<semaphore_mem>>)
    %scan3A_56 = arith.constant 0 : i32
    %scan3A_57 = arith.constant 0 : i32
    %scan3A_58 = arith.constant 13 : i32
    %scan3A_59 = arith.addi %scan3A_57, %scan3A_58 : i32
    %scan3A_60 = arith.constant 1 : i32
    %scan3A_61 = scf.for %scan3A_93 = %scan3A_57 to %scan3A_59 step %scan3A_60 iter_args(%scan3A_94 = %scan3A_56) -> (i32)  : i32 {
      %mul3A_95 = arith.constant 2 : i32
      %mul3A_96 = arith.muli %mul3A_95, %scan3A_93 : i32
      %add3A_97 = arith.constant 1 : i32
      %add3A_98 = arith.addi %mul3A_96, %add3A_97 : i32
      %dma_start3A_99 = arith.constant 0 : i32
      %dma_start3A_100 = tpu.memref_slice %arg6[%add3A_98, %dma_start3A_99] : memref<27x128xi32, #tpu.memory_space<vmem>> -> memref<1x128xi32, #tpu.memory_space<vmem>>
      %dma_start3A_101 = tpu.memref_squeeze %dma_start3A_100 : memref<1x128xi32, #tpu.memory_space<vmem>> -> memref<128xi32, #tpu.memory_space<vmem>>
      %dma_start3A_102 = arith.constant 0 : i32
      %dma_start3A_103 = arith.constant 0 : i32
      %dma_start3A_104 = tpu.memref_slice %arg4[%dma_start3A_102, %dma_start3A_103] : memref<10240x128xf32, #tpu.memory_space<hbm>> -> memref<10240x128xf32, #tpu.memory_space<hbm>>
      tpu.enqueue_indirect_dma source(%dma_start3A_104 : memref<10240x128xf32, #tpu.memory_space<hbm>>) target(%arg9 : memref<128x128xf32, #tpu.memory_space<vmem>>) offsets(%dma_start3A_101 : memref<128xi32, #tpu.memory_space<vmem>>) semaphore(%arg12 : memref<!tpu.dma_semaphore, #tpu.memory_space<semaphore_mem>>)
      %dma_wait3A = arith.constant 0 : i32
      %dma_wait3A_105 = tpu.memref_slice %arg6[%mul3A_96, %dma_wait3A] : memref<27x128xi32, #tpu.memory_space<vmem>> -> memref<1x128xi32, #tpu.memory_space<vmem>>
      %dma_wait3A_106 = tpu.memref_squeeze %dma_wait3A_105 : memref<1x128xi32, #tpu.memory_space<vmem>> -> memref<128xi32, #tpu.memory_space<vmem>>
      %dma_wait3A_107 = arith.constant 0 : i32
      %dma_wait3A_108 = arith.constant 0 : i32
      %dma_wait3A_109 = tpu.memref_slice %arg4[%dma_wait3A_107, %dma_wait3A_108] : memref<10240x128xf32, #tpu.memory_space<hbm>> -> memref<10240x128xf32, #tpu.memory_space<hbm>>
      tpu.wait_indirect_dma semaphore(%arg11 : memref<!tpu.dma_semaphore, #tpu.memory_space<semaphore_mem>>) src(%dma_wait3A_109 : memref<10240x128xf32, #tpu.memory_space<hbm>>) dst(%arg8 : memref<128x128xf32, #tpu.memory_space<vmem>>)
      "tpu.region"() ({
        %run_scoped3A = tpu.sem_alloc : memref<!tpu.dma_semaphore, #tpu.memory_space<semaphore_mem>>
        %dma_start3A_127 = arith.constant 0 : i32
        %dma_start3A_128 = tpu.memref_slice %arg7[%mul3A_96, %dma_start3A_127] : memref<27x128xi32, #tpu.memory_space<vmem>> -> memref<1x128xi32, #tpu.memory_space<vmem>>
        %dma_start3A_129 = tpu.memref_squeeze %dma_start3A_128 : memref<1x128xi32, #tpu.memory_space<vmem>> -> memref<128xi32, #tpu.memory_space<vmem>>
        %dma_start3A_130 = arith.constant 0 : i32
        %dma_start3A_131 = arith.constant 0 : i32
        %dma_start3A_132 = tpu.memref_slice %arg10[%dma_start3A_130, %dma_start3A_131] : memref<10240x128xf32, #tpu.memory_space<vmem_shared>> -> memref<10240x128xf32, #tpu.memory_space<vmem_shared>>
        tpu.enqueue_indirect_dma source(%arg8 : memref<128x128xf32, #tpu.memory_space<vmem>>) target(%dma_start3A_132 : memref<10240x128xf32, #tpu.memory_space<vmem_shared>>) offsets(%dma_start3A_129 : memref<128xi32, #tpu.memory_space<vmem>>) semaphore(%run_scoped3A : memref<!tpu.dma_semaphore, #tpu.memory_space<semaphore_mem>>) {add = true}
        %dma_wait3A_133 = arith.constant 0 : i32
        %dma_wait3A_134 = tpu.memref_slice %arg7[%mul3A_96, %dma_wait3A_133] : memref<27x128xi32, #tpu.memory_space<vmem>> -> memref<1x128xi32, #tpu.memory_space<vmem>>
        %dma_wait3A_135 = tpu.memref_squeeze %dma_wait3A_134 : memref<1x128xi32, #tpu.memory_space<vmem>> -> memref<128xi32, #tpu.memory_space<vmem>>
        %dma_wait3A_136 = arith.constant 0 : i32
        %dma_wait3A_137 = arith.constant 0 : i32
        %dma_wait3A_138 = tpu.memref_slice %arg10[%dma_wait3A_136, %dma_wait3A_137] : memref<10240x128xf32, #tpu.memory_space<vmem_shared>> -> memref<10240x128xf32, #tpu.memory_space<vmem_shared>>
        tpu.wait_indirect_dma semaphore(%run_scoped3A : memref<!tpu.dma_semaphore, #tpu.memory_space<semaphore_mem>>) src(%arg8 : memref<128x128xf32, #tpu.memory_space<vmem>>) dst(%dma_wait3A_138 : memref<10240x128xf32, #tpu.memory_space<vmem_shared>>)
        tpu.yield
      }) : () -> ()
      %add3A_110 = arith.constant 2 : i32
      %add3A_111 = arith.addi %mul3A_96, %add3A_110 : i32
      %le3A = arith.constant 25 : i32
      %le3A_112 = arith.cmpi sle, %add3A_111, %le3A : i32
      %convert_element_type3A_113 = arith.extui %le3A_112 : i1 to i32
      %cond3A_114 = arith.constant 0 : i32
      %cond3A_115 = arith.cmpi ne, %convert_element_type3A_113, %cond3A_114 : i32
      scf.if %cond3A_115 {
        %add3A_127 = arith.constant 2 : i32
        %add3A_128 = arith.addi %mul3A_96, %add3A_127 : i32
        %dma_start3A_129 = arith.constant 0 : i32
        %dma_start3A_130 = tpu.memref_slice %arg6[%add3A_128, %dma_start3A_129] : memref<27x128xi32, #tpu.memory_space<vmem>> -> memref<1x128xi32, #tpu.memory_space<vmem>>
        %dma_start3A_131 = tpu.memref_squeeze %dma_start3A_130 : memref<1x128xi32, #tpu.memory_space<vmem>> -> memref<128xi32, #tpu.memory_space<vmem>>
        %dma_start3A_132 = arith.constant 0 : i32
        %dma_start3A_133 = arith.constant 0 : i32
        %dma_start3A_134 = tpu.memref_slice %arg4[%dma_start3A_132, %dma_start3A_133] : memref<10240x128xf32, #tpu.memory_space<hbm>> -> memref<10240x128xf32, #tpu.memory_space<hbm>>
        tpu.enqueue_indirect_dma source(%dma_start3A_134 : memref<10240x128xf32, #tpu.memory_space<hbm>>) target(%arg8 : memref<128x128xf32, #tpu.memory_space<vmem>>) offsets(%dma_start3A_131 : memref<128xi32, #tpu.memory_space<vmem>>) semaphore(%arg11 : memref<!tpu.dma_semaphore, #tpu.memory_space<semaphore_mem>>)
      } else {
      }
      %add3A_116 = arith.constant 1 : i32
      %add3A_117 = arith.addi %mul3A_96, %add3A_116 : i32
      %dma_wait3A_118 = arith.constant 0 : i32
      %dma_wait3A_119 = tpu.memref_slice %arg6[%add3A_117, %dma_wait3A_118] : memref<27x128xi32, #tpu.memory_space<vmem>> -> memref<1x128xi32, #tpu.memory_space<vmem>>
      %dma_wait3A_120 = tpu.memref_squeeze %dma_wait3A_119 : memref<1x128xi32, #tpu.memory_space<vmem>> -> memref<128xi32, #tpu.memory_space<vmem>>
      %dma_wait3A_121 = arith.constant 0 : i32
      %dma_wait3A_122 = arith.constant 0 : i32
      %dma_wait3A_123 = tpu.memref_slice %arg4[%dma_wait3A_121, %dma_wait3A_122] : memref<10240x128xf32, #tpu.memory_space<hbm>> -> memref<10240x128xf32, #tpu.memory_space<hbm>>
      tpu.wait_indirect_dma semaphore(%arg12 : memref<!tpu.dma_semaphore, #tpu.memory_space<semaphore_mem>>) src(%dma_wait3A_123 : memref<10240x128xf32, #tpu.memory_space<hbm>>) dst(%arg9 : memref<128x128xf32, #tpu.memory_space<vmem>>)
      %add3A_124 = arith.constant 1 : i32
      %add3A_125 = arith.addi %mul3A_96, %add3A_124 : i32
      "tpu.region"() ({
        %run_scoped3A = tpu.sem_alloc : memref<!tpu.dma_semaphore, #tpu.memory_space<semaphore_mem>>
        %dma_start3A_127 = arith.constant 0 : i32
        %dma_start3A_128 = tpu.memref_slice %arg7[%add3A_125, %dma_start3A_127] : memref<27x128xi32, #tpu.memory_space<vmem>> -> memref<1x128xi32, #tpu.memory_space<vmem>>
        %dma_start3A_129 = tpu.memref_squeeze %dma_start3A_128 : memref<1x128xi32, #tpu.memory_space<vmem>> -> memref<128xi32, #tpu.memory_space<vmem>>
        %dma_start3A_130 = arith.constant 0 : i32
        %dma_start3A_131 = arith.constant 0 : i32
        %dma_start3A_132 = tpu.memref_slice %arg10[%dma_start3A_130, %dma_start3A_131] : memref<10240x128xf32, #tpu.memory_space<vmem_shared>> -> memref<10240x128xf32, #tpu.memory_space<vmem_shared>>
        tpu.enqueue_indirect_dma source(%arg9 : memref<128x128xf32, #tpu.memory_space<vmem>>) target(%dma_start3A_132 : memref<10240x128xf32, #tpu.memory_space<vmem_shared>>) offsets(%dma_start3A_129 : memref<128xi32, #tpu.memory_space<vmem>>) semaphore(%run_scoped3A : memref<!tpu.dma_semaphore, #tpu.memory_space<semaphore_mem>>) {add = true}
        %dma_wait3A_133 = arith.constant 0 : i32
        %dma_wait3A_134 = tpu.memref_slice %arg7[%add3A_125, %dma_wait3A_133] : memref<27x128xi32, #tpu.memory_space<vmem>> -> memref<1x128xi32, #tpu.memory_space<vmem>>
        %dma_wait3A_135 = tpu.memref_squeeze %dma_wait3A_134 : memref<1x128xi32, #tpu.memory_space<vmem>> -> memref<128xi32, #tpu.memory_space<vmem>>
        %dma_wait3A_136 = arith.constant 0 : i32
        %dma_wait3A_137 = arith.constant 0 : i32
        %dma_wait3A_138 = tpu.memref_slice %arg10[%dma_wait3A_136, %dma_wait3A_137] : memref<10240x128xf32, #tpu.memory_space<vmem_shared>> -> memref<10240x128xf32, #tpu.memory_space<vmem_shared>>
        tpu.wait_indirect_dma semaphore(%run_scoped3A : memref<!tpu.dma_semaphore, #tpu.memory_space<semaphore_mem>>) src(%arg9 : memref<128x128xf32, #tpu.memory_space<vmem>>) dst(%dma_wait3A_138 : memref<10240x128xf32, #tpu.memory_space<vmem_shared>>)
        tpu.yield
      }) : () -> ()
      %scan3A_126 = arith.constant 0 : i32
      scf.yield %scan3A_126 : i32
    }
    %scan3A_62 = arith.constant 13 : i32
    %mul3A_63 = arith.constant 78 : i32
    %mul3A_64 = arith.muli %add3A, %mul3A_63 : i32
    %add3A_65 = arith.constant 52 : i32
    %add3A_66 = arith.addi %mul3A_64, %add3A_65 : i32
    "tpu.region"() ({
      %run_scoped3A = tpu.sem_alloc : memref<!tpu.dma_semaphore, #tpu.memory_space<semaphore_mem>>
      %dma_start3A_93 = arith.constant 0 : i32
      %dma_start3A_94 = arith.constant 0 : i32
      %dma_start3A_95 = tpu.memref_slice %arg6[%dma_start3A_93, %dma_start3A_94] : memref<27x128xi32, #tpu.memory_space<vmem>> -> memref<26x128xi32, #tpu.memory_space<vmem>>
      %dma_start3A_96 = arith.constant 0 : i32
      %dma_start3A_97 = tpu.memref_slice %arg2[%add3A_66, %dma_start3A_96] : memref<2500x128xi32, #tpu.memory_space<hbm>> -> memref<26x128xi32, #tpu.memory_space<hbm>>
      %dma_start3A_98 = arith.constant 0 : i32
      %dma_start3A_99 = arith.constant 0 : i32
      %dma_start3A_100 = tpu.memref_slice %arg6[%dma_start3A_98, %dma_start3A_99] : memref<27x128xi32, #tpu.memory_space<vmem>> -> memref<26x128xi32, #tpu.memory_space<vmem>>
      %dma_start3A_101 = arith.constant 0 : i32
      %dma_start3A_102 = tpu.memref_slice %arg2[%add3A_66, %dma_start3A_101] : memref<2500x128xi32, #tpu.memory_space<hbm>> -> memref<26x128xi32, #tpu.memory_space<hbm>>
      tpu.enqueue_dma source(%dma_start3A_102 : memref<26x128xi32, #tpu.memory_space<hbm>>) target(%dma_start3A_100 : memref<26x128xi32, #tpu.memory_space<vmem>>) target_semaphore(%run_scoped3A : memref<!tpu.dma_semaphore, #tpu.memory_space<semaphore_mem>>)
      %dma_wait3A = arith.constant 0 : i32
      %dma_wait3A_103 = arith.constant 0 : i32
      %dma_wait3A_104 = tpu.memref_slice %arg6[%dma_wait3A, %dma_wait3A_103] : memref<27x128xi32, #tpu.memory_space<vmem>> -> memref<26x128xi32, #tpu.memory_space<vmem>>
      %dma_wait3A_105 = arith.constant 0 : i32
      %dma_wait3A_106 = tpu.memref_slice %arg2[%add3A_66, %dma_wait3A_105] : memref<2500x128xi32, #tpu.memory_space<hbm>> -> memref<26x128xi32, #tpu.memory_space<hbm>>
      %dma_wait3A_107 = arith.constant 0 : i32
      %dma_wait3A_108 = arith.constant 0 : i32
      %dma_wait3A_109 = tpu.memref_slice %arg6[%dma_wait3A_107, %dma_wait3A_108] : memref<27x128xi32, #tpu.memory_space<vmem>> -> memref<26x128xi32, #tpu.memory_space<vmem>>
      %dma_wait3A_110 = arith.constant 0 : i32
      %dma_wait3A_111 = tpu.memref_slice %arg2[%add3A_66, %dma_wait3A_110] : memref<2500x128xi32, #tpu.memory_space<hbm>> -> memref<26x128xi32, #tpu.memory_space<hbm>>
      tpu.wait_dma2 semaphore(%run_scoped3A : memref<!tpu.dma_semaphore, #tpu.memory_space<semaphore_mem>>) src(%dma_wait3A_111 : memref<26x128xi32, #tpu.memory_space<hbm>>) dst(%dma_wait3A_109 : memref<26x128xi32, #tpu.memory_space<vmem>>)
      tpu.yield
    }) : () -> ()
    "tpu.region"() ({
      %run_scoped3A = tpu.sem_alloc : memref<!tpu.dma_semaphore, #tpu.memory_space<semaphore_mem>>
      %dma_start3A_93 = arith.constant 0 : i32
      %dma_start3A_94 = arith.constant 0 : i32
      %dma_start3A_95 = tpu.memref_slice %arg7[%dma_start3A_93, %dma_start3A_94] : memref<27x128xi32, #tpu.memory_space<vmem>> -> memref<26x128xi32, #tpu.memory_space<vmem>>
      %dma_start3A_96 = arith.constant 0 : i32
      %dma_start3A_97 = tpu.memref_slice %arg3[%add3A_66, %dma_start3A_96] : memref<2500x128xi32, #tpu.memory_space<hbm>> -> memref<26x128xi32, #tpu.memory_space<hbm>>
      %dma_start3A_98 = arith.constant 0 : i32
      %dma_start3A_99 = arith.constant 0 : i32
      %dma_start3A_100 = tpu.memref_slice %arg7[%dma_start3A_98, %dma_start3A_99] : memref<27x128xi32, #tpu.memory_space<vmem>> -> memref<26x128xi32, #tpu.memory_space<vmem>>
      %dma_start3A_101 = arith.constant 0 : i32
      %dma_start3A_102 = tpu.memref_slice %arg3[%add3A_66, %dma_start3A_101] : memref<2500x128xi32, #tpu.memory_space<hbm>> -> memref<26x128xi32, #tpu.memory_space<hbm>>
      tpu.enqueue_dma source(%dma_start3A_102 : memref<26x128xi32, #tpu.memory_space<hbm>>) target(%dma_start3A_100 : memref<26x128xi32, #tpu.memory_space<vmem>>) target_semaphore(%run_scoped3A : memref<!tpu.dma_semaphore, #tpu.memory_space<semaphore_mem>>)
      %dma_wait3A = arith.constant 0 : i32
      %dma_wait3A_103 = arith.constant 0 : i32
      %dma_wait3A_104 = tpu.memref_slice %arg7[%dma_wait3A, %dma_wait3A_103] : memref<27x128xi32, #tpu.memory_space<vmem>> -> memref<26x128xi32, #tpu.memory_space<vmem>>
      %dma_wait3A_105 = arith.constant 0 : i32
      %dma_wait3A_106 = tpu.memref_slice %arg3[%add3A_66, %dma_wait3A_105] : memref<2500x128xi32, #tpu.memory_space<hbm>> -> memref<26x128xi32, #tpu.memory_space<hbm>>
      %dma_wait3A_107 = arith.constant 0 : i32
      %dma_wait3A_108 = arith.constant 0 : i32
      %dma_wait3A_109 = tpu.memref_slice %arg7[%dma_wait3A_107, %dma_wait3A_108] : memref<27x128xi32, #tpu.memory_space<vmem>> -> memref<26x128xi32, #tpu.memory_space<vmem>>
      %dma_wait3A_110 = arith.constant 0 : i32
      %dma_wait3A_111 = tpu.memref_slice %arg3[%add3A_66, %dma_wait3A_110] : memref<2500x128xi32, #tpu.memory_space<hbm>> -> memref<26x128xi32, #tpu.memory_space<hbm>>
      tpu.wait_dma2 semaphore(%run_scoped3A : memref<!tpu.dma_semaphore, #tpu.memory_space<semaphore_mem>>) src(%dma_wait3A_111 : memref<26x128xi32, #tpu.memory_space<hbm>>) dst(%dma_wait3A_109 : memref<26x128xi32, #tpu.memory_space<vmem>>)
      tpu.yield
    }) : () -> ()
    %lt3A = arith.constant 4 : i32
    %lt3A_67 = arith.cmpi slt, %add3A, %lt3A : i32
    %convert_element_type3A = arith.extui %lt3A_67 : i1 to i32
    %cond3A = arith.constant 0 : i32
    %cond3A_68 = arith.cmpi ne, %convert_element_type3A, %cond3A : i32
    scf.if %cond3A_68 {
      %add3A_93 = arith.constant 2496 : i32
      %add3A_94 = arith.addi %add3A_93, %add3A : i32
      "tpu.region"() ({
        %run_scoped3A = tpu.sem_alloc : memref<!tpu.dma_semaphore, #tpu.memory_space<semaphore_mem>>
        %dma_start3A_97 = arith.constant 26 : i32
        %dma_start3A_98 = arith.constant 0 : i32
        %dma_start3A_99 = tpu.memref_slice %arg6[%dma_start3A_97, %dma_start3A_98] : memref<27x128xi32, #tpu.memory_space<vmem>> -> memref<1x128xi32, #tpu.memory_space<vmem>>
        %dma_start3A_100 = arith.constant 0 : i32
        %dma_start3A_101 = tpu.memref_slice %arg2[%add3A_94, %dma_start3A_100] : memref<2500x128xi32, #tpu.memory_space<hbm>> -> memref<1x128xi32, #tpu.memory_space<hbm>>
        %dma_start3A_102 = arith.constant 26 : i32
        %dma_start3A_103 = arith.constant 0 : i32
        %dma_start3A_104 = tpu.memref_slice %arg6[%dma_start3A_102, %dma_start3A_103] : memref<27x128xi32, #tpu.memory_space<vmem>> -> memref<1x128xi32, #tpu.memory_space<vmem>>
        %dma_start3A_105 = arith.constant 0 : i32
        %dma_start3A_106 = tpu.memref_slice %arg2[%add3A_94, %dma_start3A_105] : memref<2500x128xi32, #tpu.memory_space<hbm>> -> memref<1x128xi32, #tpu.memory_space<hbm>>
        tpu.enqueue_dma source(%dma_start3A_106 : memref<1x128xi32, #tpu.memory_space<hbm>>) target(%dma_start3A_104 : memref<1x128xi32, #tpu.memory_space<vmem>>) target_semaphore(%run_scoped3A : memref<!tpu.dma_semaphore, #tpu.memory_space<semaphore_mem>>)
        %dma_wait3A = arith.constant 26 : i32
        %dma_wait3A_107 = arith.constant 0 : i32
        %dma_wait3A_108 = tpu.memref_slice %arg6[%dma_wait3A, %dma_wait3A_107] : memref<27x128xi32, #tpu.memory_space<vmem>> -> memref<1x128xi32, #tpu.memory_space<vmem>>
        %dma_wait3A_109 = arith.constant 0 : i32
        %dma_wait3A_110 = tpu.memref_slice %arg2[%add3A_94, %dma_wait3A_109] : memref<2500x128xi32, #tpu.memory_space<hbm>> -> memref<1x128xi32, #tpu.memory_space<hbm>>
        %dma_wait3A_111 = arith.constant 26 : i32
        %dma_wait3A_112 = arith.constant 0 : i32
        %dma_wait3A_113 = tpu.memref_slice %arg6[%dma_wait3A_111, %dma_wait3A_112] : memref<27x128xi32, #tpu.memory_space<vmem>> -> memref<1x128xi32, #tpu.memory_space<vmem>>
        %dma_wait3A_114 = arith.constant 0 : i32
        %dma_wait3A_115 = tpu.memref_slice %arg2[%add3A_94, %dma_wait3A_114] : memref<2500x128xi32, #tpu.memory_space<hbm>> -> memref<1x128xi32, #tpu.memory_space<hbm>>
        tpu.wait_dma2 semaphore(%run_scoped3A : memref<!tpu.dma_semaphore, #tpu.memory_space<semaphore_mem>>) src(%dma_wait3A_115 : memref<1x128xi32, #tpu.memory_space<hbm>>) dst(%dma_wait3A_113 : memref<1x128xi32, #tpu.memory_space<vmem>>)
        tpu.yield
      }) : () -> ()
      %add3A_95 = arith.constant 2496 : i32
      %add3A_96 = arith.addi %add3A_95, %add3A : i32
      "tpu.region"() ({
        %run_scoped3A = tpu.sem_alloc : memref<!tpu.dma_semaphore, #tpu.memory_space<semaphore_mem>>
        %dma_start3A_97 = arith.constant 26 : i32
        %dma_start3A_98 = arith.constant 0 : i32
        %dma_start3A_99 = tpu.memref_slice %arg7[%dma_start3A_97, %dma_start3A_98] : memref<27x128xi32, #tpu.memory_space<vmem>> -> memref<1x128xi32, #tpu.memory_space<vmem>>
        %dma_start3A_100 = arith.constant 0 : i32
        %dma_start3A_101 = tpu.memref_slice %arg3[%add3A_96, %dma_start3A_100] : memref<2500x128xi32, #tpu.memory_space<hbm>> -> memref<1x128xi32, #tpu.memory_space<hbm>>
        %dma_start3A_102 = arith.constant 26 : i32
        %dma_start3A_103 = arith.constant 0 : i32
        %dma_start3A_104 = tpu.memref_slice %arg7[%dma_start3A_102, %dma_start3A_103] : memref<27x128xi32, #tpu.memory_space<vmem>> -> memref<1x128xi32, #tpu.memory_space<vmem>>
        %dma_start3A_105 = arith.constant 0 : i32
        %dma_start3A_106 = tpu.memref_slice %arg3[%add3A_96, %dma_start3A_105] : memref<2500x128xi32, #tpu.memory_space<hbm>> -> memref<1x128xi32, #tpu.memory_space<hbm>>
        tpu.enqueue_dma source(%dma_start3A_106 : memref<1x128xi32, #tpu.memory_space<hbm>>) target(%dma_start3A_104 : memref<1x128xi32, #tpu.memory_space<vmem>>) target_semaphore(%run_scoped3A : memref<!tpu.dma_semaphore, #tpu.memory_space<semaphore_mem>>)
        %dma_wait3A = arith.constant 26 : i32
        %dma_wait3A_107 = arith.constant 0 : i32
        %dma_wait3A_108 = tpu.memref_slice %arg7[%dma_wait3A, %dma_wait3A_107] : memref<27x128xi32, #tpu.memory_space<vmem>> -> memref<1x128xi32, #tpu.memory_space<vmem>>
        %dma_wait3A_109 = arith.constant 0 : i32
        %dma_wait3A_110 = tpu.memref_slice %arg3[%add3A_96, %dma_wait3A_109] : memref<2500x128xi32, #tpu.memory_space<hbm>> -> memref<1x128xi32, #tpu.memory_space<hbm>>
        %dma_wait3A_111 = arith.constant 26 : i32
        %dma_wait3A_112 = arith.constant 0 : i32
        %dma_wait3A_113 = tpu.memref_slice %arg7[%dma_wait3A_111, %dma_wait3A_112] : memref<27x128xi32, #tpu.memory_space<vmem>> -> memref<1x128xi32, #tpu.memory_space<vmem>>
        %dma_wait3A_114 = arith.constant 0 : i32
        %dma_wait3A_115 = tpu.memref_slice %arg3[%add3A_96, %dma_wait3A_114] : memref<2500x128xi32, #tpu.memory_space<hbm>> -> memref<1x128xi32, #tpu.memory_space<hbm>>
        tpu.wait_dma2 semaphore(%run_scoped3A : memref<!tpu.dma_semaphore, #tpu.memory_space<semaphore_mem>>) src(%dma_wait3A_115 : memref<1x128xi32, #tpu.memory_space<hbm>>) dst(%dma_wait3A_113 : memref<1x128xi32, #tpu.memory_space<vmem>>)
        tpu.yield
      }) : () -> ()
    } else {
    }
    %dma_start3A_69 = arith.constant 0 : i32
    %dma_start3A_70 = arith.constant 0 : i32
    %dma_start3A_71 = tpu.memref_slice %arg6[%dma_start3A_69, %dma_start3A_70] : memref<27x128xi32, #tpu.memory_space<vmem>> -> memref<1x128xi32, #tpu.memory_space<vmem>>
    %dma_start3A_72 = tpu.memref_squeeze %dma_start3A_71 : memref<1x128xi32, #tpu.memory_space<vmem>> -> memref<128xi32, #tpu.memory_space<vmem>>
    %dma_start3A_73 = arith.constant 0 : i32
    %dma_start3A_74 = arith.constant 0 : i32
    %dma_start3A_75 = tpu.memref_slice %arg4[%dma_start3A_73, %dma_start3A_74] : memref<10240x128xf32, #tpu.memory_space<hbm>> -> memref<10240x128xf32, #tpu.memory_space<hbm>>
    tpu.enqueue_indirect_dma source(%dma_start3A_75 : memref<10240x128xf32, #tpu.memory_space<hbm>>) target(%arg8 : memref<128x128xf32, #tpu.memory_space<vmem>>) offsets(%dma_start3A_72 : memref<128xi32, #tpu.memory_space<vmem>>) semaphore(%arg11 : memref<!tpu.dma_semaphore, #tpu.memory_space<semaphore_mem>>)
    %scan3A_76 = arith.constant 0 : i32
    %scan3A_77 = arith.constant 0 : i32
    %scan3A_78 = arith.constant 13 : i32
    %scan3A_79 = arith.addi %scan3A_77, %scan3A_78 : i32
    %scan3A_80 = arith.constant 1 : i32
    %scan3A_81 = scf.for %scan3A_93 = %scan3A_77 to %scan3A_79 step %scan3A_80 iter_args(%scan3A_94 = %scan3A_76) -> (i32)  : i32 {
      %mul3A_95 = arith.constant 2 : i32
      %mul3A_96 = arith.muli %mul3A_95, %scan3A_93 : i32
      %add3A_97 = arith.constant 1 : i32
      %add3A_98 = arith.addi %mul3A_96, %add3A_97 : i32
      %dma_start3A_99 = arith.constant 0 : i32
      %dma_start3A_100 = tpu.memref_slice %arg6[%add3A_98, %dma_start3A_99] : memref<27x128xi32, #tpu.memory_space<vmem>> -> memref<1x128xi32, #tpu.memory_space<vmem>>
      %dma_start3A_101 = tpu.memref_squeeze %dma_start3A_100 : memref<1x128xi32, #tpu.memory_space<vmem>> -> memref<128xi32, #tpu.memory_space<vmem>>
      %dma_start3A_102 = arith.constant 0 : i32
      %dma_start3A_103 = arith.constant 0 : i32
      %dma_start3A_104 = tpu.memref_slice %arg4[%dma_start3A_102, %dma_start3A_103] : memref<10240x128xf32, #tpu.memory_space<hbm>> -> memref<10240x128xf32, #tpu.memory_space<hbm>>
      tpu.enqueue_indirect_dma source(%dma_start3A_104 : memref<10240x128xf32, #tpu.memory_space<hbm>>) target(%arg9 : memref<128x128xf32, #tpu.memory_space<vmem>>) offsets(%dma_start3A_101 : memref<128xi32, #tpu.memory_space<vmem>>) semaphore(%arg12 : memref<!tpu.dma_semaphore, #tpu.memory_space<semaphore_mem>>)
      %dma_wait3A = arith.constant 0 : i32
      %dma_wait3A_105 = tpu.memref_slice %arg6[%mul3A_96, %dma_wait3A] : memref<27x128xi32, #tpu.memory_space<vmem>> -> memref<1x128xi32, #tpu.memory_space<vmem>>
      %dma_wait3A_106 = tpu.memref_squeeze %dma_wait3A_105 : memref<1x128xi32, #tpu.memory_space<vmem>> -> memref<128xi32, #tpu.memory_space<vmem>>
      %dma_wait3A_107 = arith.constant 0 : i32
      %dma_wait3A_108 = arith.constant 0 : i32
      %dma_wait3A_109 = tpu.memref_slice %arg4[%dma_wait3A_107, %dma_wait3A_108] : memref<10240x128xf32, #tpu.memory_space<hbm>> -> memref<10240x128xf32, #tpu.memory_space<hbm>>
      tpu.wait_indirect_dma semaphore(%arg11 : memref<!tpu.dma_semaphore, #tpu.memory_space<semaphore_mem>>) src(%dma_wait3A_109 : memref<10240x128xf32, #tpu.memory_space<hbm>>) dst(%arg8 : memref<128x128xf32, #tpu.memory_space<vmem>>)
      "tpu.region"() ({
        %run_scoped3A = tpu.sem_alloc : memref<!tpu.dma_semaphore, #tpu.memory_space<semaphore_mem>>
        %dma_start3A_127 = arith.constant 0 : i32
        %dma_start3A_128 = tpu.memref_slice %arg7[%mul3A_96, %dma_start3A_127] : memref<27x128xi32, #tpu.memory_space<vmem>> -> memref<1x128xi32, #tpu.memory_space<vmem>>
        %dma_start3A_129 = tpu.memref_squeeze %dma_start3A_128 : memref<1x128xi32, #tpu.memory_space<vmem>> -> memref<128xi32, #tpu.memory_space<vmem>>
        %dma_start3A_130 = arith.constant 0 : i32
        %dma_start3A_131 = arith.constant 0 : i32
        %dma_start3A_132 = tpu.memref_slice %arg10[%dma_start3A_130, %dma_start3A_131] : memref<10240x128xf32, #tpu.memory_space<vmem_shared>> -> memref<10240x128xf32, #tpu.memory_space<vmem_shared>>
        tpu.enqueue_indirect_dma source(%arg8 : memref<128x128xf32, #tpu.memory_space<vmem>>) target(%dma_start3A_132 : memref<10240x128xf32, #tpu.memory_space<vmem_shared>>) offsets(%dma_start3A_129 : memref<128xi32, #tpu.memory_space<vmem>>) semaphore(%run_scoped3A : memref<!tpu.dma_semaphore, #tpu.memory_space<semaphore_mem>>) {add = true}
        %dma_wait3A_133 = arith.constant 0 : i32
        %dma_wait3A_134 = tpu.memref_slice %arg7[%mul3A_96, %dma_wait3A_133] : memref<27x128xi32, #tpu.memory_space<vmem>> -> memref<1x128xi32, #tpu.memory_space<vmem>>
        %dma_wait3A_135 = tpu.memref_squeeze %dma_wait3A_134 : memref<1x128xi32, #tpu.memory_space<vmem>> -> memref<128xi32, #tpu.memory_space<vmem>>
        %dma_wait3A_136 = arith.constant 0 : i32
        %dma_wait3A_137 = arith.constant 0 : i32
        %dma_wait3A_138 = tpu.memref_slice %arg10[%dma_wait3A_136, %dma_wait3A_137] : memref<10240x128xf32, #tpu.memory_space<vmem_shared>> -> memref<10240x128xf32, #tpu.memory_space<vmem_shared>>
        tpu.wait_indirect_dma semaphore(%run_scoped3A : memref<!tpu.dma_semaphore, #tpu.memory_space<semaphore_mem>>) src(%arg8 : memref<128x128xf32, #tpu.memory_space<vmem>>) dst(%dma_wait3A_138 : memref<10240x128xf32, #tpu.memory_space<vmem_shared>>)
        tpu.yield
      }) : () -> ()
      %add3A_110 = arith.constant 2 : i32
      %add3A_111 = arith.addi %mul3A_96, %add3A_110 : i32
      %le3A = arith.constant 25 : i32
      %le3A_112 = arith.cmpi sle, %add3A_111, %le3A : i32
      %convert_element_type3A_113 = arith.extui %le3A_112 : i1 to i32
      %cond3A_114 = arith.constant 0 : i32
      %cond3A_115 = arith.cmpi ne, %convert_element_type3A_113, %cond3A_114 : i32
      scf.if %cond3A_115 {
        %add3A_127 = arith.constant 2 : i32
        %add3A_128 = arith.addi %mul3A_96, %add3A_127 : i32
        %dma_start3A_129 = arith.constant 0 : i32
        %dma_start3A_130 = tpu.memref_slice %arg6[%add3A_128, %dma_start3A_129] : memref<27x128xi32, #tpu.memory_space<vmem>> -> memref<1x128xi32, #tpu.memory_space<vmem>>
        %dma_start3A_131 = tpu.memref_squeeze %dma_start3A_130 : memref<1x128xi32, #tpu.memory_space<vmem>> -> memref<128xi32, #tpu.memory_space<vmem>>
        %dma_start3A_132 = arith.constant 0 : i32
        %dma_start3A_133 = arith.constant 0 : i32
        %dma_start3A_134 = tpu.memref_slice %arg4[%dma_start3A_132, %dma_start3A_133] : memref<10240x128xf32, #tpu.memory_space<hbm>> -> memref<10240x128xf32, #tpu.memory_space<hbm>>
        tpu.enqueue_indirect_dma source(%dma_start3A_134 : memref<10240x128xf32, #tpu.memory_space<hbm>>) target(%arg8 : memref<128x128xf32, #tpu.memory_space<vmem>>) offsets(%dma_start3A_131 : memref<128xi32, #tpu.memory_space<vmem>>) semaphore(%arg11 : memref<!tpu.dma_semaphore, #tpu.memory_space<semaphore_mem>>)
      } else {
      }
      %add3A_116 = arith.constant 1 : i32
      %add3A_117 = arith.addi %mul3A_96, %add3A_116 : i32
      %dma_wait3A_118 = arith.constant 0 : i32
      %dma_wait3A_119 = tpu.memref_slice %arg6[%add3A_117, %dma_wait3A_118] : memref<27x128xi32, #tpu.memory_space<vmem>> -> memref<1x128xi32, #tpu.memory_space<vmem>>
      %dma_wait3A_120 = tpu.memref_squeeze %dma_wait3A_119 : memref<1x128xi32, #tpu.memory_space<vmem>> -> memref<128xi32, #tpu.memory_space<vmem>>
      %dma_wait3A_121 = arith.constant 0 : i32
      %dma_wait3A_122 = arith.constant 0 : i32
      %dma_wait3A_123 = tpu.memref_slice %arg4[%dma_wait3A_121, %dma_wait3A_122] : memref<10240x128xf32, #tpu.memory_space<hbm>> -> memref<10240x128xf32, #tpu.memory_space<hbm>>
      tpu.wait_indirect_dma semaphore(%arg12 : memref<!tpu.dma_semaphore, #tpu.memory_space<semaphore_mem>>) src(%dma_wait3A_123 : memref<10240x128xf32, #tpu.memory_space<hbm>>) dst(%arg9 : memref<128x128xf32, #tpu.memory_space<vmem>>)
      %add3A_124 = arith.constant 1 : i32
      %add3A_125 = arith.addi %mul3A_96, %add3A_124 : i32
      "tpu.region"() ({
        %run_scoped3A = tpu.sem_alloc : memref<!tpu.dma_semaphore, #tpu.memory_space<semaphore_mem>>
        %dma_start3A_127 = arith.constant 0 : i32
        %dma_start3A_128 = tpu.memref_slice %arg7[%add3A_125, %dma_start3A_127] : memref<27x128xi32, #tpu.memory_space<vmem>> -> memref<1x128xi32, #tpu.memory_space<vmem>>
        %dma_start3A_129 = tpu.memref_squeeze %dma_start3A_128 : memref<1x128xi32, #tpu.memory_space<vmem>> -> memref<128xi32, #tpu.memory_space<vmem>>
        %dma_start3A_130 = arith.constant 0 : i32
        %dma_start3A_131 = arith.constant 0 : i32
        %dma_start3A_132 = tpu.memref_slice %arg10[%dma_start3A_130, %dma_start3A_131] : memref<10240x128xf32, #tpu.memory_space<vmem_shared>> -> memref<10240x128xf32, #tpu.memory_space<vmem_shared>>
        tpu.enqueue_indirect_dma source(%arg9 : memref<128x128xf32, #tpu.memory_space<vmem>>) target(%dma_start3A_132 : memref<10240x128xf32, #tpu.memory_space<vmem_shared>>) offsets(%dma_start3A_129 : memref<128xi32, #tpu.memory_space<vmem>>) semaphore(%run_scoped3A : memref<!tpu.dma_semaphore, #tpu.memory_space<semaphore_mem>>) {add = true}
        %dma_wait3A_133 = arith.constant 0 : i32
        %dma_wait3A_134 = tpu.memref_slice %arg7[%add3A_125, %dma_wait3A_133] : memref<27x128xi32, #tpu.memory_space<vmem>> -> memref<1x128xi32, #tpu.memory_space<vmem>>
        %dma_wait3A_135 = tpu.memref_squeeze %dma_wait3A_134 : memref<1x128xi32, #tpu.memory_space<vmem>> -> memref<128xi32, #tpu.memory_space<vmem>>
        %dma_wait3A_136 = arith.constant 0 : i32
        %dma_wait3A_137 = arith.constant 0 : i32
        %dma_wait3A_138 = tpu.memref_slice %arg10[%dma_wait3A_136, %dma_wait3A_137] : memref<10240x128xf32, #tpu.memory_space<vmem_shared>> -> memref<10240x128xf32, #tpu.memory_space<vmem_shared>>
        tpu.wait_indirect_dma semaphore(%run_scoped3A : memref<!tpu.dma_semaphore, #tpu.memory_space<semaphore_mem>>) src(%arg9 : memref<128x128xf32, #tpu.memory_space<vmem>>) dst(%dma_wait3A_138 : memref<10240x128xf32, #tpu.memory_space<vmem_shared>>)
        tpu.yield
      }) : () -> ()
      %scan3A_126 = arith.constant 0 : i32
      scf.yield %scan3A_126 : i32
    }
    %scan3A_82 = arith.constant 13 : i32
    %lt3A_83 = arith.constant 4 : i32
    %lt3A_84 = arith.cmpi slt, %add3A, %lt3A_83 : i32
    %convert_element_type3A_85 = arith.extui %lt3A_84 : i1 to i32
    %cond3A_86 = arith.constant 0 : i32
    %cond3A_87 = arith.cmpi ne, %convert_element_type3A_85, %cond3A_86 : i32
    scf.if %cond3A_87 {
      %dma_start3A_93 = arith.constant 26 : i32
      %dma_start3A_94 = arith.constant 0 : i32
      %dma_start3A_95 = tpu.memref_slice %arg6[%dma_start3A_93, %dma_start3A_94] : memref<27x128xi32, #tpu.memory_space<vmem>> -> memref<1x128xi32, #tpu.memory_space<vmem>>
      %dma_start3A_96 = tpu.memref_squeeze %dma_start3A_95 : memref<1x128xi32, #tpu.memory_space<vmem>> -> memref<128xi32, #tpu.memory_space<vmem>>
      %dma_start3A_97 = arith.constant 0 : i32
      %dma_start3A_98 = arith.constant 0 : i32
      %dma_start3A_99 = tpu.memref_slice %arg4[%dma_start3A_97, %dma_start3A_98] : memref<10240x128xf32, #tpu.memory_space<hbm>> -> memref<10240x128xf32, #tpu.memory_space<hbm>>
      tpu.enqueue_indirect_dma source(%dma_start3A_99 : memref<10240x128xf32, #tpu.memory_space<hbm>>) target(%arg8 : memref<128x128xf32, #tpu.memory_space<vmem>>) offsets(%dma_start3A_96 : memref<128xi32, #tpu.memory_space<vmem>>) semaphore(%arg11 : memref<!tpu.dma_semaphore, #tpu.memory_space<semaphore_mem>>)
      %dma_wait3A = arith.constant 26 : i32
      %dma_wait3A_100 = arith.constant 0 : i32
      %dma_wait3A_101 = tpu.memref_slice %arg6[%dma_wait3A, %dma_wait3A_100] : memref<27x128xi32, #tpu.memory_space<vmem>> -> memref<1x128xi32, #tpu.memory_space<vmem>>
      %dma_wait3A_102 = tpu.memref_squeeze %dma_wait3A_101 : memref<1x128xi32, #tpu.memory_space<vmem>> -> memref<128xi32, #tpu.memory_space<vmem>>
      %dma_wait3A_103 = arith.constant 0 : i32
      %dma_wait3A_104 = arith.constant 0 : i32
      %dma_wait3A_105 = tpu.memref_slice %arg4[%dma_wait3A_103, %dma_wait3A_104] : memref<10240x128xf32, #tpu.memory_space<hbm>> -> memref<10240x128xf32, #tpu.memory_space<hbm>>
      tpu.wait_indirect_dma semaphore(%arg11 : memref<!tpu.dma_semaphore, #tpu.memory_space<semaphore_mem>>) src(%dma_wait3A_105 : memref<10240x128xf32, #tpu.memory_space<hbm>>) dst(%arg8 : memref<128x128xf32, #tpu.memory_space<vmem>>)
      %run_scoped3A = arith.constant 26 : i32
      "tpu.region"() ({
        %run_scoped3A_106 = tpu.sem_alloc : memref<!tpu.dma_semaphore, #tpu.memory_space<semaphore_mem>>
        %dma_start3A_107 = arith.constant 0 : i32
        %dma_start3A_108 = tpu.memref_slice %arg7[%run_scoped3A, %dma_start3A_107] : memref<27x128xi32, #tpu.memory_space<vmem>> -> memref<1x128xi32, #tpu.memory_space<vmem>>
        %dma_start3A_109 = tpu.memref_squeeze %dma_start3A_108 : memref<1x128xi32, #tpu.memory_space<vmem>> -> memref<128xi32, #tpu.memory_space<vmem>>
        %dma_start3A_110 = arith.constant 0 : i32
        %dma_start3A_111 = arith.constant 0 : i32
        %dma_start3A_112 = tpu.memref_slice %arg10[%dma_start3A_110, %dma_start3A_111] : memref<10240x128xf32, #tpu.memory_space<vmem_shared>> -> memref<10240x128xf32, #tpu.memory_space<vmem_shared>>
        tpu.enqueue_indirect_dma source(%arg8 : memref<128x128xf32, #tpu.memory_space<vmem>>) target(%dma_start3A_112 : memref<10240x128xf32, #tpu.memory_space<vmem_shared>>) offsets(%dma_start3A_109 : memref<128xi32, #tpu.memory_space<vmem>>) semaphore(%run_scoped3A_106 : memref<!tpu.dma_semaphore, #tpu.memory_space<semaphore_mem>>) {add = true}
        %dma_wait3A_113 = arith.constant 0 : i32
        %dma_wait3A_114 = tpu.memref_slice %arg7[%run_scoped3A, %dma_wait3A_113] : memref<27x128xi32, #tpu.memory_space<vmem>> -> memref<1x128xi32, #tpu.memory_space<vmem>>
        %dma_wait3A_115 = tpu.memref_squeeze %dma_wait3A_114 : memref<1x128xi32, #tpu.memory_space<vmem>> -> memref<128xi32, #tpu.memory_space<vmem>>
        %dma_wait3A_116 = arith.constant 0 : i32
        %dma_wait3A_117 = arith.constant 0 : i32
        %dma_wait3A_118 = tpu.memref_slice %arg10[%dma_wait3A_116, %dma_wait3A_117] : memref<10240x128xf32, #tpu.memory_space<vmem_shared>> -> memref<10240x128xf32, #tpu.memory_space<vmem_shared>>
        tpu.wait_indirect_dma semaphore(%run_scoped3A_106 : memref<!tpu.dma_semaphore, #tpu.memory_space<semaphore_mem>>) src(%arg8 : memref<128x128xf32, #tpu.memory_space<vmem>>) dst(%dma_wait3A_118 : memref<10240x128xf32, #tpu.memory_space<vmem_shared>>)
        tpu.yield
      }) : () -> ()
    } else {
    }
    %barrier3A_88 = arith.constant 0 : index
    tpu.barrier barrier_id(%barrier3A_88)
    %mul3A_89 = arith.constant 640 : i32
    %mul3A_90 = arith.muli %arg1, %mul3A_89 : i32
    %mul3A_91 = arith.constant 640 : i32
    %mul3A_92 = arith.muli %arg1, %mul3A_91 : i32
    "tpu.region"() ({
      %run_scoped3A = tpu.sem_alloc : memref<!tpu.dma_semaphore, #tpu.memory_space<semaphore_mem>>
      %dma_start3A_93 = arith.constant 0 : i32
      %dma_start3A_94 = tpu.memref_slice %arg5[%arg0, %mul3A_92, %dma_start3A_93] : memref<2x10240x128xf32, #tpu.memory_space<hbm>> -> memref<1x640x128xf32, #tpu.memory_space<hbm>>
      %dma_start3A_95 = tpu.memref_squeeze %dma_start3A_94 : memref<1x640x128xf32, #tpu.memory_space<hbm>> -> memref<640x128xf32, #tpu.memory_space<hbm>>
      %dma_start3A_96 = arith.constant 0 : i32
      %dma_start3A_97 = tpu.memref_slice %arg10[%mul3A_90, %dma_start3A_96] : memref<10240x128xf32, #tpu.memory_space<vmem_shared>> -> memref<640x128xf32, #tpu.memory_space<vmem_shared>>
      tpu.enqueue_dma source(%dma_start3A_97 : memref<640x128xf32, #tpu.memory_space<vmem_shared>>) target(%dma_start3A_95 : memref<640x128xf32, #tpu.memory_space<hbm>>) target_semaphore(%run_scoped3A : memref<!tpu.dma_semaphore, #tpu.memory_space<semaphore_mem>>)
      %dma_wait3A = arith.constant 0 : i32
      %dma_wait3A_98 = tpu.memref_slice %arg5[%arg0, %mul3A_92, %dma_wait3A] : memref<2x10240x128xf32, #tpu.memory_space<hbm>> -> memref<1x640x128xf32, #tpu.memory_space<hbm>>
      %dma_wait3A_99 = tpu.memref_squeeze %dma_wait3A_98 : memref<1x640x128xf32, #tpu.memory_space<hbm>> -> memref<640x128xf32, #tpu.memory_space<hbm>>
      %dma_wait3A_100 = arith.constant 0 : i32
      %dma_wait3A_101 = tpu.memref_slice %arg10[%mul3A_90, %dma_wait3A_100] : memref<10240x128xf32, #tpu.memory_space<vmem_shared>> -> memref<640x128xf32, #tpu.memory_space<vmem_shared>>
      tpu.wait_dma2 semaphore(%run_scoped3A : memref<!tpu.dma_semaphore, #tpu.memory_space<semaphore_mem>>) src(%dma_wait3A_101 : memref<640x128xf32, #tpu.memory_space<vmem_shared>>) dst(%dma_wait3A_99 : memref<640x128xf32, #tpu.memory_space<hbm>>)
      tpu.yield
    }) : () -> ()
    return
  }
}

#map = affine_map<(d0, d1) -> (0, 0)>
#map1 = affine_map<(d0, d1) -> (0, 0, 0, 0)>
module attributes {stable_mosaic.version = 14 : i64} {
  func.func @_deg_kernel(%arg0: i32, %arg1: i32, %arg2: memref<2500x128xi32, #tpu.memory_space<hbm>>, %arg3: memref<2500x128xi32, #tpu.memory_space<hbm>>, %arg4: memref<2x2x10240x16xf32, #tpu.memory_space<hbm>>, %arg5: memref<79x128xi32, #tpu.memory_space<vmem>>, %arg6: memref<79x128xi32, #tpu.memory_space<vmem>>, %arg7: memref<128x16xf32, #tpu.memory_space<vmem>>, %arg8: memref<128x16xf32, #tpu.memory_space<vmem>>, %arg9: memref<10240x16xf32, #tpu.memory_space<vmem_shared>>, %arg10: memref<10240x16xf32, #tpu.memory_space<vmem_shared>>, %arg11: memref<!tpu.dma_semaphore, #tpu.memory_space<semaphore_mem>>, %arg12: memref<!tpu.dma_semaphore, #tpu.memory_space<semaphore_mem>>, %arg13: memref<!tpu.dma_semaphore, #tpu.memory_space<semaphore_mem>>, %arg14: memref<!tpu.dma_semaphore, #tpu.memory_space<semaphore_mem>>) attributes {dimension_semantics = [#tpu.dimension_semantics<core_parallel>, #tpu.dimension_semantics<subcore_parallel>], iteration_bounds = array<i64: 2, 16>, scalar_prefetch = 0 : i64, scratch_operands = 10 : i64, tpu.core_type = #tpu.core_type<sc_vector_subcore>, window_params = [{transform_indices = #map}, {transform_indices = #map}, {transform_indices = #map1}]} {
    %mul3A = arith.constant 16 : i32
    %mul3A_0 = arith.muli %arg0, %mul3A : i32
    %add3A = arith.addi %mul3A_0, %arg1 : i32
    %broadcast_in_dim3A = arith.constant 0.000000e+00 : f32
    %broadcast_in_dim3A_1 = vector.broadcast %broadcast_in_dim3A : f32 to vector<16xf32>
    %scan3A = arith.constant 0 : i32
    %scan3A_2 = arith.constant 0 : i32
    %scan3A_3 = arith.constant 128 : i32
    %scan3A_4 = arith.addi %scan3A_2, %scan3A_3 : i32
    %scan3A_5 = arith.constant 1 : i32
    %scan3A_6 = scf.for %scan3A_98 = %scan3A_2 to %scan3A_4 step %scan3A_5 iter_args(%scan3A_99 = %scan3A) -> (i32)  : i32 {
      %swap3A = arith.index_cast %scan3A_98 : i32 to index
      %swap3A_100 = arith.constant 0 : index
      %swap3A_101 = tpu.vector_load %arg8[%swap3A, %swap3A_100] {strides = array<i32>} : memref<128x16xf32, #tpu.memory_space<vmem>>, vector<1x16xf32>,
      %swap3A_102 = vector.shape_cast %swap3A_101 : vector<1x16xf32> to vector<16xf32>
      %swap3A_103 = vector.shape_cast %broadcast_in_dim3A_1 : vector<16xf32> to vector<1x16xf32>
      tpu.vector_store %arg8[%swap3A, %swap3A_100], %swap3A_103 {strides = array<i32>} : memref<128x16xf32, #tpu.memory_space<vmem>>, vector<1x16xf32>,
      %scan3A_104 = arith.constant 0 : i32
      scf.yield %scan3A_104 : i32
    }
    %scan3A_7 = arith.constant 128 : i32
    %broadcast_in_dim3A_8 = arith.constant 1.000000e+00 : f32
    %broadcast_in_dim3A_9 = vector.broadcast %broadcast_in_dim3A_8 : f32 to vector<16xf32>
    %scan3A_10 = arith.constant 0 : i32
    %scan3A_11 = arith.constant 0 : i32
    %scan3A_12 = arith.constant 128 : i32
    %scan3A_13 = arith.addi %scan3A_11, %scan3A_12 : i32
    %scan3A_14 = arith.constant 1 : i32
    %scan3A_15 = scf.for %scan3A_98 = %scan3A_11 to %scan3A_13 step %scan3A_14 iter_args(%scan3A_99 = %scan3A_10) -> (i32)  : i32 {
      %swap3A = arith.index_cast %scan3A_98 : i32 to index
      %swap3A_100 = arith.constant 0 : index
      %swap3A_101 = tpu.vector_load %arg7[%swap3A, %swap3A_100] {strides = array<i32>} : memref<128x16xf32, #tpu.memory_space<vmem>>, vector<1x16xf32>,
      %swap3A_102 = vector.shape_cast %swap3A_101 : vector<1x16xf32> to vector<16xf32>
      %swap3A_103 = vector.shape_cast %broadcast_in_dim3A_9 : vector<16xf32> to vector<1x16xf32>
      tpu.vector_store %arg7[%swap3A, %swap3A_100], %swap3A_103 {strides = array<i32>} : memref<128x16xf32, #tpu.memory_space<vmem>>, vector<1x16xf32>,
      %scan3A_104 = arith.constant 0 : i32
      scf.yield %scan3A_104 : i32
    }
    %scan3A_16 = arith.constant 128 : i32
    %mul3A_17 = arith.constant 640 : i32
    %mul3A_18 = arith.muli %arg1, %mul3A_17 : i32
    %add3A_19 = arith.constant 0 : i32
    %add3A_20 = arith.addi %mul3A_18, %add3A_19 : i32
    "tpu.region"() ({
      %run_scoped3A_98 = tpu.sem_alloc : memref<!tpu.dma_semaphore, #tpu.memory_space<semaphore_mem>>
      %dma_start3A_99 = arith.constant 0 : i32
      %dma_start3A_100 = tpu.memref_slice %arg9[%add3A_20, %dma_start3A_99] : memref<10240x16xf32, #tpu.memory_space<vmem_shared>> -> memref<128x16xf32, #tpu.memory_space<vmem_shared>>
      %dma_start3A_101 = arith.constant 0 : i32
      %dma_start3A_102 = tpu.memref_slice %arg9[%add3A_20, %dma_start3A_101] : memref<10240x16xf32, #tpu.memory_space<vmem_shared>> -> memref<128x16xf32, #tpu.memory_space<vmem_shared>>
      tpu.enqueue_dma source(%arg8 : memref<128x16xf32, #tpu.memory_space<vmem>>) target(%dma_start3A_102 : memref<128x16xf32, #tpu.memory_space<vmem_shared>>) target_semaphore(%run_scoped3A_98 : memref<!tpu.dma_semaphore, #tpu.memory_space<semaphore_mem>>)
      %dma_wait3A = arith.constant 0 : i32
      %dma_wait3A_103 = tpu.memref_slice %arg9[%add3A_20, %dma_wait3A] : memref<10240x16xf32, #tpu.memory_space<vmem_shared>> -> memref<128x16xf32, #tpu.memory_space<vmem_shared>>
      %dma_wait3A_104 = arith.constant 0 : i32
      %dma_wait3A_105 = tpu.memref_slice %arg9[%add3A_20, %dma_wait3A_104] : memref<10240x16xf32, #tpu.memory_space<vmem_shared>> -> memref<128x16xf32, #tpu.memory_space<vmem_shared>>
      tpu.wait_dma2 semaphore(%run_scoped3A_98 : memref<!tpu.dma_semaphore, #tpu.memory_space<semaphore_mem>>) src(%arg8 : memref<128x16xf32, #tpu.memory_space<vmem>>) dst(%dma_wait3A_105 : memref<128x16xf32, #tpu.memory_space<vmem_shared>>)
      tpu.yield
    }) : () -> ()
    %mul3A_21 = arith.constant 640 : i32
    %mul3A_22 = arith.muli %arg1, %mul3A_21 : i32
    %add3A_23 = arith.constant 0 : i32
    %add3A_24 = arith.addi %mul3A_22, %add3A_23 : i32
    "tpu.region"() ({
      %run_scoped3A_98 = tpu.sem_alloc : memref<!tpu.dma_semaphore, #tpu.memory_space<semaphore_mem>>
      %dma_start3A_99 = arith.constant 0 : i32
      %dma_start3A_100 = tpu.memref_slice %arg10[%add3A_24, %dma_start3A_99] : memref<10240x16xf32, #tpu.memory_space<vmem_shared>> -> memref<128x16xf32, #tpu.memory_space<vmem_shared>>
      %dma_start3A_101 = arith.constant 0 : i32
      %dma_start3A_102 = tpu.memref_slice %arg10[%add3A_24, %dma_start3A_101] : memref<10240x16xf32, #tpu.memory_space<vmem_shared>> -> memref<128x16xf32, #tpu.memory_space<vmem_shared>>
      tpu.enqueue_dma source(%arg8 : memref<128x16xf32, #tpu.memory_space<vmem>>) target(%dma_start3A_102 : memref<128x16xf32, #tpu.memory_space<vmem_shared>>) target_semaphore(%run_scoped3A_98 : memref<!tpu.dma_semaphore, #tpu.memory_space<semaphore_mem>>)
      %dma_wait3A = arith.constant 0 : i32
      %dma_wait3A_103 = tpu.memref_slice %arg10[%add3A_24, %dma_wait3A] : memref<10240x16xf32, #tpu.memory_space<vmem_shared>> -> memref<128x16xf32, #tpu.memory_space<vmem_shared>>
      %dma_wait3A_104 = arith.constant 0 : i32
      %dma_wait3A_105 = tpu.memref_slice %arg10[%add3A_24, %dma_wait3A_104] : memref<10240x16xf32, #tpu.memory_space<vmem_shared>> -> memref<128x16xf32, #tpu.memory_space<vmem_shared>>
      tpu.wait_dma2 semaphore(%run_scoped3A_98 : memref<!tpu.dma_semaphore, #tpu.memory_space<semaphore_mem>>) src(%arg8 : memref<128x16xf32, #tpu.memory_space<vmem>>) dst(%dma_wait3A_105 : memref<128x16xf32, #tpu.memory_space<vmem_shared>>)
      tpu.yield
    }) : () -> ()
    %mul3A_25 = arith.constant 640 : i32
    %mul3A_26 = arith.muli %arg1, %mul3A_25 : i32
    %add3A_27 = arith.constant 128 : i32
    %add3A_28 = arith.addi %mul3A_26, %add3A_27 : i32
    "tpu.region"() ({
      %run_scoped3A_98 = tpu.sem_alloc : memref<!tpu.dma_semaphore, #tpu.memory_space<semaphore_mem>>
      %dma_start3A_99 = arith.constant 0 : i32
      %dma_start3A_100 = tpu.memref_slice %arg9[%add3A_28, %dma_start3A_99] : memref<10240x16xf32, #tpu.memory_space<vmem_shared>> -> memref<128x16xf32, #tpu.memory_space<vmem_shared>>
      %dma_start3A_101 = arith.constant 0 : i32
      %dma_start3A_102 = tpu.memref_slice %arg9[%add3A_28, %dma_start3A_101] : memref<10240x16xf32, #tpu.memory_space<vmem_shared>> -> memref<128x16xf32, #tpu.memory_space<vmem_shared>>
      tpu.enqueue_dma source(%arg8 : memref<128x16xf32, #tpu.memory_space<vmem>>) target(%dma_start3A_102 : memref<128x16xf32, #tpu.memory_space<vmem_shared>>) target_semaphore(%run_scoped3A_98 : memref<!tpu.dma_semaphore, #tpu.memory_space<semaphore_mem>>)
      %dma_wait3A = arith.constant 0 : i32
      %dma_wait3A_103 = tpu.memref_slice %arg9[%add3A_28, %dma_wait3A] : memref<10240x16xf32, #tpu.memory_space<vmem_shared>> -> memref<128x16xf32, #tpu.memory_space<vmem_shared>>
      %dma_wait3A_104 = arith.constant 0 : i32
      %dma_wait3A_105 = tpu.memref_slice %arg9[%add3A_28, %dma_wait3A_104] : memref<10240x16xf32, #tpu.memory_space<vmem_shared>> -> memref<128x16xf32, #tpu.memory_space<vmem_shared>>
      tpu.wait_dma2 semaphore(%run_scoped3A_98 : memref<!tpu.dma_semaphore, #tpu.memory_space<semaphore_mem>>) src(%arg8 : memref<128x16xf32, #tpu.memory_space<vmem>>) dst(%dma_wait3A_105 : memref<128x16xf32, #tpu.memory_space<vmem_shared>>)
      tpu.yield
    }) : () -> ()
    %mul3A_29 = arith.constant 640 : i32
    %mul3A_30 = arith.muli %arg1, %mul3A_29 : i32
    %add3A_31 = arith.constant 128 : i32
    %add3A_32 = arith.addi %mul3A_30, %add3A_31 : i32
    "tpu.region"() ({
      %run_scoped3A_98 = tpu.sem_alloc : memref<!tpu.dma_semaphore, #tpu.memory_space<semaphore_mem>>
      %dma_start3A_99 = arith.constant 0 : i32
      %dma_start3A_100 = tpu.memref_slice %arg10[%add3A_32, %dma_start3A_99] : memref<10240x16xf32, #tpu.memory_space<vmem_shared>> -> memref<128x16xf32, #tpu.memory_space<vmem_shared>>
      %dma_start3A_101 = arith.constant 0 : i32
      %dma_start3A_102 = tpu.memref_slice %arg10[%add3A_32, %dma_start3A_101] : memref<10240x16xf32, #tpu.memory_space<vmem_shared>> -> memref<128x16xf32, #tpu.memory_space<vmem_shared>>
      tpu.enqueue_dma source(%arg8 : memref<128x16xf32, #tpu.memory_space<vmem>>) target(%dma_start3A_102 : memref<128x16xf32, #tpu.memory_space<vmem_shared>>) target_semaphore(%run_scoped3A_98 : memref<!tpu.dma_semaphore, #tpu.memory_space<semaphore_mem>>)
      %dma_wait3A = arith.constant 0 : i32
      %dma_wait3A_103 = tpu.memref_slice %arg10[%add3A_32, %dma_wait3A] : memref<10240x16xf32, #tpu.memory_space<vmem_shared>> -> memref<128x16xf32, #tpu.memory_space<vmem_shared>>
      %dma_wait3A_104 = arith.constant 0 : i32
      %dma_wait3A_105 = tpu.memref_slice %arg10[%add3A_32, %dma_wait3A_104] : memref<10240x16xf32, #tpu.memory_space<vmem_shared>> -> memref<128x16xf32, #tpu.memory_space<vmem_shared>>
      tpu.wait_dma2 semaphore(%run_scoped3A_98 : memref<!tpu.dma_semaphore, #tpu.memory_space<semaphore_mem>>) src(%arg8 : memref<128x16xf32, #tpu.memory_space<vmem>>) dst(%dma_wait3A_105 : memref<128x16xf32, #tpu.memory_space<vmem_shared>>)
      tpu.yield
    }) : () -> ()
    %mul3A_33 = arith.constant 640 : i32
    %mul3A_34 = arith.muli %arg1, %mul3A_33 : i32
    %add3A_35 = arith.constant 256 : i32
    %add3A_36 = arith.addi %mul3A_34, %add3A_35 : i32
    "tpu.region"() ({
      %run_scoped3A_98 = tpu.sem_alloc : memref<!tpu.dma_semaphore, #tpu.memory_space<semaphore_mem>>
      %dma_start3A_99 = arith.constant 0 : i32
      %dma_start3A_100 = tpu.memref_slice %arg9[%add3A_36, %dma_start3A_99] : memref<10240x16xf32, #tpu.memory_space<vmem_shared>> -> memref<128x16xf32, #tpu.memory_space<vmem_shared>>
      %dma_start3A_101 = arith.constant 0 : i32
      %dma_start3A_102 = tpu.memref_slice %arg9[%add3A_36, %dma_start3A_101] : memref<10240x16xf32, #tpu.memory_space<vmem_shared>> -> memref<128x16xf32, #tpu.memory_space<vmem_shared>>
      tpu.enqueue_dma source(%arg8 : memref<128x16xf32, #tpu.memory_space<vmem>>) target(%dma_start3A_102 : memref<128x16xf32, #tpu.memory_space<vmem_shared>>) target_semaphore(%run_scoped3A_98 : memref<!tpu.dma_semaphore, #tpu.memory_space<semaphore_mem>>)
      %dma_wait3A = arith.constant 0 : i32
      %dma_wait3A_103 = tpu.memref_slice %arg9[%add3A_36, %dma_wait3A] : memref<10240x16xf32, #tpu.memory_space<vmem_shared>> -> memref<128x16xf32, #tpu.memory_space<vmem_shared>>
      %dma_wait3A_104 = arith.constant 0 : i32
      %dma_wait3A_105 = tpu.memref_slice %arg9[%add3A_36, %dma_wait3A_104] : memref<10240x16xf32, #tpu.memory_space<vmem_shared>> -> memref<128x16xf32, #tpu.memory_space<vmem_shared>>
      tpu.wait_dma2 semaphore(%run_scoped3A_98 : memref<!tpu.dma_semaphore, #tpu.memory_space<semaphore_mem>>) src(%arg8 : memref<128x16xf32, #tpu.memory_space<vmem>>) dst(%dma_wait3A_105 : memref<128x16xf32, #tpu.memory_space<vmem_shared>>)
      tpu.yield
    }) : () -> ()
    %mul3A_37 = arith.constant 640 : i32
    %mul3A_38 = arith.muli %arg1, %mul3A_37 : i32
    %add3A_39 = arith.constant 256 : i32
    %add3A_40 = arith.addi %mul3A_38, %add3A_39 : i32
    "tpu.region"() ({
      %run_scoped3A_98 = tpu.sem_alloc : memref<!tpu.dma_semaphore, #tpu.memory_space<semaphore_mem>>
      %dma_start3A_99 = arith.constant 0 : i32
      %dma_start3A_100 = tpu.memref_slice %arg10[%add3A_40, %dma_start3A_99] : memref<10240x16xf32, #tpu.memory_space<vmem_shared>> -> memref<128x16xf32, #tpu.memory_space<vmem_shared>>
      %dma_start3A_101 = arith.constant 0 : i32
      %dma_start3A_102 = tpu.memref_slice %arg10[%add3A_40, %dma_start3A_101] : memref<10240x16xf32, #tpu.memory_space<vmem_shared>> -> memref<128x16xf32, #tpu.memory_space<vmem_shared>>
      tpu.enqueue_dma source(%arg8 : memref<128x16xf32, #tpu.memory_space<vmem>>) target(%dma_start3A_102 : memref<128x16xf32, #tpu.memory_space<vmem_shared>>) target_semaphore(%run_scoped3A_98 : memref<!tpu.dma_semaphore, #tpu.memory_space<semaphore_mem>>)
      %dma_wait3A = arith.constant 0 : i32
      %dma_wait3A_103 = tpu.memref_slice %arg10[%add3A_40, %dma_wait3A] : memref<10240x16xf32, #tpu.memory_space<vmem_shared>> -> memref<128x16xf32, #tpu.memory_space<vmem_shared>>
      %dma_wait3A_104 = arith.constant 0 : i32
      %dma_wait3A_105 = tpu.memref_slice %arg10[%add3A_40, %dma_wait3A_104] : memref<10240x16xf32, #tpu.memory_space<vmem_shared>> -> memref<128x16xf32, #tpu.memory_space<vmem_shared>>
      tpu.wait_dma2 semaphore(%run_scoped3A_98 : memref<!tpu.dma_semaphore, #tpu.memory_space<semaphore_mem>>) src(%arg8 : memref<128x16xf32, #tpu.memory_space<vmem>>) dst(%dma_wait3A_105 : memref<128x16xf32, #tpu.memory_space<vmem_shared>>)
      tpu.yield
    }) : () -> ()
    %mul3A_41 = arith.constant 640 : i32
    %mul3A_42 = arith.muli %arg1, %mul3A_41 : i32
    %add3A_43 = arith.constant 384 : i32
    %add3A_44 = arith.addi %mul3A_42, %add3A_43 : i32
    "tpu.region"() ({
      %run_scoped3A_98 = tpu.sem_alloc : memref<!tpu.dma_semaphore, #tpu.memory_space<semaphore_mem>>
      %dma_start3A_99 = arith.constant 0 : i32
      %dma_start3A_100 = tpu.memref_slice %arg9[%add3A_44, %dma_start3A_99] : memref<10240x16xf32, #tpu.memory_space<vmem_shared>> -> memref<128x16xf32, #tpu.memory_space<vmem_shared>>
      %dma_start3A_101 = arith.constant 0 : i32
      %dma_start3A_102 = tpu.memref_slice %arg9[%add3A_44, %dma_start3A_101] : memref<10240x16xf32, #tpu.memory_space<vmem_shared>> -> memref<128x16xf32, #tpu.memory_space<vmem_shared>>
      tpu.enqueue_dma source(%arg8 : memref<128x16xf32, #tpu.memory_space<vmem>>) target(%dma_start3A_102 : memref<128x16xf32, #tpu.memory_space<vmem_shared>>) target_semaphore(%run_scoped3A_98 : memref<!tpu.dma_semaphore, #tpu.memory_space<semaphore_mem>>)
      %dma_wait3A = arith.constant 0 : i32
      %dma_wait3A_103 = tpu.memref_slice %arg9[%add3A_44, %dma_wait3A] : memref<10240x16xf32, #tpu.memory_space<vmem_shared>> -> memref<128x16xf32, #tpu.memory_space<vmem_shared>>
      %dma_wait3A_104 = arith.constant 0 : i32
      %dma_wait3A_105 = tpu.memref_slice %arg9[%add3A_44, %dma_wait3A_104] : memref<10240x16xf32, #tpu.memory_space<vmem_shared>> -> memref<128x16xf32, #tpu.memory_space<vmem_shared>>
      tpu.wait_dma2 semaphore(%run_scoped3A_98 : memref<!tpu.dma_semaphore, #tpu.memory_space<semaphore_mem>>) src(%arg8 : memref<128x16xf32, #tpu.memory_space<vmem>>) dst(%dma_wait3A_105 : memref<128x16xf32, #tpu.memory_space<vmem_shared>>)
      tpu.yield
    }) : () -> ()
    %mul3A_45 = arith.constant 640 : i32
    %mul3A_46 = arith.muli %arg1, %mul3A_45 : i32
    %add3A_47 = arith.constant 384 : i32
    %add3A_48 = arith.addi %mul3A_46, %add3A_47 : i32
    "tpu.region"() ({
      %run_scoped3A_98 = tpu.sem_alloc : memref<!tpu.dma_semaphore, #tpu.memory_space<semaphore_mem>>
      %dma_start3A_99 = arith.constant 0 : i32
      %dma_start3A_100 = tpu.memref_slice %arg10[%add3A_48, %dma_start3A_99] : memref<10240x16xf32, #tpu.memory_space<vmem_shared>> -> memref<128x16xf32, #tpu.memory_space<vmem_shared>>
      %dma_start3A_101 = arith.constant 0 : i32
      %dma_start3A_102 = tpu.memref_slice %arg10[%add3A_48, %dma_start3A_101] : memref<10240x16xf32, #tpu.memory_space<vmem_shared>> -> memref<128x16xf32, #tpu.memory_space<vmem_shared>>
      tpu.enqueue_dma source(%arg8 : memref<128x16xf32, #tpu.memory_space<vmem>>) target(%dma_start3A_102 : memref<128x16xf32, #tpu.memory_space<vmem_shared>>) target_semaphore(%run_scoped3A_98 : memref<!tpu.dma_semaphore, #tpu.memory_space<semaphore_mem>>)
      %dma_wait3A = arith.constant 0 : i32
      %dma_wait3A_103 = tpu.memref_slice %arg10[%add3A_48, %dma_wait3A] : memref<10240x16xf32, #tpu.memory_space<vmem_shared>> -> memref<128x16xf32, #tpu.memory_space<vmem_shared>>
      %dma_wait3A_104 = arith.constant 0 : i32
      %dma_wait3A_105 = tpu.memref_slice %arg10[%add3A_48, %dma_wait3A_104] : memref<10240x16xf32, #tpu.memory_space<vmem_shared>> -> memref<128x16xf32, #tpu.memory_space<vmem_shared>>
      tpu.wait_dma2 semaphore(%run_scoped3A_98 : memref<!tpu.dma_semaphore, #tpu.memory_space<semaphore_mem>>) src(%arg8 : memref<128x16xf32, #tpu.memory_space<vmem>>) dst(%dma_wait3A_105 : memref<128x16xf32, #tpu.memory_space<vmem_shared>>)
      tpu.yield
    }) : () -> ()
    %mul3A_49 = arith.constant 640 : i32
    %mul3A_50 = arith.muli %arg1, %mul3A_49 : i32
    %add3A_51 = arith.constant 512 : i32
    %add3A_52 = arith.addi %mul3A_50, %add3A_51 : i32
    "tpu.region"() ({
      %run_scoped3A_98 = tpu.sem_alloc : memref<!tpu.dma_semaphore, #tpu.memory_space<semaphore_mem>>
      %dma_start3A_99 = arith.constant 0 : i32
      %dma_start3A_100 = tpu.memref_slice %arg9[%add3A_52, %dma_start3A_99] : memref<10240x16xf32, #tpu.memory_space<vmem_shared>> -> memref<128x16xf32, #tpu.memory_space<vmem_shared>>
      %dma_start3A_101 = arith.constant 0 : i32
      %dma_start3A_102 = tpu.memref_slice %arg9[%add3A_52, %dma_start3A_101] : memref<10240x16xf32, #tpu.memory_space<vmem_shared>> -> memref<128x16xf32, #tpu.memory_space<vmem_shared>>
      tpu.enqueue_dma source(%arg8 : memref<128x16xf32, #tpu.memory_space<vmem>>) target(%dma_start3A_102 : memref<128x16xf32, #tpu.memory_space<vmem_shared>>) target_semaphore(%run_scoped3A_98 : memref<!tpu.dma_semaphore, #tpu.memory_space<semaphore_mem>>)
      %dma_wait3A = arith.constant 0 : i32
      %dma_wait3A_103 = tpu.memref_slice %arg9[%add3A_52, %dma_wait3A] : memref<10240x16xf32, #tpu.memory_space<vmem_shared>> -> memref<128x16xf32, #tpu.memory_space<vmem_shared>>
      %dma_wait3A_104 = arith.constant 0 : i32
      %dma_wait3A_105 = tpu.memref_slice %arg9[%add3A_52, %dma_wait3A_104] : memref<10240x16xf32, #tpu.memory_space<vmem_shared>> -> memref<128x16xf32, #tpu.memory_space<vmem_shared>>
      tpu.wait_dma2 semaphore(%run_scoped3A_98 : memref<!tpu.dma_semaphore, #tpu.memory_space<semaphore_mem>>) src(%arg8 : memref<128x16xf32, #tpu.memory_space<vmem>>) dst(%dma_wait3A_105 : memref<128x16xf32, #tpu.memory_space<vmem_shared>>)
      tpu.yield
    }) : () -> ()
    %mul3A_53 = arith.constant 640 : i32
    %mul3A_54 = arith.muli %arg1, %mul3A_53 : i32
    %add3A_55 = arith.constant 512 : i32
    %add3A_56 = arith.addi %mul3A_54, %add3A_55 : i32
    "tpu.region"() ({
      %run_scoped3A_98 = tpu.sem_alloc : memref<!tpu.dma_semaphore, #tpu.memory_space<semaphore_mem>>
      %dma_start3A_99 = arith.constant 0 : i32
      %dma_start3A_100 = tpu.memref_slice %arg10[%add3A_56, %dma_start3A_99] : memref<10240x16xf32, #tpu.memory_space<vmem_shared>> -> memref<128x16xf32, #tpu.memory_space<vmem_shared>>
      %dma_start3A_101 = arith.constant 0 : i32
      %dma_start3A_102 = tpu.memref_slice %arg10[%add3A_56, %dma_start3A_101] : memref<10240x16xf32, #tpu.memory_space<vmem_shared>> -> memref<128x16xf32, #tpu.memory_space<vmem_shared>>
      tpu.enqueue_dma source(%arg8 : memref<128x16xf32, #tpu.memory_space<vmem>>) target(%dma_start3A_102 : memref<128x16xf32, #tpu.memory_space<vmem_shared>>) target_semaphore(%run_scoped3A_98 : memref<!tpu.dma_semaphore, #tpu.memory_space<semaphore_mem>>)
      %dma_wait3A = arith.constant 0 : i32
      %dma_wait3A_103 = tpu.memref_slice %arg10[%add3A_56, %dma_wait3A] : memref<10240x16xf32, #tpu.memory_space<vmem_shared>> -> memref<128x16xf32, #tpu.memory_space<vmem_shared>>
      %dma_wait3A_104 = arith.constant 0 : i32
      %dma_wait3A_105 = tpu.memref_slice %arg10[%add3A_56, %dma_wait3A_104] : memref<10240x16xf32, #tpu.memory_space<vmem_shared>> -> memref<128x16xf32, #tpu.memory_space<vmem_shared>>
      tpu.wait_dma2 semaphore(%run_scoped3A_98 : memref<!tpu.dma_semaphore, #tpu.memory_space<semaphore_mem>>) src(%arg8 : memref<128x16xf32, #tpu.memory_space<vmem>>) dst(%dma_wait3A_105 : memref<128x16xf32, #tpu.memory_space<vmem_shared>>)
      tpu.yield
    }) : () -> ()
    %barrier3A = arith.constant 0 : index
    tpu.barrier barrier_id(%barrier3A)
    %mul3A_57 = arith.constant 78 : i32
    %mul3A_58 = arith.muli %add3A, %mul3A_57 : i32
    "tpu.region"() ({
      %run_scoped3A_98 = tpu.sem_alloc : memref<!tpu.dma_semaphore, #tpu.memory_space<semaphore_mem>>
      %dma_start3A_99 = arith.constant 0 : i32
      %dma_start3A_100 = arith.constant 0 : i32
      %dma_start3A_101 = tpu.memref_slice %arg5[%dma_start3A_99, %dma_start3A_100] : memref<79x128xi32, #tpu.memory_space<vmem>> -> memref<78x128xi32, #tpu.memory_space<vmem>>
      %dma_start3A_102 = arith.constant 0 : i32
      %dma_start3A_103 = tpu.memref_slice %arg2[%mul3A_58, %dma_start3A_102] : memref<2500x128xi32, #tpu.memory_space<hbm>> -> memref<78x128xi32, #tpu.memory_space<hbm>>
      %dma_start3A_104 = arith.constant 0 : i32
      %dma_start3A_105 = arith.constant 0 : i32
      %dma_start3A_106 = tpu.memref_slice %arg5[%dma_start3A_104, %dma_start3A_105] : memref<79x128xi32, #tpu.memory_space<vmem>> -> memref<78x128xi32, #tpu.memory_space<vmem>>
      %dma_start3A_107 = arith.constant 0 : i32
      %dma_start3A_108 = tpu.memref_slice %arg2[%mul3A_58, %dma_start3A_107] : memref<2500x128xi32, #tpu.memory_space<hbm>> -> memref<78x128xi32, #tpu.memory_space<hbm>>
      tpu.enqueue_dma source(%dma_start3A_108 : memref<78x128xi32, #tpu.memory_space<hbm>>) target(%dma_start3A_106 : memref<78x128xi32, #tpu.memory_space<vmem>>) target_semaphore(%run_scoped3A_98 : memref<!tpu.dma_semaphore, #tpu.memory_space<semaphore_mem>>)
      %dma_wait3A = arith.constant 0 : i32
      %dma_wait3A_109 = arith.constant 0 : i32
      %dma_wait3A_110 = tpu.memref_slice %arg5[%dma_wait3A, %dma_wait3A_109] : memref<79x128xi32, #tpu.memory_space<vmem>> -> memref<78x128xi32, #tpu.memory_space<vmem>>
      %dma_wait3A_111 = arith.constant 0 : i32
      %dma_wait3A_112 = tpu.memref_slice %arg2[%mul3A_58, %dma_wait3A_111] : memref<2500x128xi32, #tpu.memory_space<hbm>> -> memref<78x128xi32, #tpu.memory_space<hbm>>
      %dma_wait3A_113 = arith.constant 0 : i32
      %dma_wait3A_114 = arith.constant 0 : i32
      %dma_wait3A_115 = tpu.memref_slice %arg5[%dma_wait3A_113, %dma_wait3A_114] : memref<79x128xi32, #tpu.memory_space<vmem>> -> memref<78x128xi32, #tpu.memory_space<vmem>>
      %dma_wait3A_116 = arith.constant 0 : i32
      %dma_wait3A_117 = tpu.memref_slice %arg2[%mul3A_58, %dma_wait3A_116] : memref<2500x128xi32, #tpu.memory_space<hbm>> -> memref<78x128xi32, #tpu.memory_space<hbm>>
      tpu.wait_dma2 semaphore(%run_scoped3A_98 : memref<!tpu.dma_semaphore, #tpu.memory_space<semaphore_mem>>) src(%dma_wait3A_117 : memref<78x128xi32, #tpu.memory_space<hbm>>) dst(%dma_wait3A_115 : memref<78x128xi32, #tpu.memory_space<vmem>>)
      tpu.yield
    }) : () -> ()
    %mul3A_59 = arith.constant 78 : i32
    %mul3A_60 = arith.muli %add3A, %mul3A_59 : i32
    "tpu.region"() ({
      %run_scoped3A_98 = tpu.sem_alloc : memref<!tpu.dma_semaphore, #tpu.memory_space<semaphore_mem>>
      %dma_start3A_99 = arith.constant 0 : i32
      %dma_start3A_100 = arith.constant 0 : i32
      %dma_start3A_101 = tpu.memref_slice %arg6[%dma_start3A_99, %dma_start3A_100] : memref<79x128xi32, #tpu.memory_space<vmem>> -> memref<78x128xi32, #tpu.memory_space<vmem>>
      %dma_start3A_102 = arith.constant 0 : i32
      %dma_start3A_103 = tpu.memref_slice %arg3[%mul3A_60, %dma_start3A_102] : memref<2500x128xi32, #tpu.memory_space<hbm>> -> memref<78x128xi32, #tpu.memory_space<hbm>>
      %dma_start3A_104 = arith.constant 0 : i32
      %dma_start3A_105 = arith.constant 0 : i32
      %dma_start3A_106 = tpu.memref_slice %arg6[%dma_start3A_104, %dma_start3A_105] : memref<79x128xi32, #tpu.memory_space<vmem>> -> memref<78x128xi32, #tpu.memory_space<vmem>>
      %dma_start3A_107 = arith.constant 0 : i32
      %dma_start3A_108 = tpu.memref_slice %arg3[%mul3A_60, %dma_start3A_107] : memref<2500x128xi32, #tpu.memory_space<hbm>> -> memref<78x128xi32, #tpu.memory_space<hbm>>
      tpu.enqueue_dma source(%dma_start3A_108 : memref<78x128xi32, #tpu.memory_space<hbm>>) target(%dma_start3A_106 : memref<78x128xi32, #tpu.memory_space<vmem>>) target_semaphore(%run_scoped3A_98 : memref<!tpu.dma_semaphore, #tpu.memory_space<semaphore_mem>>)
      %dma_wait3A = arith.constant 0 : i32
      %dma_wait3A_109 = arith.constant 0 : i32
      %dma_wait3A_110 = tpu.memref_slice %arg6[%dma_wait3A, %dma_wait3A_109] : memref<79x128xi32, #tpu.memory_space<vmem>> -> memref<78x128xi32, #tpu.memory_space<vmem>>
      %dma_wait3A_111 = arith.constant 0 : i32
      %dma_wait3A_112 = tpu.memref_slice %arg3[%mul3A_60, %dma_wait3A_111] : memref<2500x128xi32, #tpu.memory_space<hbm>> -> memref<78x128xi32, #tpu.memory_space<hbm>>
      %dma_wait3A_113 = arith.constant 0 : i32
      %dma_wait3A_114 = arith.constant 0 : i32
      %dma_wait3A_115 = tpu.memref_slice %arg6[%dma_wait3A_113, %dma_wait3A_114] : memref<79x128xi32, #tpu.memory_space<vmem>> -> memref<78x128xi32, #tpu.memory_space<vmem>>
      %dma_wait3A_116 = arith.constant 0 : i32
      %dma_wait3A_117 = tpu.memref_slice %arg3[%mul3A_60, %dma_wait3A_116] : memref<2500x128xi32, #tpu.memory_space<hbm>> -> memref<78x128xi32, #tpu.memory_space<hbm>>
      tpu.wait_dma2 semaphore(%run_scoped3A_98 : memref<!tpu.dma_semaphore, #tpu.memory_space<semaphore_mem>>) src(%dma_wait3A_117 : memref<78x128xi32, #tpu.memory_space<hbm>>) dst(%dma_wait3A_115 : memref<78x128xi32, #tpu.memory_space<vmem>>)
      tpu.yield
    }) : () -> ()
    %lt3A = arith.constant 4 : i32
    %lt3A_61 = arith.cmpi slt, %add3A, %lt3A : i32
    %convert_element_type3A = arith.extui %lt3A_61 : i1 to i32
    %cond3A = arith.constant 0 : i32
    %cond3A_62 = arith.cmpi ne, %convert_element_type3A, %cond3A : i32
    scf.if %cond3A_62 {
      %add3A_98 = arith.constant 2496 : i32
      %add3A_99 = arith.addi %add3A_98, %add3A : i32
      "tpu.region"() ({
        %run_scoped3A_102 = tpu.sem_alloc : memref<!tpu.dma_semaphore, #tpu.memory_space<semaphore_mem>>
        %dma_start3A_103 = arith.constant 78 : i32
        %dma_start3A_104 = arith.constant 0 : i32
        %dma_start3A_105 = tpu.memref_slice %arg5[%dma_start3A_103, %dma_start3A_104] : memref<79x128xi32, #tpu.memory_space<vmem>> -> memref<1x128xi32, #tpu.memory_space<vmem>>
        %dma_start3A_106 = arith.constant 0 : i32
        %dma_start3A_107 = tpu.memref_slice %arg2[%add3A_99, %dma_start3A_106] : memref<2500x128xi32, #tpu.memory_space<hbm>> -> memref<1x128xi32, #tpu.memory_space<hbm>>
        %dma_start3A_108 = arith.constant 78 : i32
        %dma_start3A_109 = arith.constant 0 : i32
        %dma_start3A_110 = tpu.memref_slice %arg5[%dma_start3A_108, %dma_start3A_109] : memref<79x128xi32, #tpu.memory_space<vmem>> -> memref<1x128xi32, #tpu.memory_space<vmem>>
        %dma_start3A_111 = arith.constant 0 : i32
        %dma_start3A_112 = tpu.memref_slice %arg2[%add3A_99, %dma_start3A_111] : memref<2500x128xi32, #tpu.memory_space<hbm>> -> memref<1x128xi32, #tpu.memory_space<hbm>>
        tpu.enqueue_dma source(%dma_start3A_112 : memref<1x128xi32, #tpu.memory_space<hbm>>) target(%dma_start3A_110 : memref<1x128xi32, #tpu.memory_space<vmem>>) target_semaphore(%run_scoped3A_102 : memref<!tpu.dma_semaphore, #tpu.memory_space<semaphore_mem>>)
        %dma_wait3A = arith.constant 78 : i32
        %dma_wait3A_113 = arith.constant 0 : i32
        %dma_wait3A_114 = tpu.memref_slice %arg5[%dma_wait3A, %dma_wait3A_113] : memref<79x128xi32, #tpu.memory_space<vmem>> -> memref<1x128xi32, #tpu.memory_space<vmem>>
        %dma_wait3A_115 = arith.constant 0 : i32
        %dma_wait3A_116 = tpu.memref_slice %arg2[%add3A_99, %dma_wait3A_115] : memref<2500x128xi32, #tpu.memory_space<hbm>> -> memref<1x128xi32, #tpu.memory_space<hbm>>
        %dma_wait3A_117 = arith.constant 78 : i32
        %dma_wait3A_118 = arith.constant 0 : i32
        %dma_wait3A_119 = tpu.memref_slice %arg5[%dma_wait3A_117, %dma_wait3A_118] : memref<79x128xi32, #tpu.memory_space<vmem>> -> memref<1x128xi32, #tpu.memory_space<vmem>>
        %dma_wait3A_120 = arith.constant 0 : i32
        %dma_wait3A_121 = tpu.memref_slice %arg2[%add3A_99, %dma_wait3A_120] : memref<2500x128xi32, #tpu.memory_space<hbm>> -> memref<1x128xi32, #tpu.memory_space<hbm>>
        tpu.wait_dma2 semaphore(%run_scoped3A_102 : memref<!tpu.dma_semaphore, #tpu.memory_space<semaphore_mem>>) src(%dma_wait3A_121 : memref<1x128xi32, #tpu.memory_space<hbm>>) dst(%dma_wait3A_119 : memref<1x128xi32, #tpu.memory_space<vmem>>)
        tpu.yield
      }) : () -> ()
      %add3A_100 = arith.constant 2496 : i32
      %add3A_101 = arith.addi %add3A_100, %add3A : i32
      "tpu.region"() ({
        %run_scoped3A_102 = tpu.sem_alloc : memref<!tpu.dma_semaphore, #tpu.memory_space<semaphore_mem>>
        %dma_start3A_103 = arith.constant 78 : i32
        %dma_start3A_104 = arith.constant 0 : i32
        %dma_start3A_105 = tpu.memref_slice %arg6[%dma_start3A_103, %dma_start3A_104] : memref<79x128xi32, #tpu.memory_space<vmem>> -> memref<1x128xi32, #tpu.memory_space<vmem>>
        %dma_start3A_106 = arith.constant 0 : i32
        %dma_start3A_107 = tpu.memref_slice %arg3[%add3A_101, %dma_start3A_106] : memref<2500x128xi32, #tpu.memory_space<hbm>> -> memref<1x128xi32, #tpu.memory_space<hbm>>
        %dma_start3A_108 = arith.constant 78 : i32
        %dma_start3A_109 = arith.constant 0 : i32
        %dma_start3A_110 = tpu.memref_slice %arg6[%dma_start3A_108, %dma_start3A_109] : memref<79x128xi32, #tpu.memory_space<vmem>> -> memref<1x128xi32, #tpu.memory_space<vmem>>
        %dma_start3A_111 = arith.constant 0 : i32
        %dma_start3A_112 = tpu.memref_slice %arg3[%add3A_101, %dma_start3A_111] : memref<2500x128xi32, #tpu.memory_space<hbm>> -> memref<1x128xi32, #tpu.memory_space<hbm>>
        tpu.enqueue_dma source(%dma_start3A_112 : memref<1x128xi32, #tpu.memory_space<hbm>>) target(%dma_start3A_110 : memref<1x128xi32, #tpu.memory_space<vmem>>) target_semaphore(%run_scoped3A_102 : memref<!tpu.dma_semaphore, #tpu.memory_space<semaphore_mem>>)
        %dma_wait3A = arith.constant 78 : i32
        %dma_wait3A_113 = arith.constant 0 : i32
        %dma_wait3A_114 = tpu.memref_slice %arg6[%dma_wait3A, %dma_wait3A_113] : memref<79x128xi32, #tpu.memory_space<vmem>> -> memref<1x128xi32, #tpu.memory_space<vmem>>
        %dma_wait3A_115 = arith.constant 0 : i32
        %dma_wait3A_116 = tpu.memref_slice %arg3[%add3A_101, %dma_wait3A_115] : memref<2500x128xi32, #tpu.memory_space<hbm>> -> memref<1x128xi32, #tpu.memory_space<hbm>>
        %dma_wait3A_117 = arith.constant 78 : i32
        %dma_wait3A_118 = arith.constant 0 : i32
        %dma_wait3A_119 = tpu.memref_slice %arg6[%dma_wait3A_117, %dma_wait3A_118] : memref<79x128xi32, #tpu.memory_space<vmem>> -> memref<1x128xi32, #tpu.memory_space<vmem>>
        %dma_wait3A_120 = arith.constant 0 : i32
        %dma_wait3A_121 = tpu.memref_slice %arg3[%add3A_101, %dma_wait3A_120] : memref<2500x128xi32, #tpu.memory_space<hbm>> -> memref<1x128xi32, #tpu.memory_space<hbm>>
        tpu.wait_dma2 semaphore(%run_scoped3A_102 : memref<!tpu.dma_semaphore, #tpu.memory_space<semaphore_mem>>) src(%dma_wait3A_121 : memref<1x128xi32, #tpu.memory_space<hbm>>) dst(%dma_wait3A_119 : memref<1x128xi32, #tpu.memory_space<vmem>>)
        tpu.yield
      }) : () -> ()
    } else {
    }
    %dma_start3A = arith.constant 0 : i32
    %dma_start3A_63 = arith.constant 0 : i32
    %dma_start3A_64 = tpu.memref_slice %arg5[%dma_start3A, %dma_start3A_63] : memref<79x128xi32, #tpu.memory_space<vmem>> -> memref<1x128xi32, #tpu.memory_space<vmem>>
    %dma_start3A_65 = tpu.memref_squeeze %dma_start3A_64 : memref<1x128xi32, #tpu.memory_space<vmem>> -> memref<128xi32, #tpu.memory_space<vmem>>
    %dma_start3A_66 = arith.constant 0 : i32
    %dma_start3A_67 = arith.constant 0 : i32
    %dma_start3A_68 = tpu.memref_slice %arg9[%dma_start3A_66, %dma_start3A_67] : memref<10240x16xf32, #tpu.memory_space<vmem_shared>> -> memref<10240x16xf32, #tpu.memory_space<vmem_shared>>
    tpu.enqueue_indirect_dma source(%arg7 : memref<128x16xf32, #tpu.memory_space<vmem>>) target(%dma_start3A_68 : memref<10240x16xf32, #tpu.memory_space<vmem_shared>>) offsets(%dma_start3A_65 : memref<128xi32, #tpu.memory_space<vmem>>) semaphore(%arg11 : memref<!tpu.dma_semaphore, #tpu.memory_space<semaphore_mem>>) {add = true}
    %dma_start3A_69 = arith.constant 0 : i32
    %dma_start3A_70 = arith.constant 0 : i32
    %dma_start3A_71 = tpu.memref_slice %arg6[%dma_start3A_69, %dma_start3A_70] : memref<79x128xi32, #tpu.memory_space<vmem>> -> memref<1x128xi32, #tpu.memory_space<vmem>>
    %dma_start3A_72 = tpu.memref_squeeze %dma_start3A_71 : memref<1x128xi32, #tpu.memory_space<vmem>> -> memref<128xi32, #tpu.memory_space<vmem>>
    %dma_start3A_73 = arith.constant 0 : i32
    %dma_start3A_74 = arith.constant 0 : i32
    %dma_start3A_75 = tpu.memref_slice %arg10[%dma_start3A_73, %dma_start3A_74] : memref<10240x16xf32, #tpu.memory_space<vmem_shared>> -> memref<10240x16xf32, #tpu.memory_space<vmem_shared>>
    tpu.enqueue_indirect_dma source(%arg7 : memref<128x16xf32, #tpu.memory_space<vmem>>) target(%dma_start3A_75 : memref<10240x16xf32, #tpu.memory_space<vmem_shared>>) offsets(%dma_start3A_72 : memref<128xi32, #tpu.memory_space<vmem>>) semaphore(%arg12 : memref<!tpu.dma_semaphore, #tpu.memory_space<semaphore_mem>>) {add = true}
    %scan3A_76 = arith.constant 0 : i32
    %scan3A_77 = arith.constant 0 : i32
    %scan3A_78 = arith.constant 39 : i32
    %scan3A_79 = arith.addi %scan3A_77, %scan3A_78 : i32
    %scan3A_80 = arith.constant 1 : i32
    %scan3A_81 = scf.for %scan3A_98 = %scan3A_77 to %scan3A_79 step %scan3A_80 iter_args(%scan3A_99 = %scan3A_76) -> (i32)  : i32 {
      %mul3A_100 = arith.constant 2 : i32
      %mul3A_101 = arith.muli %mul3A_100, %scan3A_98 : i32
      %add3A_102 = arith.constant 1 : i32
      %add3A_103 = arith.addi %mul3A_101, %add3A_102 : i32
      %dma_start3A_104 = arith.constant 0 : i32
      %dma_start3A_105 = tpu.memref_slice %arg5[%add3A_103, %dma_start3A_104] : memref<79x128xi32, #tpu.memory_space<vmem>> -> memref<1x128xi32, #tpu.memory_space<vmem>>
      %dma_start3A_106 = tpu.memref_squeeze %dma_start3A_105 : memref<1x128xi32, #tpu.memory_space<vmem>> -> memref<128xi32, #tpu.memory_space<vmem>>
      %dma_start3A_107 = arith.constant 0 : i32
      %dma_start3A_108 = arith.constant 0 : i32
      %dma_start3A_109 = tpu.memref_slice %arg9[%dma_start3A_107, %dma_start3A_108] : memref<10240x16xf32, #tpu.memory_space<vmem_shared>> -> memref<10240x16xf32, #tpu.memory_space<vmem_shared>>
      tpu.enqueue_indirect_dma source(%arg7 : memref<128x16xf32, #tpu.memory_space<vmem>>) target(%dma_start3A_109 : memref<10240x16xf32, #tpu.memory_space<vmem_shared>>) offsets(%dma_start3A_106 : memref<128xi32, #tpu.memory_space<vmem>>) semaphore(%arg13 : memref<!tpu.dma_semaphore, #tpu.memory_space<semaphore_mem>>) {add = true}
      %dma_start3A_110 = arith.constant 0 : i32
      %dma_start3A_111 = tpu.memref_slice %arg6[%add3A_103, %dma_start3A_110] : memref<79x128xi32, #tpu.memory_space<vmem>> -> memref<1x128xi32, #tpu.memory_space<vmem>>
      %dma_start3A_112 = tpu.memref_squeeze %dma_start3A_111 : memref<1x128xi32, #tpu.memory_space<vmem>> -> memref<128xi32, #tpu.memory_space<vmem>>
      %dma_start3A_113 = arith.constant 0 : i32
      %dma_start3A_114 = arith.constant 0 : i32
      %dma_start3A_115 = tpu.memref_slice %arg10[%dma_start3A_113, %dma_start3A_114] : memref<10240x16xf32, #tpu.memory_space<vmem_shared>> -> memref<10240x16xf32, #tpu.memory_space<vmem_shared>>
      tpu.enqueue_indirect_dma source(%arg7 : memref<128x16xf32, #tpu.memory_space<vmem>>) target(%dma_start3A_115 : memref<10240x16xf32, #tpu.memory_space<vmem_shared>>) offsets(%dma_start3A_112 : memref<128xi32, #tpu.memory_space<vmem>>) semaphore(%arg14 : memref<!tpu.dma_semaphore, #tpu.memory_space<semaphore_mem>>) {add = true}
      %dma_wait3A = arith.constant 0 : i32
      %dma_wait3A_116 = tpu.memref_slice %arg5[%mul3A_101, %dma_wait3A] : memref<79x128xi32, #tpu.memory_space<vmem>> -> memref<1x128xi32, #tpu.memory_space<vmem>>
      %dma_wait3A_117 = tpu.memref_squeeze %dma_wait3A_116 : memref<1x128xi32, #tpu.memory_space<vmem>> -> memref<128xi32, #tpu.memory_space<vmem>>
      %dma_wait3A_118 = arith.constant 0 : i32
      %dma_wait3A_119 = arith.constant 0 : i32
      %dma_wait3A_120 = tpu.memref_slice %arg9[%dma_wait3A_118, %dma_wait3A_119] : memref<10240x16xf32, #tpu.memory_space<vmem_shared>> -> memref<10240x16xf32, #tpu.memory_space<vmem_shared>>
      tpu.wait_indirect_dma semaphore(%arg11 : memref<!tpu.dma_semaphore, #tpu.memory_space<semaphore_mem>>) src(%arg7 : memref<128x16xf32, #tpu.memory_space<vmem>>) dst(%dma_wait3A_120 : memref<10240x16xf32, #tpu.memory_space<vmem_shared>>)
      %dma_wait3A_121 = arith.constant 0 : i32
      %dma_wait3A_122 = tpu.memref_slice %arg6[%mul3A_101, %dma_wait3A_121] : memref<79x128xi32, #tpu.memory_space<vmem>> -> memref<1x128xi32, #tpu.memory_space<vmem>>
      %dma_wait3A_123 = tpu.memref_squeeze %dma_wait3A_122 : memref<1x128xi32, #tpu.memory_space<vmem>> -> memref<128xi32, #tpu.memory_space<vmem>>
      %dma_wait3A_124 = arith.constant 0 : i32
      %dma_wait3A_125 = arith.constant 0 : i32
      %dma_wait3A_126 = tpu.memref_slice %arg10[%dma_wait3A_124, %dma_wait3A_125] : memref<10240x16xf32, #tpu.memory_space<vmem_shared>> -> memref<10240x16xf32, #tpu.memory_space<vmem_shared>>
      tpu.wait_indirect_dma semaphore(%arg12 : memref<!tpu.dma_semaphore, #tpu.memory_space<semaphore_mem>>) src(%arg7 : memref<128x16xf32, #tpu.memory_space<vmem>>) dst(%dma_wait3A_126 : memref<10240x16xf32, #tpu.memory_space<vmem_shared>>)
      %add3A_127 = arith.constant 2 : i32
      %add3A_128 = arith.addi %mul3A_101, %add3A_127 : i32
      %le3A = arith.constant 77 : i32
      %le3A_129 = arith.cmpi sle, %add3A_128, %le3A : i32
      %convert_element_type3A_130 = arith.extui %le3A_129 : i1 to i32
      %cond3A_131 = arith.constant 0 : i32
      %cond3A_132 = arith.cmpi ne, %convert_element_type3A_130, %cond3A_131 : i32
      scf.if %cond3A_132 {
        %add3A_148 = arith.constant 2 : i32
        %add3A_149 = arith.addi %mul3A_101, %add3A_148 : i32
        %dma_start3A_150 = arith.constant 0 : i32
        %dma_start3A_151 = tpu.memref_slice %arg5[%add3A_149, %dma_start3A_150] : memref<79x128xi32, #tpu.memory_space<vmem>> -> memref<1x128xi32, #tpu.memory_space<vmem>>
        %dma_start3A_152 = tpu.memref_squeeze %dma_start3A_151 : memref<1x128xi32, #tpu.memory_space<vmem>> -> memref<128xi32, #tpu.memory_space<vmem>>
        %dma_start3A_153 = arith.constant 0 : i32
        %dma_start3A_154 = arith.constant 0 : i32
        %dma_start3A_155 = tpu.memref_slice %arg9[%dma_start3A_153, %dma_start3A_154] : memref<10240x16xf32, #tpu.memory_space<vmem_shared>> -> memref<10240x16xf32, #tpu.memory_space<vmem_shared>>
        tpu.enqueue_indirect_dma source(%arg7 : memref<128x16xf32, #tpu.memory_space<vmem>>) target(%dma_start3A_155 : memref<10240x16xf32, #tpu.memory_space<vmem_shared>>) offsets(%dma_start3A_152 : memref<128xi32, #tpu.memory_space<vmem>>) semaphore(%arg11 : memref<!tpu.dma_semaphore, #tpu.memory_space<semaphore_mem>>) {add = true}
        %dma_start3A_156 = arith.constant 0 : i32
        %dma_start3A_157 = tpu.memref_slice %arg6[%add3A_149, %dma_start3A_156] : memref<79x128xi32, #tpu.memory_space<vmem>> -> memref<1x128xi32, #tpu.memory_space<vmem>>
        %dma_start3A_158 = tpu.memref_squeeze %dma_start3A_157 : memref<1x128xi32, #tpu.memory_space<vmem>> -> memref<128xi32, #tpu.memory_space<vmem>>
        %dma_start3A_159 = arith.constant 0 : i32
        %dma_start3A_160 = arith.constant 0 : i32
        %dma_start3A_161 = tpu.memref_slice %arg10[%dma_start3A_159, %dma_start3A_160] : memref<10240x16xf32, #tpu.memory_space<vmem_shared>> -> memref<10240x16xf32, #tpu.memory_space<vmem_shared>>
        tpu.enqueue_indirect_dma source(%arg7 : memref<128x16xf32, #tpu.memory_space<vmem>>) target(%dma_start3A_161 : memref<10240x16xf32, #tpu.memory_space<vmem_shared>>) offsets(%dma_start3A_158 : memref<128xi32, #tpu.memory_space<vmem>>) semaphore(%arg12 : memref<!tpu.dma_semaphore, #tpu.memory_space<semaphore_mem>>) {add = true}
      } else {
      }
      %add3A_133 = arith.constant 1 : i32
      %add3A_134 = arith.addi %mul3A_101, %add3A_133 : i32
      %dma_wait3A_135 = arith.constant 0 : i32
      %dma_wait3A_136 = tpu.memref_slice %arg5[%add3A_134, %dma_wait3A_135] : memref<79x128xi32, #tpu.memory_space<vmem>> -> memref<1x128xi32, #tpu.memory_space<vmem>>
      %dma_wait3A_137 = tpu.memref_squeeze %dma_wait3A_136 : memref<1x128xi32, #tpu.memory_space<vmem>> -> memref<128xi32, #tpu.memory_space<vmem>>
      %dma_wait3A_138 = arith.constant 0 : i32
      %dma_wait3A_139 = arith.constant 0 : i32
      %dma_wait3A_140 = tpu.memref_slice %arg9[%dma_wait3A_138, %dma_wait3A_139] : memref<10240x16xf32, #tpu.memory_space<vmem_shared>> -> memref<10240x16xf32, #tpu.memory_space<vmem_shared>>
      tpu.wait_indirect_dma semaphore(%arg13 : memref<!tpu.dma_semaphore, #tpu.memory_space<semaphore_mem>>) src(%arg7 : memref<128x16xf32, #tpu.memory_space<vmem>>) dst(%dma_wait3A_140 : memref<10240x16xf32, #tpu.memory_space<vmem_shared>>)
      %dma_wait3A_141 = arith.constant 0 : i32
      %dma_wait3A_142 = tpu.memref_slice %arg6[%add3A_134, %dma_wait3A_141] : memref<79x128xi32, #tpu.memory_space<vmem>> -> memref<1x128xi32, #tpu.memory_space<vmem>>
      %dma_wait3A_143 = tpu.memref_squeeze %dma_wait3A_142 : memref<1x128xi32, #tpu.memory_space<vmem>> -> memref<128xi32, #tpu.memory_space<vmem>>
      %dma_wait3A_144 = arith.constant 0 : i32
      %dma_wait3A_145 = arith.constant 0 : i32
      %dma_wait3A_146 = tpu.memref_slice %arg10[%dma_wait3A_144, %dma_wait3A_145] : memref<10240x16xf32, #tpu.memory_space<vmem_shared>> -> memref<10240x16xf32, #tpu.memory_space<vmem_shared>>
      tpu.wait_indirect_dma semaphore(%arg14 : memref<!tpu.dma_semaphore, #tpu.memory_space<semaphore_mem>>) src(%arg7 : memref<128x16xf32, #tpu.memory_space<vmem>>) dst(%dma_wait3A_146 : memref<10240x16xf32, #tpu.memory_space<vmem_shared>>)
      %scan3A_147 = arith.constant 0 : i32
      scf.yield %scan3A_147 : i32
    }
    %scan3A_82 = arith.constant 39 : i32
    %lt3A_83 = arith.constant 4 : i32
    %lt3A_84 = arith.cmpi slt, %add3A, %lt3A_83 : i32
    %convert_element_type3A_85 = arith.extui %lt3A_84 : i1 to i32
    %cond3A_86 = arith.constant 0 : i32
    %cond3A_87 = arith.cmpi ne, %convert_element_type3A_85, %cond3A_86 : i32
    scf.if %cond3A_87 {
      %run_scoped3A_98 = arith.constant 78 : i32
      "tpu.region"() ({
        %run_scoped3A_100 = tpu.sem_alloc : memref<!tpu.dma_semaphore, #tpu.memory_space<semaphore_mem>>
        %dma_start3A_101 = arith.constant 0 : i32
        %dma_start3A_102 = tpu.memref_slice %arg5[%run_scoped3A_98, %dma_start3A_101] : memref<79x128xi32, #tpu.memory_space<vmem>> -> memref<1x128xi32, #tpu.memory_space<vmem>>
        %dma_start3A_103 = tpu.memref_squeeze %dma_start3A_102 : memref<1x128xi32, #tpu.memory_space<vmem>> -> memref<128xi32, #tpu.memory_space<vmem>>
        %dma_start3A_104 = arith.constant 0 : i32
        %dma_start3A_105 = arith.constant 0 : i32
        %dma_start3A_106 = tpu.memref_slice %arg9[%dma_start3A_104, %dma_start3A_105] : memref<10240x16xf32, #tpu.memory_space<vmem_shared>> -> memref<10240x16xf32, #tpu.memory_space<vmem_shared>>
        tpu.enqueue_indirect_dma source(%arg7 : memref<128x16xf32, #tpu.memory_space<vmem>>) target(%dma_start3A_106 : memref<10240x16xf32, #tpu.memory_space<vmem_shared>>) offsets(%dma_start3A_103 : memref<128xi32, #tpu.memory_space<vmem>>) semaphore(%run_scoped3A_100 : memref<!tpu.dma_semaphore, #tpu.memory_space<semaphore_mem>>) {add = true}
        %dma_wait3A = arith.constant 0 : i32
        %dma_wait3A_107 = tpu.memref_slice %arg5[%run_scoped3A_98, %dma_wait3A] : memref<79x128xi32, #tpu.memory_space<vmem>> -> memref<1x128xi32, #tpu.memory_space<vmem>>
        %dma_wait3A_108 = tpu.memref_squeeze %dma_wait3A_107 : memref<1x128xi32, #tpu.memory_space<vmem>> -> memref<128xi32, #tpu.memory_space<vmem>>
        %dma_wait3A_109 = arith.constant 0 : i32
        %dma_wait3A_110 = arith.constant 0 : i32
        %dma_wait3A_111 = tpu.memref_slice %arg9[%dma_wait3A_109, %dma_wait3A_110] : memref<10240x16xf32, #tpu.memory_space<vmem_shared>> -> memref<10240x16xf32, #tpu.memory_space<vmem_shared>>
        tpu.wait_indirect_dma semaphore(%run_scoped3A_100 : memref<!tpu.dma_semaphore, #tpu.memory_space<semaphore_mem>>) src(%arg7 : memref<128x16xf32, #tpu.memory_space<vmem>>) dst(%dma_wait3A_111 : memref<10240x16xf32, #tpu.memory_space<vmem_shared>>)
        tpu.yield
      }) : () -> ()
      %run_scoped3A_99 = arith.constant 78 : i32
      "tpu.region"() ({
        %run_scoped3A_100 = tpu.sem_alloc : memref<!tpu.dma_semaphore, #tpu.memory_space<semaphore_mem>>
        %dma_start3A_101 = arith.constant 0 : i32
        %dma_start3A_102 = tpu.memref_slice %arg6[%run_scoped3A_99, %dma_start3A_101] : memref<79x128xi32, #tpu.memory_space<vmem>> -> memref<1x128xi32, #tpu.memory_space<vmem>>
        %dma_start3A_103 = tpu.memref_squeeze %dma_start3A_102 : memref<1x128xi32, #tpu.memory_space<vmem>> -> memref<128xi32, #tpu.memory_space<vmem>>
        %dma_start3A_104 = arith.constant 0 : i32
        %dma_start3A_105 = arith.constant 0 : i32
        %dma_start3A_106 = tpu.memref_slice %arg10[%dma_start3A_104, %dma_start3A_105] : memref<10240x16xf32, #tpu.memory_space<vmem_shared>> -> memref<10240x16xf32, #tpu.memory_space<vmem_shared>>
        tpu.enqueue_indirect_dma source(%arg7 : memref<128x16xf32, #tpu.memory_space<vmem>>) target(%dma_start3A_106 : memref<10240x16xf32, #tpu.memory_space<vmem_shared>>) offsets(%dma_start3A_103 : memref<128xi32, #tpu.memory_space<vmem>>) semaphore(%run_scoped3A_100 : memref<!tpu.dma_semaphore, #tpu.memory_space<semaphore_mem>>) {add = true}
        %dma_wait3A = arith.constant 0 : i32
        %dma_wait3A_107 = tpu.memref_slice %arg6[%run_scoped3A_99, %dma_wait3A] : memref<79x128xi32, #tpu.memory_space<vmem>> -> memref<1x128xi32, #tpu.memory_space<vmem>>
        %dma_wait3A_108 = tpu.memref_squeeze %dma_wait3A_107 : memref<1x128xi32, #tpu.memory_space<vmem>> -> memref<128xi32, #tpu.memory_space<vmem>>
        %dma_wait3A_109 = arith.constant 0 : i32
        %dma_wait3A_110 = arith.constant 0 : i32
        %dma_wait3A_111 = tpu.memref_slice %arg10[%dma_wait3A_109, %dma_wait3A_110] : memref<10240x16xf32, #tpu.memory_space<vmem_shared>> -> memref<10240x16xf32, #tpu.memory_space<vmem_shared>>
        tpu.wait_indirect_dma semaphore(%run_scoped3A_100 : memref<!tpu.dma_semaphore, #tpu.memory_space<semaphore_mem>>) src(%arg7 : memref<128x16xf32, #tpu.memory_space<vmem>>) dst(%dma_wait3A_111 : memref<10240x16xf32, #tpu.memory_space<vmem_shared>>)
        tpu.yield
      }) : () -> ()
    } else {
    }
    %barrier3A_88 = arith.constant 0 : index
    tpu.barrier barrier_id(%barrier3A_88)
    %mul3A_89 = arith.constant 640 : i32
    %mul3A_90 = arith.muli %arg1, %mul3A_89 : i32
    %mul3A_91 = arith.constant 640 : i32
    %mul3A_92 = arith.muli %arg1, %mul3A_91 : i32
    %run_scoped3A = arith.constant 0 : i32
    "tpu.region"() ({
      %run_scoped3A_98 = tpu.sem_alloc : memref<!tpu.dma_semaphore, #tpu.memory_space<semaphore_mem>>
      %dma_start3A_99 = arith.constant 0 : i32
      %dma_start3A_100 = tpu.memref_slice %arg4[%arg0, %run_scoped3A, %mul3A_92, %dma_start3A_99] : memref<2x2x10240x16xf32, #tpu.memory_space<hbm>> -> memref<1x1x640x16xf32, #tpu.memory_space<hbm>>
      %dma_start3A_101 = tpu.memref_squeeze %dma_start3A_100 : memref<1x1x640x16xf32, #tpu.memory_space<hbm>> -> memref<640x16xf32, #tpu.memory_space<hbm>>
      %dma_start3A_102 = arith.constant 0 : i32
      %dma_start3A_103 = tpu.memref_slice %arg9[%mul3A_90, %dma_start3A_102] : memref<10240x16xf32, #tpu.memory_space<vmem_shared>> -> memref<640x16xf32, #tpu.memory_space<vmem_shared>>
      tpu.enqueue_dma source(%dma_start3A_103 : memref<640x16xf32, #tpu.memory_space<vmem_shared>>) target(%dma_start3A_101 : memref<640x16xf32, #tpu.memory_space<hbm>>) target_semaphore(%run_scoped3A_98 : memref<!tpu.dma_semaphore, #tpu.memory_space<semaphore_mem>>)
      %dma_wait3A = arith.constant 0 : i32
      %dma_wait3A_104 = tpu.memref_slice %arg4[%arg0, %run_scoped3A, %mul3A_92, %dma_wait3A] : memref<2x2x10240x16xf32, #tpu.memory_space<hbm>> -> memref<1x1x640x16xf32, #tpu.memory_space<hbm>>
      %dma_wait3A_105 = tpu.memref_squeeze %dma_wait3A_104 : memref<1x1x640x16xf32, #tpu.memory_space<hbm>> -> memref<640x16xf32, #tpu.memory_space<hbm>>
      %dma_wait3A_106 = arith.constant 0 : i32
      %dma_wait3A_107 = tpu.memref_slice %arg9[%mul3A_90, %dma_wait3A_106] : memref<10240x16xf32, #tpu.memory_space<vmem_shared>> -> memref<640x16xf32, #tpu.memory_space<vmem_shared>>
      tpu.wait_dma2 semaphore(%run_scoped3A_98 : memref<!tpu.dma_semaphore, #tpu.memory_space<semaphore_mem>>) src(%dma_wait3A_107 : memref<640x16xf32, #tpu.memory_space<vmem_shared>>) dst(%dma_wait3A_105 : memref<640x16xf32, #tpu.memory_space<hbm>>)
      tpu.yield
    }) : () -> ()
    %mul3A_93 = arith.constant 640 : i32
    %mul3A_94 = arith.muli %arg1, %mul3A_93 : i32
    %mul3A_95 = arith.constant 640 : i32
    %mul3A_96 = arith.muli %arg1, %mul3A_95 : i32
    %run_scoped3A_97 = arith.constant 1 : i32
    "tpu.region"() ({
      %run_scoped3A_98 = tpu.sem_alloc : memref<!tpu.dma_semaphore, #tpu.memory_space<semaphore_mem>>
      %dma_start3A_99 = arith.constant 0 : i32
      %dma_start3A_100 = tpu.memref_slice %arg4[%arg0, %run_scoped3A_97, %mul3A_96, %dma_start3A_99] : memref<2x2x10240x16xf32, #tpu.memory_space<hbm>> -> memref<1x1x640x16xf32, #tpu.memory_space<hbm>>
      %dma_start3A_101 = tpu.memref_squeeze %dma_start3A_100 : memref<1x1x640x16xf32, #tpu.memory_space<hbm>> -> memref<640x16xf32, #tpu.memory_space<hbm>>
      %dma_start3A_102 = arith.constant 0 : i32
      %dma_start3A_103 = tpu.memref_slice %arg10[%mul3A_94, %dma_start3A_102] : memref<10240x16xf32, #tpu.memory_space<vmem_shared>> -> memref<640x16xf32, #tpu.memory_space<vmem_shared>>
      tpu.enqueue_dma source(%dma_start3A_103 : memref<640x16xf32, #tpu.memory_space<vmem_shared>>) target(%dma_start3A_101 : memref<640x16xf32, #tpu.memory_space<hbm>>) target_semaphore(%run_scoped3A_98 : memref<!tpu.dma_semaphore, #tpu.memory_space<semaphore_mem>>)
      %dma_wait3A = arith.constant 0 : i32
      %dma_wait3A_104 = tpu.memref_slice %arg4[%arg0, %run_scoped3A_97, %mul3A_96, %dma_wait3A] : memref<2x2x10240x16xf32, #tpu.memory_space<hbm>> -> memref<1x1x640x16xf32, #tpu.memory_space<hbm>>
      %dma_wait3A_105 = tpu.memref_squeeze %dma_wait3A_104 : memref<1x1x640x16xf32, #tpu.memory_space<hbm>> -> memref<640x16xf32, #tpu.memory_space<hbm>>
      %dma_wait3A_106 = arith.constant 0 : i32
      %dma_wait3A_107 = tpu.memref_slice %arg10[%mul3A_94, %dma_wait3A_106] : memref<10240x16xf32, #tpu.memory_space<vmem_shared>> -> memref<640x16xf32, #tpu.memory_space<vmem_shared>>
      tpu.wait_dma2 semaphore(%run_scoped3A_98 : memref<!tpu.dma_semaphore, #tpu.memory_space<semaphore_mem>>) src(%dma_wait3A_107 : memref<640x16xf32, #tpu.memory_space<vmem_shared>>) dst(%dma_wait3A_105 : memref<640x16xf32, #tpu.memory_space<hbm>>)
      tpu.yield
    }) : () -> ()
    return
  }
}

#map = affine_map<(d0, d1) -> (0, 0)>
module attributes {stable_mosaic.version = 14 : i64} {
  func.func @_score_kernel(%arg0: i32, %arg1: i32, %arg2: memref<2500x128xi32, #tpu.memory_space<hbm>>, %arg3: memref<2500x128xi32, #tpu.memory_space<hbm>>, %arg4: memref<10240x16xf32, #tpu.memory_space<hbm>>, %arg5: memref<10240x16xf32, #tpu.memory_space<hbm>>, %arg6: memref<320000x16xf32, #tpu.memory_space<hbm>>, %arg7: memref<79x128xi32, #tpu.memory_space<vmem>>, %arg8: memref<79x128xi32, #tpu.memory_space<vmem>>, %arg9: memref<128x16xf32, #tpu.memory_space<vmem>>, %arg10: memref<128x16xf32, #tpu.memory_space<vmem>>, %arg11: memref<128x16xf32, #tpu.memory_space<vmem>>, %arg12: memref<128x16xf32, #tpu.memory_space<vmem>>, %arg13: memref<10240x16xf32, #tpu.memory_space<vmem_shared>>, %arg14: memref<10240x16xf32, #tpu.memory_space<vmem_shared>>, %arg15: memref<!tpu.dma_semaphore, #tpu.memory_space<semaphore_mem>>, %arg16: memref<!tpu.dma_semaphore, #tpu.memory_space<semaphore_mem>>, %arg17: memref<!tpu.dma_semaphore, #tpu.memory_space<semaphore_mem>>, %arg18: memref<!tpu.dma_semaphore, #tpu.memory_space<semaphore_mem>>, %arg19: memref<!tpu.dma_semaphore, #tpu.memory_space<semaphore_mem>>, %arg20: memref<!tpu.dma_semaphore, #tpu.memory_space<semaphore_mem>>) attributes {dimension_semantics = [#tpu.dimension_semantics<core_parallel>, #tpu.dimension_semantics<subcore_parallel>], iteration_bounds = array<i64: 2, 16>, scalar_prefetch = 0 : i64, scratch_operands = 14 : i64, tpu.core_type = #tpu.core_type<sc_vector_subcore>, window_params = [{transform_indices = #map}, {transform_indices = #map}, {transform_indices = #map}, {transform_indices = #map}, {transform_indices = #map}]} {
    %mul3A = arith.constant 16 : i32
    %mul3A_0 = arith.muli %arg0, %mul3A : i32
    %add3A = arith.addi %mul3A_0, %arg1 : i32
    %mul3A_1 = arith.constant 640 : i32
    %mul3A_2 = arith.muli %arg1, %mul3A_1 : i32
    %mul3A_3 = arith.constant 640 : i32
    %mul3A_4 = arith.muli %arg1, %mul3A_3 : i32
    "tpu.region"() ({
      %run_scoped3A = tpu.sem_alloc : memref<!tpu.dma_semaphore, #tpu.memory_space<semaphore_mem>>
      %dma_start3A_72 = arith.constant 0 : i32
      %dma_start3A_73 = tpu.memref_slice %arg13[%mul3A_4, %dma_start3A_72] : memref<10240x16xf32, #tpu.memory_space<vmem_shared>> -> memref<640x16xf32, #tpu.memory_space<vmem_shared>>
      %dma_start3A_74 = arith.constant 0 : i32
      %dma_start3A_75 = tpu.memref_slice %arg4[%mul3A_2, %dma_start3A_74] : memref<10240x16xf32, #tpu.memory_space<hbm>> -> memref<640x16xf32, #tpu.memory_space<hbm>>
      tpu.enqueue_dma source(%dma_start3A_75 : memref<640x16xf32, #tpu.memory_space<hbm>>) target(%dma_start3A_73 : memref<640x16xf32, #tpu.memory_space<vmem_shared>>) target_semaphore(%run_scoped3A : memref<!tpu.dma_semaphore, #tpu.memory_space<semaphore_mem>>)
      %dma_wait3A_76 = arith.constant 0 : i32
      %dma_wait3A_77 = tpu.memref_slice %arg13[%mul3A_4, %dma_wait3A_76] : memref<10240x16xf32, #tpu.memory_space<vmem_shared>> -> memref<640x16xf32, #tpu.memory_space<vmem_shared>>
      %dma_wait3A_78 = arith.constant 0 : i32
      %dma_wait3A_79 = tpu.memref_slice %arg4[%mul3A_2, %dma_wait3A_78] : memref<10240x16xf32, #tpu.memory_space<hbm>> -> memref<640x16xf32, #tpu.memory_space<hbm>>
      tpu.wait_dma2 semaphore(%run_scoped3A : memref<!tpu.dma_semaphore, #tpu.memory_space<semaphore_mem>>) src(%dma_wait3A_79 : memref<640x16xf32, #tpu.memory_space<hbm>>) dst(%dma_wait3A_77 : memref<640x16xf32, #tpu.memory_space<vmem_shared>>)
      tpu.yield
    }) : () -> ()
    %mul3A_5 = arith.constant 640 : i32
    %mul3A_6 = arith.muli %arg1, %mul3A_5 : i32
    %mul3A_7 = arith.constant 640 : i32
    %mul3A_8 = arith.muli %arg1, %mul3A_7 : i32
    "tpu.region"() ({
      %run_scoped3A = tpu.sem_alloc : memref<!tpu.dma_semaphore, #tpu.memory_space<semaphore_mem>>
      %dma_start3A_72 = arith.constant 0 : i32
      %dma_start3A_73 = tpu.memref_slice %arg14[%mul3A_8, %dma_start3A_72] : memref<10240x16xf32, #tpu.memory_space<vmem_shared>> -> memref<640x16xf32, #tpu.memory_space<vmem_shared>>
      %dma_start3A_74 = arith.constant 0 : i32
      %dma_start3A_75 = tpu.memref_slice %arg5[%mul3A_6, %dma_start3A_74] : memref<10240x16xf32, #tpu.memory_space<hbm>> -> memref<640x16xf32, #tpu.memory_space<hbm>>
      tpu.enqueue_dma source(%dma_start3A_75 : memref<640x16xf32, #tpu.memory_space<hbm>>) target(%dma_start3A_73 : memref<640x16xf32, #tpu.memory_space<vmem_shared>>) target_semaphore(%run_scoped3A : memref<!tpu.dma_semaphore, #tpu.memory_space<semaphore_mem>>)
      %dma_wait3A_76 = arith.constant 0 : i32
      %dma_wait3A_77 = tpu.memref_slice %arg14[%mul3A_8, %dma_wait3A_76] : memref<10240x16xf32, #tpu.memory_space<vmem_shared>> -> memref<640x16xf32, #tpu.memory_space<vmem_shared>>
      %dma_wait3A_78 = arith.constant 0 : i32
      %dma_wait3A_79 = tpu.memref_slice %arg5[%mul3A_6, %dma_wait3A_78] : memref<10240x16xf32, #tpu.memory_space<hbm>> -> memref<640x16xf32, #tpu.memory_space<hbm>>
      tpu.wait_dma2 semaphore(%run_scoped3A : memref<!tpu.dma_semaphore, #tpu.memory_space<semaphore_mem>>) src(%dma_wait3A_79 : memref<640x16xf32, #tpu.memory_space<hbm>>) dst(%dma_wait3A_77 : memref<640x16xf32, #tpu.memory_space<vmem_shared>>)
      tpu.yield
    }) : () -> ()
    %barrier3A = arith.constant 0 : index
    tpu.barrier barrier_id(%barrier3A)
    %mul3A_9 = arith.constant 78 : i32
    %mul3A_10 = arith.muli %add3A, %mul3A_9 : i32
    "tpu.region"() ({
      %run_scoped3A = tpu.sem_alloc : memref<!tpu.dma_semaphore, #tpu.memory_space<semaphore_mem>>
      %dma_start3A_72 = arith.constant 0 : i32
      %dma_start3A_73 = arith.constant 0 : i32
      %dma_start3A_74 = tpu.memref_slice %arg7[%dma_start3A_72, %dma_start3A_73] : memref<79x128xi32, #tpu.memory_space<vmem>> -> memref<78x128xi32, #tpu.memory_space<vmem>>
      %dma_start3A_75 = arith.constant 0 : i32
      %dma_start3A_76 = tpu.memref_slice %arg2[%mul3A_10, %dma_start3A_75] : memref<2500x128xi32, #tpu.memory_space<hbm>> -> memref<78x128xi32, #tpu.memory_space<hbm>>
      %dma_start3A_77 = arith.constant 0 : i32
      %dma_start3A_78 = arith.constant 0 : i32
      %dma_start3A_79 = tpu.memref_slice %arg7[%dma_start3A_77, %dma_start3A_78] : memref<79x128xi32, #tpu.memory_space<vmem>> -> memref<78x128xi32, #tpu.memory_space<vmem>>
      %dma_start3A_80 = arith.constant 0 : i32
      %dma_start3A_81 = tpu.memref_slice %arg2[%mul3A_10, %dma_start3A_80] : memref<2500x128xi32, #tpu.memory_space<hbm>> -> memref<78x128xi32, #tpu.memory_space<hbm>>
      tpu.enqueue_dma source(%dma_start3A_81 : memref<78x128xi32, #tpu.memory_space<hbm>>) target(%dma_start3A_79 : memref<78x128xi32, #tpu.memory_space<vmem>>) target_semaphore(%run_scoped3A : memref<!tpu.dma_semaphore, #tpu.memory_space<semaphore_mem>>)
      %dma_wait3A_82 = arith.constant 0 : i32
      %dma_wait3A_83 = arith.constant 0 : i32
      %dma_wait3A_84 = tpu.memref_slice %arg7[%dma_wait3A_82, %dma_wait3A_83] : memref<79x128xi32, #tpu.memory_space<vmem>> -> memref<78x128xi32, #tpu.memory_space<vmem>>
      %dma_wait3A_85 = arith.constant 0 : i32
      %dma_wait3A_86 = tpu.memref_slice %arg2[%mul3A_10, %dma_wait3A_85] : memref<2500x128xi32, #tpu.memory_space<hbm>> -> memref<78x128xi32, #tpu.memory_space<hbm>>
      %dma_wait3A_87 = arith.constant 0 : i32
      %dma_wait3A_88 = arith.constant 0 : i32
      %dma_wait3A_89 = tpu.memref_slice %arg7[%dma_wait3A_87, %dma_wait3A_88] : memref<79x128xi32, #tpu.memory_space<vmem>> -> memref<78x128xi32, #tpu.memory_space<vmem>>
      %dma_wait3A_90 = arith.constant 0 : i32
      %dma_wait3A_91 = tpu.memref_slice %arg2[%mul3A_10, %dma_wait3A_90] : memref<2500x128xi32, #tpu.memory_space<hbm>> -> memref<78x128xi32, #tpu.memory_space<hbm>>
      tpu.wait_dma2 semaphore(%run_scoped3A : memref<!tpu.dma_semaphore, #tpu.memory_space<semaphore_mem>>) src(%dma_wait3A_91 : memref<78x128xi32, #tpu.memory_space<hbm>>) dst(%dma_wait3A_89 : memref<78x128xi32, #tpu.memory_space<vmem>>)
      tpu.yield
    }) : () -> ()
    %mul3A_11 = arith.constant 78 : i32
    %mul3A_12 = arith.muli %add3A, %mul3A_11 : i32
    "tpu.region"() ({
      %run_scoped3A = tpu.sem_alloc : memref<!tpu.dma_semaphore, #tpu.memory_space<semaphore_mem>>
      %dma_start3A_72 = arith.constant 0 : i32
      %dma_start3A_73 = arith.constant 0 : i32
      %dma_start3A_74 = tpu.memref_slice %arg8[%dma_start3A_72, %dma_start3A_73] : memref<79x128xi32, #tpu.memory_space<vmem>> -> memref<78x128xi32, #tpu.memory_space<vmem>>
      %dma_start3A_75 = arith.constant 0 : i32
      %dma_start3A_76 = tpu.memref_slice %arg3[%mul3A_12, %dma_start3A_75] : memref<2500x128xi32, #tpu.memory_space<hbm>> -> memref<78x128xi32, #tpu.memory_space<hbm>>
      %dma_start3A_77 = arith.constant 0 : i32
      %dma_start3A_78 = arith.constant 0 : i32
      %dma_start3A_79 = tpu.memref_slice %arg8[%dma_start3A_77, %dma_start3A_78] : memref<79x128xi32, #tpu.memory_space<vmem>> -> memref<78x128xi32, #tpu.memory_space<vmem>>
      %dma_start3A_80 = arith.constant 0 : i32
      %dma_start3A_81 = tpu.memref_slice %arg3[%mul3A_12, %dma_start3A_80] : memref<2500x128xi32, #tpu.memory_space<hbm>> -> memref<78x128xi32, #tpu.memory_space<hbm>>
      tpu.enqueue_dma source(%dma_start3A_81 : memref<78x128xi32, #tpu.memory_space<hbm>>) target(%dma_start3A_79 : memref<78x128xi32, #tpu.memory_space<vmem>>) target_semaphore(%run_scoped3A : memref<!tpu.dma_semaphore, #tpu.memory_space<semaphore_mem>>)
      %dma_wait3A_82 = arith.constant 0 : i32
      %dma_wait3A_83 = arith.constant 0 : i32
      %dma_wait3A_84 = tpu.memref_slice %arg8[%dma_wait3A_82, %dma_wait3A_83] : memref<79x128xi32, #tpu.memory_space<vmem>> -> memref<78x128xi32, #tpu.memory_space<vmem>>
      %dma_wait3A_85 = arith.constant 0 : i32
      %dma_wait3A_86 = tpu.memref_slice %arg3[%mul3A_12, %dma_wait3A_85] : memref<2500x128xi32, #tpu.memory_space<hbm>> -> memref<78x128xi32, #tpu.memory_space<hbm>>
      %dma_wait3A_87 = arith.constant 0 : i32
      %dma_wait3A_88 = arith.constant 0 : i32
      %dma_wait3A_89 = tpu.memref_slice %arg8[%dma_wait3A_87, %dma_wait3A_88] : memref<79x128xi32, #tpu.memory_space<vmem>> -> memref<78x128xi32, #tpu.memory_space<vmem>>
      %dma_wait3A_90 = arith.constant 0 : i32
      %dma_wait3A_91 = tpu.memref_slice %arg3[%mul3A_12, %dma_wait3A_90] : memref<2500x128xi32, #tpu.memory_space<hbm>> -> memref<78x128xi32, #tpu.memory_space<hbm>>
      tpu.wait_dma2 semaphore(%run_scoped3A : memref<!tpu.dma_semaphore, #tpu.memory_space<semaphore_mem>>) src(%dma_wait3A_91 : memref<78x128xi32, #tpu.memory_space<hbm>>) dst(%dma_wait3A_89 : memref<78x128xi32, #tpu.memory_space<vmem>>)
      tpu.yield
    }) : () -> ()
    %lt3A = arith.constant 4 : i32
    %lt3A_13 = arith.cmpi slt, %add3A, %lt3A : i32
    %convert_element_type3A = arith.extui %lt3A_13 : i1 to i32
    %cond3A = arith.constant 0 : i32
    %cond3A_14 = arith.cmpi ne, %convert_element_type3A, %cond3A : i32
    scf.if %cond3A_14 {
      %add3A_72 = arith.constant 2496 : i32
      %add3A_73 = arith.addi %add3A_72, %add3A : i32
      "tpu.region"() ({
        %run_scoped3A = tpu.sem_alloc : memref<!tpu.dma_semaphore, #tpu.memory_space<semaphore_mem>>
        %dma_start3A_76 = arith.constant 78 : i32
        %dma_start3A_77 = arith.constant 0 : i32
        %dma_start3A_78 = tpu.memref_slice %arg7[%dma_start3A_76, %dma_start3A_77] : memref<79x128xi32, #tpu.memory_space<vmem>> -> memref<1x128xi32, #tpu.memory_space<vmem>>
        %dma_start3A_79 = arith.constant 0 : i32
        %dma_start3A_80 = tpu.memref_slice %arg2[%add3A_73, %dma_start3A_79] : memref<2500x128xi32, #tpu.memory_space<hbm>> -> memref<1x128xi32, #tpu.memory_space<hbm>>
        %dma_start3A_81 = arith.constant 78 : i32
        %dma_start3A_82 = arith.constant 0 : i32
        %dma_start3A_83 = tpu.memref_slice %arg7[%dma_start3A_81, %dma_start3A_82] : memref<79x128xi32, #tpu.memory_space<vmem>> -> memref<1x128xi32, #tpu.memory_space<vmem>>
        %dma_start3A_84 = arith.constant 0 : i32
        %dma_start3A_85 = tpu.memref_slice %arg2[%add3A_73, %dma_start3A_84] : memref<2500x128xi32, #tpu.memory_space<hbm>> -> memref<1x128xi32, #tpu.memory_space<hbm>>
        tpu.enqueue_dma source(%dma_start3A_85 : memref<1x128xi32, #tpu.memory_space<hbm>>) target(%dma_start3A_83 : memref<1x128xi32, #tpu.memory_space<vmem>>) target_semaphore(%run_scoped3A : memref<!tpu.dma_semaphore, #tpu.memory_space<semaphore_mem>>)
        %dma_wait3A_86 = arith.constant 78 : i32
        %dma_wait3A_87 = arith.constant 0 : i32
        %dma_wait3A_88 = tpu.memref_slice %arg7[%dma_wait3A_86, %dma_wait3A_87] : memref<79x128xi32, #tpu.memory_space<vmem>> -> memref<1x128xi32, #tpu.memory_space<vmem>>
        %dma_wait3A_89 = arith.constant 0 : i32
        %dma_wait3A_90 = tpu.memref_slice %arg2[%add3A_73, %dma_wait3A_89] : memref<2500x128xi32, #tpu.memory_space<hbm>> -> memref<1x128xi32, #tpu.memory_space<hbm>>
        %dma_wait3A_91 = arith.constant 78 : i32
        %dma_wait3A_92 = arith.constant 0 : i32
        %dma_wait3A_93 = tpu.memref_slice %arg7[%dma_wait3A_91, %dma_wait3A_92] : memref<79x128xi32, #tpu.memory_space<vmem>> -> memref<1x128xi32, #tpu.memory_space<vmem>>
        %dma_wait3A_94 = arith.constant 0 : i32
        %dma_wait3A_95 = tpu.memref_slice %arg2[%add3A_73, %dma_wait3A_94] : memref<2500x128xi32, #tpu.memory_space<hbm>> -> memref<1x128xi32, #tpu.memory_space<hbm>>
        tpu.wait_dma2 semaphore(%run_scoped3A : memref<!tpu.dma_semaphore, #tpu.memory_space<semaphore_mem>>) src(%dma_wait3A_95 : memref<1x128xi32, #tpu.memory_space<hbm>>) dst(%dma_wait3A_93 : memref<1x128xi32, #tpu.memory_space<vmem>>)
        tpu.yield
      }) : () -> ()
      %add3A_74 = arith.constant 2496 : i32
      %add3A_75 = arith.addi %add3A_74, %add3A : i32
      "tpu.region"() ({
        %run_scoped3A = tpu.sem_alloc : memref<!tpu.dma_semaphore, #tpu.memory_space<semaphore_mem>>
        %dma_start3A_76 = arith.constant 78 : i32
        %dma_start3A_77 = arith.constant 0 : i32
        %dma_start3A_78 = tpu.memref_slice %arg8[%dma_start3A_76, %dma_start3A_77] : memref<79x128xi32, #tpu.memory_space<vmem>> -> memref<1x128xi32, #tpu.memory_space<vmem>>
        %dma_start3A_79 = arith.constant 0 : i32
        %dma_start3A_80 = tpu.memref_slice %arg3[%add3A_75, %dma_start3A_79] : memref<2500x128xi32, #tpu.memory_space<hbm>> -> memref<1x128xi32, #tpu.memory_space<hbm>>
        %dma_start3A_81 = arith.constant 78 : i32
        %dma_start3A_82 = arith.constant 0 : i32
        %dma_start3A_83 = tpu.memref_slice %arg8[%dma_start3A_81, %dma_start3A_82] : memref<79x128xi32, #tpu.memory_space<vmem>> -> memref<1x128xi32, #tpu.memory_space<vmem>>
        %dma_start3A_84 = arith.constant 0 : i32
        %dma_start3A_85 = tpu.memref_slice %arg3[%add3A_75, %dma_start3A_84] : memref<2500x128xi32, #tpu.memory_space<hbm>> -> memref<1x128xi32, #tpu.memory_space<hbm>>
        tpu.enqueue_dma source(%dma_start3A_85 : memref<1x128xi32, #tpu.memory_space<hbm>>) target(%dma_start3A_83 : memref<1x128xi32, #tpu.memory_space<vmem>>) target_semaphore(%run_scoped3A : memref<!tpu.dma_semaphore, #tpu.memory_space<semaphore_mem>>)
        %dma_wait3A_86 = arith.constant 78 : i32
        %dma_wait3A_87 = arith.constant 0 : i32
        %dma_wait3A_88 = tpu.memref_slice %arg8[%dma_wait3A_86, %dma_wait3A_87] : memref<79x128xi32, #tpu.memory_space<vmem>> -> memref<1x128xi32, #tpu.memory_space<vmem>>
        %dma_wait3A_89 = arith.constant 0 : i32
        %dma_wait3A_90 = tpu.memref_slice %arg3[%add3A_75, %dma_wait3A_89] : memref<2500x128xi32, #tpu.memory_space<hbm>> -> memref<1x128xi32, #tpu.memory_space<hbm>>
        %dma_wait3A_91 = arith.constant 78 : i32
        %dma_wait3A_92 = arith.constant 0 : i32
        %dma_wait3A_93 = tpu.memref_slice %arg8[%dma_wait3A_91, %dma_wait3A_92] : memref<79x128xi32, #tpu.memory_space<vmem>> -> memref<1x128xi32, #tpu.memory_space<vmem>>
        %dma_wait3A_94 = arith.constant 0 : i32
        %dma_wait3A_95 = tpu.memref_slice %arg3[%add3A_75, %dma_wait3A_94] : memref<2500x128xi32, #tpu.memory_space<hbm>> -> memref<1x128xi32, #tpu.memory_space<hbm>>
        tpu.wait_dma2 semaphore(%run_scoped3A : memref<!tpu.dma_semaphore, #tpu.memory_space<semaphore_mem>>) src(%dma_wait3A_95 : memref<1x128xi32, #tpu.memory_space<hbm>>) dst(%dma_wait3A_93 : memref<1x128xi32, #tpu.memory_space<vmem>>)
        tpu.yield
      }) : () -> ()
    } else {
    }
    %dma_start3A = arith.constant 0 : i32
    %dma_start3A_15 = arith.constant 0 : i32
    %dma_start3A_16 = tpu.memref_slice %arg7[%dma_start3A, %dma_start3A_15] : memref<79x128xi32, #tpu.memory_space<vmem>> -> memref<1x128xi32, #tpu.memory_space<vmem>>
    %dma_start3A_17 = tpu.memref_squeeze %dma_start3A_16 : memref<1x128xi32, #tpu.memory_space<vmem>> -> memref<128xi32, #tpu.memory_space<vmem>>
    %dma_start3A_18 = arith.constant 0 : i32
    %dma_start3A_19 = arith.constant 0 : i32
    %dma_start3A_20 = tpu.memref_slice %arg13[%dma_start3A_18, %dma_start3A_19] : memref<10240x16xf32, #tpu.memory_space<vmem_shared>> -> memref<10240x16xf32, #tpu.memory_space<vmem_shared>>
    tpu.enqueue_indirect_dma source(%dma_start3A_20 : memref<10240x16xf32, #tpu.memory_space<vmem_shared>>) target(%arg9 : memref<128x16xf32, #tpu.memory_space<vmem>>) offsets(%dma_start3A_17 : memref<128xi32, #tpu.memory_space<vmem>>) semaphore(%arg15 : memref<!tpu.dma_semaphore, #tpu.memory_space<semaphore_mem>>)
    %dma_start3A_21 = arith.constant 0 : i32
    %dma_start3A_22 = arith.constant 0 : i32
    %dma_start3A_23 = tpu.memref_slice %arg8[%dma_start3A_21, %dma_start3A_22] : memref<79x128xi32, #tpu.memory_space<vmem>> -> memref<1x128xi32, #tpu.memory_space<vmem>>
    %dma_start3A_24 = tpu.memref_squeeze %dma_start3A_23 : memref<1x128xi32, #tpu.memory_space<vmem>> -> memref<128xi32, #tpu.memory_space<vmem>>
    %dma_start3A_25 = arith.constant 0 : i32
    %dma_start3A_26 = arith.constant 0 : i32
    %dma_start3A_27 = tpu.memref_slice %arg14[%dma_start3A_25, %dma_start3A_26] : memref<10240x16xf32, #tpu.memory_space<vmem_shared>> -> memref<10240x16xf32, #tpu.memory_space<vmem_shared>>
    tpu.enqueue_indirect_dma source(%dma_start3A_27 : memref<10240x16xf32, #tpu.memory_space<vmem_shared>>) target(%arg10 : memref<128x16xf32, #tpu.memory_space<vmem>>) offsets(%dma_start3A_24 : memref<128xi32, #tpu.memory_space<vmem>>) semaphore(%arg16 : memref<!tpu.dma_semaphore, #tpu.memory_space<semaphore_mem>>)
    %dma_start3A_28 = arith.constant 1 : i32
    %dma_start3A_29 = arith.constant 0 : i32
    %dma_start3A_30 = tpu.memref_slice %arg7[%dma_start3A_28, %dma_start3A_29] : memref<79x128xi32, #tpu.memory_space<vmem>> -> memref<1x128xi32, #tpu.memory_space<vmem>>
    %dma_start3A_31 = tpu.memref_squeeze %dma_start3A_30 : memref<1x128xi32, #tpu.memory_space<vmem>> -> memref<128xi32, #tpu.memory_space<vmem>>
    %dma_start3A_32 = arith.constant 0 : i32
    %dma_start3A_33 = arith.constant 0 : i32
    %dma_start3A_34 = tpu.memref_slice %arg13[%dma_start3A_32, %dma_start3A_33] : memref<10240x16xf32, #tpu.memory_space<vmem_shared>> -> memref<10240x16xf32, #tpu.memory_space<vmem_shared>>
    tpu.enqueue_indirect_dma source(%dma_start3A_34 : memref<10240x16xf32, #tpu.memory_space<vmem_shared>>) target(%arg11 : memref<128x16xf32, #tpu.memory_space<vmem>>) offsets(%dma_start3A_31 : memref<128xi32, #tpu.memory_space<vmem>>) semaphore(%arg17 : memref<!tpu.dma_semaphore, #tpu.memory_space<semaphore_mem>>)
    %dma_start3A_35 = arith.constant 1 : i32
    %dma_start3A_36 = arith.constant 0 : i32
    %dma_start3A_37 = tpu.memref_slice %arg8[%dma_start3A_35, %dma_start3A_36] : memref<79x128xi32, #tpu.memory_space<vmem>> -> memref<1x128xi32, #tpu.memory_space<vmem>>
    %dma_start3A_38 = tpu.memref_squeeze %dma_start3A_37 : memref<1x128xi32, #tpu.memory_space<vmem>> -> memref<128xi32, #tpu.memory_space<vmem>>
    %dma_start3A_39 = arith.constant 0 : i32
    %dma_start3A_40 = arith.constant 0 : i32
    %dma_start3A_41 = tpu.memref_slice %arg14[%dma_start3A_39, %dma_start3A_40] : memref<10240x16xf32, #tpu.memory_space<vmem_shared>> -> memref<10240x16xf32, #tpu.memory_space<vmem_shared>>
    tpu.enqueue_indirect_dma source(%dma_start3A_41 : memref<10240x16xf32, #tpu.memory_space<vmem_shared>>) target(%arg12 : memref<128x16xf32, #tpu.memory_space<vmem>>) offsets(%dma_start3A_38 : memref<128xi32, #tpu.memory_space<vmem>>) semaphore(%arg18 : memref<!tpu.dma_semaphore, #tpu.memory_space<semaphore_mem>>)
    %scan3A = arith.constant 0 : i32
    %scan3A_42 = arith.constant 0 : i32
    %scan3A_43 = arith.constant 39 : i32
    %scan3A_44 = arith.addi %scan3A_42, %scan3A_43 : i32
    %scan3A_45 = arith.constant 1 : i32
    %scan3A_46 = scf.for %scan3A_72 = %scan3A_42 to %scan3A_44 step %scan3A_45 iter_args(%scan3A_73 = %scan3A) -> (i32)  : i32 {
      %mul3A_74 = arith.constant 2 : i32
      %mul3A_75 = arith.muli %mul3A_74, %scan3A_72 : i32
      %dma_wait3A_76 = arith.constant 0 : i32
      %dma_wait3A_77 = tpu.memref_slice %arg7[%mul3A_75, %dma_wait3A_76] : memref<79x128xi32, #tpu.memory_space<vmem>> -> memref<1x128xi32, #tpu.memory_space<vmem>>
      %dma_wait3A_78 = tpu.memref_squeeze %dma_wait3A_77 : memref<1x128xi32, #tpu.memory_space<vmem>> -> memref<128xi32, #tpu.memory_space<vmem>>
      %dma_wait3A_79 = arith.constant 0 : i32
      %dma_wait3A_80 = arith.constant 0 : i32
      %dma_wait3A_81 = tpu.memref_slice %arg13[%dma_wait3A_79, %dma_wait3A_80] : memref<10240x16xf32, #tpu.memory_space<vmem_shared>> -> memref<10240x16xf32, #tpu.memory_space<vmem_shared>>
      tpu.wait_indirect_dma semaphore(%arg15 : memref<!tpu.dma_semaphore, #tpu.memory_space<semaphore_mem>>) src(%dma_wait3A_81 : memref<10240x16xf32, #tpu.memory_space<vmem_shared>>) dst(%arg9 : memref<128x16xf32, #tpu.memory_space<vmem>>)
      %dma_wait3A_82 = arith.constant 0 : i32
      %dma_wait3A_83 = tpu.memref_slice %arg8[%mul3A_75, %dma_wait3A_82] : memref<79x128xi32, #tpu.memory_space<vmem>> -> memref<1x128xi32, #tpu.memory_space<vmem>>
      %dma_wait3A_84 = tpu.memref_squeeze %dma_wait3A_83 : memref<1x128xi32, #tpu.memory_space<vmem>> -> memref<128xi32, #tpu.memory_space<vmem>>
      %dma_wait3A_85 = arith.constant 0 : i32
      %dma_wait3A_86 = arith.constant 0 : i32
      %dma_wait3A_87 = tpu.memref_slice %arg14[%dma_wait3A_85, %dma_wait3A_86] : memref<10240x16xf32, #tpu.memory_space<vmem_shared>> -> memref<10240x16xf32, #tpu.memory_space<vmem_shared>>
      tpu.wait_indirect_dma semaphore(%arg16 : memref<!tpu.dma_semaphore, #tpu.memory_space<semaphore_mem>>) src(%dma_wait3A_87 : memref<10240x16xf32, #tpu.memory_space<vmem_shared>>) dst(%arg10 : memref<128x16xf32, #tpu.memory_space<vmem>>)
      %scan3A_88 = arith.constant 0 : i32
      %scan3A_89 = arith.constant 0 : i32
      %scan3A_90 = arith.constant 32 : i32
      %scan3A_91 = arith.addi %scan3A_89, %scan3A_90 : i32
      %scan3A_92 = arith.constant 1 : i32
      %scan3A_93 = scf.for %scan3A_150 = %scan3A_89 to %scan3A_91 step %scan3A_92 iter_args(%scan3A_151 = %scan3A_88) -> (i32)  : i32 {
        %mul3A_152 = arith.constant 4 : i32
        %mul3A_153 = arith.muli %scan3A_150, %mul3A_152 : i32
        %add3A_154 = arith.constant 0 : i32
        %add3A_155 = arith.addi %mul3A_153, %add3A_154 : i32
        %get3A = arith.index_cast %add3A_155 : i32 to index
        %get3A_156 = arith.constant 0 : index
        %get3A_157 = tpu.vector_load %arg9[%get3A, %get3A_156] {strides = array<i32>} : memref<128x16xf32, #tpu.memory_space<vmem>>, vector<1x16xf32>,
        %get3A_158 = vector.shape_cast %get3A_157 : vector<1x16xf32> to vector<16xf32>
        %get3A_159 = arith.index_cast %add3A_155 : i32 to index
        %get3A_160 = arith.constant 0 : index
        %get3A_161 = tpu.vector_load %arg10[%get3A_159, %get3A_160] {strides = array<i32>} : memref<128x16xf32, #tpu.memory_space<vmem>>, vector<1x16xf32>,
        %get3A_162 = vector.shape_cast %get3A_161 : vector<1x16xf32> to vector<16xf32>
        %add3A_163 = arith.addf %get3A_158, %get3A_162 : vector<16xf32>
        %swap3A = arith.index_cast %add3A_155 : i32 to index
        %swap3A_164 = arith.constant 0 : index
        %swap3A_165 = tpu.vector_load %arg9[%swap3A, %swap3A_164] {strides = array<i32>} : memref<128x16xf32, #tpu.memory_space<vmem>>, vector<1x16xf32>,
        %swap3A_166 = vector.shape_cast %swap3A_165 : vector<1x16xf32> to vector<16xf32>
        %swap3A_167 = vector.shape_cast %add3A_163 : vector<16xf32> to vector<1x16xf32>
        tpu.vector_store %arg9[%swap3A, %swap3A_164], %swap3A_167 {strides = array<i32>} : memref<128x16xf32, #tpu.memory_space<vmem>>, vector<1x16xf32>,
        %mul3A_168 = arith.constant 4 : i32
        %mul3A_169 = arith.muli %scan3A_150, %mul3A_168 : i32
        %add3A_170 = arith.constant 1 : i32
        %add3A_171 = arith.addi %mul3A_169, %add3A_170 : i32
        %get3A_172 = arith.index_cast %add3A_171 : i32 to index
        %get3A_173 = arith.constant 0 : index
        %get3A_174 = tpu.vector_load %arg9[%get3A_172, %get3A_173] {strides = array<i32>} : memref<128x16xf32, #tpu.memory_space<vmem>>, vector<1x16xf32>,
        %get3A_175 = vector.shape_cast %get3A_174 : vector<1x16xf32> to vector<16xf32>
        %get3A_176 = arith.index_cast %add3A_171 : i32 to index
        %get3A_177 = arith.constant 0 : index
        %get3A_178 = tpu.vector_load %arg10[%get3A_176, %get3A_177] {strides = array<i32>} : memref<128x16xf32, #tpu.memory_space<vmem>>, vector<1x16xf32>,
        %get3A_179 = vector.shape_cast %get3A_178 : vector<1x16xf32> to vector<16xf32>
        %add3A_180 = arith.addf %get3A_175, %get3A_179 : vector<16xf32>
        %swap3A_181 = arith.index_cast %add3A_171 : i32 to index
        %swap3A_182 = arith.constant 0 : index
        %swap3A_183 = tpu.vector_load %arg9[%swap3A_181, %swap3A_182] {strides = array<i32>} : memref<128x16xf32, #tpu.memory_space<vmem>>, vector<1x16xf32>,
        %swap3A_184 = vector.shape_cast %swap3A_183 : vector<1x16xf32> to vector<16xf32>
        %swap3A_185 = vector.shape_cast %add3A_180 : vector<16xf32> to vector<1x16xf32>
        tpu.vector_store %arg9[%swap3A_181, %swap3A_182], %swap3A_185 {strides = array<i32>} : memref<128x16xf32, #tpu.memory_space<vmem>>, vector<1x16xf32>,
        %mul3A_186 = arith.constant 4 : i32
        %mul3A_187 = arith.muli %scan3A_150, %mul3A_186 : i32
        %add3A_188 = arith.constant 2 : i32
        %add3A_189 = arith.addi %mul3A_187, %add3A_188 : i32
        %get3A_190 = arith.index_cast %add3A_189 : i32 to index
        %get3A_191 = arith.constant 0 : index
        %get3A_192 = tpu.vector_load %arg9[%get3A_190, %get3A_191] {strides = array<i32>} : memref<128x16xf32, #tpu.memory_space<vmem>>, vector<1x16xf32>,
        %get3A_193 = vector.shape_cast %get3A_192 : vector<1x16xf32> to vector<16xf32>
        %get3A_194 = arith.index_cast %add3A_189 : i32 to index
        %get3A_195 = arith.constant 0 : index
        %get3A_196 = tpu.vector_load %arg10[%get3A_194, %get3A_195] {strides = array<i32>} : memref<128x16xf32, #tpu.memory_space<vmem>>, vector<1x16xf32>,
        %get3A_197 = vector.shape_cast %get3A_196 : vector<1x16xf32> to vector<16xf32>
        %add3A_198 = arith.addf %get3A_193, %get3A_197 : vector<16xf32>
        %swap3A_199 = arith.index_cast %add3A_189 : i32 to index
        %swap3A_200 = arith.constant 0 : index
        %swap3A_201 = tpu.vector_load %arg9[%swap3A_199, %swap3A_200] {strides = array<i32>} : memref<128x16xf32, #tpu.memory_space<vmem>>, vector<1x16xf32>,
        %swap3A_202 = vector.shape_cast %swap3A_201 : vector<1x16xf32> to vector<16xf32>
        %swap3A_203 = vector.shape_cast %add3A_198 : vector<16xf32> to vector<1x16xf32>
        tpu.vector_store %arg9[%swap3A_199, %swap3A_200], %swap3A_203 {strides = array<i32>} : memref<128x16xf32, #tpu.memory_space<vmem>>, vector<1x16xf32>,
        %mul3A_204 = arith.constant 4 : i32
        %mul3A_205 = arith.muli %scan3A_150, %mul3A_204 : i32
        %add3A_206 = arith.constant 3 : i32
        %add3A_207 = arith.addi %mul3A_205, %add3A_206 : i32
        %get3A_208 = arith.index_cast %add3A_207 : i32 to index
        %get3A_209 = arith.constant 0 : index
        %get3A_210 = tpu.vector_load %arg9[%get3A_208, %get3A_209] {strides = array<i32>} : memref<128x16xf32, #tpu.memory_space<vmem>>, vector<1x16xf32>,
        %get3A_211 = vector.shape_cast %get3A_210 : vector<1x16xf32> to vector<16xf32>
        %get3A_212 = arith.index_cast %add3A_207 : i32 to index
        %get3A_213 = arith.constant 0 : index
        %get3A_214 = tpu.vector_load %arg10[%get3A_212, %get3A_213] {strides = array<i32>} : memref<128x16xf32, #tpu.memory_space<vmem>>, vector<1x16xf32>,
        %get3A_215 = vector.shape_cast %get3A_214 : vector<1x16xf32> to vector<16xf32>
        %add3A_216 = arith.addf %get3A_211, %get3A_215 : vector<16xf32>
        %swap3A_217 = arith.index_cast %add3A_207 : i32 to index
        %swap3A_218 = arith.constant 0 : index
        %swap3A_219 = tpu.vector_load %arg9[%swap3A_217, %swap3A_218] {strides = array<i32>} : memref<128x16xf32, #tpu.memory_space<vmem>>, vector<1x16xf32>,
        %swap3A_220 = vector.shape_cast %swap3A_219 : vector<1x16xf32> to vector<16xf32>
        %swap3A_221 = vector.shape_cast %add3A_216 : vector<16xf32> to vector<1x16xf32>
        tpu.vector_store %arg9[%swap3A_217, %swap3A_218], %swap3A_221 {strides = array<i32>} : memref<128x16xf32, #tpu.memory_space<vmem>>, vector<1x16xf32>,
        %scan3A_222 = arith.constant 0 : i32
        scf.yield %scan3A_222 : i32
      }
      %scan3A_94 = arith.constant 32 : i32
      %mul3A_95 = arith.constant 78 : i32
      %mul3A_96 = arith.muli %add3A, %mul3A_95 : i32
      %add3A_97 = arith.addi %mul3A_96, %mul3A_75 : i32
      %mul3A_98 = arith.constant 128 : i32
      %mul3A_99 = arith.muli %add3A_97, %mul3A_98 : i32
      %dma_start3A_100 = arith.constant 0 : i32
      %dma_start3A_101 = tpu.memref_slice %arg6[%mul3A_99, %dma_start3A_100] : memref<320000x16xf32, #tpu.memory_space<hbm>> -> memref<128x16xf32, #tpu.memory_space<hbm>>
      %dma_start3A_102 = arith.constant 0 : i32
      %dma_start3A_103 = tpu.memref_slice %arg6[%mul3A_99, %dma_start3A_102] : memref<320000x16xf32, #tpu.memory_space<hbm>> -> memref<128x16xf32, #tpu.memory_space<hbm>>
      tpu.enqueue_dma source(%arg9 : memref<128x16xf32, #tpu.memory_space<vmem>>) target(%dma_start3A_103 : memref<128x16xf32, #tpu.memory_space<hbm>>) target_semaphore(%arg19 : memref<!tpu.dma_semaphore, #tpu.memory_space<semaphore_mem>>)
      %add3A_104 = arith.constant 1 : i32
      %add3A_105 = arith.addi %mul3A_75, %add3A_104 : i32
      %dma_wait3A_106 = arith.constant 0 : i32
      %dma_wait3A_107 = tpu.memref_slice %arg7[%add3A_105, %dma_wait3A_106] : memref<79x128xi32, #tpu.memory_space<vmem>> -> memref<1x128xi32, #tpu.memory_space<vmem>>
      %dma_wait3A_108 = tpu.memref_squeeze %dma_wait3A_107 : memref<1x128xi32, #tpu.memory_space<vmem>> -> memref<128xi32, #tpu.memory_space<vmem>>
      %dma_wait3A_109 = arith.constant 0 : i32
      %dma_wait3A_110 = arith.constant 0 : i32
      %dma_wait3A_111 = tpu.memref_slice %arg13[%dma_wait3A_109, %dma_wait3A_110] : memref<10240x16xf32, #tpu.memory_space<vmem_shared>> -> memref<10240x16xf32, #tpu.memory_space<vmem_shared>>
      tpu.wait_indirect_dma semaphore(%arg17 : memref<!tpu.dma_semaphore, #tpu.memory_space<semaphore_mem>>) src(%dma_wait3A_111 : memref<10240x16xf32, #tpu.memory_space<vmem_shared>>) dst(%arg11 : memref<128x16xf32, #tpu.memory_space<vmem>>)
      %dma_wait3A_112 = arith.constant 0 : i32
      %dma_wait3A_113 = tpu.memref_slice %arg8[%add3A_105, %dma_wait3A_112] : memref<79x128xi32, #tpu.memory_space<vmem>> -> memref<1x128xi32, #tpu.memory_space<vmem>>
      %dma_wait3A_114 = tpu.memref_squeeze %dma_wait3A_113 : memref<1x128xi32, #tpu.memory_space<vmem>> -> memref<128xi32, #tpu.memory_space<vmem>>
      %dma_wait3A_115 = arith.constant 0 : i32
      %dma_wait3A_116 = arith.constant 0 : i32
      %dma_wait3A_117 = tpu.memref_slice %arg14[%dma_wait3A_115, %dma_wait3A_116] : memref<10240x16xf32, #tpu.memory_space<vmem_shared>> -> memref<10240x16xf32, #tpu.memory_space<vmem_shared>>
      tpu.wait_indirect_dma semaphore(%arg18 : memref<!tpu.dma_semaphore, #tpu.memory_space<semaphore_mem>>) src(%dma_wait3A_117 : memref<10240x16xf32, #tpu.memory_space<vmem_shared>>) dst(%arg12 : memref<128x16xf32, #tpu.memory_space<vmem>>)
      %scan3A_118 = arith.constant 0 : i32
      %scan3A_119 = arith.constant 0 : i32
      %scan3A_120 = arith.constant 32 : i32
      %scan3A_121 = arith.addi %scan3A_119, %scan3A_120 : i32
      %scan3A_122 = arith.constant 1 : i32
      %scan3A_123 = scf.for %scan3A_150 = %scan3A_119 to %scan3A_121 step %scan3A_122 iter_args(%scan3A_151 = %scan3A_118) -> (i32)  : i32 {
        %mul3A_152 = arith.constant 4 : i32
        %mul3A_153 = arith.muli %scan3A_150, %mul3A_152 : i32
        %add3A_154 = arith.constant 0 : i32
        %add3A_155 = arith.addi %mul3A_153, %add3A_154 : i32
        %get3A = arith.index_cast %add3A_155 : i32 to index
        %get3A_156 = arith.constant 0 : index
        %get3A_157 = tpu.vector_load %arg11[%get3A, %get3A_156] {strides = array<i32>} : memref<128x16xf32, #tpu.memory_space<vmem>>, vector<1x16xf32>,
        %get3A_158 = vector.shape_cast %get3A_157 : vector<1x16xf32> to vector<16xf32>
        %get3A_159 = arith.index_cast %add3A_155 : i32 to index
        %get3A_160 = arith.constant 0 : index
        %get3A_161 = tpu.vector_load %arg12[%get3A_159, %get3A_160] {strides = array<i32>} : memref<128x16xf32, #tpu.memory_space<vmem>>, vector<1x16xf32>,
        %get3A_162 = vector.shape_cast %get3A_161 : vector<1x16xf32> to vector<16xf32>
        %add3A_163 = arith.addf %get3A_158, %get3A_162 : vector<16xf32>
        %swap3A = arith.index_cast %add3A_155 : i32 to index
        %swap3A_164 = arith.constant 0 : index
        %swap3A_165 = tpu.vector_load %arg11[%swap3A, %swap3A_164] {strides = array<i32>} : memref<128x16xf32, #tpu.memory_space<vmem>>, vector<1x16xf32>,
        %swap3A_166 = vector.shape_cast %swap3A_165 : vector<1x16xf32> to vector<16xf32>
        %swap3A_167 = vector.shape_cast %add3A_163 : vector<16xf32> to vector<1x16xf32>
        tpu.vector_store %arg11[%swap3A, %swap3A_164], %swap3A_167 {strides = array<i32>} : memref<128x16xf32, #tpu.memory_space<vmem>>, vector<1x16xf32>,
        %mul3A_168 = arith.constant 4 : i32
        %mul3A_169 = arith.muli %scan3A_150, %mul3A_168 : i32
        %add3A_170 = arith.constant 1 : i32
        %add3A_171 = arith.addi %mul3A_169, %add3A_170 : i32
        %get3A_172 = arith.index_cast %add3A_171 : i32 to index
        %get3A_173 = arith.constant 0 : index
        %get3A_174 = tpu.vector_load %arg11[%get3A_172, %get3A_173] {strides = array<i32>} : memref<128x16xf32, #tpu.memory_space<vmem>>, vector<1x16xf32>,
        %get3A_175 = vector.shape_cast %get3A_174 : vector<1x16xf32> to vector<16xf32>
        %get3A_176 = arith.index_cast %add3A_171 : i32 to index
        %get3A_177 = arith.constant 0 : index
        %get3A_178 = tpu.vector_load %arg12[%get3A_176, %get3A_177] {strides = array<i32>} : memref<128x16xf32, #tpu.memory_space<vmem>>, vector<1x16xf32>,
        %get3A_179 = vector.shape_cast %get3A_178 : vector<1x16xf32> to vector<16xf32>
        %add3A_180 = arith.addf %get3A_175, %get3A_179 : vector<16xf32>
        %swap3A_181 = arith.index_cast %add3A_171 : i32 to index
        %swap3A_182 = arith.constant 0 : index
        %swap3A_183 = tpu.vector_load %arg11[%swap3A_181, %swap3A_182] {strides = array<i32>} : memref<128x16xf32, #tpu.memory_space<vmem>>, vector<1x16xf32>,
        %swap3A_184 = vector.shape_cast %swap3A_183 : vector<1x16xf32> to vector<16xf32>
        %swap3A_185 = vector.shape_cast %add3A_180 : vector<16xf32> to vector<1x16xf32>
        tpu.vector_store %arg11[%swap3A_181, %swap3A_182], %swap3A_185 {strides = array<i32>} : memref<128x16xf32, #tpu.memory_space<vmem>>, vector<1x16xf32>,
        %mul3A_186 = arith.constant 4 : i32
        %mul3A_187 = arith.muli %scan3A_150, %mul3A_186 : i32
        %add3A_188 = arith.constant 2 : i32
        %add3A_189 = arith.addi %mul3A_187, %add3A_188 : i32
        %get3A_190 = arith.index_cast %add3A_189 : i32 to index
        %get3A_191 = arith.constant 0 : index
        %get3A_192 = tpu.vector_load %arg11[%get3A_190, %get3A_191] {strides = array<i32>} : memref<128x16xf32, #tpu.memory_space<vmem>>, vector<1x16xf32>,
        %get3A_193 = vector.shape_cast %get3A_192 : vector<1x16xf32> to vector<16xf32>
        %get3A_194 = arith.index_cast %add3A_189 : i32 to index
        %get3A_195 = arith.constant 0 : index
        %get3A_196 = tpu.vector_load %arg12[%get3A_194, %get3A_195] {strides = array<i32>} : memref<128x16xf32, #tpu.memory_space<vmem>>, vector<1x16xf32>,
        %get3A_197 = vector.shape_cast %get3A_196 : vector<1x16xf32> to vector<16xf32>
        %add3A_198 = arith.addf %get3A_193, %get3A_197 : vector<16xf32>
        %swap3A_199 = arith.index_cast %add3A_189 : i32 to index
        %swap3A_200 = arith.constant 0 : index
        %swap3A_201 = tpu.vector_load %arg11[%swap3A_199, %swap3A_200] {strides = array<i32>} : memref<128x16xf32, #tpu.memory_space<vmem>>, vector<1x16xf32>,
        %swap3A_202 = vector.shape_cast %swap3A_201 : vector<1x16xf32> to vector<16xf32>
        %swap3A_203 = vector.shape_cast %add3A_198 : vector<16xf32> to vector<1x16xf32>
        tpu.vector_store %arg11[%swap3A_199, %swap3A_200], %swap3A_203 {strides = array<i32>} : memref<128x16xf32, #tpu.memory_space<vmem>>, vector<1x16xf32>,
        %mul3A_204 = arith.constant 4 : i32
        %mul3A_205 = arith.muli %scan3A_150, %mul3A_204 : i32
        %add3A_206 = arith.constant 3 : i32
        %add3A_207 = arith.addi %mul3A_205, %add3A_206 : i32
        %get3A_208 = arith.index_cast %add3A_207 : i32 to index
        %get3A_209 = arith.constant 0 : index
        %get3A_210 = tpu.vector_load %arg11[%get3A_208, %get3A_209] {strides = array<i32>} : memref<128x16xf32, #tpu.memory_space<vmem>>, vector<1x16xf32>,
        %get3A_211 = vector.shape_cast %get3A_210 : vector<1x16xf32> to vector<16xf32>
        %get3A_212 = arith.index_cast %add3A_207 : i32 to index
        %get3A_213 = arith.constant 0 : index
        %get3A_214 = tpu.vector_load %arg12[%get3A_212, %get3A_213] {strides = array<i32>} : memref<128x16xf32, #tpu.memory_space<vmem>>, vector<1x16xf32>,
        %get3A_215 = vector.shape_cast %get3A_214 : vector<1x16xf32> to vector<16xf32>
        %add3A_216 = arith.addf %get3A_211, %get3A_215 : vector<16xf32>
        %swap3A_217 = arith.index_cast %add3A_207 : i32 to index
        %swap3A_218 = arith.constant 0 : index
        %swap3A_219 = tpu.vector_load %arg11[%swap3A_217, %swap3A_218] {strides = array<i32>} : memref<128x16xf32, #tpu.memory_space<vmem>>, vector<1x16xf32>,
        %swap3A_220 = vector.shape_cast %swap3A_219 : vector<1x16xf32> to vector<16xf32>
        %swap3A_221 = vector.shape_cast %add3A_216 : vector<16xf32> to vector<1x16xf32>
        tpu.vector_store %arg11[%swap3A_217, %swap3A_218], %swap3A_221 {strides = array<i32>} : memref<128x16xf32, #tpu.memory_space<vmem>>, vector<1x16xf32>,
        %scan3A_222 = arith.constant 0 : i32
        scf.yield %scan3A_222 : i32
      }
      %scan3A_124 = arith.constant 32 : i32
      %add3A_125 = arith.constant 1 : i32
      %add3A_126 = arith.addi %mul3A_75, %add3A_125 : i32
      %mul3A_127 = arith.constant 78 : i32
      %mul3A_128 = arith.muli %add3A, %mul3A_127 : i32
      %add3A_129 = arith.addi %mul3A_128, %add3A_126 : i32
      %mul3A_130 = arith.constant 128 : i32
      %mul3A_131 = arith.muli %add3A_129, %mul3A_130 : i32
      %dma_start3A_132 = arith.constant 0 : i32
      %dma_start3A_133 = tpu.memref_slice %arg6[%mul3A_131, %dma_start3A_132] : memref<320000x16xf32, #tpu.memory_space<hbm>> -> memref<128x16xf32, #tpu.memory_space<hbm>>
      %dma_start3A_134 = arith.constant 0 : i32
      %dma_start3A_135 = tpu.memref_slice %arg6[%mul3A_131, %dma_start3A_134] : memref<320000x16xf32, #tpu.memory_space<hbm>> -> memref<128x16xf32, #tpu.memory_space<hbm>>
      tpu.enqueue_dma source(%arg11 : memref<128x16xf32, #tpu.memory_space<vmem>>) target(%dma_start3A_135 : memref<128x16xf32, #tpu.memory_space<hbm>>) target_semaphore(%arg20 : memref<!tpu.dma_semaphore, #tpu.memory_space<semaphore_mem>>)
      %add3A_136 = arith.constant 2 : i32
      %add3A_137 = arith.addi %mul3A_75, %add3A_136 : i32
      %le3A = arith.constant 77 : i32
      %le3A_138 = arith.cmpi sle, %add3A_137, %le3A : i32
      %convert_element_type3A_139 = arith.extui %le3A_138 : i1 to i32
      %cond3A_140 = arith.constant 0 : i32
      %cond3A_141 = arith.cmpi ne, %convert_element_type3A_139, %cond3A_140 : i32
      scf.if %cond3A_141 {
        %mul3A_150 = arith.constant 78 : i32
        %mul3A_151 = arith.muli %add3A, %mul3A_150 : i32
        %add3A_152 = arith.addi %mul3A_151, %mul3A_75 : i32
        %mul3A_153 = arith.constant 128 : i32
        %mul3A_154 = arith.muli %add3A_152, %mul3A_153 : i32
        %dma_wait3A_155 = arith.constant 0 : i32
        %dma_wait3A_156 = tpu.memref_slice %arg6[%mul3A_154, %dma_wait3A_155] : memref<320000x16xf32, #tpu.memory_space<hbm>> -> memref<128x16xf32, #tpu.memory_space<hbm>>
        %dma_wait3A_157 = arith.constant 0 : i32
        %dma_wait3A_158 = tpu.memref_slice %arg6[%mul3A_154, %dma_wait3A_157] : memref<320000x16xf32, #tpu.memory_space<hbm>> -> memref<128x16xf32, #tpu.memory_space<hbm>>
        tpu.wait_dma2 semaphore(%arg19 : memref<!tpu.dma_semaphore, #tpu.memory_space<semaphore_mem>>) src(%arg9 : memref<128x16xf32, #tpu.memory_space<vmem>>) dst(%dma_wait3A_158 : memref<128x16xf32, #tpu.memory_space<hbm>>)
        %add3A_159 = arith.constant 2 : i32
        %add3A_160 = arith.addi %mul3A_75, %add3A_159 : i32
        %dma_start3A_161 = arith.constant 0 : i32
        %dma_start3A_162 = tpu.memref_slice %arg7[%add3A_160, %dma_start3A_161] : memref<79x128xi32, #tpu.memory_space<vmem>> -> memref<1x128xi32, #tpu.memory_space<vmem>>
        %dma_start3A_163 = tpu.memref_squeeze %dma_start3A_162 : memref<1x128xi32, #tpu.memory_space<vmem>> -> memref<128xi32, #tpu.memory_space<vmem>>
        %dma_start3A_164 = arith.constant 0 : i32
        %dma_start3A_165 = arith.constant 0 : i32
        %dma_start3A_166 = tpu.memref_slice %arg13[%dma_start3A_164, %dma_start3A_165] : memref<10240x16xf32, #tpu.memory_space<vmem_shared>> -> memref<10240x16xf32, #tpu.memory_space<vmem_shared>>
        tpu.enqueue_indirect_dma source(%dma_start3A_166 : memref<10240x16xf32, #tpu.memory_space<vmem_shared>>) target(%arg9 : memref<128x16xf32, #tpu.memory_space<vmem>>) offsets(%dma_start3A_163 : memref<128xi32, #tpu.memory_space<vmem>>) semaphore(%arg15 : memref<!tpu.dma_semaphore, #tpu.memory_space<semaphore_mem>>)
        %dma_start3A_167 = arith.constant 0 : i32
        %dma_start3A_168 = tpu.memref_slice %arg8[%add3A_160, %dma_start3A_167] : memref<79x128xi32, #tpu.memory_space<vmem>> -> memref<1x128xi32, #tpu.memory_space<vmem>>
        %dma_start3A_169 = tpu.memref_squeeze %dma_start3A_168 : memref<1x128xi32, #tpu.memory_space<vmem>> -> memref<128xi32, #tpu.memory_space<vmem>>
        %dma_start3A_170 = arith.constant 0 : i32
        %dma_start3A_171 = arith.constant 0 : i32
        %dma_start3A_172 = tpu.memref_slice %arg14[%dma_start3A_170, %dma_start3A_171] : memref<10240x16xf32, #tpu.memory_space<vmem_shared>> -> memref<10240x16xf32, #tpu.memory_space<vmem_shared>>
        tpu.enqueue_indirect_dma source(%dma_start3A_172 : memref<10240x16xf32, #tpu.memory_space<vmem_shared>>) target(%arg10 : memref<128x16xf32, #tpu.memory_space<vmem>>) offsets(%dma_start3A_169 : memref<128xi32, #tpu.memory_space<vmem>>) semaphore(%arg16 : memref<!tpu.dma_semaphore, #tpu.memory_space<semaphore_mem>>)
      } else {
      }
      %add3A_142 = arith.constant 3 : i32
      %add3A_143 = arith.addi %mul3A_75, %add3A_142 : i32
      %le3A_144 = arith.constant 77 : i32
      %le3A_145 = arith.cmpi sle, %add3A_143, %le3A_144 : i32
      %convert_element_type3A_146 = arith.extui %le3A_145 : i1 to i32
      %cond3A_147 = arith.constant 0 : i32
      %cond3A_148 = arith.cmpi ne, %convert_element_type3A_146, %cond3A_147 : i32
      scf.if %cond3A_148 {
        %add3A_150 = arith.constant 1 : i32
        %add3A_151 = arith.addi %mul3A_75, %add3A_150 : i32
        %mul3A_152 = arith.constant 78 : i32
        %mul3A_153 = arith.muli %add3A, %mul3A_152 : i32
        %add3A_154 = arith.addi %mul3A_153, %add3A_151 : i32
        %mul3A_155 = arith.constant 128 : i32
        %mul3A_156 = arith.muli %add3A_154, %mul3A_155 : i32
        %dma_wait3A_157 = arith.constant 0 : i32
        %dma_wait3A_158 = tpu.memref_slice %arg6[%mul3A_156, %dma_wait3A_157] : memref<320000x16xf32, #tpu.memory_space<hbm>> -> memref<128x16xf32, #tpu.memory_space<hbm>>
        %dma_wait3A_159 = arith.constant 0 : i32
        %dma_wait3A_160 = tpu.memref_slice %arg6[%mul3A_156, %dma_wait3A_159] : memref<320000x16xf32, #tpu.memory_space<hbm>> -> memref<128x16xf32, #tpu.memory_space<hbm>>
        tpu.wait_dma2 semaphore(%arg20 : memref<!tpu.dma_semaphore, #tpu.memory_space<semaphore_mem>>) src(%arg11 : memref<128x16xf32, #tpu.memory_space<vmem>>) dst(%dma_wait3A_160 : memref<128x16xf32, #tpu.memory_space<hbm>>)
        %add3A_161 = arith.constant 3 : i32
        %add3A_162 = arith.addi %mul3A_75, %add3A_161 : i32
        %dma_start3A_163 = arith.constant 0 : i32
        %dma_start3A_164 = tpu.memref_slice %arg7[%add3A_162, %dma_start3A_163] : memref<79x128xi32, #tpu.memory_space<vmem>> -> memref<1x128xi32, #tpu.memory_space<vmem>>
        %dma_start3A_165 = tpu.memref_squeeze %dma_start3A_164 : memref<1x128xi32, #tpu.memory_space<vmem>> -> memref<128xi32, #tpu.memory_space<vmem>>
        %dma_start3A_166 = arith.constant 0 : i32
        %dma_start3A_167 = arith.constant 0 : i32
        %dma_start3A_168 = tpu.memref_slice %arg13[%dma_start3A_166, %dma_start3A_167] : memref<10240x16xf32, #tpu.memory_space<vmem_shared>> -> memref<10240x16xf32, #tpu.memory_space<vmem_shared>>
        tpu.enqueue_indirect_dma source(%dma_start3A_168 : memref<10240x16xf32, #tpu.memory_space<vmem_shared>>) target(%arg11 : memref<128x16xf32, #tpu.memory_space<vmem>>) offsets(%dma_start3A_165 : memref<128xi32, #tpu.memory_space<vmem>>) semaphore(%arg17 : memref<!tpu.dma_semaphore, #tpu.memory_space<semaphore_mem>>)
        %dma_start3A_169 = arith.constant 0 : i32
        %dma_start3A_170 = tpu.memref_slice %arg8[%add3A_162, %dma_start3A_169] : memref<79x128xi32, #tpu.memory_space<vmem>> -> memref<1x128xi32, #tpu.memory_space<vmem>>
        %dma_start3A_171 = tpu.memref_squeeze %dma_start3A_170 : memref<1x128xi32, #tpu.memory_space<vmem>> -> memref<128xi32, #tpu.memory_space<vmem>>
        %dma_start3A_172 = arith.constant 0 : i32
        %dma_start3A_173 = arith.constant 0 : i32
        %dma_start3A_174 = tpu.memref_slice %arg14[%dma_start3A_172, %dma_start3A_173] : memref<10240x16xf32, #tpu.memory_space<vmem_shared>> -> memref<10240x16xf32, #tpu.memory_space<vmem_shared>>
        tpu.enqueue_indirect_dma source(%dma_start3A_174 : memref<10240x16xf32, #tpu.memory_space<vmem_shared>>) target(%arg12 : memref<128x16xf32, #tpu.memory_space<vmem>>) offsets(%dma_start3A_171 : memref<128xi32, #tpu.memory_space<vmem>>) semaphore(%arg18 : memref<!tpu.dma_semaphore, #tpu.memory_space<semaphore_mem>>)
      } else {
      }
      %scan3A_149 = arith.constant 0 : i32
      scf.yield %scan3A_149 : i32
    }
    %scan3A_47 = arith.constant 39 : i32
    %mul3A_48 = arith.constant 78 : i32
    %mul3A_49 = arith.muli %add3A, %mul3A_48 : i32
    %add3A_50 = arith.constant 76 : i32
    %add3A_51 = arith.addi %mul3A_49, %add3A_50 : i32
    %mul3A_52 = arith.constant 128 : i32
    %mul3A_53 = arith.muli %add3A_51, %mul3A_52 : i32
    %dma_wait3A = arith.constant 0 : i32
    %dma_wait3A_54 = tpu.memref_slice %arg6[%mul3A_53, %dma_wait3A] : memref<320000x16xf32, #tpu.memory_space<hbm>> -> memref<128x16xf32, #tpu.memory_space<hbm>>
    %dma_wait3A_55 = arith.constant 0 : i32
    %dma_wait3A_56 = tpu.memref_slice %arg6[%mul3A_53, %dma_wait3A_55] : memref<320000x16xf32, #tpu.memory_space<hbm>> -> memref<128x16xf32, #tpu.memory_space<hbm>>
    tpu.wait_dma2 semaphore(%arg19 : memref<!tpu.dma_semaphore, #tpu.memory_space<semaphore_mem>>) src(%arg9 : memref<128x16xf32, #tpu.memory_space<vmem>>) dst(%dma_wait3A_56 : memref<128x16xf32, #tpu.memory_space<hbm>>)
    %mul3A_57 = arith.constant 78 : i32
    %mul3A_58 = arith.muli %add3A, %mul3A_57 : i32
    %add3A_59 = arith.constant 77 : i32
    %add3A_60 = arith.addi %mul3A_58, %add3A_59 : i32
    %mul3A_61 = arith.constant 128 : i32
    %mul3A_62 = arith.muli %add3A_60, %mul3A_61 : i32
    %dma_wait3A_63 = arith.constant 0 : i32
    %dma_wait3A_64 = tpu.memref_slice %arg6[%mul3A_62, %dma_wait3A_63] : memref<320000x16xf32, #tpu.memory_space<hbm>> -> memref<128x16xf32, #tpu.memory_space<hbm>>
    %dma_wait3A_65 = arith.constant 0 : i32
    %dma_wait3A_66 = tpu.memref_slice %arg6[%mul3A_62, %dma_wait3A_65] : memref<320000x16xf32, #tpu.memory_space<hbm>> -> memref<128x16xf32, #tpu.memory_space<hbm>>
    tpu.wait_dma2 semaphore(%arg20 : memref<!tpu.dma_semaphore, #tpu.memory_space<semaphore_mem>>) src(%arg11 : memref<128x16xf32, #tpu.memory_space<vmem>>) dst(%dma_wait3A_66 : memref<128x16xf32, #tpu.memory_space<hbm>>)
    %lt3A_67 = arith.constant 4 : i32
    %lt3A_68 = arith.cmpi slt, %add3A, %lt3A_67 : i32
    %convert_element_type3A_69 = arith.extui %lt3A_68 : i1 to i32
    %cond3A_70 = arith.constant 0 : i32
    %cond3A_71 = arith.cmpi ne, %convert_element_type3A_69, %cond3A_70 : i32
    scf.if %cond3A_71 {
      %dma_start3A_72 = arith.constant 78 : i32
      %dma_start3A_73 = arith.constant 0 : i32
      %dma_start3A_74 = tpu.memref_slice %arg7[%dma_start3A_72, %dma_start3A_73] : memref<79x128xi32, #tpu.memory_space<vmem>> -> memref<1x128xi32, #tpu.memory_space<vmem>>
      %dma_start3A_75 = tpu.memref_squeeze %dma_start3A_74 : memref<1x128xi32, #tpu.memory_space<vmem>> -> memref<128xi32, #tpu.memory_space<vmem>>
      %dma_start3A_76 = arith.constant 0 : i32
      %dma_start3A_77 = arith.constant 0 : i32
      %dma_start3A_78 = tpu.memref_slice %arg13[%dma_start3A_76, %dma_start3A_77] : memref<10240x16xf32, #tpu.memory_space<vmem_shared>> -> memref<10240x16xf32, #tpu.memory_space<vmem_shared>>
      tpu.enqueue_indirect_dma source(%dma_start3A_78 : memref<10240x16xf32, #tpu.memory_space<vmem_shared>>) target(%arg9 : memref<128x16xf32, #tpu.memory_space<vmem>>) offsets(%dma_start3A_75 : memref<128xi32, #tpu.memory_space<vmem>>) semaphore(%arg15 : memref<!tpu.dma_semaphore, #tpu.memory_space<semaphore_mem>>)
      %dma_wait3A_79 = arith.constant 78 : i32
      %dma_wait3A_80 = arith.constant 0 : i32
      %dma_wait3A_81 = tpu.memref_slice %arg7[%dma_wait3A_79, %dma_wait3A_80] : memref<79x128xi32, #tpu.memory_space<vmem>> -> memref<1x128xi32, #tpu.memory_space<vmem>>
      %dma_wait3A_82 = tpu.memref_squeeze %dma_wait3A_81 : memref<1x128xi32, #tpu.memory_space<vmem>> -> memref<128xi32, #tpu.memory_space<vmem>>
      %dma_wait3A_83 = arith.constant 0 : i32
      %dma_wait3A_84 = arith.constant 0 : i32
      %dma_wait3A_85 = tpu.memref_slice %arg13[%dma_wait3A_83, %dma_wait3A_84] : memref<10240x16xf32, #tpu.memory_space<vmem_shared>> -> memref<10240x16xf32, #tpu.memory_space<vmem_shared>>
      tpu.wait_indirect_dma semaphore(%arg15 : memref<!tpu.dma_semaphore, #tpu.memory_space<semaphore_mem>>) src(%dma_wait3A_85 : memref<10240x16xf32, #tpu.memory_space<vmem_shared>>) dst(%arg9 : memref<128x16xf32, #tpu.memory_space<vmem>>)
      %dma_start3A_86 = arith.constant 78 : i32
      %dma_start3A_87 = arith.constant 0 : i32
      %dma_start3A_88 = tpu.memref_slice %arg8[%dma_start3A_86, %dma_start3A_87] : memref<79x128xi32, #tpu.memory_space<vmem>> -> memref<1x128xi32, #tpu.memory_space<vmem>>
      %dma_start3A_89 = tpu.memref_squeeze %dma_start3A_88 : memref<1x128xi32, #tpu.memory_space<vmem>> -> memref<128xi32, #tpu.memory_space<vmem>>
      %dma_start3A_90 = arith.constant 0 : i32
      %dma_start3A_91 = arith.constant 0 : i32
      %dma_start3A_92 = tpu.memref_slice %arg14[%dma_start3A_90, %dma_start3A_91] : memref<10240x16xf32, #tpu.memory_space<vmem_shared>> -> memref<10240x16xf32, #tpu.memory_space<vmem_shared>>
      tpu.enqueue_indirect_dma source(%dma_start3A_92 : memref<10240x16xf32, #tpu.memory_space<vmem_shared>>) target(%arg10 : memref<128x16xf32, #tpu.memory_space<vmem>>) offsets(%dma_start3A_89 : memref<128xi32, #tpu.memory_space<vmem>>) semaphore(%arg16 : memref<!tpu.dma_semaphore, #tpu.memory_space<semaphore_mem>>)
      %dma_wait3A_93 = arith.constant 78 : i32
      %dma_wait3A_94 = arith.constant 0 : i32
      %dma_wait3A_95 = tpu.memref_slice %arg8[%dma_wait3A_93, %dma_wait3A_94] : memref<79x128xi32, #tpu.memory_space<vmem>> -> memref<1x128xi32, #tpu.memory_space<vmem>>
      %dma_wait3A_96 = tpu.memref_squeeze %dma_wait3A_95 : memref<1x128xi32, #tpu.memory_space<vmem>> -> memref<128xi32, #tpu.memory_space<vmem>>
      %dma_wait3A_97 = arith.constant 0 : i32
      %dma_wait3A_98 = arith.constant 0 : i32
      %dma_wait3A_99 = tpu.memref_slice %arg14[%dma_wait3A_97, %dma_wait3A_98] : memref<10240x16xf32, #tpu.memory_space<vmem_shared>> -> memref<10240x16xf32, #tpu.memory_space<vmem_shared>>
      tpu.wait_indirect_dma semaphore(%arg16 : memref<!tpu.dma_semaphore, #tpu.memory_space<semaphore_mem>>) src(%dma_wait3A_99 : memref<10240x16xf32, #tpu.memory_space<vmem_shared>>) dst(%arg10 : memref<128x16xf32, #tpu.memory_space<vmem>>)
      %scan3A_100 = arith.constant 0 : i32
      %scan3A_101 = arith.constant 0 : i32
      %scan3A_102 = arith.constant 32 : i32
      %scan3A_103 = arith.addi %scan3A_101, %scan3A_102 : i32
      %scan3A_104 = arith.constant 1 : i32
      %scan3A_105 = scf.for %scan3A_111 = %scan3A_101 to %scan3A_103 step %scan3A_104 iter_args(%scan3A_112 = %scan3A_100) -> (i32)  : i32 {
        %mul3A_113 = arith.constant 4 : i32
        %mul3A_114 = arith.muli %scan3A_111, %mul3A_113 : i32
        %add3A_115 = arith.constant 0 : i32
        %add3A_116 = arith.addi %mul3A_114, %add3A_115 : i32
        %get3A = arith.index_cast %add3A_116 : i32 to index
        %get3A_117 = arith.constant 0 : index
        %get3A_118 = tpu.vector_load %arg9[%get3A, %get3A_117] {strides = array<i32>} : memref<128x16xf32, #tpu.memory_space<vmem>>, vector<1x16xf32>,
        %get3A_119 = vector.shape_cast %get3A_118 : vector<1x16xf32> to vector<16xf32>
        %get3A_120 = arith.index_cast %add3A_116 : i32 to index
        %get3A_121 = arith.constant 0 : index
        %get3A_122 = tpu.vector_load %arg10[%get3A_120, %get3A_121] {strides = array<i32>} : memref<128x16xf32, #tpu.memory_space<vmem>>, vector<1x16xf32>,
        %get3A_123 = vector.shape_cast %get3A_122 : vector<1x16xf32> to vector<16xf32>
        %add3A_124 = arith.addf %get3A_119, %get3A_123 : vector<16xf32>
        %swap3A = arith.index_cast %add3A_116 : i32 to index
        %swap3A_125 = arith.constant 0 : index
        %swap3A_126 = tpu.vector_load %arg9[%swap3A, %swap3A_125] {strides = array<i32>} : memref<128x16xf32, #tpu.memory_space<vmem>>, vector<1x16xf32>,
        %swap3A_127 = vector.shape_cast %swap3A_126 : vector<1x16xf32> to vector<16xf32>
        %swap3A_128 = vector.shape_cast %add3A_124 : vector<16xf32> to vector<1x16xf32>
        tpu.vector_store %arg9[%swap3A, %swap3A_125], %swap3A_128 {strides = array<i32>} : memref<128x16xf32, #tpu.memory_space<vmem>>, vector<1x16xf32>,
        %mul3A_129 = arith.constant 4 : i32
        %mul3A_130 = arith.muli %scan3A_111, %mul3A_129 : i32
        %add3A_131 = arith.constant 1 : i32
        %add3A_132 = arith.addi %mul3A_130, %add3A_131 : i32
        %get3A_133 = arith.index_cast %add3A_132 : i32 to index
        %get3A_134 = arith.constant 0 : index
        %get3A_135 = tpu.vector_load %arg9[%get3A_133, %get3A_134] {strides = array<i32>} : memref<128x16xf32, #tpu.memory_space<vmem>>, vector<1x16xf32>,
        %get3A_136 = vector.shape_cast %get3A_135 : vector<1x16xf32> to vector<16xf32>
        %get3A_137 = arith.index_cast %add3A_132 : i32 to index
        %get3A_138 = arith.constant 0 : index
        %get3A_139 = tpu.vector_load %arg10[%get3A_137, %get3A_138] {strides = array<i32>} : memref<128x16xf32, #tpu.memory_space<vmem>>, vector<1x16xf32>,
        %get3A_140 = vector.shape_cast %get3A_139 : vector<1x16xf32> to vector<16xf32>
        %add3A_141 = arith.addf %get3A_136, %get3A_140 : vector<16xf32>
        %swap3A_142 = arith.index_cast %add3A_132 : i32 to index
        %swap3A_143 = arith.constant 0 : index
        %swap3A_144 = tpu.vector_load %arg9[%swap3A_142, %swap3A_143] {strides = array<i32>} : memref<128x16xf32, #tpu.memory_space<vmem>>, vector<1x16xf32>,
        %swap3A_145 = vector.shape_cast %swap3A_144 : vector<1x16xf32> to vector<16xf32>
        %swap3A_146 = vector.shape_cast %add3A_141 : vector<16xf32> to vector<1x16xf32>
        tpu.vector_store %arg9[%swap3A_142, %swap3A_143], %swap3A_146 {strides = array<i32>} : memref<128x16xf32, #tpu.memory_space<vmem>>, vector<1x16xf32>,
        %mul3A_147 = arith.constant 4 : i32
        %mul3A_148 = arith.muli %scan3A_111, %mul3A_147 : i32
        %add3A_149 = arith.constant 2 : i32
        %add3A_150 = arith.addi %mul3A_148, %add3A_149 : i32
        %get3A_151 = arith.index_cast %add3A_150 : i32 to index
        %get3A_152 = arith.constant 0 : index
        %get3A_153 = tpu.vector_load %arg9[%get3A_151, %get3A_152] {strides = array<i32>} : memref<128x16xf32, #tpu.memory_space<vmem>>, vector<1x16xf32>,
        %get3A_154 = vector.shape_cast %get3A_153 : vector<1x16xf32> to vector<16xf32>
        %get3A_155 = arith.index_cast %add3A_150 : i32 to index
        %get3A_156 = arith.constant 0 : index
        %get3A_157 = tpu.vector_load %arg10[%get3A_155, %get3A_156] {strides = array<i32>} : memref<128x16xf32, #tpu.memory_space<vmem>>, vector<1x16xf32>,
        %get3A_158 = vector.shape_cast %get3A_157 : vector<1x16xf32> to vector<16xf32>
        %add3A_159 = arith.addf %get3A_154, %get3A_158 : vector<16xf32>
        %swap3A_160 = arith.index_cast %add3A_150 : i32 to index
        %swap3A_161 = arith.constant 0 : index
        %swap3A_162 = tpu.vector_load %arg9[%swap3A_160, %swap3A_161] {strides = array<i32>} : memref<128x16xf32, #tpu.memory_space<vmem>>, vector<1x16xf32>,
        %swap3A_163 = vector.shape_cast %swap3A_162 : vector<1x16xf32> to vector<16xf32>
        %swap3A_164 = vector.shape_cast %add3A_159 : vector<16xf32> to vector<1x16xf32>
        tpu.vector_store %arg9[%swap3A_160, %swap3A_161], %swap3A_164 {strides = array<i32>} : memref<128x16xf32, #tpu.memory_space<vmem>>, vector<1x16xf32>,
        %mul3A_165 = arith.constant 4 : i32
        %mul3A_166 = arith.muli %scan3A_111, %mul3A_165 : i32
        %add3A_167 = arith.constant 3 : i32
        %add3A_168 = arith.addi %mul3A_166, %add3A_167 : i32
        %get3A_169 = arith.index_cast %add3A_168 : i32 to index
        %get3A_170 = arith.constant 0 : index
        %get3A_171 = tpu.vector_load %arg9[%get3A_169, %get3A_170] {strides = array<i32>} : memref<128x16xf32, #tpu.memory_space<vmem>>, vector<1x16xf32>,
        %get3A_172 = vector.shape_cast %get3A_171 : vector<1x16xf32> to vector<16xf32>
        %get3A_173 = arith.index_cast %add3A_168 : i32 to index
        %get3A_174 = arith.constant 0 : index
        %get3A_175 = tpu.vector_load %arg10[%get3A_173, %get3A_174] {strides = array<i32>} : memref<128x16xf32, #tpu.memory_space<vmem>>, vector<1x16xf32>,
        %get3A_176 = vector.shape_cast %get3A_175 : vector<1x16xf32> to vector<16xf32>
        %add3A_177 = arith.addf %get3A_172, %get3A_176 : vector<16xf32>
        %swap3A_178 = arith.index_cast %add3A_168 : i32 to index
        %swap3A_179 = arith.constant 0 : index
        %swap3A_180 = tpu.vector_load %arg9[%swap3A_178, %swap3A_179] {strides = array<i32>} : memref<128x16xf32, #tpu.memory_space<vmem>>, vector<1x16xf32>,
        %swap3A_181 = vector.shape_cast %swap3A_180 : vector<1x16xf32> to vector<16xf32>
        %swap3A_182 = vector.shape_cast %add3A_177 : vector<16xf32> to vector<1x16xf32>
        tpu.vector_store %arg9[%swap3A_178, %swap3A_179], %swap3A_182 {strides = array<i32>} : memref<128x16xf32, #tpu.memory_space<vmem>>, vector<1x16xf32>,
        %scan3A_183 = arith.constant 0 : i32
        scf.yield %scan3A_183 : i32
      }
      %scan3A_106 = arith.constant 32 : i32
      %add3A_107 = arith.constant 2496 : i32
      %add3A_108 = arith.addi %add3A_107, %add3A : i32
      %mul3A_109 = arith.constant 128 : i32
      %mul3A_110 = arith.muli %add3A_108, %mul3A_109 : i32
      "tpu.region"() ({
        %run_scoped3A = tpu.sem_alloc : memref<!tpu.dma_semaphore, #tpu.memory_space<semaphore_mem>>
        %dma_start3A_111 = arith.constant 0 : i32
        %dma_start3A_112 = tpu.memref_slice %arg6[%mul3A_110, %dma_start3A_111] : memref<320000x16xf32, #tpu.memory_space<hbm>> -> memref<128x16xf32, #tpu.memory_space<hbm>>
        %dma_start3A_113 = arith.constant 0 : i32
        %dma_start3A_114 = tpu.memref_slice %arg6[%mul3A_110, %dma_start3A_113] : memref<320000x16xf32, #tpu.memory_space<hbm>> -> memref<128x16xf32, #tpu.memory_space<hbm>>
        tpu.enqueue_dma source(%arg9 : memref<128x16xf32, #tpu.memory_space<vmem>>) target(%dma_start3A_114 : memref<128x16xf32, #tpu.memory_space<hbm>>) target_semaphore(%run_scoped3A : memref<!tpu.dma_semaphore, #tpu.memory_space<semaphore_mem>>)
        %dma_wait3A_115 = arith.constant 0 : i32
        %dma_wait3A_116 = tpu.memref_slice %arg6[%mul3A_110, %dma_wait3A_115] : memref<320000x16xf32, #tpu.memory_space<hbm>> -> memref<128x16xf32, #tpu.memory_space<hbm>>
        %dma_wait3A_117 = arith.constant 0 : i32
        %dma_wait3A_118 = tpu.memref_slice %arg6[%mul3A_110, %dma_wait3A_117] : memref<320000x16xf32, #tpu.memory_space<hbm>> -> memref<128x16xf32, #tpu.memory_space<hbm>>
        tpu.wait_dma2 semaphore(%run_scoped3A : memref<!tpu.dma_semaphore, #tpu.memory_space<semaphore_mem>>) src(%arg9 : memref<128x16xf32, #tpu.memory_space<vmem>>) dst(%dma_wait3A_118 : memref<128x16xf32, #tpu.memory_space<hbm>>)
        tpu.yield
      }) : () -> ()
    } else {
    }
    return
  }
}

module attributes {stable_mosaic.version = 14 : i64} {
  func.func @_dense1_body(%arg0: memref<10240x128xf32, #tpu.memory_space<vmem>>, %arg1: memref<128x128xf32, #tpu.memory_space<vmem>>, %arg2: memref<2x2x10240x16xf32, #tpu.memory_space<vmem>>, %arg3: memref<10240x128xf32, #tpu.memory_space<vmem>>) attributes {dimension_semantics = [], scalar_prefetch = 0 : i64, scratch_operands = 0 : i64, tpu.core_type = #tpu.core_type<tc>} {
    %get3A = arith.constant 0 : index
    %get3A_0 = arith.constant 0 : index
    %get3A_1 = arith.constant 0 : index
    %get3A_2 = arith.constant 0 : index
    %get3A_3 = vector.load %arg2[%get3A, %get3A_0, %get3A_1, %get3A_2] : memref<2x2x10240x16xf32, #tpu.memory_space<vmem>>, vector<2x2x10240x16xf32>
    %slice3A = vector.extract_strided_slice %get3A_3 {offsets = [0, 0, 0, 0], sizes = [1, 1, 10240, 16], strides = [1, 1, 1, 1]} : vector<2x2x10240x16xf32> to vector<1x1x10240x16xf32>
    %squeeze3A = vector.shape_cast %slice3A : vector<1x1x10240x16xf32> to vector<10240x16xf32>
    %slice3A_4 = vector.extract_strided_slice %get3A_3 {offsets = [1, 0, 0, 0], sizes = [1, 1, 10240, 16], strides = [1, 1, 1, 1]} : vector<2x2x10240x16xf32> to vector<1x1x10240x16xf32>
    %squeeze3A_5 = vector.shape_cast %slice3A_4 : vector<1x1x10240x16xf32> to vector<10240x16xf32>
    %add3A = arith.addf %squeeze3A, %squeeze3A_5 : vector<10240x16xf32>
    %slice3A_6 = vector.extract_strided_slice %add3A {offsets = [0, 0], sizes = [10240, 1], strides = [1, 1]} : vector<10240x16xf32> to vector<10240x1xf32>
    %jit3A = arith.constant 1.000000e+00 : f32
    %max3A = vector.broadcast %jit3A : f32 to vector<10240x1xf32>
    %max3A_7 = arith.maximumf %max3A, %slice3A_6 : vector<10240x1xf32>
    %rsqrt3A = math.rsqrt %max3A_7 : vector<10240x1xf32>
    %get3A_8 = arith.constant 0 : index
    %get3A_9 = arith.constant 0 : index
    %get3A_10 = vector.load %arg0[%get3A_8, %get3A_9] : memref<10240x128xf32, #tpu.memory_space<vmem>>, vector<10240x128xf32>
    %get3A_11 = arith.constant 0 : index
    %get3A_12 = arith.constant 0 : index
    %get3A_13 = vector.load %arg1[%get3A_11, %get3A_12] : memref<128x128xf32, #tpu.memory_space<vmem>>, vector<128x128xf32>
    %dot_general3A = arith.constant dense<0.000000e+00> : vector<10240x128xf32>
    %dot_general3A_14 = tpu.matmul %get3A_10, %get3A_13, %dot_general3A {dimension_numbers = #tpu.dot_dimension_numbers<[1], [0], [0], [1], [0, 0, 1, 1], [], []>, transpose_lhs_hint = false} : vector<10240x128xf32>, vector<128x128xf32>, vector<10240x128xf32> -> vector<10240x128xf32>
    %mul3A = vector.broadcast %rsqrt3A : vector<10240x1xf32> to vector<10240x128xf32>
    %mul3A_15 = arith.mulf %mul3A, %dot_general3A_14 : vector<10240x128xf32>
    %swap3A = arith.constant 0 : index
    %swap3A_16 = arith.constant 0 : index
    %swap3A_17 = vector.load %arg3[%swap3A, %swap3A_16] : memref<10240x128xf32, #tpu.memory_space<vmem>>, vector<10240x128xf32>
    tpu.vector_store %arg3[%swap3A, %swap3A_16], %mul3A_15 {strides = array<i32>} : memref<10240x128xf32, #tpu.memory_space<vmem>>, vector<10240x128xf32>,
    return
  }
}

module attributes {stable_mosaic.version = 14 : i64} {
  func.func @_dense2_body(%arg0: memref<2x10240x128xf32, #tpu.memory_space<vmem>>, %arg1: memref<2x2x10240x16xf32, #tpu.memory_space<vmem>>, %arg2: memref<128x128xf32, #tpu.memory_space<vmem>>, %arg3: memref<1x128xf32, #tpu.memory_space<vmem>>, %arg4: memref<10240x128xf32, #tpu.memory_space<vmem>>) attributes {dimension_semantics = [], scalar_prefetch = 0 : i64, scratch_operands = 0 : i64, tpu.core_type = #tpu.core_type<tc>} {
    %get3A = arith.constant 0 : index
    %get3A_0 = arith.constant 0 : index
    %get3A_1 = arith.constant 0 : index
    %get3A_2 = arith.constant 0 : index
    %get3A_3 = vector.load %arg1[%get3A, %get3A_0, %get3A_1, %get3A_2] : memref<2x2x10240x16xf32, #tpu.memory_space<vmem>>, vector<2x2x10240x16xf32>
    %slice3A = vector.extract_strided_slice %get3A_3 {offsets = [0, 0, 0, 0], sizes = [1, 1, 10240, 16], strides = [1, 1, 1, 1]} : vector<2x2x10240x16xf32> to vector<1x1x10240x16xf32>
    %squeeze3A = vector.shape_cast %slice3A : vector<1x1x10240x16xf32> to vector<10240x16xf32>
    %slice3A_4 = vector.extract_strided_slice %get3A_3 {offsets = [1, 0, 0, 0], sizes = [1, 1, 10240, 16], strides = [1, 1, 1, 1]} : vector<2x2x10240x16xf32> to vector<1x1x10240x16xf32>
    %squeeze3A_5 = vector.shape_cast %slice3A_4 : vector<1x1x10240x16xf32> to vector<10240x16xf32>
    %add3A = arith.addf %squeeze3A, %squeeze3A_5 : vector<10240x16xf32>
    %slice3A_6 = vector.extract_strided_slice %get3A_3 {offsets = [0, 1, 0, 0], sizes = [1, 1, 10240, 16], strides = [1, 1, 1, 1]} : vector<2x2x10240x16xf32> to vector<1x1x10240x16xf32>
    %squeeze3A_7 = vector.shape_cast %slice3A_6 : vector<1x1x10240x16xf32> to vector<10240x16xf32>
    %slice3A_8 = vector.extract_strided_slice %get3A_3 {offsets = [1, 1, 0, 0], sizes = [1, 1, 10240, 16], strides = [1, 1, 1, 1]} : vector<2x2x10240x16xf32> to vector<1x1x10240x16xf32>
    %squeeze3A_9 = vector.shape_cast %slice3A_8 : vector<1x1x10240x16xf32> to vector<10240x16xf32>
    %add3A_10 = arith.addf %squeeze3A_7, %squeeze3A_9 : vector<10240x16xf32>
    %slice3A_11 = vector.extract_strided_slice %add3A {offsets = [0, 0], sizes = [10240, 1], strides = [1, 1]} : vector<10240x16xf32> to vector<10240x1xf32>
    %jit3A = arith.constant 1.000000e+00 : f32
    %max3A = vector.broadcast %jit3A : f32 to vector<10240x1xf32>
    %max3A_12 = arith.maximumf %max3A, %slice3A_11 : vector<10240x1xf32>
    %rsqrt3A = math.rsqrt %max3A_12 : vector<10240x1xf32>
    %slice3A_13 = vector.extract_strided_slice %add3A_10 {offsets = [0, 0], sizes = [10240, 1], strides = [1, 1]} : vector<10240x16xf32> to vector<10240x1xf32>
    %jit3A_14 = arith.constant 1.000000e+00 : f32
    %max3A_15 = vector.broadcast %jit3A_14 : f32 to vector<10240x1xf32>
    %max3A_16 = arith.maximumf %max3A_15, %slice3A_13 : vector<10240x1xf32>
    %rsqrt3A_17 = math.rsqrt %max3A_16 : vector<10240x1xf32>
    %get3A_18 = arith.constant 0 : index
    %get3A_19 = arith.constant 0 : index
    %get3A_20 = arith.constant 0 : index
    %get3A_21 = vector.load %arg0[%get3A_18, %get3A_19, %get3A_20] : memref<2x10240x128xf32, #tpu.memory_space<vmem>>, vector<1x10240x128xf32>
    %get3A_22 = vector.shape_cast %get3A_21 : vector<1x10240x128xf32> to vector<10240x128xf32>
    %get3A_23 = arith.constant 1 : index
    %get3A_24 = arith.constant 0 : index
    %get3A_25 = arith.constant 0 : index
    %get3A_26 = vector.load %arg0[%get3A_23, %get3A_24, %get3A_25] : memref<2x10240x128xf32, #tpu.memory_space<vmem>>, vector<1x10240x128xf32>
    %get3A_27 = vector.shape_cast %get3A_26 : vector<1x10240x128xf32> to vector<10240x128xf32>
    %add3A_28 = arith.addf %get3A_22, %get3A_27 : vector<10240x128xf32>
    %mul3A = vector.broadcast %rsqrt3A_17 : vector<10240x1xf32> to vector<10240x128xf32>
    %mul3A_29 = arith.mulf %mul3A, %add3A_28 : vector<10240x128xf32>
    %get3A_30 = arith.constant 0 : index
    %get3A_31 = arith.constant 0 : index
    %get3A_32 = vector.load %arg3[%get3A_30, %get3A_31] : memref<1x128xf32, #tpu.memory_space<vmem>>, vector<1x128xf32>
    %add3A_33 = vector.broadcast %get3A_32 : vector<1x128xf32> to vector<10240x128xf32>
    %add3A_34 = arith.addf %mul3A_29, %add3A_33 : vector<10240x128xf32>
    %max3A_35 = arith.constant 0.000000e+00 : f32
    %max3A_36 = vector.broadcast %max3A_35 : f32 to vector<10240x128xf32>
    %max3A_37 = arith.maximumf %add3A_34, %max3A_36 : vector<10240x128xf32>
    %get3A_38 = arith.constant 0 : index
    %get3A_39 = arith.constant 0 : index
    %get3A_40 = vector.load %arg2[%get3A_38, %get3A_39] : memref<128x128xf32, #tpu.memory_space<vmem>>, vector<128x128xf32>
    %dot_general3A = arith.constant dense<0.000000e+00> : vector<10240x128xf32>
    %dot_general3A_41 = tpu.matmul %max3A_37, %get3A_40, %dot_general3A {dimension_numbers = #tpu.dot_dimension_numbers<[1], [0], [0], [1], [0, 0, 1, 1], [], []>, transpose_lhs_hint = false} : vector<10240x128xf32>, vector<128x128xf32>, vector<10240x128xf32> -> vector<10240x128xf32>
    %mul3A_42 = vector.broadcast %rsqrt3A : vector<10240x1xf32> to vector<10240x128xf32>
    %mul3A_43 = arith.mulf %mul3A_42, %dot_general3A_41 : vector<10240x128xf32>
    %swap3A = arith.constant 0 : index
    %swap3A_44 = arith.constant 0 : index
    %swap3A_45 = vector.load %arg4[%swap3A, %swap3A_44] : memref<10240x128xf32, #tpu.memory_space<vmem>>, vector<10240x128xf32>
    tpu.vector_store %arg4[%swap3A, %swap3A_44], %mul3A_43 {strides = array<i32>} : memref<10240x128xf32, #tpu.memory_space<vmem>>, vector<10240x128xf32>,
    return
  }
}

module attributes {stable_mosaic.version = 14 : i64} {
  func.func @_dense3_body(%arg0: memref<2x10240x128xf32, #tpu.memory_space<vmem>>, %arg1: memref<2x2x10240x16xf32, #tpu.memory_space<vmem>>, %arg2: memref<2x128x16xf32, #tpu.memory_space<vmem>>, %arg3: memref<1x128xf32, #tpu.memory_space<vmem>>, %arg4: memref<1x16xf32, #tpu.memory_space<vmem>>, %arg5: memref<10240x16xf32, #tpu.memory_space<vmem>>, %arg6: memref<10240x16xf32, #tpu.memory_space<vmem>>) attributes {dimension_semantics = [], scalar_prefetch = 0 : i64, scratch_operands = 0 : i64, tpu.core_type = #tpu.core_type<tc>} {
    %get3A = arith.constant 0 : index
    %get3A_0 = arith.constant 0 : index
    %get3A_1 = arith.constant 0 : index
    %get3A_2 = arith.constant 0 : index
    %get3A_3 = vector.load %arg1[%get3A, %get3A_0, %get3A_1, %get3A_2] : memref<2x2x10240x16xf32, #tpu.memory_space<vmem>>, vector<2x2x10240x16xf32>
    %slice3A = vector.extract_strided_slice %get3A_3 {offsets = [0, 1, 0, 0], sizes = [1, 1, 10240, 16], strides = [1, 1, 1, 1]} : vector<2x2x10240x16xf32> to vector<1x1x10240x16xf32>
    %squeeze3A = vector.shape_cast %slice3A : vector<1x1x10240x16xf32> to vector<10240x16xf32>
    %slice3A_4 = vector.extract_strided_slice %get3A_3 {offsets = [1, 1, 0, 0], sizes = [1, 1, 10240, 16], strides = [1, 1, 1, 1]} : vector<2x2x10240x16xf32> to vector<1x1x10240x16xf32>
    %squeeze3A_5 = vector.shape_cast %slice3A_4 : vector<1x1x10240x16xf32> to vector<10240x16xf32>
    %add3A = arith.addf %squeeze3A, %squeeze3A_5 : vector<10240x16xf32>
    %slice3A_6 = vector.extract_strided_slice %add3A {offsets = [0, 0], sizes = [10240, 1], strides = [1, 1]} : vector<10240x16xf32> to vector<10240x1xf32>
    %jit3A = arith.constant 1.000000e+00 : f32
    %max3A = vector.broadcast %jit3A : f32 to vector<10240x1xf32>
    %max3A_7 = arith.maximumf %max3A, %slice3A_6 : vector<10240x1xf32>
    %rsqrt3A = math.rsqrt %max3A_7 : vector<10240x1xf32>
    %get3A_8 = arith.constant 0 : index
    %get3A_9 = arith.constant 0 : index
    %get3A_10 = arith.constant 0 : index
    %get3A_11 = vector.load %arg0[%get3A_8, %get3A_9, %get3A_10] : memref<2x10240x128xf32, #tpu.memory_space<vmem>>, vector<1x10240x128xf32>
    %get3A_12 = vector.shape_cast %get3A_11 : vector<1x10240x128xf32> to vector<10240x128xf32>
    %get3A_13 = arith.constant 1 : index
    %get3A_14 = arith.constant 0 : index
    %get3A_15 = arith.constant 0 : index
    %get3A_16 = vector.load %arg0[%get3A_13, %get3A_14, %get3A_15] : memref<2x10240x128xf32, #tpu.memory_space<vmem>>, vector<1x10240x128xf32>
    %get3A_17 = vector.shape_cast %get3A_16 : vector<1x10240x128xf32> to vector<10240x128xf32>
    %add3A_18 = arith.addf %get3A_12, %get3A_17 : vector<10240x128xf32>
    %mul3A = vector.broadcast %rsqrt3A : vector<10240x1xf32> to vector<10240x128xf32>
    %mul3A_19 = arith.mulf %mul3A, %add3A_18 : vector<10240x128xf32>
    %get3A_20 = arith.constant 0 : index
    %get3A_21 = arith.constant 0 : index
    %get3A_22 = vector.load %arg3[%get3A_20, %get3A_21] : memref<1x128xf32, #tpu.memory_space<vmem>>, vector<1x128xf32>
    %add3A_23 = vector.broadcast %get3A_22 : vector<1x128xf32> to vector<10240x128xf32>
    %add3A_24 = arith.addf %mul3A_19, %add3A_23 : vector<10240x128xf32>
    %max3A_25 = arith.constant 0.000000e+00 : f32
    %max3A_26 = vector.broadcast %max3A_25 : f32 to vector<10240x128xf32>
    %max3A_27 = arith.maximumf %add3A_24, %max3A_26 : vector<10240x128xf32>
    %get3A_28 = arith.constant 0 : index
    %get3A_29 = arith.constant 0 : index
    %get3A_30 = arith.constant 0 : index
    %get3A_31 = vector.load %arg2[%get3A_28, %get3A_29, %get3A_30] : memref<2x128x16xf32, #tpu.memory_space<vmem>>, vector<1x128x16xf32>
    %get3A_32 = vector.shape_cast %get3A_31 : vector<1x128x16xf32> to vector<128x16xf32>
    %dot_general3A = arith.constant dense<0.000000e+00> : vector<10240x16xf32>
    %dot_general3A_33 = tpu.matmul %max3A_27, %get3A_32, %dot_general3A {dimension_numbers = #tpu.dot_dimension_numbers<[1], [0], [0], [1], [0, 0, 1, 1], [], []>, transpose_lhs_hint = false} : vector<10240x128xf32>, vector<128x16xf32>, vector<10240x16xf32> -> vector<10240x16xf32>
    %get3A_34 = arith.constant 0 : index
    %get3A_35 = arith.constant 0 : index
    %get3A_36 = vector.load %arg4[%get3A_34, %get3A_35] : memref<1x16xf32, #tpu.memory_space<vmem>>, vector<1x16xf32>
    %add3A_37 = vector.broadcast %get3A_36 : vector<1x16xf32> to vector<10240x16xf32>
    %add3A_38 = arith.addf %dot_general3A_33, %add3A_37 : vector<10240x16xf32>
    %swap3A = arith.constant 0 : index
    %swap3A_39 = arith.constant 0 : index
    %swap3A_40 = vector.load %arg5[%swap3A, %swap3A_39] : memref<10240x16xf32, #tpu.memory_space<vmem>>, vector<10240x16xf32>
    tpu.vector_store %arg5[%swap3A, %swap3A_39], %add3A_38 {strides = array<i32>} : memref<10240x16xf32, #tpu.memory_space<vmem>>, vector<10240x16xf32>,
    %get3A_41 = arith.constant 1 : index
    %get3A_42 = arith.constant 0 : index
    %get3A_43 = arith.constant 0 : index
    %get3A_44 = vector.load %arg2[%get3A_41, %get3A_42, %get3A_43] : memref<2x128x16xf32, #tpu.memory_space<vmem>>, vector<1x128x16xf32>
    %get3A_45 = vector.shape_cast %get3A_44 : vector<1x128x16xf32> to vector<128x16xf32>
    %dot_general3A_46 = arith.constant dense<0.000000e+00> : vector<10240x16xf32>
    %dot_general3A_47 = tpu.matmul %max3A_27, %get3A_45, %dot_general3A_46 {dimension_numbers = #tpu.dot_dimension_numbers<[1], [0], [0], [1], [0, 0, 1, 1], [], []>, transpose_lhs_hint = false} : vector<10240x128xf32>, vector<128x16xf32>, vector<10240x16xf32> -> vector<10240x16xf32>
    %swap3A_48 = arith.constant 0 : index
    %swap3A_49 = arith.constant 0 : index
    %swap3A_50 = vector.load %arg6[%swap3A_48, %swap3A_49] : memref<10240x16xf32, #tpu.memory_space<vmem>>, vector<10240x16xf32>
    tpu.vector_store %arg6[%swap3A_48, %swap3A_49], %dot_general3A_47 {strides = array<i32>} : memref<10240x16xf32, #tpu.memory_space<vmem>>, vector<10240x16xf32>,
    return
  }
}

</mosaic_0001>

<sc_bundles>
// kernel: kernel.12.cloned.1.call-start
scs
__scs_entry_jumppad:
0x0: {  	(pc) =	sbr.rel $0x88, $3  }
0x1: {  	(tag) =	ssettag $0x0;
	lr =	simm.s32 $0x1  }
0x2: {  	[smem:$0x3F98] =	sst lr;
	_ =	strace $0xD0000000  }
0x3: {  	_ = 	snop  }
0x4: {  	_ = 	snop  }
0x5: {  	_ = 	snop  }
0x6: {  	_ = 	snop  }
0x7: {  	_ = 	snop  }
__scs_overlays_trampoline_lowered:
0x8: {  	[smem:$0x3FA7] =	sst s0  }
0x9: {  	[smem:$0x3FA8] =	sst s1  }
0xa: {  	[smem:$0x3FA9] =	sst s2  }
0xb: {  	[smem:$0x3FAA] =	sst s3  }
0xc: {  	[smem:$0x3FAB] =	sst s4  }
0xd: {  	[smem:$0x3FAC] =	sst s5  }
0xe: {  	[smem:$0x3FAD] =	sst s6  }
0xf: {  	[smem:$0x3FAE] =	sst s7  }
0x10: {  	[smem:$0x3FAF] =	sst s8  }
0x11: {  	[smem:$0x3FB0] =	sst s9;
	s0 =	simm.s32 @!p0 $0x0  }
0x12: {  	s1 =	sld [smem:$0x3F96];
	s0 =	simm.s32 @p0 $0x1  }
0x13: {  	[smem:$0x3FB1] =	sst s0;
	s0 =	simm.s32 @!p1 $0x0  }
0x14: {  	s2 =	sld [smem:$0x3F95];
	s0 =	simm.s32 @p1 $0x1  }
0x15: {  	[smem:$0x3FB2] =	sst s0;
	s0 =	simm.s32 @!p2 $0x0  }
0x16: {  	s3 =	sld [smem:$0x3FDB];
	s0 =	simm.s32 @p2 $0x1  }
0x17: {  	s4 =	simm.s32 $0x1BF5;
	[smem:$0x3FB4] =	sst s0  }
0x18: {  	s0 =	sld [smem:$0x3F97];
	_ =	swait.ge [sflag:s4], $0x0  }
0x19: {  	s7 =	sld [smem:$0x3F98]  }
0x1a: {  	s8 =	sadd.s32 $0xFFFFE003, lr  }
0x1b: {  	s9 =	sadd.s32 $0xFFFFFEF7, lr;
	s5 =	simm.s32 $0xFFFFFFFF;
	p2 =	slt.u32 s8, $0xFFFFF086  }
0x1c: {  	p1 =	slt.u32 s9, $0xF7A;
	s5 =	simm.s32 @!p2 $0x0  }
0x1d: {  	s5 =	simm.s32 @p1 $0x1;
	p0 =	seq.s32 s7, s2  }
0x1e: {  	s7 =	smul.u32 @!p0 $0xF7A, s2;
	p2 =	seq.s32 @!p0 s5, $0x0  }
0x1f: {  	s9 =	smul.u32 $0xF7A, s1;
	s8 =	simm.s32 @!p0 $0x1BF5;
	p2 =	por !p2, p0  }
0x20: {  	[sflag:s8] =	ssyncset.s32 @!p0 $0xFFFFF086;
	s6 =	sadd.s32 @!p0 s3, s7;
	s7 =	simm.s32 @!p0 $0x108  }
0x21: {  	s3 =	sadd.s32 s3, s9;
	s6 =	sadd.s32 @!p0 $0x88, s6;
	s7 =	simm.s32 @p2 $0x1082  }
0x22: {  	[simem:s7], [sflag:s8] =	dma.local @!p0 [hbm:s6], $0xF7A  }
0x23: {  	s9 =	sor.u32 $0xD0000000, s2;
	s6 =	simm.s32 $0x108;
	_ =	swait.ge @!p0 [sflag:s8], $0x0  }
0x24: {  	s3 =	sadd.s32 $0x88, s3;
	s6 =	simm.s32 @!p1 $0x1082;
	[sflag:s4] =	ssyncset.s32 $0xFFFFF086  }
0x25: {  	[simem:s6], [sflag:s4] =	dma.local [hbm:s3], $0xF7A  }
0x26: {  	[smem:$0x3F98] =	sst s1;
	(tag) =	ssettag s2;
	_ =	strace s9  }
0x27: {  	s1 =	sld [smem:$0x3FA8]  }
0x28: {  	s2 =	sld [smem:$0x3FA9]  }
0x29: {  	s4 =	sld [smem:$0x3FAB]  }
0x2a: {  	p0 =	seq.s32 s5, $0x0;
	s5 =	sld [smem:$0x3FAC]  }
0x2b: {  	s6 =	sld [smem:$0x3FAD]  }
0x2c: {  	s7 =	sld [smem:$0x3FAE]  }
0x2d: {  	s3 =	simm.s32 $0x108;
	s8 =	sld [smem:$0x3FAF]  }
0x2e: {  	s3 =	simm.s32 @!p0 $0x1082;
	s9 =	sld [smem:$0x3FB0]  }
0x2f: {  	lr =	sadd.s32 s0, s3;
	s0 =	sld [smem:$0x3FA7]  }
0x30: {  	s3 =	sld [smem:$0x3FAA]  }
0x31: {  	[smem:$0x3FB3] =	sst s10  }
0x32: {  	s10 =	sld [smem:$0x3FB1];
	_ =	sdelay $0x3  }
0x33: {  	p0 =	seq.s32 s10, $0x1;
	s10 =	sld [smem:$0x3FB3];
	_ =	sdelay $0x3  }
0x34: {  	[smem:$0x3FB3] =	sst s10  }
0x35: {  	s10 =	sld [smem:$0x3FB2];
	_ =	sdelay $0x3  }
0x36: {  	p1 =	seq.s32 s10, $0x1;
	s10 =	sld [smem:$0x3FB3];
	_ =	sdelay $0x3  }
0x37: {  	[smem:$0x3FB3] =	sst s10  }
0x38: {  	s10 =	sld [smem:$0x3FB4]  }
0x39: {  	_ = 	snop;
	(pc) =	sbr.ind lr, $3  }
0x3a: {  	_ = 	snop  }
0x3b: {  	_ = 	snop  }
0x3c: {  	p2 =	seq.s32 s10, $0x1;
	s10 =	sld [smem:$0x3FB3]  }
0x3d: {  	_ =	shalt  }
0x3e: {  	_ =	shalt  }
0x3f: {  	_ =	shalt  }
0x40: {  	_ =	shalt  }
0x41: {  	_ =	shalt  }
0x42: {  	_ =	shalt  }
0x43: {  	_ =	shalt  }
0x44: {  	_ =	shalt  }
0x45: {  	_ =	shalt  }
0x46: {  	_ =	shalt  }
0x47: {  	_ =	shalt  }
0x48: {  	_ =	shalt  }
0x49: {  	_ =	shalt  }
0x4a: {  	_ =	shalt  }
0x4b: {  	_ =	shalt  }
0x4c: {  	_ =	shalt  }
0x4d: {  	_ =	shalt  }
0x4e: {  	_ =	shalt  }
0x4f: {  	_ =	shalt  }
0x50: {  	_ =	shalt  }
0x51: {  	_ =	shalt  }
0x52: {  	_ =	shalt  }
0x53: {  	_ =	shalt  }
0x54: {  	_ =	shalt  }
0x55: {  	_ =	shalt  }
0x56: {  	_ =	shalt  }
0x57: {  	_ =	shalt  }
0x58: {  	_ =	shalt  }
0x59: {  	_ =	shalt  }
0x5a: {  	_ =	shalt  }
0x5b: {  	_ =	shalt  }
0x5c: {  	_ =	shalt  }
0x5d: {  	_ =	shalt  }
0x5e: {  	_ =	shalt  }
0x5f: {  	_ =	shalt  }
0x60: {  	_ =	shalt  }
0x61: {  	_ =	shalt  }
0x62: {  	_ =	shalt  }
0x63: {  	_ =	shalt  }
0x64: {  	_ =	shalt  }
0x65: {  	_ =	shalt  }
0x66: {  	_ =	shalt  }
0x67: {  	_ =	shalt  }
0x68: {  	_ =	shalt  }
0x69: {  	_ =	shalt  }
0x6a: {  	_ =	shalt  }
0x6b: {  	_ =	shalt  }
0x6c: {  	_ =	shalt  }
0x6d: {  	_ =	shalt  }
0x6e: {  	_ =	shalt  }
0x6f: {  	_ =	shalt  }
0x70: {  	_ =	shalt  }
0x71: {  	_ =	shalt  }
0x72: {  	_ =	shalt  }
0x73: {  	_ =	shalt  }
0x74: {  	_ =	shalt  }
0x75: {  	_ =	shalt  }
0x76: {  	_ =	shalt  }
0x77: {  	_ =	shalt  }
0x78: {  	_ =	shalt  }
0x79: {  	_ =	shalt  }
0x7a: {  	_ =	shalt  }
0x7b: {  	_ =	shalt  }
0x7c: {  	_ =	shalt  }
0x7d: {  	_ =	shalt  }
0x7e: {  	_ =	shalt  }
0x7f: {  	_ =	shalt  }
0x80: {  	_ =	shalt  }
0x81: {  	_ =	shalt  }
0x82: {  	_ =	shalt  }
0x83: {  	_ =	shalt  }
0x84: {  	_ =	shalt  }
0x85: {  	_ =	shalt  }
0x86: {  	_ =	shalt  }
0x87: {  	_ =	shalt  }
.Lfunc_end0:
.L_simem_size_0:
called_computation.1_lowered:
.L_overlay_start_0:
0x88: {  	s2 =	sld [smem:$0x3FD9]  }
0x89: {  	s3 =	sld [smem:$0x3FFE];
	_ =	sdelay $0x1  }
0x8a: {  	s1 =	srdreg.scid  }
0x8b: {  	s0 =	sand.u32 $0x1, s1  }
0x8c: {  	s17 =	sshll.u32 s0, $0xA;
	s2 =	sadd.s32 s3, s2  }
0x8d: {  	s2 =	sadd.s32 s2, s17  }
0x8e: {  	[smem:$0x3FBF] =	sst s2  }
0x8f: {  	_ = 	snop  }
0x90: {  	s2 =	sld [smem:$0x3FD0];
	(tm) =	ssettm $0x1  }
0x91: {  	s18 =	sld [smem:$0x3FFB];
	_ =	sdelay $0x3  }
0x92: {  	_ =	strace s18  }
0x93: {  	s3 =	sld [smem:$0x3FFC];
	_ =	sdelay $0x3  }
0x94: {  	_ =	strace s3  }
0x95: {  	s3 =	sld [smem:$0x3FFD];
	_ =	sdelay $0x3  }
0x96: {  	_ =	strace s3  }
0x97: {  	_ =	strace $0x8FFFFFFF  }
0x98: {  	s19 =	sld [smem:$0x3FDB];
	_ =	sdelay $0x1  }
0x99: {  	s4 =	simm.s32 $_scs_section_size  }
0x9a: {  	s5 =	simm.s32 $_size__tile_overlayer_lowered;
	s6 =	simm.s32 $_tile_overlayer_lowered  }
0x9b: {  	s22 =	simm.s32 $0x1BFF;
	s21 =	sshll.u32 s6, $0x1;
	s3 =	sadd.s32 s4, s19  }
0x9c: {  	s7 =	simm.s32 $0x0;
	s20 =	sshll.u32 s5, $0x1;
	s5 =	sadd.s32 s21, s3  }
0x9d: {  	[timem:s7], [sflag:s22] =	dma.local [hbm:s5], s20  }
0x9e: {  	_ =	swait.ge [sflag:s22], s20  }
0x9f: {  	s4 =	ssub.s32 $0x0, s20;
	[sflag:s22] =	ssyncset.done $0x0  }
0xa0: {  	[sflag:s22] =	ssyncadd.s32 s4;
	_ =	sdelay $0x1  }
0xa1: {  	s23 =	simm.s32 $0x1B8B  }
0xa2: {  	_ =	swait.ge [sflag:s23], $0x1  }
0xa3: {  	[sflag:s23] =	ssyncset.done $0x0  }
0xa4: {  	s25 =	simm.s32 $0x1B8E;
	s24 =	sld [smem:$0x3FFE];
	[sflag:s23] =	ssyncadd.s32 $0xFFFFFFFF  }
0xa5: {  	s26 =	simm.s32 $execute0_lowered;
	[smem:$0x3FD2] =	sst s25  }
0xa6: {  	s5 =	sshll.u32 s26, $0x1;
	_ =	strace $0x80000049;
	[dreg:$0x1] =	wrdreg $0xFFFFFFFF  }
0xa7: {  	s28 =	simm.s32 $_size_execute0_lowered;
	s3 =	sadd.s32 s3, s5;
	[dreg:$0x0] =	wrdreg $0x0  }
0xa8: {  	s5 =	sshll.u32 s28, $0x1;
	[dreg:$0x2] =	wrdreg s3  }
0xa9: {  	[dreg:$0x3] =	wrdreg s5  }
0xaa: {  	[dreg:$0x4] =	wrdreg $0xC0  }
0xab: {  	_ =	task [dreg:s7], $0x5FFFF  }
0xac: {  	[dreg:$0x1] =	wrdreg $0xFFFFFFFF  }
0xad: {  	[dreg:$0x0] =	wrdreg $0x60  }
0xae: {  	[dreg:$0x2] =	wrdreg s24  }
0xaf: {  	[dreg:$0x3] =	wrdreg s2  }
0xb0: {  	[dreg:$0x4] =	wrdreg $0x9B000  }
0xb1: {  	[dreg:$0x5] =	wrdreg $0x9  }
0xb2: {  	_ =	task.clear_ibuf [dreg:s7], $0x6FFFF;
	_ =	strace $0x90000049  }
0xb3: {  	s29 =	simm.s32 $0x9;
	_ =	strace $0x8000004B  }
0xb4: {  	_ =	swait.ge [sflag:s29], $0x1  }
0xb5: {  	[sflag:s29] =	ssyncadd.s32 $0xFFFFFFFF  }
0xb6: {  	_ =	strace $0x9000004B  }
0xb7: {  	_ =	sfence  }
0xb8: {  	s30 =	sld [smem:$0x0];
	_ =	sdelay $0x2  }
0xb9: {  	s31 =	sshll.u32 s1, $0xD;
	s1 =	sshrl.u32 s1, $0x2  }
0xba: {  	s3 =	sand.u32 $0x4000, s31;
	s1 =	sadd.s32 s1, s30  }
0xbb: {  	s0 =	sor.u32 s3, s0;
	s1 =	sshll.u32 s1, $0x11  }
0xbc: {  	s0 =	sor.u32 s1, s0  }
0xbd: {  	s0 =	sadd.s32 $0x8F2B, s0  }
0xbe: {  	[sflag:s0] =	ssyncadd.remote.s32 $0x1  }
0xbf: {  	_ =	sfence.sel $0xFFFF  }
0xc0: {  	[dreg:$0x0] =	wrdreg $0xFFFFFFFF;
	(pc) =	sbr.abs _section_cstart, $3  }
0xc1: {  	[dreg:$0x1] =	wrdreg $0xFFFFFFFF  }
0xc2: {  	_ =	task.clear_ibuf [dreg:s7], $0x2FFFF;
	_ =	strace $0x9FFFFFFF  }
0xc3: {  	(tm) =	ssettm $0x7FFFFFFF  }
tec
execute0_lowered:
.L_overlay_start_1:
0x0: {  	(tag) =	ssettag $0x1  }
0x1: {  	s0 =	rddreg [dreg:$0x0]  }
0x2: {  	s3 =	rddreg [dreg:$0x1]  }
0x3: {  	s1 =	rddreg [dreg:$0x2]  }
0x4: {  	s2 =	simm.s32 $0x0;
	s4 =	srdreg.scid;
	s21 =	stileid.u32  }
0x5: {  	s28 =	simm.s32 $0xC80;
	s29 =	simm.s32 $0x1980;
	s30 =	simm.s32 $0x1A00  }
0x6: {  	s31 =	simm.s32 $0x0;
	[smem:$0x7FF] =	sst s2;
	s16 =	sadd.s32 $0xB800, s0  }
0x7: {  	s13 =	sand.u32 $0x1, s4;
	s17 =	sadd.s32 $0x1A00, s0;
	s6 =	smul.u32 $0x50000, s21  }
0x8: {  	s4 =	sadd.s32 $0xB5600, s0;
	s15 =	smul.u32 $0x14000, s21;
	s20 =	sshll.u32 s21, $0x4  }
0x9: {  	_ =	strace $0x8000004A;
	s5 =	ssub.s32 $0x2, s13;
	s7 =	sshll.u32 s13, $0x4  }
0xa: {  	s19 =	smul.u32 $0x140000, s13;
	s20 =	sor.u32 $0x9C00, s20;
	s22 =	sshrl.u32 s5, $0x1  }
0xb: {  	s25 =	sor.u32 s21, s7;
	s6 =	sshrl.u32 s6, $0x2;
	s21 =	simm.s32 $0x3  }
0xc: {  	s0 =	ssub.s32 s5, s22;
	s9 =	sadd.s32 s6, s1;
	s10 =	smul.u32 $0x2700, s25  }
0xd: {  	s5 =	sadd.s32 s15, s1;
	s11 =	smul.u32 $0x4E0, s25;
	s19 =	sadd.s32 s15, s19  }
0xe: {  	s22 =	simm.s32 $0xD80;
	p0 =	sgt.u32 s25, $0x3;
	s25 =	simm.s32 $0x1  }
0xf: {  	s6 =	sadd.s32 $0x4000, s9;
	s23 =	sadd.s32 $0x8000, s9;
	s8 =	sadd.s32 $0xC000, s9  }
0x10: {  	s9 =	sadd.s32 $0x10000, s9;
	s26 =	sshrl.u32 s19, $0x3;
	[dreg:$0x4] =	wrdreg s6  }
0x11: {  	s19 =	smax.u32 s0, $0x1;
	[dreg:$0x5] =	wrdreg s23;
	s14 =	sshrl.u32 s10, $0x3  }
0x12: {  	s10 =	sadd.s32 s16, s11;
	s11 =	sadd.s32 s17, s11;
	s18 =	sadd.s32 $0x1A0, s14  }
0x13: {  	s23 =	simm.s32 $0x80;
	s24 =	sadd.s32 $0x340, s14;
	s12 =	sadd.s32 s16, s18  }
0x14: {  	s13 =	sadd.s32 s17, s18;
	s14 =	sadd.s32 s16, s24;
	s15 =	sadd.s32 s17, s24  }
0x15: {  	s16 =	sadd.s32 s16, s20;
	s17 =	sadd.s32 s17, s20;
	s18 =	sadd.s32 s3, s26  }
0x16: {  	v0 =	vimm.f32 $0.0e+00;
	s20 =	simm.s32 $0x1B00;
	s24 =	simm.s32 $0x5B00;
	s26 =	simm.s32 $0x2  }
.LBB2_1:
0x17: {  	s0 =	simm.s32 $0x0;
	s3 =	simm.s32 $0x200  }
.LBB2_2:
0x18: {  	p1 =	sne.s32 s3, $0xFE00;
	[tilespmem:s0+$0x1B70] =	vst v0  }
0x19: {  	[tilespmem:s0+$0x1B00] =	vst v0  }
0x1a: {  	[tilespmem:s0+$0x1B10] =	vst v0  }
.Ltmp0:
0x1b: {  	[tilespmem:s0+$0x1B20] =	vst v0;
	(pc) =	sbr.rel @p1 .LBB2_2-.Ltmp0, $4  }
0x1c: {  	[tilespmem:s0+$0x1B30] =	vst v0  }
0x1d: {  	[tilespmem:s0+$0x1B40] =	vst v0  }
0x1e: {  	[tilespmem:s0+$0x1B50] =	vst v0  }
0x1f: {  	[tilespmem:s0+$0x1B60] =	vst v0;
	s0 =	sshra.s32 s3, $0x2;
	s3 =	sadd.s32 $0x200, s3  }
0x20: {  	[tilespmem:s0+$0x1B70] =	vst v0  }
0x21: {  	[tilespmem:s0+$0x1B00] =	vst v0  }
0x22: {  	[tilespmem:s0+$0x1B10] =	vst v0  }
0x23: {  	[tilespmem:s0+$0x1B20] =	vst v0  }
0x24: {  	[tilespmem:s0+$0x1B30] =	vst v0  }
0x25: {  	[tilespmem:s0+$0x1B40] =	vst v0  }
0x26: {  	[tilespmem:s0+$0x1B50] =	vst v0  }
0x27: {  	[tilespmem:s0+$0x1B60] =	vst v0  }
0x28: {  	[spmem:s5] =	stream.linear.scatter [tilespmem:s20], [sflag:$0x3], $0x4000, $0x38;
	[tilespmem:$0x1DB00] =	vst v63  }
0x29: {  	_ =	swait.ge [sflag:s21], $0x4000  }
0x2a: {  	[sflag:s21] =	ssyncset.done $0x0  }
0x2b: {  	s3 =	rddreg [dreg:$0x4];
	[sflag:s21] =	ssyncadd.s32 $0xFFFFC000  }
0x2c: {  	[spmem:s3] =	stream.linear.scatter [tilespmem:s20], [sflag:$0x3], $0x4000, $0x38;
	[tilespmem:$0x1DB00] =	vst v63  }
0x2d: {  	_ =	swait.ge [sflag:s21], $0x4000  }
0x2e: {  	[sflag:s21] =	ssyncset.done $0x0  }
0x2f: {  	s6 =	rddreg [dreg:$0x5];
	[sflag:s21] =	ssyncadd.s32 $0xFFFFC000  }
0x30: {  	[spmem:s6] =	stream.linear.scatter [tilespmem:s20], [sflag:$0x3], $0x4000, $0x38;
	[tilespmem:$0x1DB00] =	vst v63  }
0x31: {  	_ =	swait.ge [sflag:s21], $0x4000  }
0x32: {  	[sflag:s21] =	ssyncset.done $0x0  }
0x33: {  	[sflag:s21] =	ssyncadd.s32 $0xFFFFC000  }
0x34: {  	[spmem:s8] =	stream.linear.scatter [tilespmem:s20], [sflag:$0x3], $0x4000, $0x38;
	[tilespmem:$0x1DB00] =	vst v63  }
0x35: {  	_ =	swait.ge [sflag:s21], $0x4000  }
0x36: {  	[sflag:s21] =	ssyncset.done $0x0  }
0x37: {  	[sflag:s21] =	ssyncadd.s32 $0xFFFFC000  }
0x38: {  	[spmem:s9] =	stream.linear.scatter [tilespmem:s20], [sflag:$0x3], $0x4000, $0x38;
	[tilespmem:$0x1DB00] =	vst v63  }
0x39: {  	_ =	swait.ge [sflag:s21], $0x4000  }
0x3a: {  	[sflag:s21] =	ssyncset.done $0x0  }
0x3b: {  	[sflag:s21] =	ssyncadd.s32 $0xFFFFC000  }
0x3c: {  	s7 =	simm.s32 $0x0;
	[bflag:$0x0] =	sbarrier.arrive $0xFFFF  }
0x3d: {  	[tilespmem:s7], [sflag:$0x3] =	stream.linear.gather [hbm4b:s10+s7], $0xD00, $0x38;
	[tilespmem:$0x1DB00] =	vst v63  }
0x3e: {  	_ =	swait.ge [sflag:s21], $0xD00  }
0x3f: {  	[sflag:s21] =	ssyncset.done $0x0  }
0x40: {  	[sflag:s21] =	ssyncadd.s32 $0xFFFFF300  }
0x41: {  	[tilespmem:s22], [sflag:$0x3] =	stream.linear.gather [hbm4b:s11+s7], $0xD00, $0x38;
	[tilespmem:$0x1DB00] =	vst v63  }
0x42: {  	_ =	swait.ge [sflag:s21], $0xD00  }
0x43: {  	[sflag:s21] =	ssyncset.done $0x0  }
0x44: {  	[sflag:s21] =	ssyncadd.s32 $0xFFFFF300  }
0x45: {  	[tilespmem:s20], [sflag:$0x1] =	stream.indirect.gather [hbm4b:s4+s23], $0x80, s7, s23, $0xb8;
	[tilespmem:$0x1DB00] =	vst v63  }
0x46: {  	s2 =	simm.s32 $0x80  }
0x47: {  	[tilespmem:s24], [sflag:$0x2] =	stream.indirect.gather [hbm4b:s4+s23], $0x80, s2, s23, $0xb8;
	[tilespmem:$0x1DB00] =	vst v63  }
0x48: {  	_ =	swait.ge [sflag:s25], $0x4000  }
0x49: {  	[sflag:s25] =	ssyncset.done $0x0  }
0x4a: {  	s3 =	simm.s32 $0xD80;
	[sflag:s25] =	ssyncadd.s32 $0xFFFFC000  }
0x4b: {  	[spmem:s1] =	stream.indirect.scatter.add.f32 [tilespmem:s20], [sflag:$0x3], $0x80, s3, s23, $0xb8;
	[tilespmem:$0x1DB00] =	vst v63  }
0x4c: {  	_ =	swait.ge [sflag:s21], $0x4000  }
0x4d: {  	[sflag:s21] =	ssyncset.done $0x0  }
0x4e: {  	s6 =	simm.s32 $0x100;
	[sflag:s21] =	ssyncadd.s32 $0xFFFFC000  }
0x4f: {  	[tilespmem:s20], [sflag:$0x1] =	stream.indirect.gather [hbm4b:s4+s23], $0x80, s6, s23, $0xb8;
	[tilespmem:$0x1DB00] =	vst v63  }
0x50: {  	_ =	swait.ge [sflag:s26], $0x4000  }
0x51: {  	[sflag:s26] =	ssyncset.done $0x0  }
0x52: {  	s7 =	simm.s32 $0xE00;
	[sflag:s26] =	ssyncadd.s32 $0xFFFFC000  }
0x53: {  	[spmem:s1] =	stream.indirect.scatter.add.f32 [tilespmem:s24], [sflag:$0x3], $0x80, s7, s23, $0xb8;
	[tilespmem:$0x1DB00] =	vst v63  }
0x54: {  	_ =	swait.ge [sflag:s21], $0x4000  }
0x55: {  	s0 =	simm.s32 $0x100;
	s3 =	simm.s32 $0x800;
	[sflag:s21] =	ssyncset.done $0x0  }
.LBB2_4:
0x56: {  	s2 =	sadd.s32 $0x80, s0  }
0x57: {  	[sflag:s21] =	ssyncadd.s32 $0xFFFFC000;
	s6 =	smov.u32 s3;
	s7 =	sadd.s32 $0x400, s3  }
0x58: {  	[tilespmem:s24], [sflag:$0x2] =	stream.indirect.gather [hbm4b:s4+s23], $0x80, s2, s23, $0xb8;
	[tilespmem:$0x1DB00] =	vst v63  }
0x59: {  	p1 =	sne.s32 s3, $0x2C00;
	_ =	swait.ge [sflag:s25], $0x4000  }
0x5a: {  	[sflag:s25] =	ssyncset.done $0x0  }
0x5b: {  	s2 =	sadd.s32 $0xD80, s0;
	[sflag:s25] =	ssyncadd.s32 $0xFFFFC000  }
0x5c: {  	[spmem:s1] =	stream.indirect.scatter.add.f32 [tilespmem:s20], [sflag:$0x3], $0x80, s2, s23, $0xb8;
	[tilespmem:$0x1DB00] =	vst v63  }
0x5d: {  	_ =	swait.ge [sflag:s21], $0x4000  }
0x5e: {  	[sflag:s21] =	ssyncset.done $0x0  }
0x5f: {  	s2 =	sadd.s32 $0x100, s0;
	[sflag:s21] =	ssyncadd.s32 $0xFFFFC000  }
0x60: {  	[tilespmem:s20], [sflag:$0x1] =	stream.indirect.gather [hbm4b:s4+s23], $0x80, s2, s23, $0xb8;
	[tilespmem:$0x1DB00] =	vst v63  }
0x61: {  	_ =	swait.ge [sflag:s26], $0x4000  }
.Ltmp1:
0x62: {  	[sflag:s26] =	ssyncset.done $0x0;
	(pc) =	sbr.rel @p1 .LBB2_4-.Ltmp1, $4  }
0x63: {  	s0 =	sadd.s32 $0xE00, s0;
	[sflag:s26] =	ssyncadd.s32 $0xFFFFC000  }
0x64: {  	[spmem:s1] =	stream.indirect.scatter.add.f32 [tilespmem:s24], [sflag:$0x3], $0x80, s0, s23, $0xb8;
	[tilespmem:$0x1DB00] =	vst v63  }
0x65: {  	_ =	swait.ge [sflag:s21], $0x4000  }
0x66: {  	s3 =	smov.u32 s7;
	s0 =	sshra.s32 s6, $0x2;
	[sflag:s21] =	ssyncset.done $0x0  }
0x67: {  	s2 =	sadd.s32 $0x80, s0;
	[sflag:s21] =	ssyncadd.s32 $0xFFFFC000  }
0x68: {  	[tilespmem:s24], [sflag:$0x2] =	stream.indirect.gather [hbm4b:s4+s23], $0x80, s2, s23, $0xb8;
	[tilespmem:$0x1DB00] =	vst v63  }
0x69: {  	_ =	swait.ge [sflag:s25], $0x4000  }
0x6a: {  	[sflag:s25] =	ssyncset.done $0x0  }
0x6b: {  	s7 =	sadd.s32 $0xD80, s0;
	[sflag:s25] =	ssyncadd.s32 $0xFFFFC000  }
0x6c: {  	[spmem:s1] =	stream.indirect.scatter.add.f32 [tilespmem:s20], [sflag:$0x3], $0x80, s7, s23, $0xb8;
	[tilespmem:$0x1DB00] =	vst v63  }
0x6d: {  	_ =	swait.ge [sflag:s21], $0x4000  }
0x6e: {  	[sflag:s21] =	ssyncset.done $0x0  }
0x6f: {  	s3 =	sadd.s32 $0x100, s0;
	[sflag:s21] =	ssyncadd.s32 $0xFFFFC000  }
0x70: {  	[tilespmem:s20], [sflag:$0x1] =	stream.indirect.gather [hbm4b:s4+s23], $0x80, s3, s23, $0xb8;
	[tilespmem:$0x1DB00] =	vst v63  }
0x71: {  	_ =	swait.ge [sflag:s26], $0x4000  }
0x72: {  	[sflag:s26] =	ssyncset.done $0x0  }
0x73: {  	s6 =	sadd.s32 $0xE00, s0;
	[sflag:s26] =	ssyncadd.s32 $0xFFFFC000  }
0x74: {  	[spmem:s1] =	stream.indirect.scatter.add.f32 [tilespmem:s24], [sflag:$0x3], $0x80, s6, s23, $0xb8;
	[tilespmem:$0x1DB00] =	vst v63  }
0x75: {  	_ =	swait.ge [sflag:s21], $0x4000  }
0x76: {  	[sflag:s21] =	ssyncset.done $0x0  }
0x77: {  	[sflag:s21] =	ssyncadd.s32 $0xFFFFC000  }
0x78: {  	[tilespmem:s24], [sflag:$0x2] =	stream.indirect.gather [hbm4b:s4+s23], $0x80, s28, s23, $0xb8;
	[tilespmem:$0x1DB00] =	vst v63  }
0x79: {  	_ =	swait.ge [sflag:s25], $0x4000  }
0x7a: {  	[sflag:s25] =	ssyncset.done $0x0  }
0x7b: {  	[sflag:s25] =	ssyncadd.s32 $0xFFFFC000  }
0x7c: {  	[spmem:s1] =	stream.indirect.scatter.add.f32 [tilespmem:s20], [sflag:$0x3], $0x80, s29, s23, $0xb8;
	[tilespmem:$0x1DB00] =	vst v63  }
0x7d: {  	_ =	swait.ge [sflag:s21], $0x4000  }
0x7e: {  	[sflag:s21] =	ssyncset.done $0x0  }
0x7f: {  	[sflag:s21] =	ssyncadd.s32 $0xFFFFC000  }
0x80: {  	_ =	swait.ge [sflag:s26], $0x4000  }
0x81: {  	[sflag:s26] =	ssyncset.done $0x0  }
0x82: {  	[sflag:s26] =	ssyncadd.s32 $0xFFFFC000  }
0x83: {  	[spmem:s1] =	stream.indirect.scatter.add.f32 [tilespmem:s24], [sflag:$0x3], $0x80, s30, s23, $0xb8;
	[tilespmem:$0x1DB00] =	vst v63  }
0x84: {  	_ =	swait.ge [sflag:s21], $0x4000  }
0x85: {  	[sflag:s21] =	ssyncset.done $0x0  }
0x86: {  	s7 =	simm.s32 $0x0;
	[sflag:s21] =	ssyncadd.s32 $0xFFFFC000  }
0x87: {  	[tilespmem:s7], [sflag:$0x3] =	stream.linear.gather [hbm4b:s12+s7], $0xD00, $0x38;
	[tilespmem:$0x1DB00] =	vst v63  }
0x88: {  	_ =	swait.ge [sflag:s21], $0xD00  }
0x89: {  	[sflag:s21] =	ssyncset.done $0x0  }
0x8a: {  	[sflag:s21] =	ssyncadd.s32 $0xFFFFF300  }
0x8b: {  	[tilespmem:s22], [sflag:$0x3] =	stream.linear.gather [hbm4b:s13+s7], $0xD00, $0x38;
	[tilespmem:$0x1DB00] =	vst v63  }
0x8c: {  	_ =	swait.ge [sflag:s21], $0xD00  }
0x8d: {  	[sflag:s21] =	ssyncset.done $0x0  }
0x8e: {  	[sflag:s21] =	ssyncadd.s32 $0xFFFFF300  }
0x8f: {  	[tilespmem:s20], [sflag:$0x1] =	stream.indirect.gather [hbm4b:s4+s23], $0x80, s7, s23, $0xb8;
	[tilespmem:$0x1DB00] =	vst v63  }
0x90: {  	s2 =	simm.s32 $0x80  }
0x91: {  	[tilespmem:s24], [sflag:$0x2] =	stream.indirect.gather [hbm4b:s4+s23], $0x80, s2, s23, $0xb8;
	[tilespmem:$0x1DB00] =	vst v63  }
0x92: {  	_ =	swait.ge [sflag:s25], $0x4000  }
0x93: {  	[sflag:s25] =	ssyncset.done $0x0  }
0x94: {  	s3 =	simm.s32 $0xD80;
	[sflag:s25] =	ssyncadd.s32 $0xFFFFC000  }
0x95: {  	[spmem:s1] =	stream.indirect.scatter.add.f32 [tilespmem:s20], [sflag:$0x3], $0x80, s3, s23, $0xb8;
	[tilespmem:$0x1DB00] =	vst v63  }
0x96: {  	_ =	swait.ge [sflag:s21], $0x4000  }
0x97: {  	[sflag:s21] =	ssyncset.done $0x0  }
0x98: {  	s6 =	simm.s32 $0x100;
	[sflag:s21] =	ssyncadd.s32 $0xFFFFC000  }
0x99: {  	[tilespmem:s20], [sflag:$0x1] =	stream.indirect.gather [hbm4b:s4+s23], $0x80, s6, s23, $0xb8;
	[tilespmem:$0x1DB00] =	vst v63  }
0x9a: {  	_ =	swait.ge [sflag:s26], $0x4000  }
0x9b: {  	[sflag:s26] =	ssyncset.done $0x0  }
0x9c: {  	s7 =	simm.s32 $0xE00;
	[sflag:s26] =	ssyncadd.s32 $0xFFFFC000  }
0x9d: {  	[spmem:s1] =	stream.indirect.scatter.add.f32 [tilespmem:s24], [sflag:$0x3], $0x80, s7, s23, $0xb8;
	[tilespmem:$0x1DB00] =	vst v63  }
0x9e: {  	_ =	swait.ge [sflag:s21], $0x4000  }
0x9f: {  	s0 =	simm.s32 $0x100;
	s3 =	simm.s32 $0x800;
	[sflag:s21] =	ssyncset.done $0x0  }
.LBB2_6:
0xa0: {  	s2 =	sadd.s32 $0x80, s0  }
0xa1: {  	[sflag:s21] =	ssyncadd.s32 $0xFFFFC000;
	s6 =	smov.u32 s3;
	s7 =	sadd.s32 $0x400, s3  }
0xa2: {  	[tilespmem:s24], [sflag:$0x2] =	stream.indirect.gather [hbm4b:s4+s23], $0x80, s2, s23, $0xb8;
	[tilespmem:$0x1DB00] =	vst v63  }
0xa3: {  	p1 =	sne.s32 s3, $0x2C00;
	_ =	swait.ge [sflag:s25], $0x4000  }
0xa4: {  	[sflag:s25] =	ssyncset.done $0x0  }
0xa5: {  	s2 =	sadd.s32 $0xD80, s0;
	[sflag:s25] =	ssyncadd.s32 $0xFFFFC000  }
0xa6: {  	[spmem:s1] =	stream.indirect.scatter.add.f32 [tilespmem:s20], [sflag:$0x3], $0x80, s2, s23, $0xb8;
	[tilespmem:$0x1DB00] =	vst v63  }
0xa7: {  	_ =	swait.ge [sflag:s21], $0x4000  }
0xa8: {  	[sflag:s21] =	ssyncset.done $0x0  }
0xa9: {  	s2 =	sadd.s32 $0x100, s0;
	[sflag:s21] =	ssyncadd.s32 $0xFFFFC000  }
0xaa: {  	[tilespmem:s20], [sflag:$0x1] =	stream.indirect.gather [hbm4b:s4+s23], $0x80, s2, s23, $0xb8;
	[tilespmem:$0x1DB00] =	vst v63  }
0xab: {  	_ =	swait.ge [sflag:s26], $0x4000  }
.Ltmp2:
0xac: {  	[sflag:s26] =	ssyncset.done $0x0;
	(pc) =	sbr.rel @p1 .LBB2_6-.Ltmp2, $4  }
0xad: {  	s0 =	sadd.s32 $0xE00, s0;
	[sflag:s26] =	ssyncadd.s32 $0xFFFFC000  }
0xae: {  	[spmem:s1] =	stream.indirect.scatter.add.f32 [tilespmem:s24], [sflag:$0x3], $0x80, s0, s23, $0xb8;
	[tilespmem:$0x1DB00] =	vst v63  }
0xaf: {  	_ =	swait.ge [sflag:s21], $0x4000  }
0xb0: {  	s3 =	smov.u32 s7;
	s0 =	sshra.s32 s6, $0x2;
	[sflag:s21] =	ssyncset.done $0x0  }
0xb1: {  	s2 =	sadd.s32 $0x80, s0;
	[sflag:s21] =	ssyncadd.s32 $0xFFFFC000  }
0xb2: {  	[tilespmem:s24], [sflag:$0x2] =	stream.indirect.gather [hbm4b:s4+s23], $0x80, s2, s23, $0xb8;
	[tilespmem:$0x1DB00] =	vst v63  }
0xb3: {  	_ =	swait.ge [sflag:s25], $0x4000  }
0xb4: {  	[sflag:s25] =	ssyncset.done $0x0  }
0xb5: {  	s6 =	sadd.s32 $0xD80, s0;
	[sflag:s25] =	ssyncadd.s32 $0xFFFFC000  }
0xb6: {  	[spmem:s1] =	stream.indirect.scatter.add.f32 [tilespmem:s20], [sflag:$0x3], $0x80, s6, s23, $0xb8;
	[tilespmem:$0x1DB00] =	vst v63  }
0xb7: {  	_ =	swait.ge [sflag:s21], $0x4000  }
0xb8: {  	[sflag:s21] =	ssyncset.done $0x0  }
0xb9: {  	s7 =	sadd.s32 $0x100, s0;
	[sflag:s21] =	ssyncadd.s32 $0xFFFFC000  }
0xba: {  	[tilespmem:s20], [sflag:$0x1] =	stream.indirect.gather [hbm4b:s4+s23], $0x80, s7, s23, $0xb8;
	[tilespmem:$0x1DB00] =	vst v63  }
0xbb: {  	_ =	swait.ge [sflag:s26], $0x4000  }
0xbc: {  	[sflag:s26] =	ssyncset.done $0x0  }
0xbd: {  	s3 =	sadd.s32 $0xE00, s0;
	[sflag:s26] =	ssyncadd.s32 $0xFFFFC000  }
0xbe: {  	[spmem:s1] =	stream.indirect.scatter.add.f32 [tilespmem:s24], [sflag:$0x3], $0x80, s3, s23, $0xb8;
	[tilespmem:$0x1DB00] =	vst v63  }
0xbf: {  	_ =	swait.ge [sflag:s21], $0x4000  }
0xc0: {  	[sflag:s21] =	ssyncset.done $0x0  }
0xc1: {  	[sflag:s21] =	ssyncadd.s32 $0xFFFFC000  }
0xc2: {  	[tilespmem:s24], [sflag:$0x2] =	stream.indirect.gather [hbm4b:s4+s23], $0x80, s28, s23, $0xb8;
	[tilespmem:$0x1DB00] =	vst v63  }
0xc3: {  	_ =	swait.ge [sflag:s25], $0x4000  }
0xc4: {  	[sflag:s25] =	ssyncset.done $0x0  }
0xc5: {  	[sflag:s25] =	ssyncadd.s32 $0xFFFFC000  }
0xc6: {  	[spmem:s1] =	stream.indirect.scatter.add.f32 [tilespmem:s20], [sflag:$0x3], $0x80, s29, s23, $0xb8;
	[tilespmem:$0x1DB00] =	vst v63  }
0xc7: {  	_ =	swait.ge [sflag:s21], $0x4000  }
0xc8: {  	[sflag:s21] =	ssyncset.done $0x0  }
0xc9: {  	[sflag:s21] =	ssyncadd.s32 $0xFFFFC000  }
0xca: {  	_ =	swait.ge [sflag:s26], $0x4000  }
0xcb: {  	[sflag:s26] =	ssyncset.done $0x0  }
0xcc: {  	[sflag:s26] =	ssyncadd.s32 $0xFFFFC000  }
0xcd: {  	[spmem:s1] =	stream.indirect.scatter.add.f32 [tilespmem:s24], [sflag:$0x3], $0x80, s30, s23, $0xb8;
	[tilespmem:$0x1DB00] =	vst v63  }
0xce: {  	_ =	swait.ge [sflag:s21], $0x4000  }
0xcf: {  	[sflag:s21] =	ssyncset.done $0x0  }
0xd0: {  	s6 =	simm.s32 $0x0;
	[sflag:s21] =	ssyncadd.s32 $0xFFFFC000  }
0xd1: {  	[tilespmem:s6], [sflag:$0x3] =	stream.linear.gather [hbm4b:s14+s6], $0xD00, $0x38;
	[tilespmem:$0x1DB00] =	vst v63  }
0xd2: {  	_ =	swait.ge [sflag:s21], $0xD00  }
0xd3: {  	[sflag:s21] =	ssyncset.done $0x0  }
0xd4: {  	[sflag:s21] =	ssyncadd.s32 $0xFFFFF300  }
0xd5: {  	[tilespmem:s22], [sflag:$0x3] =	stream.linear.gather [hbm4b:s15+s6], $0xD00, $0x38;
	[tilespmem:$0x1DB00] =	vst v63  }
0xd6: {  	_ =	swait.ge [sflag:s21], $0xD00  }
0xd7: {  	[sflag:s21] =	ssyncset.done $0x0  }
0xd8: {  	s0 =	simm.s32 @!p0 $0x0;
	s2 =	simm.s32 @!p0 $0xD00;
	[sflag:s21] =	ssyncadd.s32 $0xFFFFF300  }
0xd9: {  	[tilespmem:s2], [sflag:$0x3] =	stream.linear.gather @!p0 [hbm4b:s16+s0], $0x80, $0x38;
	[tilespmem:$0x1DB00] =	vst v63  }
0xda: {  	s2 =	simm.s32 @!p0 $0x3  }
0xdb: {  	_ =	swait.ge @!p0 [sflag:s2], $0x80  }
0xdc: {  	[sflag:s2] =	ssyncset.done @!p0 $0x0  }
0xdd: {  	s3 =	simm.s32 @!p0 $0x1A80;
	[sflag:s2] =	ssyncadd.s32 @!p0 $0xFFFFFF80  }
0xde: {  	[tilespmem:s3], [sflag:$0x3] =	stream.linear.gather @!p0 [hbm4b:s17+s0], $0x80, $0x38;
	[tilespmem:$0x1DB00] =	vst v63  }
0xdf: {  	_ =	swait.ge @!p0 [sflag:s2], $0x80  }
0xe0: {  	[sflag:s2] =	ssyncset.done @!p0 $0x0  }
0xe1: {  	s7 =	simm.s32 $0x0;
	[sflag:s2] =	ssyncadd.s32 @!p0 $0xFFFFFF80  }
0xe2: {  	[tilespmem:s20], [sflag:$0x1] =	stream.indirect.gather [hbm4b:s4+s23], $0x80, s7, s23, $0xb8;
	[tilespmem:$0x1DB00] =	vst v63  }
0xe3: {  	s2 =	simm.s32 $0x80  }
0xe4: {  	[tilespmem:s24], [sflag:$0x2] =	stream.indirect.gather [hbm4b:s4+s23], $0x80, s2, s23, $0xb8;
	[tilespmem:$0x1DB00] =	vst v63  }
0xe5: {  	_ =	swait.ge [sflag:s25], $0x4000  }
0xe6: {  	[sflag:s25] =	ssyncset.done $0x0  }
0xe7: {  	s3 =	simm.s32 $0xD80;
	[sflag:s25] =	ssyncadd.s32 $0xFFFFC000  }
0xe8: {  	[spmem:s1] =	stream.indirect.scatter.add.f32 [tilespmem:s20], [sflag:$0x3], $0x80, s3, s23, $0xb8;
	[tilespmem:$0x1DB00] =	vst v63  }
0xe9: {  	_ =	swait.ge [sflag:s21], $0x4000  }
0xea: {  	[sflag:s21] =	ssyncset.done $0x0  }
0xeb: {  	s6 =	simm.s32 $0x100;
	[sflag:s21] =	ssyncadd.s32 $0xFFFFC000  }
0xec: {  	[tilespmem:s20], [sflag:$0x1] =	stream.indirect.gather [hbm4b:s4+s23], $0x80, s6, s23, $0xb8;
	[tilespmem:$0x1DB00] =	vst v63  }
0xed: {  	_ =	swait.ge [sflag:s26], $0x4000  }
0xee: {  	[sflag:s26] =	ssyncset.done $0x0  }
0xef: {  	s7 =	simm.s32 $0xE00;
	[sflag:s26] =	ssyncadd.s32 $0xFFFFC000  }
0xf0: {  	[spmem:s1] =	stream.indirect.scatter.add.f32 [tilespmem:s24], [sflag:$0x3], $0x80, s7, s23, $0xb8;
	[tilespmem:$0x1DB00] =	vst v63  }
0xf1: {  	_ =	swait.ge [sflag:s21], $0x4000  }
0xf2: {  	s0 =	simm.s32 $0x100;
	s3 =	simm.s32 $0x800;
	[sflag:s21] =	ssyncset.done $0x0  }
.LBB2_8:
0xf3: {  	s2 =	sadd.s32 $0x80, s0  }
0xf4: {  	[sflag:s21] =	ssyncadd.s32 $0xFFFFC000;
	s6 =	smov.u32 s3;
	s7 =	sadd.s32 $0x400, s3  }
0xf5: {  	[tilespmem:s24], [sflag:$0x2] =	stream.indirect.gather [hbm4b:s4+s23], $0x80, s2, s23, $0xb8;
	[tilespmem:$0x1DB00] =	vst v63  }
0xf6: {  	p1 =	sne.s32 s3, $0x2C00;
	_ =	swait.ge [sflag:s25], $0x4000  }
0xf7: {  	[sflag:s25] =	ssyncset.done $0x0  }
0xf8: {  	s2 =	sadd.s32 $0xD80, s0;
	[sflag:s25] =	ssyncadd.s32 $0xFFFFC000  }
0xf9: {  	[spmem:s1] =	stream.indirect.scatter.add.f32 [tilespmem:s20], [sflag:$0x3], $0x80, s2, s23, $0xb8;
	[tilespmem:$0x1DB00] =	vst v63  }
0xfa: {  	_ =	swait.ge [sflag:s21], $0x4000  }
0xfb: {  	[sflag:s21] =	ssyncset.done $0x0  }
0xfc: {  	s2 =	sadd.s32 $0x100, s0;
	[sflag:s21] =	ssyncadd.s32 $0xFFFFC000  }
0xfd: {  	[tilespmem:s20], [sflag:$0x1] =	stream.indirect.gather [hbm4b:s4+s23], $0x80, s2, s23, $0xb8;
	[tilespmem:$0x1DB00] =	vst v63  }
0xfe: {  	_ =	swait.ge [sflag:s26], $0x4000  }
.Ltmp3:
0xff: {  	[sflag:s26] =	ssyncset.done $0x0;
	(pc) =	sbr.rel @p1 .LBB2_8-.Ltmp3, $4  }
0x100: {  	s0 =	sadd.s32 $0xE00, s0;
	[sflag:s26] =	ssyncadd.s32 $0xFFFFC000  }
0x101: {  	[spmem:s1] =	stream.indirect.scatter.add.f32 [tilespmem:s24], [sflag:$0x3], $0x80, s0, s23, $0xb8;
	[tilespmem:$0x1DB00] =	vst v63  }
0x102: {  	_ =	swait.ge [sflag:s21], $0x4000  }
0x103: {  	s3 =	smov.u32 s7;
	s0 =	sshra.s32 s6, $0x2;
	[sflag:s21] =	ssyncset.done $0x0  }
0x104: {  	s2 =	sadd.s32 $0x80, s0;
	[sflag:s21] =	ssyncadd.s32 $0xFFFFC000  }
0x105: {  	[tilespmem:s24], [sflag:$0x2] =	stream.indirect.gather [hbm4b:s4+s23], $0x80, s2, s23, $0xb8;
	[tilespmem:$0x1DB00] =	vst v63  }
0x106: {  	_ =	swait.ge [sflag:s25], $0x4000  }
0x107: {  	[sflag:s25] =	ssyncset.done $0x0  }
0x108: {  	s6 =	sadd.s32 $0xD80, s0;
	[sflag:s25] =	ssyncadd.s32 $0xFFFFC000  }
0x109: {  	[spmem:s1] =	stream.indirect.scatter.add.f32 [tilespmem:s20], [sflag:$0x3], $0x80, s6, s23, $0xb8;
	[tilespmem:$0x1DB00] =	vst v63  }
0x10a: {  	_ =	swait.ge [sflag:s21], $0x4000  }
0x10b: {  	[sflag:s21] =	ssyncset.done $0x0  }
0x10c: {  	s7 =	sadd.s32 $0x100, s0;
	[sflag:s21] =	ssyncadd.s32 $0xFFFFC000  }
0x10d: {  	[tilespmem:s20], [sflag:$0x1] =	stream.indirect.gather [hbm4b:s4+s23], $0x80, s7, s23, $0xb8;
	[tilespmem:$0x1DB00] =	vst v63  }
0x10e: {  	_ =	swait.ge [sflag:s26], $0x4000  }
0x10f: {  	[sflag:s26] =	ssyncset.done $0x0  }
0x110: {  	s3 =	sadd.s32 $0xE00, s0;
	[sflag:s26] =	ssyncadd.s32 $0xFFFFC000  }
0x111: {  	[spmem:s1] =	stream.indirect.scatter.add.f32 [tilespmem:s24], [sflag:$0x3], $0x80, s3, s23, $0xb8;
	[tilespmem:$0x1DB00] =	vst v63  }
0x112: {  	_ =	swait.ge [sflag:s21], $0x4000  }
0x113: {  	[sflag:s21] =	ssyncset.done $0x0  }
0x114: {  	[sflag:s21] =	ssyncadd.s32 $0xFFFFC000  }
0x115: {  	[tilespmem:s24], [sflag:$0x2] =	stream.indirect.gather [hbm4b:s4+s23], $0x80, s28, s23, $0xb8;
	[tilespmem:$0x1DB00] =	vst v63  }
0x116: {  	_ =	swait.ge [sflag:s25], $0x4000  }
0x117: {  	[sflag:s25] =	ssyncset.done $0x0  }
0x118: {  	[sflag:s25] =	ssyncadd.s32 $0xFFFFC000  }
0x119: {  	[spmem:s1] =	stream.indirect.scatter.add.f32 [tilespmem:s20], [sflag:$0x3], $0x80, s29, s23, $0xb8;
	[tilespmem:$0x1DB00] =	vst v63  }
0x11a: {  	_ =	swait.ge [sflag:s21], $0x4000  }
0x11b: {  	[sflag:s21] =	ssyncset.done $0x0  }
0x11c: {  	[sflag:s21] =	ssyncadd.s32 $0xFFFFC000  }
0x11d: {  	_ =	swait.ge [sflag:s26], $0x4000  }
0x11e: {  	[sflag:s26] =	ssyncset.done $0x0  }
0x11f: {  	[sflag:s26] =	ssyncadd.s32 $0xFFFFC000  }
0x120: {  	[spmem:s1] =	stream.indirect.scatter.add.f32 [tilespmem:s24], [sflag:$0x3], $0x80, s30, s23, $0xb8;
	[tilespmem:$0x1DB00] =	vst v63  }
0x121: {  	_ =	swait.ge [sflag:s21], $0x4000  }
0x122: {  	s0 =	simm.s32 @!p0 $0x80;
	[sflag:s21] =	ssyncset.done $0x0  }
0x123: {  	s2 =	simm.s32 @!p0 $0xD00;
	s3 =	simm.s32 @!p0 $0x1B00;
	[sflag:s21] =	ssyncadd.s32 $0xFFFFC000  }
0x124: {  	[tilespmem:s3], [sflag:$0x1] =	stream.indirect.gather @!p0 [hbm4b:s4+s0], $0x80, s2, s0, $0xb8;
	[tilespmem:$0x1DB00] =	vst v63  }
0x125: {  	s2 =	simm.s32 @!p0 $0x1  }
0x126: {  	_ =	swait.ge @!p0 [sflag:s2], $0x4000  }
0x127: {  	[sflag:s2] =	ssyncset.done @!p0 $0x0  }
0x128: {  	[sflag:s2] =	ssyncadd.s32 @!p0 $0xFFFFC000;
	s2 =	simm.s32 @!p0 $0x1A80  }
0x129: {  	[spmem:s1] =	stream.indirect.scatter.add.f32 @!p0 [tilespmem:s3], [sflag:$0x3], $0x80, s2, s0, $0xb8;
	[tilespmem:$0x1DB00] =	vst v63  }
0x12a: {  	s0 =	simm.s32 @!p0 $0x3  }
0x12b: {  	s31 =	sadd.s32 $0x1, s31;
	_ =	swait.ge @!p0 [sflag:s0], $0x4000  }
0x12c: {  	p1 =	sne.s32 s31, s19;
	s6 =	stileid.u32;
	[sflag:s0] =	ssyncset.done @!p0 $0x0  }
0x12d: {  	s7 =	sshrl.u32 s5, $0x3;
	[sflag:s0] =	ssyncadd.s32 @!p0 $0xFFFFC000;
	s0 =	sshll.u32 s6, $0x6  }
.Ltmp4:
0x12e: {  	[bflag:$0x0] =	sbarrier.arrive $0xFFFF;
	s0 =	sor.u32 $0x1C03, s0;
	(pc) =	sbr.rel @p1 .LBB2_1-.Ltmp4, $4  }
0x12f: {  	[hbm:s18], [sflag:s0] =	dma.local [spmem:s7], $0x2800  }
0x130: {  	_ =	swait.ge [sflag:s21], $0x2800  }
0x131: {  	[sflag:s21] =	ssyncset.done $0x0  }
0x132: {  	[sflag:s21] =	ssyncadd.s32 $0xFFFFD800  }
0x133: {  	_ =	sfence.sel $0x180000  }
0x134: {  	[bflag:$0x0] =	sbarrier.arrive $0xFFFF  }
0x135: {  	_ =	strace $0x9000004A  }
0x136: {  	s0 =	stileid.u32;
	[bflag:$0x2] =	sbarrier.arrive $0xFFFF  }
0x137: {  	p0 =	sne.s32 s0, $0x0;
	s0 =	rddreg [dreg:$0x3]  }
0x138: {  	s0 =	sadd.s32 @!p0 $0x100000, s0  }
0x139: {  	[sflag:s0] =	ssyncadd.tile.s32 @!p0 $0x1;
	_ =	shalt  }
.Lfunc_end2:
_tile_overlayer_lowered:
.L_overlay_start_2:
0x13a: {  	(tag) =	ssettag $0x2  }
0x13b: {  	s0 =	rddreg [dreg:$0x0];
	s2 =	stileid.u32  }
0x13c: {  	s1 =	rddreg [dreg:$0x1];
	p0 =	sne.s32 s2, $0x0  }
0x13d: {  	s3 =	rddreg [dreg:$0x2];
	[bflag:$0x3] =	sbarrier.arrive $0xFFFF;
	s2 =	simm.s32 @!p0 $0x1C03  }
0x13e: {  	[timem:s3], [sflag:s2] =	dma.local @!p0 [hbm:s0], s1  }
0x13f: {  	s0 =	simm.s32 @!p0 $0x3  }
0x140: {  	_ =	swait.ge @!p0 [sflag:s0], s1  }
0x141: {  	s1 =	ssub.s32 @!p0 $0x0, s1;
	[sflag:s0] =	ssyncset.done @!p0 $0x0  }
0x142: {  	[sflag:s0] =	ssyncadd.s32 @!p0 s1  }
0x143: {  	[bflag:$0x3] =	sbarrier.arrive $0xFFFF  }
0x144: {  	_ =	shalt  }

// kernel: kernel.15.cloned.1.call-start
scs
__scs_entry_jumppad:
0x0: {  	(pc) =	sbr.rel $0x88, $3  }
0x1: {  	(tag) =	ssettag $0x0;
	lr =	simm.s32 $0x1  }
0x2: {  	[smem:$0x3F98] =	sst lr;
	_ =	strace $0xD0000000  }
0x3: {  	_ = 	snop  }
0x4: {  	_ = 	snop  }
0x5: {  	_ = 	snop  }
0x6: {  	_ = 	snop  }
0x7: {  	_ = 	snop  }
__scs_overlays_trampoline_lowered:
0x8: {  	[smem:$0x3FA7] =	sst s0  }
0x9: {  	[smem:$0x3FA8] =	sst s1  }
0xa: {  	[smem:$0x3FA9] =	sst s2  }
0xb: {  	[smem:$0x3FAA] =	sst s3  }
0xc: {  	[smem:$0x3FAB] =	sst s4  }
0xd: {  	[smem:$0x3FAC] =	sst s5  }
0xe: {  	[smem:$0x3FAD] =	sst s6  }
0xf: {  	[smem:$0x3FAE] =	sst s7  }
0x10: {  	[smem:$0x3FAF] =	sst s8  }
0x11: {  	[smem:$0x3FB0] =	sst s9;
	s0 =	simm.s32 @!p0 $0x0  }
0x12: {  	s1 =	sld [smem:$0x3F96];
	s0 =	simm.s32 @p0 $0x1  }
0x13: {  	[smem:$0x3FB1] =	sst s0;
	s0 =	simm.s32 @!p1 $0x0  }
0x14: {  	s2 =	sld [smem:$0x3F95];
	s0 =	simm.s32 @p1 $0x1  }
0x15: {  	[smem:$0x3FB2] =	sst s0;
	s0 =	simm.s32 @!p2 $0x0  }
0x16: {  	s3 =	sld [smem:$0x3FDB];
	s0 =	simm.s32 @p2 $0x1  }
0x17: {  	s4 =	simm.s32 $0x1BF5;
	[smem:$0x3FB4] =	sst s0  }
0x18: {  	s0 =	sld [smem:$0x3F97];
	_ =	swait.ge [sflag:s4], $0x0  }
0x19: {  	s7 =	sld [smem:$0x3F98]  }
0x1a: {  	s8 =	sadd.s32 $0xFFFFE003, lr  }
0x1b: {  	s9 =	sadd.s32 $0xFFFFFEF7, lr;
	s5 =	simm.s32 $0xFFFFFFFF;
	p2 =	slt.u32 s8, $0xFFFFF086  }
0x1c: {  	p1 =	slt.u32 s9, $0xF7A;
	s5 =	simm.s32 @!p2 $0x0  }
0x1d: {  	s5 =	simm.s32 @p1 $0x1;
	p0 =	seq.s32 s7, s2  }
0x1e: {  	s7 =	smul.u32 @!p0 $0xF7A, s2;
	p2 =	seq.s32 @!p0 s5, $0x0  }
0x1f: {  	s9 =	smul.u32 $0xF7A, s1;
	s8 =	simm.s32 @!p0 $0x1BF5;
	p2 =	por !p2, p0  }
0x20: {  	[sflag:s8] =	ssyncset.s32 @!p0 $0xFFFFF086;
	s6 =	sadd.s32 @!p0 s3, s7;
	s7 =	simm.s32 @!p0 $0x108  }
0x21: {  	s3 =	sadd.s32 s3, s9;
	s6 =	sadd.s32 @!p0 $0x88, s6;
	s7 =	simm.s32 @p2 $0x1082  }
0x22: {  	[simem:s7], [sflag:s8] =	dma.local @!p0 [hbm:s6], $0xF7A  }
0x23: {  	s9 =	sor.u32 $0xD0000000, s2;
	s6 =	simm.s32 $0x108;
	_ =	swait.ge @!p0 [sflag:s8], $0x0  }
0x24: {  	s3 =	sadd.s32 $0x88, s3;
	s6 =	simm.s32 @!p1 $0x1082;
	[sflag:s4] =	ssyncset.s32 $0xFFFFF086  }
0x25: {  	[simem:s6], [sflag:s4] =	dma.local [hbm:s3], $0xF7A  }
0x26: {  	[smem:$0x3F98] =	sst s1;
	(tag) =	ssettag s2;
	_ =	strace s9  }
0x27: {  	s1 =	sld [smem:$0x3FA8]  }
0x28: {  	s2 =	sld [smem:$0x3FA9]  }
0x29: {  	s4 =	sld [smem:$0x3FAB]  }
0x2a: {  	p0 =	seq.s32 s5, $0x0;
	s5 =	sld [smem:$0x3FAC]  }
0x2b: {  	s6 =	sld [smem:$0x3FAD]  }
0x2c: {  	s7 =	sld [smem:$0x3FAE]  }
0x2d: {  	s3 =	simm.s32 $0x108;
	s8 =	sld [smem:$0x3FAF]  }
0x2e: {  	s3 =	simm.s32 @!p0 $0x1082;
	s9 =	sld [smem:$0x3FB0]  }
0x2f: {  	lr =	sadd.s32 s0, s3;
	s0 =	sld [smem:$0x3FA7]  }
0x30: {  	s3 =	sld [smem:$0x3FAA]  }
0x31: {  	[smem:$0x3FB3] =	sst s10  }
0x32: {  	s10 =	sld [smem:$0x3FB1];
	_ =	sdelay $0x3  }
0x33: {  	p0 =	seq.s32 s10, $0x1;
	s10 =	sld [smem:$0x3FB3];
	_ =	sdelay $0x3  }
0x34: {  	[smem:$0x3FB3] =	sst s10  }
0x35: {  	s10 =	sld [smem:$0x3FB2];
	_ =	sdelay $0x3  }
0x36: {  	p1 =	seq.s32 s10, $0x1;
	s10 =	sld [smem:$0x3FB3];
	_ =	sdelay $0x3  }
0x37: {  	[smem:$0x3FB3] =	sst s10  }
0x38: {  	s10 =	sld [smem:$0x3FB4]  }
0x39: {  	_ = 	snop;
	(pc) =	sbr.ind lr, $3  }
0x3a: {  	_ = 	snop  }
0x3b: {  	_ = 	snop  }
0x3c: {  	p2 =	seq.s32 s10, $0x1;
	s10 =	sld [smem:$0x3FB3]  }
0x3d: {  	_ =	shalt  }
0x3e: {  	_ =	shalt  }
0x3f: {  	_ =	shalt  }
0x40: {  	_ =	shalt  }
0x41: {  	_ =	shalt  }
0x42: {  	_ =	shalt  }
0x43: {  	_ =	shalt  }
0x44: {  	_ =	shalt  }
0x45: {  	_ =	shalt  }
0x46: {  	_ =	shalt  }
0x47: {  	_ =	shalt  }
0x48: {  	_ =	shalt  }
0x49: {  	_ =	shalt  }
0x4a: {  	_ =	shalt  }
0x4b: {  	_ =	shalt  }
0x4c: {  	_ =	shalt  }
0x4d: {  	_ =	shalt  }
0x4e: {  	_ =	shalt  }
0x4f: {  	_ =	shalt  }
0x50: {  	_ =	shalt  }
0x51: {  	_ =	shalt  }
0x52: {  	_ =	shalt  }
0x53: {  	_ =	shalt  }
0x54: {  	_ =	shalt  }
0x55: {  	_ =	shalt  }
0x56: {  	_ =	shalt  }
0x57: {  	_ =	shalt  }
0x58: {  	_ =	shalt  }
0x59: {  	_ =	shalt  }
0x5a: {  	_ =	shalt  }
0x5b: {  	_ =	shalt  }
0x5c: {  	_ =	shalt  }
0x5d: {  	_ =	shalt  }
0x5e: {  	_ =	shalt  }
0x5f: {  	_ =	shalt  }
0x60: {  	_ =	shalt  }
0x61: {  	_ =	shalt  }
0x62: {  	_ =	shalt  }
0x63: {  	_ =	shalt  }
0x64: {  	_ =	shalt  }
0x65: {  	_ =	shalt  }
0x66: {  	_ =	shalt  }
0x67: {  	_ =	shalt  }
0x68: {  	_ =	shalt  }
0x69: {  	_ =	shalt  }
0x6a: {  	_ =	shalt  }
0x6b: {  	_ =	shalt  }
0x6c: {  	_ =	shalt  }
0x6d: {  	_ =	shalt  }
0x6e: {  	_ =	shalt  }
0x6f: {  	_ =	shalt  }
0x70: {  	_ =	shalt  }
0x71: {  	_ =	shalt  }
0x72: {  	_ =	shalt  }
0x73: {  	_ =	shalt  }
0x74: {  	_ =	shalt  }
0x75: {  	_ =	shalt  }
0x76: {  	_ =	shalt  }
0x77: {  	_ =	shalt  }
0x78: {  	_ =	shalt  }
0x79: {  	_ =	shalt  }
0x7a: {  	_ =	shalt  }
0x7b: {  	_ =	shalt  }
0x7c: {  	_ =	shalt  }
0x7d: {  	_ =	shalt  }
0x7e: {  	_ =	shalt  }
0x7f: {  	_ =	shalt  }
0x80: {  	_ =	shalt  }
0x81: {  	_ =	shalt  }
0x82: {  	_ =	shalt  }
0x83: {  	_ =	shalt  }
0x84: {  	_ =	shalt  }
0x85: {  	_ =	shalt  }
0x86: {  	_ =	shalt  }
0x87: {  	_ =	shalt  }
.Lfunc_end0:
.L_simem_size_0:
called_computation.2_lowered:
.L_overlay_start_0:
0x88: {  	s2 =	sld [smem:$0x3FD9]  }
0x89: {  	s3 =	sld [smem:$0x3FFE];
	_ =	sdelay $0x1  }
0x8a: {  	s1 =	srdreg.scid  }
0x8b: {  	s0 =	sand.u32 $0x1, s1  }
0x8c: {  	s17 =	sshll.u32 s0, $0xA;
	s2 =	sadd.s32 s3, s2  }
0x8d: {  	s2 =	sadd.s32 s2, s17  }
0x8e: {  	[smem:$0x3FBF] =	sst s2  }
0x8f: {  	_ = 	snop  }
0x90: {  	s2 =	sld [smem:$0x3FD0];
	(tm) =	ssettm $0x1  }
0x91: {  	s18 =	sld [smem:$0x3FFB];
	_ =	sdelay $0x3  }
0x92: {  	_ =	strace s18  }
0x93: {  	s3 =	sld [smem:$0x3FFC];
	_ =	sdelay $0x3  }
0x94: {  	_ =	strace s3  }
0x95: {  	s3 =	sld [smem:$0x3FFD];
	_ =	sdelay $0x3  }
0x96: {  	_ =	strace s3  }
0x97: {  	_ =	strace $0x8FFFFFFF  }
0x98: {  	s19 =	sld [smem:$0x3FDB];
	_ =	sdelay $0x1  }
0x99: {  	s4 =	simm.s32 $_scs_section_size  }
0x9a: {  	s5 =	simm.s32 $_size__tile_overlayer_lowered;
	s6 =	simm.s32 $_tile_overlayer_lowered  }
0x9b: {  	s22 =	simm.s32 $0x1BFF;
	s21 =	sshll.u32 s6, $0x1;
	s3 =	sadd.s32 s4, s19  }
0x9c: {  	s7 =	simm.s32 $0x0;
	s20 =	sshll.u32 s5, $0x1;
	s5 =	sadd.s32 s21, s3  }
0x9d: {  	[timem:s7], [sflag:s22] =	dma.local [hbm:s5], s20  }
0x9e: {  	_ =	swait.ge [sflag:s22], s20  }
0x9f: {  	s4 =	ssub.s32 $0x0, s20;
	[sflag:s22] =	ssyncset.done $0x0  }
0xa0: {  	[sflag:s22] =	ssyncadd.s32 s4;
	_ =	sdelay $0x1  }
0xa1: {  	s23 =	simm.s32 $0x1B8B  }
0xa2: {  	_ =	swait.ge [sflag:s23], $0x1  }
0xa3: {  	[sflag:s23] =	ssyncset.done $0x0  }
0xa4: {  	s25 =	simm.s32 $0x1B8E;
	s24 =	sld [smem:$0x3FFE];
	[sflag:s23] =	ssyncadd.s32 $0xFFFFFFFF  }
0xa5: {  	s26 =	simm.s32 $execute0_lowered;
	[smem:$0x3FD2] =	sst s25  }
0xa6: {  	s5 =	sshll.u32 s26, $0x1;
	_ =	strace $0x8000004C;
	[dreg:$0x1] =	wrdreg $0xFFFFFFFF  }
0xa7: {  	s28 =	simm.s32 $_size_execute0_lowered;
	s3 =	sadd.s32 s3, s5;
	[dreg:$0x0] =	wrdreg $0x0  }
0xa8: {  	s5 =	sshll.u32 s28, $0x1;
	[dreg:$0x2] =	wrdreg s3  }
0xa9: {  	[dreg:$0x3] =	wrdreg s5  }
0xaa: {  	[dreg:$0x4] =	wrdreg $0xC0  }
0xab: {  	_ =	task [dreg:s7], $0x5FFFF  }
0xac: {  	[dreg:$0x1] =	wrdreg $0xFFFFFFFF  }
0xad: {  	[dreg:$0x0] =	wrdreg $0x60  }
0xae: {  	[dreg:$0x2] =	wrdreg s24  }
0xaf: {  	[dreg:$0x3] =	wrdreg s2  }
0xb0: {  	[dreg:$0x4] =	wrdreg $0x9B000  }
0xb1: {  	[dreg:$0x5] =	wrdreg $0x9  }
0xb2: {  	_ =	task.clear_ibuf [dreg:s7], $0x6FFFF;
	_ =	strace $0x9000004C  }
0xb3: {  	s29 =	simm.s32 $0x9;
	_ =	strace $0x8000004E  }
0xb4: {  	_ =	swait.ge [sflag:s29], $0x1  }
0xb5: {  	[sflag:s29] =	ssyncadd.s32 $0xFFFFFFFF  }
0xb6: {  	_ =	strace $0x9000004E  }
0xb7: {  	_ =	sfence  }
0xb8: {  	s30 =	sld [smem:$0x0];
	_ =	sdelay $0x2  }
0xb9: {  	s31 =	sshll.u32 s1, $0xD;
	s1 =	sshrl.u32 s1, $0x2  }
0xba: {  	s3 =	sand.u32 $0x4000, s31;
	s1 =	sadd.s32 s1, s30  }
0xbb: {  	s0 =	sor.u32 s3, s0;
	s1 =	sshll.u32 s1, $0x11  }
0xbc: {  	s0 =	sor.u32 s1, s0  }
0xbd: {  	s0 =	sadd.s32 $0x8F2B, s0  }
0xbe: {  	[sflag:s0] =	ssyncadd.remote.s32 $0x1  }
0xbf: {  	_ =	sfence.sel $0xFFFF  }
0xc0: {  	[dreg:$0x0] =	wrdreg $0xFFFFFFFF;
	(pc) =	sbr.abs _section_cstart, $3  }
0xc1: {  	[dreg:$0x1] =	wrdreg $0xFFFFFFFF  }
0xc2: {  	_ =	task.clear_ibuf [dreg:s7], $0x2FFFF;
	_ =	strace $0x9FFFFFFF  }
0xc3: {  	(tm) =	ssettm $0x7FFFFFFF  }
tec
execute0_lowered:
.L_overlay_start_1:
0x0: {  	(tag) =	ssettag $0x1  }
0x1: {  	s0 =	rddreg [dreg:$0x0]  }
0x2: {  	s3 =	rddreg [dreg:$0x1]  }
0x3: {  	s1 =	rddreg [dreg:$0x2]  }
0x4: {  	s2 =	simm.s32 $0x0;
	s4 =	srdreg.scid;
	s21 =	stileid.u32  }
0x5: {  	s28 =	simm.s32 $0xC80;
	s29 =	simm.s32 $0x1980;
	s30 =	simm.s32 $0x1A00  }
0x6: {  	s31 =	simm.s32 $0x0;
	[smem:$0x7FF] =	sst s2;
	s16 =	sadd.s32 $0xB800, s0  }
0x7: {  	s13 =	sand.u32 $0x1, s4;
	s17 =	sadd.s32 $0x1A00, s0;
	s6 =	smul.u32 $0x50000, s21  }
0x8: {  	s4 =	sadd.s32 $0xB5600, s0;
	s15 =	smul.u32 $0x14000, s21;
	s20 =	sshll.u32 s21, $0x4  }
0x9: {  	_ =	strace $0x8000004D;
	s5 =	ssub.s32 $0x2, s13;
	s7 =	sshll.u32 s13, $0x4  }
0xa: {  	s19 =	smul.u32 $0x140000, s13;
	s20 =	sor.u32 $0x9C00, s20;
	s22 =	sshrl.u32 s5, $0x1  }
0xb: {  	s25 =	sor.u32 s21, s7;
	s6 =	sshrl.u32 s6, $0x2;
	s21 =	simm.s32 $0x3  }
0xc: {  	s0 =	ssub.s32 s5, s22;
	s9 =	sadd.s32 s6, s1;
	s10 =	smul.u32 $0x2700, s25  }
0xd: {  	s5 =	sadd.s32 s15, s1;
	s11 =	smul.u32 $0x4E0, s25;
	s19 =	sadd.s32 s15, s19  }
0xe: {  	s22 =	simm.s32 $0xD80;
	p0 =	sgt.u32 s25, $0x3;
	s25 =	simm.s32 $0x1  }
0xf: {  	s6 =	sadd.s32 $0x4000, s9;
	s23 =	sadd.s32 $0x8000, s9;
	s8 =	sadd.s32 $0xC000, s9  }
0x10: {  	s9 =	sadd.s32 $0x10000, s9;
	s26 =	sshrl.u32 s19, $0x3;
	[dreg:$0x4] =	wrdreg s6  }
0x11: {  	s19 =	smax.u32 s0, $0x1;
	[dreg:$0x5] =	wrdreg s23;
	s14 =	sshrl.u32 s10, $0x3  }
0x12: {  	s10 =	sadd.s32 s16, s11;
	s11 =	sadd.s32 s17, s11;
	s18 =	sadd.s32 $0x1A0, s14  }
0x13: {  	s23 =	simm.s32 $0x80;
	s24 =	sadd.s32 $0x340, s14;
	s12 =	sadd.s32 s16, s18  }
0x14: {  	s13 =	sadd.s32 s17, s18;
	s14 =	sadd.s32 s16, s24;
	s15 =	sadd.s32 s17, s24  }
0x15: {  	s16 =	sadd.s32 s16, s20;
	s17 =	sadd.s32 s17, s20;
	s18 =	sadd.s32 s3, s26  }
0x16: {  	v0 =	vimm.f32 $0.0e+00;
	s20 =	simm.s32 $0x1B00;
	s24 =	simm.s32 $0x5B00;
	s26 =	simm.s32 $0x2  }
.LBB2_1:
0x17: {  	s0 =	simm.s32 $0x0;
	s3 =	simm.s32 $0x200  }
.LBB2_2:
0x18: {  	p1 =	sne.s32 s3, $0xFE00;
	[tilespmem:s0+$0x1B70] =	vst v0  }
0x19: {  	[tilespmem:s0+$0x1B00] =	vst v0  }
0x1a: {  	[tilespmem:s0+$0x1B10] =	vst v0  }
.Ltmp0:
0x1b: {  	[tilespmem:s0+$0x1B20] =	vst v0;
	(pc) =	sbr.rel @p1 .LBB2_2-.Ltmp0, $4  }
0x1c: {  	[tilespmem:s0+$0x1B30] =	vst v0  }
0x1d: {  	[tilespmem:s0+$0x1B40] =	vst v0  }
0x1e: {  	[tilespmem:s0+$0x1B50] =	vst v0  }
0x1f: {  	[tilespmem:s0+$0x1B60] =	vst v0;
	s0 =	sshra.s32 s3, $0x2;
	s3 =	sadd.s32 $0x200, s3  }
0x20: {  	[tilespmem:s0+$0x1B70] =	vst v0  }
0x21: {  	[tilespmem:s0+$0x1B00] =	vst v0  }
0x22: {  	[tilespmem:s0+$0x1B10] =	vst v0  }
0x23: {  	[tilespmem:s0+$0x1B20] =	vst v0  }
0x24: {  	[tilespmem:s0+$0x1B30] =	vst v0  }
0x25: {  	[tilespmem:s0+$0x1B40] =	vst v0  }
0x26: {  	[tilespmem:s0+$0x1B50] =	vst v0  }
0x27: {  	[tilespmem:s0+$0x1B60] =	vst v0  }
0x28: {  	[spmem:s5] =	stream.linear.scatter [tilespmem:s20], [sflag:$0x3], $0x4000, $0x38;
	[tilespmem:$0x1DB00] =	vst v63  }
0x29: {  	_ =	swait.ge [sflag:s21], $0x4000  }
0x2a: {  	[sflag:s21] =	ssyncset.done $0x0  }
0x2b: {  	s3 =	rddreg [dreg:$0x4];
	[sflag:s21] =	ssyncadd.s32 $0xFFFFC000  }
0x2c: {  	[spmem:s3] =	stream.linear.scatter [tilespmem:s20], [sflag:$0x3], $0x4000, $0x38;
	[tilespmem:$0x1DB00] =	vst v63  }
0x2d: {  	_ =	swait.ge [sflag:s21], $0x4000  }
0x2e: {  	[sflag:s21] =	ssyncset.done $0x0  }
0x2f: {  	s6 =	rddreg [dreg:$0x5];
	[sflag:s21] =	ssyncadd.s32 $0xFFFFC000  }
0x30: {  	[spmem:s6] =	stream.linear.scatter [tilespmem:s20], [sflag:$0x3], $0x4000, $0x38;
	[tilespmem:$0x1DB00] =	vst v63  }
0x31: {  	_ =	swait.ge [sflag:s21], $0x4000  }
0x32: {  	[sflag:s21] =	ssyncset.done $0x0  }
0x33: {  	[sflag:s21] =	ssyncadd.s32 $0xFFFFC000  }
0x34: {  	[spmem:s8] =	stream.linear.scatter [tilespmem:s20], [sflag:$0x3], $0x4000, $0x38;
	[tilespmem:$0x1DB00] =	vst v63  }
0x35: {  	_ =	swait.ge [sflag:s21], $0x4000  }
0x36: {  	[sflag:s21] =	ssyncset.done $0x0  }
0x37: {  	[sflag:s21] =	ssyncadd.s32 $0xFFFFC000  }
0x38: {  	[spmem:s9] =	stream.linear.scatter [tilespmem:s20], [sflag:$0x3], $0x4000, $0x38;
	[tilespmem:$0x1DB00] =	vst v63  }
0x39: {  	_ =	swait.ge [sflag:s21], $0x4000  }
0x3a: {  	[sflag:s21] =	ssyncset.done $0x0  }
0x3b: {  	[sflag:s21] =	ssyncadd.s32 $0xFFFFC000  }
0x3c: {  	s7 =	simm.s32 $0x0;
	[bflag:$0x0] =	sbarrier.arrive $0xFFFF  }
0x3d: {  	[tilespmem:s7], [sflag:$0x3] =	stream.linear.gather [hbm4b:s10+s7], $0xD00, $0x38;
	[tilespmem:$0x1DB00] =	vst v63  }
0x3e: {  	_ =	swait.ge [sflag:s21], $0xD00  }
0x3f: {  	[sflag:s21] =	ssyncset.done $0x0  }
0x40: {  	[sflag:s21] =	ssyncadd.s32 $0xFFFFF300  }
0x41: {  	[tilespmem:s22], [sflag:$0x3] =	stream.linear.gather [hbm4b:s11+s7], $0xD00, $0x38;
	[tilespmem:$0x1DB00] =	vst v63  }
0x42: {  	_ =	swait.ge [sflag:s21], $0xD00  }
0x43: {  	[sflag:s21] =	ssyncset.done $0x0  }
0x44: {  	[sflag:s21] =	ssyncadd.s32 $0xFFFFF300  }
0x45: {  	[tilespmem:s20], [sflag:$0x1] =	stream.indirect.gather [hbm4b:s4+s23], $0x80, s7, s23, $0xb8;
	[tilespmem:$0x1DB00] =	vst v63  }
0x46: {  	s2 =	simm.s32 $0x80  }
0x47: {  	[tilespmem:s24], [sflag:$0x2] =	stream.indirect.gather [hbm4b:s4+s23], $0x80, s2, s23, $0xb8;
	[tilespmem:$0x1DB00] =	vst v63  }
0x48: {  	_ =	swait.ge [sflag:s25], $0x4000  }
0x49: {  	[sflag:s25] =	ssyncset.done $0x0  }
0x4a: {  	s3 =	simm.s32 $0xD80;
	[sflag:s25] =	ssyncadd.s32 $0xFFFFC000  }
0x4b: {  	[spmem:s1] =	stream.indirect.scatter.add.f32 [tilespmem:s20], [sflag:$0x3], $0x80, s3, s23, $0xb8;
	[tilespmem:$0x1DB00] =	vst v63  }
0x4c: {  	_ =	swait.ge [sflag:s21], $0x4000  }
0x4d: {  	[sflag:s21] =	ssyncset.done $0x0  }
0x4e: {  	s6 =	simm.s32 $0x100;
	[sflag:s21] =	ssyncadd.s32 $0xFFFFC000  }
0x4f: {  	[tilespmem:s20], [sflag:$0x1] =	stream.indirect.gather [hbm4b:s4+s23], $0x80, s6, s23, $0xb8;
	[tilespmem:$0x1DB00] =	vst v63  }
0x50: {  	_ =	swait.ge [sflag:s26], $0x4000  }
0x51: {  	[sflag:s26] =	ssyncset.done $0x0  }
0x52: {  	s7 =	simm.s32 $0xE00;
	[sflag:s26] =	ssyncadd.s32 $0xFFFFC000  }
0x53: {  	[spmem:s1] =	stream.indirect.scatter.add.f32 [tilespmem:s24], [sflag:$0x3], $0x80, s7, s23, $0xb8;
	[tilespmem:$0x1DB00] =	vst v63  }
0x54: {  	_ =	swait.ge [sflag:s21], $0x4000  }
0x55: {  	s0 =	simm.s32 $0x100;
	s3 =	simm.s32 $0x800;
	[sflag:s21] =	ssyncset.done $0x0  }
.LBB2_4:
0x56: {  	s2 =	sadd.s32 $0x80, s0  }
0x57: {  	[sflag:s21] =	ssyncadd.s32 $0xFFFFC000;
	s6 =	smov.u32 s3;
	s7 =	sadd.s32 $0x400, s3  }
0x58: {  	[tilespmem:s24], [sflag:$0x2] =	stream.indirect.gather [hbm4b:s4+s23], $0x80, s2, s23, $0xb8;
	[tilespmem:$0x1DB00] =	vst v63  }
0x59: {  	p1 =	sne.s32 s3, $0x2C00;
	_ =	swait.ge [sflag:s25], $0x4000  }
0x5a: {  	[sflag:s25] =	ssyncset.done $0x0  }
0x5b: {  	s2 =	sadd.s32 $0xD80, s0;
	[sflag:s25] =	ssyncadd.s32 $0xFFFFC000  }
0x5c: {  	[spmem:s1] =	stream.indirect.scatter.add.f32 [tilespmem:s20], [sflag:$0x3], $0x80, s2, s23, $0xb8;
	[tilespmem:$0x1DB00] =	vst v63  }
0x5d: {  	_ =	swait.ge [sflag:s21], $0x4000  }
0x5e: {  	[sflag:s21] =	ssyncset.done $0x0  }
0x5f: {  	s2 =	sadd.s32 $0x100, s0;
	[sflag:s21] =	ssyncadd.s32 $0xFFFFC000  }
0x60: {  	[tilespmem:s20], [sflag:$0x1] =	stream.indirect.gather [hbm4b:s4+s23], $0x80, s2, s23, $0xb8;
	[tilespmem:$0x1DB00] =	vst v63  }
0x61: {  	_ =	swait.ge [sflag:s26], $0x4000  }
.Ltmp1:
0x62: {  	[sflag:s26] =	ssyncset.done $0x0;
	(pc) =	sbr.rel @p1 .LBB2_4-.Ltmp1, $4  }
0x63: {  	s0 =	sadd.s32 $0xE00, s0;
	[sflag:s26] =	ssyncadd.s32 $0xFFFFC000  }
0x64: {  	[spmem:s1] =	stream.indirect.scatter.add.f32 [tilespmem:s24], [sflag:$0x3], $0x80, s0, s23, $0xb8;
	[tilespmem:$0x1DB00] =	vst v63  }
0x65: {  	_ =	swait.ge [sflag:s21], $0x4000  }
0x66: {  	s3 =	smov.u32 s7;
	s0 =	sshra.s32 s6, $0x2;
	[sflag:s21] =	ssyncset.done $0x0  }
0x67: {  	s2 =	sadd.s32 $0x80, s0;
	[sflag:s21] =	ssyncadd.s32 $0xFFFFC000  }
0x68: {  	[tilespmem:s24], [sflag:$0x2] =	stream.indirect.gather [hbm4b:s4+s23], $0x80, s2, s23, $0xb8;
	[tilespmem:$0x1DB00] =	vst v63  }
0x69: {  	_ =	swait.ge [sflag:s25], $0x4000  }
0x6a: {  	[sflag:s25] =	ssyncset.done $0x0  }
0x6b: {  	s7 =	sadd.s32 $0xD80, s0;
	[sflag:s25] =	ssyncadd.s32 $0xFFFFC000  }
0x6c: {  	[spmem:s1] =	stream.indirect.scatter.add.f32 [tilespmem:s20], [sflag:$0x3], $0x80, s7, s23, $0xb8;
	[tilespmem:$0x1DB00] =	vst v63  }
0x6d: {  	_ =	swait.ge [sflag:s21], $0x4000  }
0x6e: {  	[sflag:s21] =	ssyncset.done $0x0  }
0x6f: {  	s3 =	sadd.s32 $0x100, s0;
	[sflag:s21] =	ssyncadd.s32 $0xFFFFC000  }
0x70: {  	[tilespmem:s20], [sflag:$0x1] =	stream.indirect.gather [hbm4b:s4+s23], $0x80, s3, s23, $0xb8;
	[tilespmem:$0x1DB00] =	vst v63  }
0x71: {  	_ =	swait.ge [sflag:s26], $0x4000  }
0x72: {  	[sflag:s26] =	ssyncset.done $0x0  }
0x73: {  	s6 =	sadd.s32 $0xE00, s0;
	[sflag:s26] =	ssyncadd.s32 $0xFFFFC000  }
0x74: {  	[spmem:s1] =	stream.indirect.scatter.add.f32 [tilespmem:s24], [sflag:$0x3], $0x80, s6, s23, $0xb8;
	[tilespmem:$0x1DB00] =	vst v63  }
0x75: {  	_ =	swait.ge [sflag:s21], $0x4000  }
0x76: {  	[sflag:s21] =	ssyncset.done $0x0  }
0x77: {  	[sflag:s21] =	ssyncadd.s32 $0xFFFFC000  }
0x78: {  	[tilespmem:s24], [sflag:$0x2] =	stream.indirect.gather [hbm4b:s4+s23], $0x80, s28, s23, $0xb8;
	[tilespmem:$0x1DB00] =	vst v63  }
0x79: {  	_ =	swait.ge [sflag:s25], $0x4000  }
0x7a: {  	[sflag:s25] =	ssyncset.done $0x0  }
0x7b: {  	[sflag:s25] =	ssyncadd.s32 $0xFFFFC000  }
0x7c: {  	[spmem:s1] =	stream.indirect.scatter.add.f32 [tilespmem:s20], [sflag:$0x3], $0x80, s29, s23, $0xb8;
	[tilespmem:$0x1DB00] =	vst v63  }
0x7d: {  	_ =	swait.ge [sflag:s21], $0x4000  }
0x7e: {  	[sflag:s21] =	ssyncset.done $0x0  }
0x7f: {  	[sflag:s21] =	ssyncadd.s32 $0xFFFFC000  }
0x80: {  	_ =	swait.ge [sflag:s26], $0x4000  }
0x81: {  	[sflag:s26] =	ssyncset.done $0x0  }
0x82: {  	[sflag:s26] =	ssyncadd.s32 $0xFFFFC000  }
0x83: {  	[spmem:s1] =	stream.indirect.scatter.add.f32 [tilespmem:s24], [sflag:$0x3], $0x80, s30, s23, $0xb8;
	[tilespmem:$0x1DB00] =	vst v63  }
0x84: {  	_ =	swait.ge [sflag:s21], $0x4000  }
0x85: {  	[sflag:s21] =	ssyncset.done $0x0  }
0x86: {  	s7 =	simm.s32 $0x0;
	[sflag:s21] =	ssyncadd.s32 $0xFFFFC000  }
0x87: {  	[tilespmem:s7], [sflag:$0x3] =	stream.linear.gather [hbm4b:s12+s7], $0xD00, $0x38;
	[tilespmem:$0x1DB00] =	vst v63  }
0x88: {  	_ =	swait.ge [sflag:s21], $0xD00  }
0x89: {  	[sflag:s21] =	ssyncset.done $0x0  }
0x8a: {  	[sflag:s21] =	ssyncadd.s32 $0xFFFFF300  }
0x8b: {  	[tilespmem:s22], [sflag:$0x3] =	stream.linear.gather [hbm4b:s13+s7], $0xD00, $0x38;
	[tilespmem:$0x1DB00] =	vst v63  }
0x8c: {  	_ =	swait.ge [sflag:s21], $0xD00  }
0x8d: {  	[sflag:s21] =	ssyncset.done $0x0  }
0x8e: {  	[sflag:s21] =	ssyncadd.s32 $0xFFFFF300  }
0x8f: {  	[tilespmem:s20], [sflag:$0x1] =	stream.indirect.gather [hbm4b:s4+s23], $0x80, s7, s23, $0xb8;
	[tilespmem:$0x1DB00] =	vst v63  }
0x90: {  	s2 =	simm.s32 $0x80  }
0x91: {  	[tilespmem:s24], [sflag:$0x2] =	stream.indirect.gather [hbm4b:s4+s23], $0x80, s2, s23, $0xb8;
	[tilespmem:$0x1DB00] =	vst v63  }
0x92: {  	_ =	swait.ge [sflag:s25], $0x4000  }
0x93: {  	[sflag:s25] =	ssyncset.done $0x0  }
0x94: {  	s3 =	simm.s32 $0xD80;
	[sflag:s25] =	ssyncadd.s32 $0xFFFFC000  }
0x95: {  	[spmem:s1] =	stream.indirect.scatter.add.f32 [tilespmem:s20], [sflag:$0x3], $0x80, s3, s23, $0xb8;
	[tilespmem:$0x1DB00] =	vst v63  }
0x96: {  	_ =	swait.ge [sflag:s21], $0x4000  }
0x97: {  	[sflag:s21] =	ssyncset.done $0x0  }
0x98: {  	s6 =	simm.s32 $0x100;
	[sflag:s21] =	ssyncadd.s32 $0xFFFFC000  }
0x99: {  	[tilespmem:s20], [sflag:$0x1] =	stream.indirect.gather [hbm4b:s4+s23], $0x80, s6, s23, $0xb8;
	[tilespmem:$0x1DB00] =	vst v63  }
0x9a: {  	_ =	swait.ge [sflag:s26], $0x4000  }
0x9b: {  	[sflag:s26] =	ssyncset.done $0x0  }
0x9c: {  	s7 =	simm.s32 $0xE00;
	[sflag:s26] =	ssyncadd.s32 $0xFFFFC000  }
0x9d: {  	[spmem:s1] =	stream.indirect.scatter.add.f32 [tilespmem:s24], [sflag:$0x3], $0x80, s7, s23, $0xb8;
	[tilespmem:$0x1DB00] =	vst v63  }
0x9e: {  	_ =	swait.ge [sflag:s21], $0x4000  }
0x9f: {  	s0 =	simm.s32 $0x100;
	s3 =	simm.s32 $0x800;
	[sflag:s21] =	ssyncset.done $0x0  }
.LBB2_6:
0xa0: {  	s2 =	sadd.s32 $0x80, s0  }
0xa1: {  	[sflag:s21] =	ssyncadd.s32 $0xFFFFC000;
	s6 =	smov.u32 s3;
	s7 =	sadd.s32 $0x400, s3  }
0xa2: {  	[tilespmem:s24], [sflag:$0x2] =	stream.indirect.gather [hbm4b:s4+s23], $0x80, s2, s23, $0xb8;
	[tilespmem:$0x1DB00] =	vst v63  }
0xa3: {  	p1 =	sne.s32 s3, $0x2C00;
	_ =	swait.ge [sflag:s25], $0x4000  }
0xa4: {  	[sflag:s25] =	ssyncset.done $0x0  }
0xa5: {  	s2 =	sadd.s32 $0xD80, s0;
	[sflag:s25] =	ssyncadd.s32 $0xFFFFC000  }
0xa6: {  	[spmem:s1] =	stream.indirect.scatter.add.f32 [tilespmem:s20], [sflag:$0x3], $0x80, s2, s23, $0xb8;
	[tilespmem:$0x1DB00] =	vst v63  }
0xa7: {  	_ =	swait.ge [sflag:s21], $0x4000  }
0xa8: {  	[sflag:s21] =	ssyncset.done $0x0  }
0xa9: {  	s2 =	sadd.s32 $0x100, s0;
	[sflag:s21] =	ssyncadd.s32 $0xFFFFC000  }
0xaa: {  	[tilespmem:s20], [sflag:$0x1] =	stream.indirect.gather [hbm4b:s4+s23], $0x80, s2, s23, $0xb8;
	[tilespmem:$0x1DB00] =	vst v63  }
0xab: {  	_ =	swait.ge [sflag:s26], $0x4000  }
.Ltmp2:
0xac: {  	[sflag:s26] =	ssyncset.done $0x0;
	(pc) =	sbr.rel @p1 .LBB2_6-.Ltmp2, $4  }
0xad: {  	s0 =	sadd.s32 $0xE00, s0;
	[sflag:s26] =	ssyncadd.s32 $0xFFFFC000  }
0xae: {  	[spmem:s1] =	stream.indirect.scatter.add.f32 [tilespmem:s24], [sflag:$0x3], $0x80, s0, s23, $0xb8;
	[tilespmem:$0x1DB00] =	vst v63  }
0xaf: {  	_ =	swait.ge [sflag:s21], $0x4000  }
0xb0: {  	s3 =	smov.u32 s7;
	s0 =	sshra.s32 s6, $0x2;
	[sflag:s21] =	ssyncset.done $0x0  }
0xb1: {  	s2 =	sadd.s32 $0x80, s0;
	[sflag:s21] =	ssyncadd.s32 $0xFFFFC000  }
0xb2: {  	[tilespmem:s24], [sflag:$0x2] =	stream.indirect.gather [hbm4b:s4+s23], $0x80, s2, s23, $0xb8;
	[tilespmem:$0x1DB00] =	vst v63  }
0xb3: {  	_ =	swait.ge [sflag:s25], $0x4000  }
0xb4: {  	[sflag:s25] =	ssyncset.done $0x0  }
0xb5: {  	s6 =	sadd.s32 $0xD80, s0;
	[sflag:s25] =	ssyncadd.s32 $0xFFFFC000  }
0xb6: {  	[spmem:s1] =	stream.indirect.scatter.add.f32 [tilespmem:s20], [sflag:$0x3], $0x80, s6, s23, $0xb8;
	[tilespmem:$0x1DB00] =	vst v63  }
0xb7: {  	_ =	swait.ge [sflag:s21], $0x4000  }
0xb8: {  	[sflag:s21] =	ssyncset.done $0x0  }
0xb9: {  	s7 =	sadd.s32 $0x100, s0;
	[sflag:s21] =	ssyncadd.s32 $0xFFFFC000  }
0xba: {  	[tilespmem:s20], [sflag:$0x1] =	stream.indirect.gather [hbm4b:s4+s23], $0x80, s7, s23, $0xb8;
	[tilespmem:$0x1DB00] =	vst v63  }
0xbb: {  	_ =	swait.ge [sflag:s26], $0x4000  }
0xbc: {  	[sflag:s26] =	ssyncset.done $0x0  }
0xbd: {  	s3 =	sadd.s32 $0xE00, s0;
	[sflag:s26] =	ssyncadd.s32 $0xFFFFC000  }
0xbe: {  	[spmem:s1] =	stream.indirect.scatter.add.f32 [tilespmem:s24], [sflag:$0x3], $0x80, s3, s23, $0xb8;
	[tilespmem:$0x1DB00] =	vst v63  }
0xbf: {  	_ =	swait.ge [sflag:s21], $0x4000  }
0xc0: {  	[sflag:s21] =	ssyncset.done $0x0  }
0xc1: {  	[sflag:s21] =	ssyncadd.s32 $0xFFFFC000  }
0xc2: {  	[tilespmem:s24], [sflag:$0x2] =	stream.indirect.gather [hbm4b:s4+s23], $0x80, s28, s23, $0xb8;
	[tilespmem:$0x1DB00] =	vst v63  }
0xc3: {  	_ =	swait.ge [sflag:s25], $0x4000  }
0xc4: {  	[sflag:s25] =	ssyncset.done $0x0  }
0xc5: {  	[sflag:s25] =	ssyncadd.s32 $0xFFFFC000  }
0xc6: {  	[spmem:s1] =	stream.indirect.scatter.add.f32 [tilespmem:s20], [sflag:$0x3], $0x80, s29, s23, $0xb8;
	[tilespmem:$0x1DB00] =	vst v63  }
0xc7: {  	_ =	swait.ge [sflag:s21], $0x4000  }
0xc8: {  	[sflag:s21] =	ssyncset.done $0x0  }
0xc9: {  	[sflag:s21] =	ssyncadd.s32 $0xFFFFC000  }
0xca: {  	_ =	swait.ge [sflag:s26], $0x4000  }
0xcb: {  	[sflag:s26] =	ssyncset.done $0x0  }
0xcc: {  	[sflag:s26] =	ssyncadd.s32 $0xFFFFC000  }
0xcd: {  	[spmem:s1] =	stream.indirect.scatter.add.f32 [tilespmem:s24], [sflag:$0x3], $0x80, s30, s23, $0xb8;
	[tilespmem:$0x1DB00] =	vst v63  }
0xce: {  	_ =	swait.ge [sflag:s21], $0x4000  }
0xcf: {  	[sflag:s21] =	ssyncset.done $0x0  }
0xd0: {  	s6 =	simm.s32 $0x0;
	[sflag:s21] =	ssyncadd.s32 $0xFFFFC000  }
0xd1: {  	[tilespmem:s6], [sflag:$0x3] =	stream.linear.gather [hbm4b:s14+s6], $0xD00, $0x38;
	[tilespmem:$0x1DB00] =	vst v63  }
0xd2: {  	_ =	swait.ge [sflag:s21], $0xD00  }
0xd3: {  	[sflag:s21] =	ssyncset.done $0x0  }
0xd4: {  	[sflag:s21] =	ssyncadd.s32 $0xFFFFF300  }
0xd5: {  	[tilespmem:s22], [sflag:$0x3] =	stream.linear.gather [hbm4b:s15+s6], $0xD00, $0x38;
	[tilespmem:$0x1DB00] =	vst v63  }
0xd6: {  	_ =	swait.ge [sflag:s21], $0xD00  }
0xd7: {  	[sflag:s21] =	ssyncset.done $0x0  }
0xd8: {  	s0 =	simm.s32 @!p0 $0x0;
	s2 =	simm.s32 @!p0 $0xD00;
	[sflag:s21] =	ssyncadd.s32 $0xFFFFF300  }
0xd9: {  	[tilespmem:s2], [sflag:$0x3] =	stream.linear.gather @!p0 [hbm4b:s16+s0], $0x80, $0x38;
	[tilespmem:$0x1DB00] =	vst v63  }
0xda: {  	s2 =	simm.s32 @!p0 $0x3  }
0xdb: {  	_ =	swait.ge @!p0 [sflag:s2], $0x80  }
0xdc: {  	[sflag:s2] =	ssyncset.done @!p0 $0x0  }
0xdd: {  	s3 =	simm.s32 @!p0 $0x1A80;
	[sflag:s2] =	ssyncadd.s32 @!p0 $0xFFFFFF80  }
0xde: {  	[tilespmem:s3], [sflag:$0x3] =	stream.linear.gather @!p0 [hbm4b:s17+s0], $0x80, $0x38;
	[tilespmem:$0x1DB00] =	vst v63  }
0xdf: {  	_ =	swait.ge @!p0 [sflag:s2], $0x80  }
0xe0: {  	[sflag:s2] =	ssyncset.done @!p0 $0x0  }
0xe1: {  	s7 =	simm.s32 $0x0;
	[sflag:s2] =	ssyncadd.s32 @!p0 $0xFFFFFF80  }
0xe2: {  	[tilespmem:s20], [sflag:$0x1] =	stream.indirect.gather [hbm4b:s4+s23], $0x80, s7, s23, $0xb8;
	[tilespmem:$0x1DB00] =	vst v63  }
0xe3: {  	s2 =	simm.s32 $0x80  }
0xe4: {  	[tilespmem:s24], [sflag:$0x2] =	stream.indirect.gather [hbm4b:s4+s23], $0x80, s2, s23, $0xb8;
	[tilespmem:$0x1DB00] =	vst v63  }
0xe5: {  	_ =	swait.ge [sflag:s25], $0x4000  }
0xe6: {  	[sflag:s25] =	ssyncset.done $0x0  }
0xe7: {  	s3 =	simm.s32 $0xD80;
	[sflag:s25] =	ssyncadd.s32 $0xFFFFC000  }
0xe8: {  	[spmem:s1] =	stream.indirect.scatter.add.f32 [tilespmem:s20], [sflag:$0x3], $0x80, s3, s23, $0xb8;
	[tilespmem:$0x1DB00] =	vst v63  }
0xe9: {  	_ =	swait.ge [sflag:s21], $0x4000  }
0xea: {  	[sflag:s21] =	ssyncset.done $0x0  }
0xeb: {  	s6 =	simm.s32 $0x100;
	[sflag:s21] =	ssyncadd.s32 $0xFFFFC000  }
0xec: {  	[tilespmem:s20], [sflag:$0x1] =	stream.indirect.gather [hbm4b:s4+s23], $0x80, s6, s23, $0xb8;
	[tilespmem:$0x1DB00] =	vst v63  }
0xed: {  	_ =	swait.ge [sflag:s26], $0x4000  }
0xee: {  	[sflag:s26] =	ssyncset.done $0x0  }
0xef: {  	s7 =	simm.s32 $0xE00;
	[sflag:s26] =	ssyncadd.s32 $0xFFFFC000  }
0xf0: {  	[spmem:s1] =	stream.indirect.scatter.add.f32 [tilespmem:s24], [sflag:$0x3], $0x80, s7, s23, $0xb8;
	[tilespmem:$0x1DB00] =	vst v63  }
0xf1: {  	_ =	swait.ge [sflag:s21], $0x4000  }
0xf2: {  	s0 =	simm.s32 $0x100;
	s3 =	simm.s32 $0x800;
	[sflag:s21] =	ssyncset.done $0x0  }
.LBB2_8:
0xf3: {  	s2 =	sadd.s32 $0x80, s0  }
0xf4: {  	[sflag:s21] =	ssyncadd.s32 $0xFFFFC000;
	s6 =	smov.u32 s3;
	s7 =	sadd.s32 $0x400, s3  }
0xf5: {  	[tilespmem:s24], [sflag:$0x2] =	stream.indirect.gather [hbm4b:s4+s23], $0x80, s2, s23, $0xb8;
	[tilespmem:$0x1DB00] =	vst v63  }
0xf6: {  	p1 =	sne.s32 s3, $0x2C00;
	_ =	swait.ge [sflag:s25], $0x4000  }
0xf7: {  	[sflag:s25] =	ssyncset.done $0x0  }
0xf8: {  	s2 =	sadd.s32 $0xD80, s0;
	[sflag:s25] =	ssyncadd.s32 $0xFFFFC000  }
0xf9: {  	[spmem:s1] =	stream.indirect.scatter.add.f32 [tilespmem:s20], [sflag:$0x3], $0x80, s2, s23, $0xb8;
	[tilespmem:$0x1DB00] =	vst v63  }
0xfa: {  	_ =	swait.ge [sflag:s21], $0x4000  }
0xfb: {  	[sflag:s21] =	ssyncset.done $0x0  }
0xfc: {  	s2 =	sadd.s32 $0x100, s0;
	[sflag:s21] =	ssyncadd.s32 $0xFFFFC000  }
0xfd: {  	[tilespmem:s20], [sflag:$0x1] =	stream.indirect.gather [hbm4b:s4+s23], $0x80, s2, s23, $0xb8;
	[tilespmem:$0x1DB00] =	vst v63  }
0xfe: {  	_ =	swait.ge [sflag:s26], $0x4000  }
.Ltmp3:
0xff: {  	[sflag:s26] =	ssyncset.done $0x0;
	(pc) =	sbr.rel @p1 .LBB2_8-.Ltmp3, $4  }
0x100: {  	s0 =	sadd.s32 $0xE00, s0;
	[sflag:s26] =	ssyncadd.s32 $0xFFFFC000  }
0x101: {  	[spmem:s1] =	stream.indirect.scatter.add.f32 [tilespmem:s24], [sflag:$0x3], $0x80, s0, s23, $0xb8;
	[tilespmem:$0x1DB00] =	vst v63  }
0x102: {  	_ =	swait.ge [sflag:s21], $0x4000  }
0x103: {  	s3 =	smov.u32 s7;
	s0 =	sshra.s32 s6, $0x2;
	[sflag:s21] =	ssyncset.done $0x0  }
0x104: {  	s2 =	sadd.s32 $0x80, s0;
	[sflag:s21] =	ssyncadd.s32 $0xFFFFC000  }
0x105: {  	[tilespmem:s24], [sflag:$0x2] =	stream.indirect.gather [hbm4b:s4+s23], $0x80, s2, s23, $0xb8;
	[tilespmem:$0x1DB00] =	vst v63  }
0x106: {  	_ =	swait.ge [sflag:s25], $0x4000  }
0x107: {  	[sflag:s25] =	ssyncset.done $0x0  }
0x108: {  	s6 =	sadd.s32 $0xD80, s0;
	[sflag:s25] =	ssyncadd.s32 $0xFFFFC000  }
0x109: {  	[spmem:s1] =	stream.indirect.scatter.add.f32 [tilespmem:s20], [sflag:$0x3], $0x80, s6, s23, $0xb8;
	[tilespmem:$0x1DB00] =	vst v63  }
0x10a: {  	_ =	swait.ge [sflag:s21], $0x4000  }
0x10b: {  	[sflag:s21] =	ssyncset.done $0x0  }
0x10c: {  	s7 =	sadd.s32 $0x100, s0;
	[sflag:s21] =	ssyncadd.s32 $0xFFFFC000  }
0x10d: {  	[tilespmem:s20], [sflag:$0x1] =	stream.indirect.gather [hbm4b:s4+s23], $0x80, s7, s23, $0xb8;
	[tilespmem:$0x1DB00] =	vst v63  }
0x10e: {  	_ =	swait.ge [sflag:s26], $0x4000  }
0x10f: {  	[sflag:s26] =	ssyncset.done $0x0  }
0x110: {  	s3 =	sadd.s32 $0xE00, s0;
	[sflag:s26] =	ssyncadd.s32 $0xFFFFC000  }
0x111: {  	[spmem:s1] =	stream.indirect.scatter.add.f32 [tilespmem:s24], [sflag:$0x3], $0x80, s3, s23, $0xb8;
	[tilespmem:$0x1DB00] =	vst v63  }
0x112: {  	_ =	swait.ge [sflag:s21], $0x4000  }
0x113: {  	[sflag:s21] =	ssyncset.done $0x0  }
0x114: {  	[sflag:s21] =	ssyncadd.s32 $0xFFFFC000  }
0x115: {  	[tilespmem:s24], [sflag:$0x2] =	stream.indirect.gather [hbm4b:s4+s23], $0x80, s28, s23, $0xb8;
	[tilespmem:$0x1DB00] =	vst v63  }
0x116: {  	_ =	swait.ge [sflag:s25], $0x4000  }
0x117: {  	[sflag:s25] =	ssyncset.done $0x0  }
0x118: {  	[sflag:s25] =	ssyncadd.s32 $0xFFFFC000  }
0x119: {  	[spmem:s1] =	stream.indirect.scatter.add.f32 [tilespmem:s20], [sflag:$0x3], $0x80, s29, s23, $0xb8;
	[tilespmem:$0x1DB00] =	vst v63  }
0x11a: {  	_ =	swait.ge [sflag:s21], $0x4000  }
0x11b: {  	[sflag:s21] =	ssyncset.done $0x0  }
0x11c: {  	[sflag:s21] =	ssyncadd.s32 $0xFFFFC000  }
0x11d: {  	_ =	swait.ge [sflag:s26], $0x4000  }
0x11e: {  	[sflag:s26] =	ssyncset.done $0x0  }
0x11f: {  	[sflag:s26] =	ssyncadd.s32 $0xFFFFC000  }
0x120: {  	[spmem:s1] =	stream.indirect.scatter.add.f32 [tilespmem:s24], [sflag:$0x3], $0x80, s30, s23, $0xb8;
	[tilespmem:$0x1DB00] =	vst v63  }
0x121: {  	_ =	swait.ge [sflag:s21], $0x4000  }
0x122: {  	s0 =	simm.s32 @!p0 $0x80;
	[sflag:s21] =	ssyncset.done $0x0  }
0x123: {  	s2 =	simm.s32 @!p0 $0xD00;
	s3 =	simm.s32 @!p0 $0x1B00;
	[sflag:s21] =	ssyncadd.s32 $0xFFFFC000  }
0x124: {  	[tilespmem:s3], [sflag:$0x1] =	stream.indirect.gather @!p0 [hbm4b:s4+s0], $0x80, s2, s0, $0xb8;
	[tilespmem:$0x1DB00] =	vst v63  }
0x125: {  	s2 =	simm.s32 @!p0 $0x1  }
0x126: {  	_ =	swait.ge @!p0 [sflag:s2], $0x4000  }
0x127: {  	[sflag:s2] =	ssyncset.done @!p0 $0x0  }
0x128: {  	[sflag:s2] =	ssyncadd.s32 @!p0 $0xFFFFC000;
	s2 =	simm.s32 @!p0 $0x1A80  }
0x129: {  	[spmem:s1] =	stream.indirect.scatter.add.f32 @!p0 [tilespmem:s3], [sflag:$0x3], $0x80, s2, s0, $0xb8;
	[tilespmem:$0x1DB00] =	vst v63  }
0x12a: {  	s0 =	simm.s32 @!p0 $0x3  }
0x12b: {  	s31 =	sadd.s32 $0x1, s31;
	_ =	swait.ge @!p0 [sflag:s0], $0x4000  }
0x12c: {  	p1 =	sne.s32 s31, s19;
	s6 =	stileid.u32;
	[sflag:s0] =	ssyncset.done @!p0 $0x0  }
0x12d: {  	s7 =	sshrl.u32 s5, $0x3;
	[sflag:s0] =	ssyncadd.s32 @!p0 $0xFFFFC000;
	s0 =	sshll.u32 s6, $0x6  }
.Ltmp4:
0x12e: {  	[bflag:$0x0] =	sbarrier.arrive $0xFFFF;
	s0 =	sor.u32 $0x1C03, s0;
	(pc) =	sbr.rel @p1 .LBB2_1-.Ltmp4, $4  }
0x12f: {  	[hbm:s18], [sflag:s0] =	dma.local [spmem:s7], $0x2800  }
0x130: {  	_ =	swait.ge [sflag:s21], $0x2800  }
0x131: {  	[sflag:s21] =	ssyncset.done $0x0  }
0x132: {  	[sflag:s21] =	ssyncadd.s32 $0xFFFFD800  }
0x133: {  	_ =	sfence.sel $0x180000  }
0x134: {  	[bflag:$0x0] =	sbarrier.arrive $0xFFFF  }
0x135: {  	_ =	strace $0x9000004D  }
0x136: {  	s0 =	stileid.u32;
	[bflag:$0x2] =	sbarrier.arrive $0xFFFF  }
0x137: {  	p0 =	sne.s32 s0, $0x0;
	s0 =	rddreg [dreg:$0x3]  }
0x138: {  	s0 =	sadd.s32 @!p0 $0x100000, s0  }
0x139: {  	[sflag:s0] =	ssyncadd.tile.s32 @!p0 $0x1;
	_ =	shalt  }
.Lfunc_end2:
_tile_overlayer_lowered:
.L_overlay_start_2:
0x13a: {  	(tag) =	ssettag $0x2  }
0x13b: {  	s0 =	rddreg [dreg:$0x0];
	s2 =	stileid.u32  }
0x13c: {  	s1 =	rddreg [dreg:$0x1];
	p0 =	sne.s32 s2, $0x0  }
0x13d: {  	s3 =	rddreg [dreg:$0x2];
	[bflag:$0x3] =	sbarrier.arrive $0xFFFF;
	s2 =	simm.s32 @!p0 $0x1C03  }
0x13e: {  	[timem:s3], [sflag:s2] =	dma.local @!p0 [hbm:s0], s1  }
0x13f: {  	s0 =	simm.s32 @!p0 $0x3  }
0x140: {  	_ =	swait.ge @!p0 [sflag:s0], s1  }
0x141: {  	s1 =	ssub.s32 @!p0 $0x0, s1;
	[sflag:s0] =	ssyncset.done @!p0 $0x0  }
0x142: {  	[sflag:s0] =	ssyncadd.s32 @!p0 s1  }
0x143: {  	[bflag:$0x3] =	sbarrier.arrive $0xFFFF  }
0x144: {  	_ =	shalt  }

// kernel: kernel.18.cloned.1.call-start
scs
__scs_entry_jumppad:
0x0: {  	(pc) =	sbr.rel $0x88, $3  }
0x1: {  	(tag) =	ssettag $0x0;
	lr =	simm.s32 $0x1  }
0x2: {  	[smem:$0x3F98] =	sst lr;
	_ =	strace $0xD0000000  }
0x3: {  	_ = 	snop  }
0x4: {  	_ = 	snop  }
0x5: {  	_ = 	snop  }
0x6: {  	_ = 	snop  }
0x7: {  	_ = 	snop  }
__scs_overlays_trampoline_lowered:
0x8: {  	[smem:$0x3FA7] =	sst s0  }
0x9: {  	[smem:$0x3FA8] =	sst s1  }
0xa: {  	[smem:$0x3FA9] =	sst s2  }
0xb: {  	[smem:$0x3FAA] =	sst s3  }
0xc: {  	[smem:$0x3FAB] =	sst s4  }
0xd: {  	[smem:$0x3FAC] =	sst s5  }
0xe: {  	[smem:$0x3FAD] =	sst s6  }
0xf: {  	[smem:$0x3FAE] =	sst s7  }
0x10: {  	[smem:$0x3FAF] =	sst s8  }
0x11: {  	[smem:$0x3FB0] =	sst s9;
	s0 =	simm.s32 @!p0 $0x0  }
0x12: {  	s1 =	sld [smem:$0x3F96];
	s0 =	simm.s32 @p0 $0x1  }
0x13: {  	[smem:$0x3FB1] =	sst s0;
	s0 =	simm.s32 @!p1 $0x0  }
0x14: {  	s2 =	sld [smem:$0x3F95];
	s0 =	simm.s32 @p1 $0x1  }
0x15: {  	[smem:$0x3FB2] =	sst s0;
	s0 =	simm.s32 @!p2 $0x0  }
0x16: {  	s3 =	sld [smem:$0x3FDB];
	s0 =	simm.s32 @p2 $0x1  }
0x17: {  	s4 =	simm.s32 $0x1BF5;
	[smem:$0x3FB4] =	sst s0  }
0x18: {  	s0 =	sld [smem:$0x3F97];
	_ =	swait.ge [sflag:s4], $0x0  }
0x19: {  	s7 =	sld [smem:$0x3F98]  }
0x1a: {  	s8 =	sadd.s32 $0xFFFFE003, lr  }
0x1b: {  	s9 =	sadd.s32 $0xFFFFFEF7, lr;
	s5 =	simm.s32 $0xFFFFFFFF;
	p2 =	slt.u32 s8, $0xFFFFF086  }
0x1c: {  	p1 =	slt.u32 s9, $0xF7A;
	s5 =	simm.s32 @!p2 $0x0  }
0x1d: {  	s5 =	simm.s32 @p1 $0x1;
	p0 =	seq.s32 s7, s2  }
0x1e: {  	s7 =	smul.u32 @!p0 $0xF7A, s2;
	p2 =	seq.s32 @!p0 s5, $0x0  }
0x1f: {  	s9 =	smul.u32 $0xF7A, s1;
	s8 =	simm.s32 @!p0 $0x1BF5;
	p2 =	por !p2, p0  }
0x20: {  	[sflag:s8] =	ssyncset.s32 @!p0 $0xFFFFF086;
	s6 =	sadd.s32 @!p0 s3, s7;
	s7 =	simm.s32 @!p0 $0x108  }
0x21: {  	s3 =	sadd.s32 s3, s9;
	s6 =	sadd.s32 @!p0 $0x88, s6;
	s7 =	simm.s32 @p2 $0x1082  }
0x22: {  	[simem:s7], [sflag:s8] =	dma.local @!p0 [hbm:s6], $0xF7A  }
0x23: {  	s9 =	sor.u32 $0xD0000000, s2;
	s6 =	simm.s32 $0x108;
	_ =	swait.ge @!p0 [sflag:s8], $0x0  }
0x24: {  	s3 =	sadd.s32 $0x88, s3;
	s6 =	simm.s32 @!p1 $0x1082;
	[sflag:s4] =	ssyncset.s32 $0xFFFFF086  }
0x25: {  	[simem:s6], [sflag:s4] =	dma.local [hbm:s3], $0xF7A  }
0x26: {  	[smem:$0x3F98] =	sst s1;
	(tag) =	ssettag s2;
	_ =	strace s9  }
0x27: {  	s1 =	sld [smem:$0x3FA8]  }
0x28: {  	s2 =	sld [smem:$0x3FA9]  }
0x29: {  	s4 =	sld [smem:$0x3FAB]  }
0x2a: {  	p0 =	seq.s32 s5, $0x0;
	s5 =	sld [smem:$0x3FAC]  }
0x2b: {  	s6 =	sld [smem:$0x3FAD]  }
0x2c: {  	s7 =	sld [smem:$0x3FAE]  }
0x2d: {  	s3 =	simm.s32 $0x108;
	s8 =	sld [smem:$0x3FAF]  }
0x2e: {  	s3 =	simm.s32 @!p0 $0x1082;
	s9 =	sld [smem:$0x3FB0]  }
0x2f: {  	lr =	sadd.s32 s0, s3;
	s0 =	sld [smem:$0x3FA7]  }
0x30: {  	s3 =	sld [smem:$0x3FAA]  }
0x31: {  	[smem:$0x3FB3] =	sst s10  }
0x32: {  	s10 =	sld [smem:$0x3FB1];
	_ =	sdelay $0x3  }
0x33: {  	p0 =	seq.s32 s10, $0x1;
	s10 =	sld [smem:$0x3FB3];
	_ =	sdelay $0x3  }
0x34: {  	[smem:$0x3FB3] =	sst s10  }
0x35: {  	s10 =	sld [smem:$0x3FB2];
	_ =	sdelay $0x3  }
0x36: {  	p1 =	seq.s32 s10, $0x1;
	s10 =	sld [smem:$0x3FB3];
	_ =	sdelay $0x3  }
0x37: {  	[smem:$0x3FB3] =	sst s10  }
0x38: {  	s10 =	sld [smem:$0x3FB4]  }
0x39: {  	_ = 	snop;
	(pc) =	sbr.ind lr, $3  }
0x3a: {  	_ = 	snop  }
0x3b: {  	_ = 	snop  }
0x3c: {  	p2 =	seq.s32 s10, $0x1;
	s10 =	sld [smem:$0x3FB3]  }
0x3d: {  	_ =	shalt  }
0x3e: {  	_ =	shalt  }
0x3f: {  	_ =	shalt  }
0x40: {  	_ =	shalt  }
0x41: {  	_ =	shalt  }
0x42: {  	_ =	shalt  }
0x43: {  	_ =	shalt  }
0x44: {  	_ =	shalt  }
0x45: {  	_ =	shalt  }
0x46: {  	_ =	shalt  }
0x47: {  	_ =	shalt  }
0x48: {  	_ =	shalt  }
0x49: {  	_ =	shalt  }
0x4a: {  	_ =	shalt  }
0x4b: {  	_ =	shalt  }
0x4c: {  	_ =	shalt  }
0x4d: {  	_ =	shalt  }
0x4e: {  	_ =	shalt  }
0x4f: {  	_ =	shalt  }
0x50: {  	_ =	shalt  }
0x51: {  	_ =	shalt  }
0x52: {  	_ =	shalt  }
0x53: {  	_ =	shalt  }
0x54: {  	_ =	shalt  }
0x55: {  	_ =	shalt  }
0x56: {  	_ =	shalt  }
0x57: {  	_ =	shalt  }
0x58: {  	_ =	shalt  }
0x59: {  	_ =	shalt  }
0x5a: {  	_ =	shalt  }
0x5b: {  	_ =	shalt  }
0x5c: {  	_ =	shalt  }
0x5d: {  	_ =	shalt  }
0x5e: {  	_ =	shalt  }
0x5f: {  	_ =	shalt  }
0x60: {  	_ =	shalt  }
0x61: {  	_ =	shalt  }
0x62: {  	_ =	shalt  }
0x63: {  	_ =	shalt  }
0x64: {  	_ =	shalt  }
0x65: {  	_ =	shalt  }
0x66: {  	_ =	shalt  }
0x67: {  	_ =	shalt  }
0x68: {  	_ =	shalt  }
0x69: {  	_ =	shalt  }
0x6a: {  	_ =	shalt  }
0x6b: {  	_ =	shalt  }
0x6c: {  	_ =	shalt  }
0x6d: {  	_ =	shalt  }
0x6e: {  	_ =	shalt  }
0x6f: {  	_ =	shalt  }
0x70: {  	_ =	shalt  }
0x71: {  	_ =	shalt  }
0x72: {  	_ =	shalt  }
0x73: {  	_ =	shalt  }
0x74: {  	_ =	shalt  }
0x75: {  	_ =	shalt  }
0x76: {  	_ =	shalt  }
0x77: {  	_ =	shalt  }
0x78: {  	_ =	shalt  }
0x79: {  	_ =	shalt  }
0x7a: {  	_ =	shalt  }
0x7b: {  	_ =	shalt  }
0x7c: {  	_ =	shalt  }
0x7d: {  	_ =	shalt  }
0x7e: {  	_ =	shalt  }
0x7f: {  	_ =	shalt  }
0x80: {  	_ =	shalt  }
0x81: {  	_ =	shalt  }
0x82: {  	_ =	shalt  }
0x83: {  	_ =	shalt  }
0x84: {  	_ =	shalt  }
0x85: {  	_ =	shalt  }
0x86: {  	_ =	shalt  }
0x87: {  	_ =	shalt  }
.Lfunc_end0:
.L_simem_size_0:
called_computation.3_lowered:
.L_overlay_start_0:
0x88: {  	s2 =	sld [smem:$0x3FD9]  }
0x89: {  	s3 =	sld [smem:$0x3FFE];
	_ =	sdelay $0x1  }
0x8a: {  	s1 =	srdreg.scid  }
0x8b: {  	s0 =	sand.u32 $0x1, s1  }
0x8c: {  	s17 =	sshll.u32 s0, $0xA;
	s2 =	sadd.s32 s3, s2  }
0x8d: {  	s2 =	sadd.s32 s2, s17  }
0x8e: {  	[smem:$0x3FBF] =	sst s2  }
0x8f: {  	_ = 	snop  }
0x90: {  	s2 =	sld [smem:$0x3FD0];
	(tm) =	ssettm $0x1  }
0x91: {  	s18 =	sld [smem:$0x3FFB];
	_ =	sdelay $0x3  }
0x92: {  	_ =	strace s18  }
0x93: {  	s3 =	sld [smem:$0x3FFC];
	_ =	sdelay $0x3  }
0x94: {  	_ =	strace s3  }
0x95: {  	s3 =	sld [smem:$0x3FFD];
	_ =	sdelay $0x3  }
0x96: {  	_ =	strace s3  }
0x97: {  	_ =	strace $0x8FFFFFFF  }
0x98: {  	s19 =	sld [smem:$0x3FDB];
	_ =	sdelay $0x1  }
0x99: {  	s4 =	simm.s32 $_scs_section_size  }
0x9a: {  	s5 =	simm.s32 $_size__tile_overlayer_lowered;
	s6 =	simm.s32 $_tile_overlayer_lowered  }
0x9b: {  	s22 =	simm.s32 $0x1BFF;
	s21 =	sshll.u32 s6, $0x1;
	s3 =	sadd.s32 s4, s19  }
0x9c: {  	s7 =	simm.s32 $0x0;
	s20 =	sshll.u32 s5, $0x1;
	s5 =	sadd.s32 s21, s3  }
0x9d: {  	[timem:s7], [sflag:s22] =	dma.local [hbm:s5], s20  }
0x9e: {  	_ =	swait.ge [sflag:s22], s20  }
0x9f: {  	s4 =	ssub.s32 $0x0, s20;
	[sflag:s22] =	ssyncset.done $0x0  }
0xa0: {  	[sflag:s22] =	ssyncadd.s32 s4;
	_ =	sdelay $0x1  }
0xa1: {  	s23 =	simm.s32 $0x1B8B  }
0xa2: {  	_ =	swait.ge [sflag:s23], $0x1  }
0xa3: {  	[sflag:s23] =	ssyncset.done $0x0  }
0xa4: {  	s25 =	simm.s32 $0x1B8E;
	s24 =	sld [smem:$0x3FFE];
	[sflag:s23] =	ssyncadd.s32 $0xFFFFFFFF  }
0xa5: {  	s26 =	simm.s32 $execute0_lowered;
	[smem:$0x3FD2] =	sst s25  }
0xa6: {  	s5 =	sshll.u32 s26, $0x1;
	_ =	strace $0x8000004F;
	[dreg:$0x1] =	wrdreg $0xFFFFFFFF  }
0xa7: {  	s28 =	simm.s32 $_size_execute0_lowered;
	s3 =	sadd.s32 s3, s5;
	[dreg:$0x0] =	wrdreg $0x0  }
0xa8: {  	s5 =	sshll.u32 s28, $0x1;
	[dreg:$0x2] =	wrdreg s3  }
0xa9: {  	[dreg:$0x3] =	wrdreg s5  }
0xaa: {  	[dreg:$0x4] =	wrdreg $0xC0  }
0xab: {  	_ =	task [dreg:s7], $0x5FFFF  }
0xac: {  	[dreg:$0x1] =	wrdreg $0xFFFFFFFF  }
0xad: {  	[dreg:$0x0] =	wrdreg $0x60  }
0xae: {  	[dreg:$0x2] =	wrdreg s24  }
0xaf: {  	[dreg:$0x3] =	wrdreg s2  }
0xb0: {  	[dreg:$0x4] =	wrdreg $0x6F000  }
0xb1: {  	[dreg:$0x5] =	wrdreg $0x97000  }
0xb2: {  	[dreg:$0x6] =	wrdreg $0x9  }
0xb3: {  	_ =	task.clear_ibuf [dreg:s7], $0x7FFFF;
	_ =	strace $0x9000004F  }
0xb4: {  	s29 =	simm.s32 $0x9;
	_ =	strace $0x80000051  }
0xb5: {  	_ =	swait.ge [sflag:s29], $0x1  }
0xb6: {  	[sflag:s29] =	ssyncadd.s32 $0xFFFFFFFF  }
0xb7: {  	_ =	strace $0x90000051  }
0xb8: {  	_ =	sfence  }
0xb9: {  	s30 =	sld [smem:$0x0];
	_ =	sdelay $0x2  }
0xba: {  	s31 =	sshll.u32 s1, $0xD;
	s1 =	sshrl.u32 s1, $0x2  }
0xbb: {  	s3 =	sand.u32 $0x4000, s31;
	s1 =	sadd.s32 s1, s30  }
0xbc: {  	s0 =	sor.u32 s3, s0;
	s1 =	sshll.u32 s1, $0x11  }
0xbd: {  	s0 =	sor.u32 s1, s0  }
0xbe: {  	s0 =	sadd.s32 $0x8F2B, s0  }
0xbf: {  	[sflag:s0] =	ssyncadd.remote.s32 $0x1  }
0xc0: {  	_ =	sfence.sel $0xFFFF  }
0xc1: {  	[dreg:$0x0] =	wrdreg $0xFFFFFFFF;
	(pc) =	sbr.abs _section_cstart, $3  }
0xc2: {  	[dreg:$0x1] =	wrdreg $0xFFFFFFFF  }
0xc3: {  	_ =	task.clear_ibuf [dreg:s7], $0x2FFFF;
	_ =	strace $0x9FFFFFFF  }
0xc4: {  	(tm) =	ssettm $0x7FFFFFFF  }
0xc5: {  	_ =	shalt  }
tec
execute0_lowered:
.L_overlay_start_1:
0x0: {  	(tag) =	ssettag $0x1  }
0x1: {  	s0 =	rddreg [dreg:$0x0]  }
0x2: {  	s1 =	rddreg [dreg:$0x1]  }
0x3: {  	s2 =	rddreg [dreg:$0x2]  }
0x4: {  	s4 =	rddreg [dreg:$0x3];
	s5 =	simm.s32 $0x0  }
0x5: {  	s12 =	stileid.u32;
	s3 =	srdreg.scid;
	s18 =	simm.s32 $0x7  }
0x6: {  	s28 =	simm.s32 $0x1;
	s29 =	simm.s32 $0x2;
	s30 =	simm.s32 $0x3  }
0x7: {  	s31 =	simm.s32 $0x4;
	[smem:$0x7FF] =	sst s5;
	s6 =	smul.u32 $0x2800, s12  }
0x8: {  	s3 =	sand.u32 $0x1, s3;
	s8 =	sadd.s32 $0xE7400, s0;
	s10 =	sadd.s32 $0xDD600, s0  }
0x9: {  	s21 =	sshll.u32 s12, $0x6;
	s23 =	sshll.u32 s12, $0x4;
	s24 =	sshll.u32 s12, $0x8  }
0xa: {  	_ =	strace $0x80000050;
	s7 =	ssub.s32 $0x2, s3;
	s3 =	sshll.u32 s3, $0x4  }
0xb: {  	s25 =	sadd.s32 s24, s1;
	s24 =	simm.s32 $0x5F00;
	s9 =	sshrl.u32 s6, $0x3  }
0xc: {  	s11 =	sshrl.u32 s7, $0x1;
	s3 =	sor.u32 s12, s3;
	s17 =	sadd.s32 s6, s2  }
0xd: {  	s6 =	sadd.s32 s6, s4;
	s26 =	sadd.s32 $0x9C000, s25;
	s0 =	sadd.s32 s9, s0  }
0xe: {  	s15 =	ssub.s32 s7, s11;
	s7 =	sor.u32 $0x1C07, s21;
	s22 =	smul.u32 $0x4E0, s3  }
0xf: {  	s9 =	smul.u32 $0x4E, s3;
	[dreg:$0x9] =	wrdreg s26;
	p0 =	sgt.u32 s3, $0x3  }
0x10: {  	s17 =	sshrl.u32 s17, $0x3;
	s19 =	sshrl.u32 s6, $0x3;
	s21 =	simm.s32 $0x80  }
0x11: {  	s26 =	simm.s32 $0x6700;
	s3 =	simm.s32 $0x6;
	s20 =	sadd.s32 $0x1A00, s0  }
0x12: {  	s0 =	sadd.s32 $0x6A00, s0;
	s16 =	smax.u32 s15, $0x1;
	[dreg:$0x5] =	wrdreg s20  }
.Ltmp0:
0x13: {  	s15 =	simm.s32 $0x0;
	[dreg:$0x6] =	wrdreg s0;
	(pc) =	sbr.rel .LBB2_1-.Ltmp0, $4  }
0x14: {  	s13 =	sadd.s32 s8, s22;
	s0 =	sor.u32 $0x9C00, s23;
	s11 =	sadd.s32 s10, s22  }
0x15: {  	s14 =	sor.u32 $0x1, s9;
	s20 =	simm.s32 $0x2780;
	[dreg:$0x7] =	wrdreg s13  }
0x16: {  	s22 =	simm.s32 $0x4F00;
	s23 =	simm.s32 $0x5700;
	[dreg:$0x8] =	wrdreg s11  }
0x17: {  	s12 =	sadd.s32 s8, s0;
	s13 =	sadd.s32 s10, s0;
	s0 =	simm.s32 $0x5  }
.LBB2_12:
0x18: {  	s15 =	sadd.s32 $0x1, s15  }
0x19: {  	p1 =	sne.s32 s15, s16  }
.Ltmp1:
0x1a: {  	_ = 	snop;
	(pc) =	sbr.rel @!p1 .LBB2_13-.Ltmp1, $1  }
0x1b: {  	_ =	sdelay $0x3  }
.LBB2_1:
0x1c: {  	s6 =	rddreg [dreg:$0x5]  }
0x1d: {  	[spmem:s17], [sflag:s7] =	dma.local [hbm:s6], $0x500  }
0x1e: {  	_ =	swait.ge [sflag:s18], $0x500  }
0x1f: {  	[sflag:s18] =	ssyncset.done $0x0  }
0x20: {  	s8 =	rddreg [dreg:$0x6];
	[sflag:s18] =	ssyncadd.s32 $0xFFFFFB00  }
0x21: {  	[spmem:s19], [sflag:s7] =	dma.local [hbm:s8], $0x500  }
0x22: {  	_ =	swait.ge [sflag:s18], $0x500  }
0x23: {  	[sflag:s18] =	ssyncset.done $0x0  }
0x24: {  	[sflag:s18] =	ssyncadd.s32 $0xFFFFFB00  }
0x25: {  	[bflag:$0x0] =	sbarrier.arrive $0xFFFF  }
0x26: {  	s10 =	rddreg [dreg:$0x7]  }
0x27: {  	[tilespmem:s5], [sflag:$0x7] =	stream.linear.gather [hbm4b:s10+s5], $0x2700, $0x38;
	[tilespmem:$0xBF00] =	vst v63  }
0x28: {  	_ =	swait.ge [sflag:s18], $0x2700  }
0x29: {  	[sflag:s18] =	ssyncset.done $0x0  }
0x2a: {  	s11 =	rddreg [dreg:$0x8];
	[sflag:s18] =	ssyncadd.s32 $0xFFFFD900  }
0x2b: {  	[tilespmem:s20], [sflag:$0x7] =	stream.linear.gather [hbm4b:s11+s5], $0x2700, $0x38;
	[tilespmem:$0xBF00] =	vst v63  }
0x2c: {  	_ =	swait.ge [sflag:s18], $0x2700  }
0x2d: {  	[sflag:s18] =	ssyncset.done $0x0  }
0x2e: {  	s6 =	simm.s32 @!p0 $0x0;
	s8 =	simm.s32 @!p0 $0x2700;
	[sflag:s18] =	ssyncadd.s32 $0xFFFFD900  }
0x2f: {  	[tilespmem:s8], [sflag:$0x7] =	stream.linear.gather @!p0 [hbm4b:s12+s6], $0x80, $0x38;
	[tilespmem:$0xBF00] =	vst v63  }
0x30: {  	s8 =	simm.s32 @!p0 $0x7  }
0x31: {  	_ =	swait.ge @!p0 [sflag:s8], $0x80  }
0x32: {  	[sflag:s8] =	ssyncset.done @!p0 $0x0  }
0x33: {  	s10 =	simm.s32 @!p0 $0x4E80;
	[sflag:s8] =	ssyncadd.s32 @!p0 $0xFFFFFF80  }
0x34: {  	[tilespmem:s10], [sflag:$0x7] =	stream.linear.gather @!p0 [hbm4b:s13+s6], $0x80, $0x38;
	[tilespmem:$0xBF00] =	vst v63  }
0x35: {  	_ =	swait.ge @!p0 [sflag:s8], $0x80  }
0x36: {  	[sflag:s8] =	ssyncset.done @!p0 $0x0  }
0x37: {  	[sflag:s8] =	ssyncadd.s32 @!p0 $0xFFFFFF80  }
0x38: {  	[tilespmem:s22], [sflag:$0x1] =	stream.indirect.gather [spmem:s2], $0x10, s5, s21, $0xb8;
	[tilespmem:$0xBF00] =	vst v63  }
0x39: {  	_ = 	snop  }
0x3a: {  	[tilespmem:s23], [sflag:$0x2] =	stream.indirect.gather [spmem:s4], $0x10, s20, s21, $0xb8;
	[tilespmem:$0xBF00] =	vst v63  }
0x3b: {  	_ = 	snop  }
0x3c: {  	[tilespmem:s24], [sflag:$0x3] =	stream.indirect.gather [spmem:s2], $0x10, s21, s21, $0xb8;
	[tilespmem:$0xBF00] =	vst v63  }
0x3d: {  	s25 =	simm.s32 $0x2800  }
0x3e: {  	[tilespmem:s26], [sflag:$0x4] =	stream.indirect.gather [spmem:s4], $0x10, s25, s21, $0xb8;
	[tilespmem:$0xBF00] =	vst v63  }
0x3f: {  	s25 =	simm.s32 $0x0  }
.LBB2_2:
0x40: {  	_ =	swait.ge [sflag:s28], $0x800  }
0x41: {  	[sflag:s28] =	ssyncset.done $0x0  }
0x42: {  	[sflag:s28] =	ssyncadd.s32 $0xFFFFF800  }
0x43: {  	_ =	swait.ge [sflag:s29], $0x800  }
0x44: {  	[sflag:s29] =	ssyncset.done $0x0  }
0x45: {  	s8 =	simm.s32 $0x0;
	[sflag:s29] =	ssyncadd.s32 $0xFFFFF800  }
0x46: {  	v5 =	vld [tilespmem:s8+$0x5700]  }
0x47: {  	v6 =	vld [tilespmem:s8+$0x5710]  }
0x48: {  	v1 =	vld [tilespmem:s8+$0x5720]  }
0x49: {  	v0 =	vld [tilespmem:s8+$0x5730]  }
0x4a: {  	v2 =	vld [tilespmem:s8+$0x4F00]  }
0x4b: {  	v4 =	vld [tilespmem:s8+$0x4F10]  }
0x4c: {  	s6 =	simm.s32 $0x100;
	v3 =	vld [tilespmem:s8+$0x4F20]  }
.LBB2_3:
0x4d: {  	s10 =	sshra.s32 s6, $0x2;
	p1 =	sne.s32 s6, $0x1F00;
	v7 =	vld [tilespmem:s8+$0x4F30];
	v8 =	vmov v1  }
0x4e: {  	v9 =	vld [tilespmem:s10+$0x5700];
	v10 =	vmov v0  }
0x4f: {  	v11 =	vld [tilespmem:s10+$0x5710];
	v2 =	vadd.f32 v5, v2  }
.Ltmp2:
0x50: {  	v1 =	vld [tilespmem:s10+$0x5720];
	v4 =	vadd.f32 v6, v4;
	(pc) =	sbr.rel @p1 .LBB2_3-.Ltmp2, $4  }
0x51: {  	v0 =	vld [tilespmem:s10+$0x5730];
	[tilespmem:s8+$0x4F00] =	vst v2;
	v3 =	vadd.f32 v8, v3  }
0x52: {  	v2 =	vld [tilespmem:s10+$0x4F00];
	[tilespmem:s8+$0x4F10] =	vst v4;
	v7 =	vadd.f32 v10, v7  }
0x53: {  	v4 =	vld [tilespmem:s10+$0x4F10];
	[tilespmem:s8+$0x4F20] =	vst v3;
	v5 =	vmov v9  }
0x54: {  	s6 =	sadd.s32 $0x100, s6;
	v3 =	vld [tilespmem:s10+$0x4F20];
	[tilespmem:s8+$0x4F30] =	vst v7;
	v6 =	vmov v11;
	s8 =	smov.u32 s10  }
0x55: {  	v7 =	vld [tilespmem:s8+$0x4F30];
	_ =	sdelay $0x1  }
0x56: {  	v2 =	vadd.f32 v5, v2  }
0x57: {  	v4 =	vadd.f32 v6, v4  }
0x58: {  	s6 =	sshll.u32 s25, $0x1;
	[tilespmem:s8+$0x4F00] =	vst v2;
	v1 =	vadd.f32 v1, v3  }
0x59: {  	s10 =	sadd.s32 s9, s6;
	[tilespmem:s8+$0x4F10] =	vst v4;
	v0 =	vadd.f32 v0, v7  }
0x5a: {  	s10 =	sshll.u32 s10, $0x8;
	[tilespmem:s8+$0x4F20] =	vst v1  }
0x5b: {  	s11 =	simm.s32 $0x0;
	s10 =	sadd.s32 s1, s10;
	[tilespmem:s8+$0x4F30] =	vst v0  }
0x5c: {  	[hbm4b:s10+s11] =	stream.linear.scatter [tilespmem:s22], [sflag:$0x5], $0x800, $0x38;
	[tilespmem:$0xBF00] =	vst v63  }
0x5d: {  	_ =	swait.ge [sflag:s30], $0x800  }
0x5e: {  	[sflag:s30] =	ssyncset.done $0x0  }
0x5f: {  	[sflag:s30] =	ssyncadd.s32 $0xFFFFF800  }
0x60: {  	_ =	swait.ge [sflag:s31], $0x800  }
0x61: {  	[sflag:s31] =	ssyncset.done $0x0  }
0x62: {  	s8 =	simm.s32 $0x0;
	[sflag:s31] =	ssyncadd.s32 $0xFFFFF800  }
0x63: {  	v5 =	vld [tilespmem:s8+$0x6700]  }
0x64: {  	v6 =	vld [tilespmem:s8+$0x6710]  }
0x65: {  	v1 =	vld [tilespmem:s8+$0x6720]  }
0x66: {  	v0 =	vld [tilespmem:s8+$0x6730]  }
0x67: {  	v2 =	vld [tilespmem:s8+$0x5F00]  }
0x68: {  	v4 =	vld [tilespmem:s8+$0x5F10]  }
0x69: {  	s10 =	simm.s32 $0x100;
	v3 =	vld [tilespmem:s8+$0x5F20]  }
.LBB2_5:
0x6a: {  	s11 =	sshra.s32 s10, $0x2;
	p1 =	sne.s32 s10, $0x1F00;
	v7 =	vld [tilespmem:s8+$0x5F30];
	v8 =	vmov v1  }
0x6b: {  	v9 =	vld [tilespmem:s11+$0x6700];
	v10 =	vmov v0  }
0x6c: {  	v11 =	vld [tilespmem:s11+$0x6710];
	v2 =	vadd.f32 v5, v2  }
.Ltmp3:
0x6d: {  	v1 =	vld [tilespmem:s11+$0x6720];
	v4 =	vadd.f32 v6, v4;
	(pc) =	sbr.rel @p1 .LBB2_5-.Ltmp3, $4  }
0x6e: {  	v0 =	vld [tilespmem:s11+$0x6730];
	[tilespmem:s8+$0x5F00] =	vst v2;
	v3 =	vadd.f32 v8, v3  }
0x6f: {  	v2 =	vld [tilespmem:s11+$0x5F00];
	[tilespmem:s8+$0x5F10] =	vst v4;
	v7 =	vadd.f32 v10, v7  }
0x70: {  	v4 =	vld [tilespmem:s11+$0x5F10];
	[tilespmem:s8+$0x5F20] =	vst v3;
	v5 =	vmov v9  }
0x71: {  	s10 =	sadd.s32 $0x100, s10;
	v3 =	vld [tilespmem:s11+$0x5F20];
	[tilespmem:s8+$0x5F30] =	vst v7;
	v6 =	vmov v11;
	s8 =	smov.u32 s11  }
0x72: {  	v7 =	vld [tilespmem:s8+$0x5F30];
	_ =	sdelay $0x1  }
0x73: {  	v2 =	vadd.f32 v5, v2  }
0x74: {  	v4 =	vadd.f32 v6, v4  }
0x75: {  	s6 =	sadd.s32 s6, s14;
	[tilespmem:s8+$0x5F00] =	vst v2;
	v1 =	vadd.f32 v1, v3  }
0x76: {  	s6 =	sshll.u32 s6, $0x8;
	[tilespmem:s8+$0x5F10] =	vst v4;
	v0 =	vadd.f32 v0, v7  }
0x77: {  	p1 =	seq.s32 s25, $0x26;
	s6 =	sand.u32 $0x1FFFFF00, s6;
	[tilespmem:s8+$0x5F20] =	vst v1  }
.Ltmp4:
0x78: {  	s6 =	sadd.s32 s1, s6;
	[tilespmem:s8+$0x5F30] =	vst v0;
	(pc) =	sbr.rel @p1 .LBB2_8-.Ltmp4, $4  }
0x79: {  	[hbm4b:s6+s5] =	stream.linear.scatter [tilespmem:s24], [sflag:$0x6], $0x800, $0x38;
	[tilespmem:$0xBF00] =	vst v63  }
0x7a: {  	_ =	swait.ge [sflag:s0], $0x800  }
0x7b: {  	[sflag:s0] =	ssyncset.done $0x0  }
0x7c: {  	[sflag:s0] =	ssyncadd.s32 $0xFFFFF800  }
0x7d: {  	s6 =	sshll.u32 s25, $0x8  }
0x7e: {  	s8 =	sadd.s32 $0x100, s6  }
0x7f: {  	[tilespmem:s22], [sflag:$0x1] =	stream.indirect.gather [spmem:s2], $0x10, s8, s21, $0xb8;
	[tilespmem:$0xBF00] =	vst v63  }
0x80: {  	s10 =	sadd.s32 $0x2880, s6  }
0x81: {  	[tilespmem:s23], [sflag:$0x2] =	stream.indirect.gather [spmem:s4], $0x10, s10, s21, $0xb8;
	[tilespmem:$0xBF00] =	vst v63  }
0x82: {  	_ =	swait.ge [sflag:s3], $0x800  }
.Ltmp5:
0x83: {  	[sflag:s3] =	ssyncset.done $0x0;
	(pc) =	sbr.rel .LBB2_2-.Ltmp5, $4  }
0x84: {  	s11 =	sadd.s32 $0x180, s6;
	[sflag:s3] =	ssyncadd.s32 $0xFFFFF800  }
0x85: {  	[tilespmem:s24], [sflag:$0x3] =	stream.indirect.gather [spmem:s2], $0x10, s11, s21, $0xb8;
	[tilespmem:$0xBF00] =	vst v63  }
0x86: {  	s25 =	sadd.s32 $0x1, s25;
	s6 =	sadd.s32 $0x2900, s6  }
0x87: {  	[tilespmem:s26], [sflag:$0x4] =	stream.indirect.gather [spmem:s4], $0x10, s6, s21, $0xb8;
	[tilespmem:$0xBF00] =	vst v63  }
.LBB2_8:
.Ltmp6:
0x88: {  	(pc) =	sbr.rel @p0 .LBB2_12-.Ltmp6, $4  }
0x89: {  	_ = 	snop  }
0x8a: {  	_ =	swait.ge [sflag:s3], $0x800  }
0x8b: {  	[sflag:s3] =	ssyncset.done $0x0  }
0x8c: {  	[sflag:s3] =	ssyncadd.s32 $0xFFFFF800  }
0x8d: {  	s6 =	simm.s32 $0x2700  }
0x8e: {  	[tilespmem:s22], [sflag:$0x1] =	stream.indirect.gather [spmem:s2], $0x10, s6, s21, $0xb8;
	[tilespmem:$0xBF00] =	vst v63  }
0x8f: {  	_ =	swait.ge [sflag:s28], $0x800  }
0x90: {  	[sflag:s28] =	ssyncset.done $0x0  }
0x91: {  	s25 =	simm.s32 $0x4E80;
	[sflag:s28] =	ssyncadd.s32 $0xFFFFF800  }
0x92: {  	[tilespmem:s23], [sflag:$0x2] =	stream.indirect.gather [spmem:s4], $0x10, s25, s21, $0xb8;
	[tilespmem:$0xBF00] =	vst v63  }
0x93: {  	_ =	swait.ge [sflag:s29], $0x800  }
0x94: {  	[sflag:s29] =	ssyncset.done $0x0  }
0x95: {  	s6 =	simm.s32 $0x0;
	[sflag:s29] =	ssyncadd.s32 $0xFFFFF800  }
0x96: {  	v5 =	vld [tilespmem:s6+$0x5700]  }
0x97: {  	v6 =	vld [tilespmem:s6+$0x5710]  }
0x98: {  	v1 =	vld [tilespmem:s6+$0x5720]  }
0x99: {  	v0 =	vld [tilespmem:s6+$0x5730]  }
0x9a: {  	v2 =	vld [tilespmem:s6+$0x4F00]  }
0x9b: {  	v4 =	vld [tilespmem:s6+$0x4F10]  }
0x9c: {  	s8 =	simm.s32 $0x100;
	v3 =	vld [tilespmem:s6+$0x4F20]  }
.LBB2_10:
0x9d: {  	s10 =	sshra.s32 s8, $0x2;
	p1 =	sne.s32 s8, $0x1F00;
	v7 =	vld [tilespmem:s6+$0x4F30];
	v8 =	vmov v1  }
0x9e: {  	v9 =	vld [tilespmem:s10+$0x5700];
	v10 =	vmov v0  }
0x9f: {  	v11 =	vld [tilespmem:s10+$0x5710];
	v2 =	vadd.f32 v5, v2  }
.Ltmp7:
0xa0: {  	v1 =	vld [tilespmem:s10+$0x5720];
	v4 =	vadd.f32 v6, v4;
	(pc) =	sbr.rel @p1 .LBB2_10-.Ltmp7, $4  }
0xa1: {  	v0 =	vld [tilespmem:s10+$0x5730];
	[tilespmem:s6+$0x4F00] =	vst v2;
	v3 =	vadd.f32 v8, v3  }
0xa2: {  	v2 =	vld [tilespmem:s10+$0x4F00];
	[tilespmem:s6+$0x4F10] =	vst v4;
	v7 =	vadd.f32 v10, v7  }
0xa3: {  	v4 =	vld [tilespmem:s10+$0x4F10];
	[tilespmem:s6+$0x4F20] =	vst v3;
	v5 =	vmov v9  }
0xa4: {  	s8 =	sadd.s32 $0x100, s8;
	v3 =	vld [tilespmem:s10+$0x4F20];
	[tilespmem:s6+$0x4F30] =	vst v7;
	v6 =	vmov v11;
	s6 =	smov.u32 s10  }
0xa5: {  	v7 =	vld [tilespmem:s6+$0x4F30];
	_ =	sdelay $0x1  }
0xa6: {  	v2 =	vadd.f32 v5, v2  }
0xa7: {  	v4 =	vadd.f32 v6, v4  }
0xa8: {  	[tilespmem:s6+$0x4F00] =	vst v2;
	v1 =	vadd.f32 v1, v3  }
0xa9: {  	[tilespmem:s6+$0x4F10] =	vst v4;
	v0 =	vadd.f32 v0, v7  }
0xaa: {  	[tilespmem:s6+$0x4F20] =	vst v1  }
.Ltmp8:
0xab: {  	s25 =	rddreg [dreg:$0x9];
	[tilespmem:s6+$0x4F30] =	vst v0;
	(pc) =	sbr.rel .LBB2_12-.Ltmp8, $4  }
0xac: {  	[hbm4b:s25+s5] =	stream.linear.scatter [tilespmem:s22], [sflag:$0x7], $0x800, $0x38;
	[tilespmem:$0xBF00] =	vst v63  }
0xad: {  	_ =	swait.ge [sflag:s18], $0x800  }
0xae: {  	[sflag:s18] =	ssyncset.done $0x0  }
0xaf: {  	[sflag:s18] =	ssyncadd.s32 $0xFFFFF800  }
.LBB2_13:
0xb0: {  	_ =	sfence.sel $0x180000  }
0xb1: {  	[bflag:$0x0] =	sbarrier.arrive $0xFFFF  }
0xb2: {  	_ =	strace $0x90000050  }
0xb3: {  	s0 =	stileid.u32;
	[bflag:$0x2] =	sbarrier.arrive $0xFFFF  }
0xb4: {  	p0 =	sne.s32 s0, $0x0;
	s0 =	rddreg [dreg:$0x4]  }
0xb5: {  	s0 =	sadd.s32 @!p0 $0x100000, s0  }
0xb6: {  	[sflag:s0] =	ssyncadd.tile.s32 @!p0 $0x1;
	_ =	shalt  }
.Lfunc_end2:
_tile_overlayer_lowered:
.L_overlay_start_2:
0xb7: {  	(tag) =	ssettag $0x2  }
0xb8: {  	s0 =	rddreg [dreg:$0x0];
	s2 =	stileid.u32  }
0xb9: {  	s1 =	rddreg [dreg:$0x1];
	p0 =	sne.s32 s2, $0x0  }
0xba: {  	s3 =	rddreg [dreg:$0x2];
	[bflag:$0x3] =	sbarrier.arrive $0xFFFF;
	s2 =	simm.s32 @!p0 $0x1C07  }
0xbb: {  	[timem:s3], [sflag:s2] =	dma.local @!p0 [hbm:s0], s1  }
0xbc: {  	s0 =	simm.s32 @!p0 $0x7  }
0xbd: {  	_ =	swait.ge @!p0 [sflag:s0], s1  }
0xbe: {  	s1 =	ssub.s32 @!p0 $0x0, s1;
	[sflag:s0] =	ssyncset.done @!p0 $0x0  }
0xbf: {  	[sflag:s0] =	ssyncadd.s32 @!p0 s1  }
0xc0: {  	[bflag:$0x3] =	sbarrier.arrive $0xFFFF  }
0xc1: {  	_ =	shalt  }

// kernel: kernel.9.cloned.1.call-start
scs
__scs_entry_jumppad:
0x0: {  	(pc) =	sbr.rel $0x88, $3  }
0x1: {  	(tag) =	ssettag $0x0;
	lr =	simm.s32 $0x1  }
0x2: {  	[smem:$0x3F98] =	sst lr;
	_ =	strace $0xD0000000  }
0x3: {  	_ = 	snop  }
0x4: {  	_ = 	snop  }
0x5: {  	_ = 	snop  }
0x6: {  	_ = 	snop  }
0x7: {  	_ = 	snop  }
__scs_overlays_trampoline_lowered:
0x8: {  	[smem:$0x3FA7] =	sst s0  }
0x9: {  	[smem:$0x3FA8] =	sst s1  }
0xa: {  	[smem:$0x3FA9] =	sst s2  }
0xb: {  	[smem:$0x3FAA] =	sst s3  }
0xc: {  	[smem:$0x3FAB] =	sst s4  }
0xd: {  	[smem:$0x3FAC] =	sst s5  }
0xe: {  	[smem:$0x3FAD] =	sst s6  }
0xf: {  	[smem:$0x3FAE] =	sst s7  }
0x10: {  	[smem:$0x3FAF] =	sst s8  }
0x11: {  	[smem:$0x3FB0] =	sst s9;
	s0 =	simm.s32 @!p0 $0x0  }
0x12: {  	s1 =	sld [smem:$0x3F96];
	s0 =	simm.s32 @p0 $0x1  }
0x13: {  	[smem:$0x3FB1] =	sst s0;
	s0 =	simm.s32 @!p1 $0x0  }
0x14: {  	s2 =	sld [smem:$0x3F95];
	s0 =	simm.s32 @p1 $0x1  }
0x15: {  	[smem:$0x3FB2] =	sst s0;
	s0 =	simm.s32 @!p2 $0x0  }
0x16: {  	s3 =	sld [smem:$0x3FDB];
	s0 =	simm.s32 @p2 $0x1  }
0x17: {  	s4 =	simm.s32 $0x1BF5;
	[smem:$0x3FB4] =	sst s0  }
0x18: {  	s0 =	sld [smem:$0x3F97];
	_ =	swait.ge [sflag:s4], $0x0  }
0x19: {  	s7 =	sld [smem:$0x3F98]  }
0x1a: {  	s8 =	sadd.s32 $0xFFFFE003, lr  }
0x1b: {  	s9 =	sadd.s32 $0xFFFFFEF7, lr;
	s5 =	simm.s32 $0xFFFFFFFF;
	p2 =	slt.u32 s8, $0xFFFFF086  }
0x1c: {  	p1 =	slt.u32 s9, $0xF7A;
	s5 =	simm.s32 @!p2 $0x0  }
0x1d: {  	s5 =	simm.s32 @p1 $0x1;
	p0 =	seq.s32 s7, s2  }
0x1e: {  	s7 =	smul.u32 @!p0 $0xF7A, s2;
	p2 =	seq.s32 @!p0 s5, $0x0  }
0x1f: {  	s9 =	smul.u32 $0xF7A, s1;
	s8 =	simm.s32 @!p0 $0x1BF5;
	p2 =	por !p2, p0  }
0x20: {  	[sflag:s8] =	ssyncset.s32 @!p0 $0xFFFFF086;
	s6 =	sadd.s32 @!p0 s3, s7;
	s7 =	simm.s32 @!p0 $0x108  }
0x21: {  	s3 =	sadd.s32 s3, s9;
	s6 =	sadd.s32 @!p0 $0x88, s6;
	s7 =	simm.s32 @p2 $0x1082  }
0x22: {  	[simem:s7], [sflag:s8] =	dma.local @!p0 [hbm:s6], $0xF7A  }
0x23: {  	s9 =	sor.u32 $0xD0000000, s2;
	s6 =	simm.s32 $0x108;
	_ =	swait.ge @!p0 [sflag:s8], $0x0  }
0x24: {  	s3 =	sadd.s32 $0x88, s3;
	s6 =	simm.s32 @!p1 $0x1082;
	[sflag:s4] =	ssyncset.s32 $0xFFFFF086  }
0x25: {  	[simem:s6], [sflag:s4] =	dma.local [hbm:s3], $0xF7A  }
0x26: {  	[smem:$0x3F98] =	sst s1;
	(tag) =	ssettag s2;
	_ =	strace s9  }
0x27: {  	s1 =	sld [smem:$0x3FA8]  }
0x28: {  	s2 =	sld [smem:$0x3FA9]  }
0x29: {  	s4 =	sld [smem:$0x3FAB]  }
0x2a: {  	p0 =	seq.s32 s5, $0x0;
	s5 =	sld [smem:$0x3FAC]  }
0x2b: {  	s6 =	sld [smem:$0x3FAD]  }
0x2c: {  	s7 =	sld [smem:$0x3FAE]  }
0x2d: {  	s3 =	simm.s32 $0x108;
	s8 =	sld [smem:$0x3FAF]  }
0x2e: {  	s3 =	simm.s32 @!p0 $0x1082;
	s9 =	sld [smem:$0x3FB0]  }
0x2f: {  	lr =	sadd.s32 s0, s3;
	s0 =	sld [smem:$0x3FA7]  }
0x30: {  	s3 =	sld [smem:$0x3FAA]  }
0x31: {  	[smem:$0x3FB3] =	sst s10  }
0x32: {  	s10 =	sld [smem:$0x3FB1];
	_ =	sdelay $0x3  }
0x33: {  	p0 =	seq.s32 s10, $0x1;
	s10 =	sld [smem:$0x3FB3];
	_ =	sdelay $0x3  }
0x34: {  	[smem:$0x3FB3] =	sst s10  }
0x35: {  	s10 =	sld [smem:$0x3FB2];
	_ =	sdelay $0x3  }
0x36: {  	p1 =	seq.s32 s10, $0x1;
	s10 =	sld [smem:$0x3FB3];
	_ =	sdelay $0x3  }
0x37: {  	[smem:$0x3FB3] =	sst s10  }
0x38: {  	s10 =	sld [smem:$0x3FB4]  }
0x39: {  	_ = 	snop;
	(pc) =	sbr.ind lr, $3  }
0x3a: {  	_ = 	snop  }
0x3b: {  	_ = 	snop  }
0x3c: {  	p2 =	seq.s32 s10, $0x1;
	s10 =	sld [smem:$0x3FB3]  }
0x3d: {  	_ =	shalt  }
0x3e: {  	_ =	shalt  }
0x3f: {  	_ =	shalt  }
0x40: {  	_ =	shalt  }
0x41: {  	_ =	shalt  }
0x42: {  	_ =	shalt  }
0x43: {  	_ =	shalt  }
0x44: {  	_ =	shalt  }
0x45: {  	_ =	shalt  }
0x46: {  	_ =	shalt  }
0x47: {  	_ =	shalt  }
0x48: {  	_ =	shalt  }
0x49: {  	_ =	shalt  }
0x4a: {  	_ =	shalt  }
0x4b: {  	_ =	shalt  }
0x4c: {  	_ =	shalt  }
0x4d: {  	_ =	shalt  }
0x4e: {  	_ =	shalt  }
0x4f: {  	_ =	shalt  }
0x50: {  	_ =	shalt  }
0x51: {  	_ =	shalt  }
0x52: {  	_ =	shalt  }
0x53: {  	_ =	shalt  }
0x54: {  	_ =	shalt  }
0x55: {  	_ =	shalt  }
0x56: {  	_ =	shalt  }
0x57: {  	_ =	shalt  }
0x58: {  	_ =	shalt  }
0x59: {  	_ =	shalt  }
0x5a: {  	_ =	shalt  }
0x5b: {  	_ =	shalt  }
0x5c: {  	_ =	shalt  }
0x5d: {  	_ =	shalt  }
0x5e: {  	_ =	shalt  }
0x5f: {  	_ =	shalt  }
0x60: {  	_ =	shalt  }
0x61: {  	_ =	shalt  }
0x62: {  	_ =	shalt  }
0x63: {  	_ =	shalt  }
0x64: {  	_ =	shalt  }
0x65: {  	_ =	shalt  }
0x66: {  	_ =	shalt  }
0x67: {  	_ =	shalt  }
0x68: {  	_ =	shalt  }
0x69: {  	_ =	shalt  }
0x6a: {  	_ =	shalt  }
0x6b: {  	_ =	shalt  }
0x6c: {  	_ =	shalt  }
0x6d: {  	_ =	shalt  }
0x6e: {  	_ =	shalt  }
0x6f: {  	_ =	shalt  }
0x70: {  	_ =	shalt  }
0x71: {  	_ =	shalt  }
0x72: {  	_ =	shalt  }
0x73: {  	_ =	shalt  }
0x74: {  	_ =	shalt  }
0x75: {  	_ =	shalt  }
0x76: {  	_ =	shalt  }
0x77: {  	_ =	shalt  }
0x78: {  	_ =	shalt  }
0x79: {  	_ =	shalt  }
0x7a: {  	_ =	shalt  }
0x7b: {  	_ =	shalt  }
0x7c: {  	_ =	shalt  }
0x7d: {  	_ =	shalt  }
0x7e: {  	_ =	shalt  }
0x7f: {  	_ =	shalt  }
0x80: {  	_ =	shalt  }
0x81: {  	_ =	shalt  }
0x82: {  	_ =	shalt  }
0x83: {  	_ =	shalt  }
0x84: {  	_ =	shalt  }
0x85: {  	_ =	shalt  }
0x86: {  	_ =	shalt  }
0x87: {  	_ =	shalt  }
.Lfunc_end0:
.L_simem_size_0:
called_computation_lowered:
.L_overlay_start_0:
0x88: {  	s2 =	sld [smem:$0x3FD9]  }
0x89: {  	s3 =	sld [smem:$0x3FFE];
	_ =	sdelay $0x1  }
0x8a: {  	s1 =	srdreg.scid  }
0x8b: {  	s0 =	sand.u32 $0x1, s1  }
0x8c: {  	s17 =	sshll.u32 s0, $0xA;
	s2 =	sadd.s32 s3, s2  }
0x8d: {  	s2 =	sadd.s32 s2, s17  }
0x8e: {  	[smem:$0x3FBF] =	sst s2  }
0x8f: {  	_ = 	snop  }
0x90: {  	s2 =	sld [smem:$0x3FD0];
	(tm) =	ssettm $0x1  }
0x91: {  	s18 =	sld [smem:$0x3FFB];
	_ =	sdelay $0x3  }
0x92: {  	_ =	strace s18  }
0x93: {  	s3 =	sld [smem:$0x3FFC];
	_ =	sdelay $0x3  }
0x94: {  	_ =	strace s3  }
0x95: {  	s3 =	sld [smem:$0x3FFD];
	_ =	sdelay $0x3  }
0x96: {  	_ =	strace s3  }
0x97: {  	_ =	strace $0x8FFFFFFF  }
0x98: {  	s19 =	sld [smem:$0x3FDB];
	_ =	sdelay $0x1  }
0x99: {  	s4 =	simm.s32 $_scs_section_size  }
0x9a: {  	s5 =	simm.s32 $_size__tile_overlayer_lowered;
	s6 =	simm.s32 $_tile_overlayer_lowered  }
0x9b: {  	s22 =	simm.s32 $0x1BFF;
	s21 =	sshll.u32 s6, $0x1;
	s3 =	sadd.s32 s4, s19  }
0x9c: {  	s7 =	simm.s32 $0x0;
	s20 =	sshll.u32 s5, $0x1;
	s5 =	sadd.s32 s21, s3  }
0x9d: {  	[timem:s7], [sflag:s22] =	dma.local [hbm:s5], s20  }
0x9e: {  	_ =	swait.ge [sflag:s22], s20  }
0x9f: {  	s4 =	ssub.s32 $0x0, s20;
	[sflag:s22] =	ssyncset.done $0x0  }
0xa0: {  	[sflag:s22] =	ssyncadd.s32 s4;
	_ =	sdelay $0x1  }
0xa1: {  	s23 =	simm.s32 $0x1B8B  }
0xa2: {  	_ =	swait.ge [sflag:s23], $0x1  }
0xa3: {  	[sflag:s23] =	ssyncset.done $0x0  }
0xa4: {  	s25 =	simm.s32 $0x1B8E;
	s24 =	sld [smem:$0x3FFE];
	[sflag:s23] =	ssyncadd.s32 $0xFFFFFFFF  }
0xa5: {  	s26 =	simm.s32 $execute0_lowered;
	[smem:$0x3FD2] =	sst s25  }
0xa6: {  	s5 =	sshll.u32 s26, $0x1;
	_ =	strace $0x80000046;
	[dreg:$0x1] =	wrdreg $0xFFFFFFFF  }
0xa7: {  	s28 =	simm.s32 $_size_execute0_lowered;
	s3 =	sadd.s32 s3, s5;
	[dreg:$0x0] =	wrdreg $0x0  }
0xa8: {  	s5 =	sshll.u32 s28, $0x1;
	[dreg:$0x2] =	wrdreg s3  }
0xa9: {  	[dreg:$0x3] =	wrdreg s5  }
0xaa: {  	[dreg:$0x4] =	wrdreg $0xC0  }
0xab: {  	_ =	task [dreg:s7], $0x5FFFF  }
0xac: {  	[dreg:$0x1] =	wrdreg $0xFFFFFFFF  }
0xad: {  	[dreg:$0x0] =	wrdreg $0x60  }
0xae: {  	[dreg:$0x2] =	wrdreg s24  }
0xaf: {  	[dreg:$0x3] =	wrdreg s2  }
0xb0: {  	[dreg:$0x4] =	wrdreg $0x5F000  }
0xb1: {  	[dreg:$0x5] =	wrdreg $0x87000  }
0xb2: {  	[dreg:$0x6] =	wrdreg $0x9  }
0xb3: {  	_ =	task.clear_ibuf [dreg:s7], $0x7FFFF;
	_ =	strace $0x90000046  }
0xb4: {  	s29 =	simm.s32 $0x9;
	_ =	strace $0x80000048  }
0xb5: {  	_ =	swait.ge [sflag:s29], $0x1  }
0xb6: {  	[sflag:s29] =	ssyncadd.s32 $0xFFFFFFFF  }
0xb7: {  	_ =	strace $0x90000048  }
0xb8: {  	_ =	sfence  }
0xb9: {  	s30 =	sld [smem:$0x0];
	_ =	sdelay $0x2  }
0xba: {  	s31 =	sshll.u32 s1, $0xD;
	s1 =	sshrl.u32 s1, $0x2  }
0xbb: {  	s3 =	sand.u32 $0x4000, s31;
	s1 =	sadd.s32 s1, s30  }
0xbc: {  	s0 =	sor.u32 s3, s0;
	s1 =	sshll.u32 s1, $0x11  }
0xbd: {  	s0 =	sor.u32 s1, s0  }
0xbe: {  	s0 =	sadd.s32 $0x8F2B, s0  }
0xbf: {  	[sflag:s0] =	ssyncadd.remote.s32 $0x1  }
0xc0: {  	_ =	sfence.sel $0xFFFF  }
0xc1: {  	[dreg:$0x0] =	wrdreg $0xFFFFFFFF;
	(pc) =	sbr.abs _section_cstart, $3  }
0xc2: {  	[dreg:$0x1] =	wrdreg $0xFFFFFFFF  }
0xc3: {  	_ =	task.clear_ibuf [dreg:s7], $0x2FFFF;
	_ =	strace $0x9FFFFFFF  }
0xc4: {  	(tm) =	ssettm $0x7FFFFFFF  }
0xc5: {  	_ =	shalt  }
tec
execute0_lowered:
.L_overlay_start_1:
0x0: {  	(tag) =	ssettag $0x1  }
0x1: {  	s0 =	rddreg [dreg:$0x0]  }
0x2: {  	s3 =	rddreg [dreg:$0x1]  }
0x3: {  	s1 =	rddreg [dreg:$0x2]  }
0x4: {  	s2 =	rddreg [dreg:$0x3];
	s4 =	simm.s32 $0x0;
	s5 =	srdreg.scid  }
0x5: {  	s9 =	stileid.u32;
	s28 =	simm.s32 $0x1;
	s29 =	simm.s32 $0x2  }
0x6: {  	s30 =	simm.s32 $0x3;
	s31 =	simm.s32 $0x4;
	[smem:$0x7FF] =	sst s4  }
0x7: {  	s7 =	sand.u32 $0x1, s5;
	s17 =	sadd.s32 $0xB800, s0;
	s16 =	smul.u32 $0x2800, s9  }
0x8: {  	s0 =	sadd.s32 $0x1A00, s0;
	s19 =	sshll.u32 s9, $0x4;
	_ =	strace $0x80000047  }
0x9: {  	s5 =	ssub.s32 $0x2, s7;
	s8 =	sshll.u32 s7, $0x4;
	s7 =	smul.u32 $0x50000, s7  }
0xa: {  	s26 =	sor.u32 $0x9C00, s19;
	s6 =	sshrl.u32 s5, $0x1;
	s22 =	sor.u32 s9, s8  }
0xb: {  	s23 =	sadd.s32 $0x800, s16;
	s10 =	sadd.s32 $0x1000, s16;
	s12 =	sadd.s32 $0x1800, s16  }
0xc: {  	s14 =	sadd.s32 $0x2000, s16;
	s21 =	ssub.s32 s5, s6;
	s5 =	sadd.s32 s16, s1  }
0xd: {  	s6 =	sadd.s32 s16, s2;
	s11 =	sadd.s32 s23, s1;
	s8 =	sadd.s32 s23, s2  }
0xe: {  	s24 =	sadd.s32 s10, s1;
	s25 =	sadd.s32 s10, s2;
	s18 =	smul.u32 $0x4E0, s22  }
0xf: {  	s13 =	sadd.s32 s14, s1;
	s14 =	sadd.s32 s14, s2;
	[dreg:$0x5] =	wrdreg s11  }
0x10: {  	s7 =	sadd.s32 s16, s7;
	p0 =	sgt.u32 s22, $0x3;
	[dreg:$0x6] =	wrdreg s8  }
0x11: {  	s22 =	simm.s32 $0x5700;
	s23 =	simm.s32 $0x5;
	[dreg:$0x7] =	wrdreg s24  }
0x12: {  	[dreg:$0x8] =	wrdreg s25;
	s11 =	sadd.s32 s12, s1;
	s12 =	sadd.s32 s12, s2  }
0x13: {  	s7 =	sshrl.u32 s7, $0x3;
	s21 =	smax.u32 s21, $0x1;
	s24 =	simm.s32 $0x2780  }
0x14: {  	s25 =	simm.s32 $0x80;
	s15 =	sadd.s32 s17, s18;
	s16 =	sadd.s32 s0, s18  }
0x15: {  	s17 =	sadd.s32 s17, s26;
	s18 =	sadd.s32 s0, s26;
	s19 =	sadd.s32 s3, s7  }
0x16: {  	v0 =	vimm.f32 $0.0e+00;
	v1 =	vimm.f32 $1.000000000e+00;
	s26 =	simm.s32 $0x4F00;
	s0 =	simm.s32 $0x0;
	s20 =	sadd.s32 $0x5000, s19  }
.LBB2_1:
0x17: {  	s3 =	simm.s32 $0x0  }
.LBB2_2:
0x18: {  	p1 =	sne.s32 s3, $0x1FC0  }
.Ltmp0:
0x19: {  	_ = 	snop;
	(pc) =	sbr.rel @p1 .LBB2_2-.Ltmp0, $3  }
0x1a: {  	_ =	sdelay $0x1  }
0x1b: {  	s7 =	sshra.s32 s3, $0x2  }
0x1c: {  	s3 =	sadd.s32 $0x40, s3;
	[tilespmem:s7+$0x5700] =	vst v0  }
0x1d: {  	s3 =	simm.s32 $0x40;
	s7 =	simm.s32 $0x0  }
.LBB2_4:
0x1e: {  	p1 =	sne.s32 s3, $0x1FC0;
	[tilespmem:s7+$0x4F00] =	vst v1;
	s7 =	smov.u32 s3;
	s3 =	sadd.s32 $0x40, s3  }
.Ltmp1:
0x1f: {  	(pc) =	sbr.rel @p1 .LBB2_4-.Ltmp1, $2  }
0x20: {  	_ =	sdelay $0x2  }
0x21: {  	s7 =	sshra.s32 s7, $0x2  }
0x22: {  	[tilespmem:s7+$0x4F00] =	vst v1  }
0x23: {  	[spmem:s5] =	stream.linear.scatter [tilespmem:s22], [sflag:$0x5], $0x800, $0x38;
	[tilespmem:$0xAF00] =	vst v63  }
0x24: {  	_ =	swait.ge [sflag:s23], $0x800  }
0x25: {  	[sflag:s23] =	ssyncset.done $0x0  }
0x26: {  	[sflag:s23] =	ssyncadd.s32 $0xFFFFF800  }
0x27: {  	[spmem:s6] =	stream.linear.scatter [tilespmem:s22], [sflag:$0x5], $0x800, $0x38;
	[tilespmem:$0xAF00] =	vst v63  }
0x28: {  	_ =	swait.ge [sflag:s23], $0x800  }
0x29: {  	[sflag:s23] =	ssyncset.done $0x0  }
0x2a: {  	s3 =	rddreg [dreg:$0x5];
	[sflag:s23] =	ssyncadd.s32 $0xFFFFF800  }
0x2b: {  	[spmem:s3] =	stream.linear.scatter [tilespmem:s22], [sflag:$0x5], $0x800, $0x38;
	[tilespmem:$0xAF00] =	vst v63  }
0x2c: {  	_ =	swait.ge [sflag:s23], $0x800  }
0x2d: {  	[sflag:s23] =	ssyncset.done $0x0  }
0x2e: {  	s8 =	rddreg [dreg:$0x6];
	[sflag:s23] =	ssyncadd.s32 $0xFFFFF800  }
0x2f: {  	[spmem:s8] =	stream.linear.scatter [tilespmem:s22], [sflag:$0x5], $0x800, $0x38;
	[tilespmem:$0xAF00] =	vst v63  }
0x30: {  	_ =	swait.ge [sflag:s23], $0x800  }
0x31: {  	[sflag:s23] =	ssyncset.done $0x0  }
0x32: {  	s9 =	rddreg [dreg:$0x7];
	[sflag:s23] =	ssyncadd.s32 $0xFFFFF800  }
0x33: {  	[spmem:s9] =	stream.linear.scatter [tilespmem:s22], [sflag:$0x5], $0x800, $0x38;
	[tilespmem:$0xAF00] =	vst v63  }
0x34: {  	_ =	swait.ge [sflag:s23], $0x800  }
0x35: {  	[sflag:s23] =	ssyncset.done $0x0  }
0x36: {  	s10 =	rddreg [dreg:$0x8];
	[sflag:s23] =	ssyncadd.s32 $0xFFFFF800  }
0x37: {  	[spmem:s10] =	stream.linear.scatter [tilespmem:s22], [sflag:$0x5], $0x800, $0x38;
	[tilespmem:$0xAF00] =	vst v63  }
0x38: {  	_ =	swait.ge [sflag:s23], $0x800  }
0x39: {  	[sflag:s23] =	ssyncset.done $0x0  }
0x3a: {  	[sflag:s23] =	ssyncadd.s32 $0xFFFFF800  }
0x3b: {  	[spmem:s11] =	stream.linear.scatter [tilespmem:s22], [sflag:$0x5], $0x800, $0x38;
	[tilespmem:$0xAF00] =	vst v63  }
0x3c: {  	_ =	swait.ge [sflag:s23], $0x800  }
0x3d: {  	[sflag:s23] =	ssyncset.done $0x0  }
0x3e: {  	[sflag:s23] =	ssyncadd.s32 $0xFFFFF800  }
0x3f: {  	[spmem:s12] =	stream.linear.scatter [tilespmem:s22], [sflag:$0x5], $0x800, $0x38;
	[tilespmem:$0xAF00] =	vst v63  }
0x40: {  	_ =	swait.ge [sflag:s23], $0x800  }
0x41: {  	[sflag:s23] =	ssyncset.done $0x0  }
0x42: {  	[sflag:s23] =	ssyncadd.s32 $0xFFFFF800  }
0x43: {  	[spmem:s13] =	stream.linear.scatter [tilespmem:s22], [sflag:$0x5], $0x800, $0x38;
	[tilespmem:$0xAF00] =	vst v63  }
0x44: {  	_ =	swait.ge [sflag:s23], $0x800  }
0x45: {  	[sflag:s23] =	ssyncset.done $0x0  }
0x46: {  	[sflag:s23] =	ssyncadd.s32 $0xFFFFF800  }
0x47: {  	[spmem:s14] =	stream.linear.scatter [tilespmem:s22], [sflag:$0x5], $0x800, $0x38;
	[tilespmem:$0xAF00] =	vst v63  }
0x48: {  	_ =	swait.ge [sflag:s23], $0x800  }
0x49: {  	[sflag:s23] =	ssyncset.done $0x0  }
0x4a: {  	[sflag:s23] =	ssyncadd.s32 $0xFFFFF800  }
0x4b: {  	[bflag:$0x0] =	sbarrier.arrive $0xFFFF  }
0x4c: {  	[tilespmem:s4], [sflag:$0x5] =	stream.linear.gather [hbm4b:s15+s4], $0x2700, $0x38;
	[tilespmem:$0xAF00] =	vst v63  }
0x4d: {  	_ =	swait.ge [sflag:s23], $0x2700  }
0x4e: {  	[sflag:s23] =	ssyncset.done $0x0  }
0x4f: {  	[sflag:s23] =	ssyncadd.s32 $0xFFFFD900  }
0x50: {  	[tilespmem:s24], [sflag:$0x5] =	stream.linear.gather [hbm4b:s16+s4], $0x2700, $0x38;
	[tilespmem:$0xAF00] =	vst v63  }
0x51: {  	_ =	swait.ge [sflag:s23], $0x2700  }
0x52: {  	[sflag:s23] =	ssyncset.done $0x0  }
0x53: {  	s7 =	simm.s32 @!p0 $0x2700;
	s3 =	simm.s32 @!p0 $0x0;
	[sflag:s23] =	ssyncadd.s32 $0xFFFFD900  }
0x54: {  	[tilespmem:s7], [sflag:$0x5] =	stream.linear.gather @!p0 [hbm4b:s17+s3], $0x80, $0x38;
	[tilespmem:$0xAF00] =	vst v63  }
0x55: {  	s7 =	simm.s32 @!p0 $0x5  }
0x56: {  	_ =	swait.ge @!p0 [sflag:s7], $0x80  }
0x57: {  	[sflag:s7] =	ssyncset.done @!p0 $0x0  }
0x58: {  	s8 =	simm.s32 @!p0 $0x4E80;
	[sflag:s7] =	ssyncadd.s32 @!p0 $0xFFFFFF80  }
0x59: {  	[tilespmem:s8], [sflag:$0x5] =	stream.linear.gather @!p0 [hbm4b:s18+s3], $0x80, $0x38;
	[tilespmem:$0xAF00] =	vst v63  }
0x5a: {  	_ =	swait.ge @!p0 [sflag:s7], $0x80  }
0x5b: {  	[sflag:s7] =	ssyncset.done @!p0 $0x0  }
0x5c: {  	[sflag:s7] =	ssyncadd.s32 @!p0 $0xFFFFFF80  }
0x5d: {  	[spmem:s1] =	stream.indirect.scatter.add.f32 [tilespmem:s26], [sflag:$0x1], $0x10, s4, s25, $0xb8;
	[tilespmem:$0xAF00] =	vst v63  }
0x5e: {  	_ = 	snop  }
0x5f: {  	[spmem:s2] =	stream.indirect.scatter.add.f32 [tilespmem:s26], [sflag:$0x2], $0x10, s24, s25, $0xb8;
	[tilespmem:$0xAF00] =	vst v63  }
0x60: {  	s7 =	simm.s32 $0x80  }
0x61: {  	[spmem:s1] =	stream.indirect.scatter.add.f32 [tilespmem:s26], [sflag:$0x3], $0x10, s7, s25, $0xb8;
	[tilespmem:$0xAF00] =	vst v63  }
0x62: {  	s8 =	simm.s32 $0x2800  }
0x63: {  	[spmem:s2] =	stream.indirect.scatter.add.f32 [tilespmem:s26], [sflag:$0x4], $0x10, s8, s25, $0xb8;
	[tilespmem:$0xAF00] =	vst v63  }
0x64: {  	_ =	swait.ge [sflag:s28], $0x800  }
0x65: {  	[sflag:s28] =	ssyncset.done $0x0  }
0x66: {  	[sflag:s28] =	ssyncadd.s32 $0xFFFFF800  }
0x67: {  	_ =	swait.ge [sflag:s29], $0x800  }
0x68: {  	[sflag:s29] =	ssyncset.done $0x0  }
0x69: {  	s9 =	simm.s32 $0x100;
	[sflag:s29] =	ssyncadd.s32 $0xFFFFF800  }
0x6a: {  	[spmem:s1] =	stream.indirect.scatter.add.f32 [tilespmem:s26], [sflag:$0x1], $0x10, s9, s25, $0xb8;
	[tilespmem:$0xAF00] =	vst v63  }
0x6b: {  	s10 =	simm.s32 $0x2880  }
0x6c: {  	[spmem:s2] =	stream.indirect.scatter.add.f32 [tilespmem:s26], [sflag:$0x2], $0x10, s10, s25, $0xb8;
	[tilespmem:$0xAF00] =	vst v63  }
0x6d: {  	_ =	swait.ge [sflag:s30], $0x800  }
0x6e: {  	[sflag:s30] =	ssyncset.done $0x0  }
0x6f: {  	[sflag:s30] =	ssyncadd.s32 $0xFFFFF800  }
0x70: {  	_ =	swait.ge [sflag:s31], $0x800  }
0x71: {  	s3 =	simm.s32 $0xFFFFDB00;
	s7 =	simm.s32 $0xFFFF7000;
	[sflag:s31] =	ssyncset.done $0x0  }
.LBB2_6:
0x72: {  	s8 =	sadd.s32 $0x2680, s3  }
0x73: {  	[sflag:s31] =	ssyncadd.s32 $0xFFFFF800;
	s9 =	smov.u32 s7;
	s10 =	sadd.s32 $0x400, s7  }
0x74: {  	[spmem:s1] =	stream.indirect.scatter.add.f32 [tilespmem:s26], [sflag:$0x3], $0x10, s8, s25, $0xb8;
	[tilespmem:$0xAF00] =	vst v63  }
0x75: {  	p1 =	sne.s32 s7, $0xFFFFFC00;
	s7 =	sadd.s32 $0x4E00, s3  }
0x76: {  	[spmem:s2] =	stream.indirect.scatter.add.f32 [tilespmem:s26], [sflag:$0x4], $0x10, s7, s25, $0xb8;
	[tilespmem:$0xAF00] =	vst v63  }
0x77: {  	_ =	swait.ge [sflag:s28], $0x800  }
0x78: {  	[sflag:s28] =	ssyncset.done $0x0  }
0x79: {  	[sflag:s28] =	ssyncadd.s32 $0xFFFFF800  }
0x7a: {  	_ =	swait.ge [sflag:s29], $0x800  }
0x7b: {  	[sflag:s29] =	ssyncset.done $0x0  }
0x7c: {  	s7 =	sadd.s32 $0x2700, s3;
	[sflag:s29] =	ssyncadd.s32 $0xFFFFF800  }
0x7d: {  	[spmem:s1] =	stream.indirect.scatter.add.f32 [tilespmem:s26], [sflag:$0x1], $0x10, s7, s25, $0xb8;
	[tilespmem:$0xAF00] =	vst v63  }
0x7e: {  	s3 =	sadd.s32 $0x4E80, s3  }
0x7f: {  	[spmem:s2] =	stream.indirect.scatter.add.f32 [tilespmem:s26], [sflag:$0x2], $0x10, s3, s25, $0xb8;
	[tilespmem:$0xAF00] =	vst v63  }
.Ltmp2:
0x80: {  	_ =	swait.ge [sflag:s30], $0x800;
	(pc) =	sbr.rel @p1 .LBB2_6-.Ltmp2, $4  }
0x81: {  	[sflag:s30] =	ssyncset.done $0x0  }
0x82: {  	[sflag:s30] =	ssyncadd.s32 $0xFFFFF800  }
0x83: {  	_ =	swait.ge [sflag:s31], $0x800  }
0x84: {  	s7 =	smov.u32 s10;
	s3 =	sshra.s32 s9, $0x2;
	[sflag:s31] =	ssyncset.done $0x0  }
0x85: {  	s7 =	sadd.s32 $0x2680, s3;
	[sflag:s31] =	ssyncadd.s32 $0xFFFFF800  }
0x86: {  	[spmem:s1] =	stream.indirect.scatter.add.f32 [tilespmem:s26], [sflag:$0x3], $0x10, s7, s25, $0xb8;
	[tilespmem:$0xAF00] =	vst v63  }
0x87: {  	s10 =	sadd.s32 $0x4E00, s3  }
0x88: {  	[spmem:s2] =	stream.indirect.scatter.add.f32 [tilespmem:s26], [sflag:$0x4], $0x10, s10, s25, $0xb8;
	[tilespmem:$0xAF00] =	vst v63  }
0x89: {  	_ =	swait.ge [sflag:s28], $0x800  }
0x8a: {  	[sflag:s28] =	ssyncset.done $0x0  }
0x8b: {  	[sflag:s28] =	ssyncadd.s32 $0xFFFFF800  }
0x8c: {  	_ =	swait.ge [sflag:s29], $0x800  }
0x8d: {  	[sflag:s29] =	ssyncset.done $0x0  }
0x8e: {  	s8 =	sadd.s32 $0x2700, s3;
	[sflag:s29] =	ssyncadd.s32 $0xFFFFF800  }
0x8f: {  	[spmem:s1] =	stream.indirect.scatter.add.f32 [tilespmem:s26], [sflag:$0x1], $0x10, s8, s25, $0xb8;
	[tilespmem:$0xAF00] =	vst v63  }
0x90: {  	s9 =	sadd.s32 $0x4E80, s3  }
0x91: {  	[spmem:s2] =	stream.indirect.scatter.add.f32 [tilespmem:s26], [sflag:$0x2], $0x10, s9, s25, $0xb8;
	[tilespmem:$0xAF00] =	vst v63  }
0x92: {  	_ =	swait.ge [sflag:s30], $0x800  }
0x93: {  	[sflag:s30] =	ssyncset.done $0x0  }
0x94: {  	[sflag:s30] =	ssyncadd.s32 $0xFFFFF800  }
0x95: {  	_ =	swait.ge [sflag:s31], $0x800  }
0x96: {  	[sflag:s31] =	ssyncset.done $0x0  }
0x97: {  	s10 =	simm.s32 $0x2680;
	[sflag:s31] =	ssyncadd.s32 $0xFFFFF800  }
0x98: {  	[spmem:s1] =	stream.indirect.scatter.add.f32 [tilespmem:s26], [sflag:$0x3], $0x10, s10, s25, $0xb8;
	[tilespmem:$0xAF00] =	vst v63  }
0x99: {  	s7 =	simm.s32 $0x4E00  }
0x9a: {  	[spmem:s2] =	stream.indirect.scatter.add.f32 [tilespmem:s26], [sflag:$0x4], $0x10, s7, s25, $0xb8;
	[tilespmem:$0xAF00] =	vst v63  }
0x9b: {  	_ =	swait.ge [sflag:s28], $0x800  }
0x9c: {  	[sflag:s28] =	ssyncset.done $0x0  }
0x9d: {  	[sflag:s28] =	ssyncadd.s32 $0xFFFFF800  }
0x9e: {  	_ =	swait.ge [sflag:s29], $0x800  }
0x9f: {  	[sflag:s29] =	ssyncset.done $0x0  }
0xa0: {  	[sflag:s29] =	ssyncadd.s32 $0xFFFFF800  }
0xa1: {  	_ =	swait.ge [sflag:s30], $0x800  }
0xa2: {  	[sflag:s30] =	ssyncset.done $0x0  }
0xa3: {  	[sflag:s30] =	ssyncadd.s32 $0xFFFFF800  }
0xa4: {  	_ =	swait.ge [sflag:s31], $0x800  }
0xa5: {  	s3 =	simm.s32 @!p0 $0x80;
	[sflag:s31] =	ssyncset.done $0x0  }
0xa6: {  	s8 =	simm.s32 @!p0 $0x4F00;
	s7 =	simm.s32 @!p0 $0x2700;
	[sflag:s31] =	ssyncadd.s32 $0xFFFFF800  }
0xa7: {  	[spmem:s1] =	stream.indirect.scatter.add.f32 @!p0 [tilespmem:s8], [sflag:$0x5], $0x10, s7, s3, $0xb8;
	[tilespmem:$0xAF00] =	vst v63  }
0xa8: {  	s7 =	simm.s32 @!p0 $0x5  }
0xa9: {  	_ =	swait.ge @!p0 [sflag:s7], $0x800  }
0xaa: {  	[sflag:s7] =	ssyncset.done @!p0 $0x0  }
0xab: {  	s9 =	simm.s32 @!p0 $0x4E80;
	[sflag:s7] =	ssyncadd.s32 @!p0 $0xFFFFF800  }
0xac: {  	[spmem:s2] =	stream.indirect.scatter.add.f32 @!p0 [tilespmem:s8], [sflag:$0x5], $0x10, s9, s3, $0xb8;
	[tilespmem:$0xAF00] =	vst v63  }
0xad: {  	_ =	swait.ge @!p0 [sflag:s7], $0x800  }
0xae: {  	s8 =	stileid.u32;
	[sflag:s7] =	ssyncset.done @!p0 $0x0  }
0xaf: {  	s3 =	sshll.u32 s8, $0x6;
	[sflag:s7] =	ssyncadd.s32 @!p0 $0xFFFFF800  }
0xb0: {  	s9 =	sshrl.u32 s5, $0x3;
	s3 =	sor.u32 $0x1C05, s3;
	[bflag:$0x0] =	sbarrier.arrive $0xFFFF  }
0xb1: {  	[hbm:s19], [sflag:s3] =	dma.local [spmem:s9], $0x500  }
0xb2: {  	s0 =	sadd.s32 $0x1, s0;
	_ =	swait.ge [sflag:s23], $0x500  }
0xb3: {  	p1 =	sne.s32 s0, s21;
	[sflag:s23] =	ssyncset.done $0x0  }
.Ltmp3:
0xb4: {  	s10 =	sshrl.u32 s6, $0x3;
	[sflag:s23] =	ssyncadd.s32 $0xFFFFFB00;
	(pc) =	sbr.rel @p1 .LBB2_1-.Ltmp3, $4  }
0xb5: {  	[hbm:s20], [sflag:s3] =	dma.local [spmem:s10], $0x500  }
0xb6: {  	_ =	swait.ge [sflag:s23], $0x500  }
0xb7: {  	[sflag:s23] =	ssyncset.done $0x0  }
0xb8: {  	[sflag:s23] =	ssyncadd.s32 $0xFFFFFB00  }
0xb9: {  	_ =	sfence.sel $0x180000  }
0xba: {  	[bflag:$0x0] =	sbarrier.arrive $0xFFFF  }
0xbb: {  	_ =	strace $0x90000047  }
0xbc: {  	s0 =	stileid.u32;
	[bflag:$0x2] =	sbarrier.arrive $0xFFFF  }
0xbd: {  	p0 =	sne.s32 s0, $0x0;
	s0 =	rddreg [dreg:$0x4]  }
0xbe: {  	s0 =	sadd.s32 @!p0 $0x100000, s0  }
0xbf: {  	[sflag:s0] =	ssyncadd.tile.s32 @!p0 $0x1;
	_ =	shalt  }
.Lfunc_end2:
_tile_overlayer_lowered:
.L_overlay_start_2:
0xc0: {  	(tag) =	ssettag $0x2  }
0xc1: {  	s0 =	rddreg [dreg:$0x0];
	s2 =	stileid.u32  }
0xc2: {  	s1 =	rddreg [dreg:$0x1];
	p0 =	sne.s32 s2, $0x0  }
0xc3: {  	s3 =	rddreg [dreg:$0x2];
	[bflag:$0x3] =	sbarrier.arrive $0xFFFF;
	s2 =	simm.s32 @!p0 $0x1C05  }
0xc4: {  	[timem:s3], [sflag:s2] =	dma.local @!p0 [hbm:s0], s1  }
0xc5: {  	s0 =	simm.s32 @!p0 $0x5  }
0xc6: {  	_ =	swait.ge @!p0 [sflag:s0], s1  }
0xc7: {  	s1 =	ssub.s32 @!p0 $0x0, s1;
	[sflag:s0] =	ssyncset.done @!p0 $0x0  }
0xc8: {  	[sflag:s0] =	ssyncadd.s32 @!p0 s1  }
0xc9: {  	[bflag:$0x3] =	sbarrier.arrive $0xFFFF  }
0xca: {  	_ =	shalt  }

</sc_bundles>
